<compile_context>
chip_gen: v7x
topology: tpu7x:2x2x1
jax: 0.10.2.dev20260603
libtpu: 0.0.44.dev20260713+nightly
codegen_flags: <defaults>
</compile_context>

<pallas_src>
import functools

import jax
import jax.numpy as jnp
from jax import lax
from jax.experimental import pallas as pl
from jax.experimental.pallas import tpu as pltpu
from jax.experimental.pallas import tpu_sc as plsc

H, W = 800, 800
TANFOVX, TANFOVY = 0.5, 0.5
SCALE_MOD = 1.0
_N = 200000
_NPAD = 204800
_NROWS = _NPAD // 128
_BR = 160
_HW = H * W
_PROWS = _HW // 128
_PBR = 1000
_NSUB = 16
_CHUNK = _NPAD // _NSUB
_KJ = _CHUNK // 128
_STRIPE = _HW // _NSUB
_ZB = 8000
_FIRE = 10


def _bfr(v):
    return v.astype(jnp.bfloat16).astype(jnp.float32)


def _phase1_body(params_ref, m3_ref, col_ref, opa_ref, scl_ref, rot_ref,
                 vals_ref, ints_ref):
    def P(i):
        return params_ref[0, i]
    vm = [[P(r * 4 + c) for c in range(4)] for r in range(4)]
    pm = [[P(16 + r * 4 + c) for c in range(4)] for r in range(4)]
    x = _bfr(m3_ref[0])
    y = _bfr(m3_ref[1])
    z = _bfr(m3_ref[2])
    tx = x * vm[0][0] + y * vm[1][0] + z * vm[2][0] + vm[3][0]
    ty = x * vm[0][1] + y * vm[1][1] + z * vm[2][1] + vm[3][1]
    tz = x * vm[0][2] + y * vm[1][2] + z * vm[2][2] + vm[3][2]
    hx = x * pm[0][0] + y * pm[1][0] + z * pm[2][0] + pm[3][0]
    hy = x * pm[0][1] + y * pm[1][1] + z * pm[2][1] + pm[3][1]
    hw = x * pm[0][3] + y * pm[1][3] + z * pm[2][3] + pm[3][3]
    pw = 1.0 / (hw + 1e-7)
    px = ((hx * pw + 1.0) * W - 1.0) * 0.5
    py = ((hy * pw + 1.0) * H - 1.0) * 0.5
    qr = rot_ref[0]
    qx = rot_ref[1]
    qy = rot_ref[2]
    qz = rot_ref[3]
    den = jnp.sqrt(qr * qr + qx * qx + qy * qy + qz * qz) + 1e-8
    r = qr / den
    xq = qx / den
    yq = qy / den
    zq = qz / den
    R = [[1.0 - 2.0 * (yq * yq + zq * zq), 2.0 * (xq * yq - r * zq), 2.0 * (xq * zq + r * yq)],
         [2.0 * (xq * yq + r * zq), 1.0 - 2.0 * (xq * xq + zq * zq), 2.0 * (yq * zq - r * xq)],
         [2.0 * (xq * zq - r * yq), 2.0 * (yq * zq + r * xq), 1.0 - 2.0 * (xq * xq + yq * yq)]]
    s = [scl_ref[0] * SCALE_MOD, scl_ref[1] * SCALE_MOD, scl_ref[2] * SCALE_MOD]
    M = [[_bfr(R[i][k] * s[k]) for k in range(3)] for i in range(3)]
    cov = [[M[i][0] * M[j][0] + M[i][1] * M[j][1] + M[i][2] * M[j][2]
            for j in range(3)] for i in range(3)]
    Wr = [[vm[j][i] for j in range(3)] for i in range(3)]
    covb = [[_bfr(cov[j][k]) for k in range(3)] for j in range(3)]
    T = [[Wr[i][0] * covb[0][k] + Wr[i][1] * covb[1][k] + Wr[i][2] * covb[2][k]
          for k in range(3)] for i in range(3)]
    V = [[_bfr(T[i][0]) * Wr[l][0] + _bfr(T[i][1]) * Wr[l][1] + _bfr(T[i][2]) * Wr[l][2]
          for l in range(3)] for i in range(3)]
    fx = W / (2.0 * TANFOVX)
    fy = H / (2.0 * TANFOVY)
    tzc = jnp.maximum(tz, 1e-3)
    a = fx / tzc
    b = fy / tzc
    c1 = -fx * tx / (tzc * tzc)
    c2 = -fy * ty / (tzc * tzc)
    c00 = a * a * V[0][0] + 2.0 * a * c1 * V[0][2] + c1 * c1 * V[2][2] + 0.3
    c01 = a * b * V[0][1] + a * c2 * V[0][2] + b * c1 * V[1][2] + c1 * c2 * V[2][2]
    c11 = b * b * V[1][1] + 2.0 * b * c2 * V[1][2] + c2 * c2 * V[2][2] + 0.3
    det = c00 * c11 - c01 * c01
    mid = 0.5 * (c00 + c11)
    lam = mid + jnp.sqrt(jnp.maximum(mid * mid - det, 0.1))
    radius_f = jnp.ceil(3.0 * jnp.sqrt(jnp.maximum(lam, 0.0)))
    maskb = ((tz > 0.2) & (px >= 0.0) & (px <= W - 1.0)
             & (py >= 0.0) & (py <= H - 1.0) & (det > 0.0))
    mask = maskb.astype(jnp.float32)
    rad_i = jnp.where(maskb, radius_f, 0.0).astype(jnp.int32)
    ix = jnp.clip(jnp.round(px), 0, W - 1).astype(jnp.int32)
    iy = jnp.clip(jnp.round(py), 0, H - 1).astype(jnp.int32)
    alpha = jnp.clip(opa_ref[0], 0.0, 0.99) * mask
    vals_ref[0, :, :] = alpha * col_ref[0]
    vals_ref[1, :, :] = alpha * col_ref[1]
    vals_ref[2, :, :] = alpha * col_ref[2]
    vals_ref[3, :, :] = alpha
    vals_ref[4, :, :] = alpha * tz
    ints_ref[0, :, :] = iy * W + ix
    ints_ref[1, :, :] = rad_i


def _phase1(m3r, colr, opar, sclr, rotr, params, interpret=False):
    grid = _NROWS // _BR
    return pl.pallas_call(
        _phase1_body,
        grid=(grid,),
        in_specs=[
            pl.BlockSpec((1, 128), lambda i: (0, 0)),
            pl.BlockSpec((3, _BR, 128), lambda i: (0, i, 0)),
            pl.BlockSpec((3, _BR, 128), lambda i: (0, i, 0)),
            pl.BlockSpec((1, _BR, 128), lambda i: (0, i, 0)),
            pl.BlockSpec((3, _BR, 128), lambda i: (0, i, 0)),
            pl.BlockSpec((4, _BR, 128), lambda i: (0, i, 0)),
        ],
        out_specs=[
            pl.BlockSpec((5, _BR, 128), lambda i: (0, i, 0)),
            pl.BlockSpec((2, _BR, 128), lambda i: (0, i, 0)),
        ],
        out_shape=[
            jax.ShapeDtypeStruct((5, _NROWS, 128), jnp.float32),
            jax.ShapeDtypeStruct((2, _NROWS, 128), jnp.int32),
        ],
        interpret=interpret,
    )(params, m3r, colr, opar, sclr, rotr)


_WB = 5000


def _sc_scatter_body(flat_hbm, vals_hbm, out_hbm,
                     idx_v, va, vb, zbuf,
                     acc0, acc1, semi, sema, semb, semz, semw):
    c = lax.axis_index("c")
    s = lax.axis_index("s")
    accs = [acc0, acc1]

    def zfill(i, _):
        zbuf[pl.ds(i * 16, 16)] = jnp.zeros((16,), jnp.float32)
        return 0
    lax.fori_loop(0, _ZB // 16, zfill, 0)
    cpi = pltpu.async_copy(flat_hbm.at[s], idx_v, semi)
    cpa = pltpu.async_copy(
        vals_hbm.at[pl.ds((2 * c + 0) * _NPAD + s * _CHUNK, _CHUNK)], va, sema)
    cpb = pltpu.async_copy(
        vals_hbm.at[pl.ds((2 * c + 1) * _NPAD + s * _CHUNK, _CHUNK)], vb, semb)

    def zero(k):
        for t in range(_STRIPE // _ZB):
            pltpu.async_copy(zbuf, accs[k].at[pl.ds(s * _STRIPE + t * _ZB, _ZB)],
                             semz)

    def zero_wait(k):
        for t in range(_STRIPE // _ZB):
            pltpu.make_async_copy(
                zbuf, accs[k].at[pl.ds(s * _STRIPE + t * _ZB, _ZB)], semz).wait()

    def scatter(k, vv, glo, ghi):
        def group(g, _):
            for b in range(_FIRE):
                j = g * _FIRE + b
                pltpu.async_copy(vv.at[pl.ds(j * 128, 128)],
                                 accs[k].at[idx_v.at[j]], semw, add=True)
            for b in range(_FIRE):
                j = g * _FIRE + b
                pltpu.make_async_copy(vv.at[pl.ds(j * 128, 128)],
                                      accs[k].at[idx_v.at[j]], semw).wait()
            return 0
        lax.fori_loop(glo, ghi, group, 0)

    def writeout(k, chg, ring):
        def buf(t):
            return ring[t % 2].at[pl.ds(0, _WB)]

        def hbm(t):
            return out_hbm.at[pl.ds(chg * _HW + s * _STRIPE + t * _WB, _WB)]
        nt = _STRIPE // _WB
        for t in range(nt):
            if t >= 2:
                pltpu.make_async_copy(buf(t - 2), hbm(t - 2), semw).wait()
            pltpu.sync_copy(accs[k].at[pl.ds(s * _STRIPE + t * _WB, _WB)],
                            buf(t))
            pltpu.async_copy(buf(t), hbm(t), semw)
        for t in (nt - 2, nt - 1):
            pltpu.make_async_copy(buf(t), hbm(t), semw).wait()

    ngrp = _KJ // _FIRE
    zero(0)
    zero(1)
    zero_wait(0)
    zero_wait(1)
    plsc.subcore_barrier()
    cpi.wait()
    cpa.wait()
    scatter(0, va, 0, ngrp)
    cpb.wait()
    scatter(1, vb, 0, ngrp)
    plsc.subcore_barrier()
    writeout(0, 2 * c + 0, [va, vb])
    cpc = pltpu.async_copy(
        vals_hbm.at[pl.ds(4 * _NPAD + s * _CHUNK, _CHUNK)], vb, semb)
    writeout(1, 2 * c + 1, [va, va.at[pl.ds(_WB, _WB)]])
    zero(0)
    zero_wait(0)
    plsc.subcore_barrier()
    cpc.wait()
    half = ngrp // 2
    scatter(0, vb, half * c, half + half * c)
    plsc.subcore_barrier()
    writeout(0, 4 + c, [va, va.at[pl.ds(_WB, _WB)]])


def _sc_scatter(flat3, vals4, interpret=False):
    mesh = plsc.VectorSubcoreMesh(core_axis_name="c", subcore_axis_name="s",
                                  num_cores=2, num_subcores=_NSUB)
    return pl.kernel(
        _sc_scatter_body,
        out_type=jax.ShapeDtypeStruct((6 * _HW,), jnp.float32),
        mesh=mesh,
        scratch_types=[
            pltpu.VMEM((_KJ, 128), jnp.int32),
            pltpu.VMEM((_CHUNK,), jnp.float32),
            pltpu.VMEM((_CHUNK,), jnp.float32),
            pltpu.VMEM((_ZB,), jnp.float32),
            pltpu.VMEM_SHARED((_HW,), jnp.float32),
            pltpu.VMEM_SHARED((_HW,), jnp.float32),
            pltpu.SemaphoreType.DMA,
            pltpu.SemaphoreType.DMA,
            pltpu.SemaphoreType.DMA,
            pltpu.SemaphoreType.DMA,
            pltpu.SemaphoreType.DMA,
        ],
        interpret=interpret,
    )(flat3, vals4)


def _phase3_body(bgp_ref, acc_ref, col_ref, opac_ref, dep_ref):
    acca = acc_ref[3]
    accd = acc_ref[4] + acc_ref[5]
    Tt = jnp.clip(1.0 - acca, 0.0, 1.0)
    col_ref[0, :, :] = acc_ref[0] + Tt * bgp_ref[0, 0]
    col_ref[1, :, :] = acc_ref[1] + Tt * bgp_ref[0, 1]
    col_ref[2, :, :] = acc_ref[2] + Tt * bgp_ref[0, 2]
    opac_ref[:, :] = jnp.clip(acca, 0.0, 1.0)
    dep_ref[:, :] = accd / (acca + 1e-6)


def _phase3(accs, bgp, interpret=False):
    grid = _PROWS // _PBR
    return pl.pallas_call(
        _phase3_body,
        grid=(grid,),
        in_specs=[
            pl.BlockSpec((1, 128), lambda i: (0, 0)),
            pl.BlockSpec((6, _PBR, 128), lambda i: (0, i, 0)),
        ],
        out_specs=[
            pl.BlockSpec((3, _PBR, 128), lambda i: (0, i, 0)),
            pl.BlockSpec((_PBR, 128), lambda i: (i, 0)),
            pl.BlockSpec((_PBR, 128), lambda i: (i, 0)),
        ],
        out_shape=[
            jax.ShapeDtypeStruct((3, _PROWS, 128), jnp.float32),
            jax.ShapeDtypeStruct((_PROWS, 128), jnp.float32),
            jax.ShapeDtypeStruct((_PROWS, 128), jnp.float32),
        ],
        interpret=interpret,
    )(bgp, accs)


def kernel(means3D, means2D, sh, colors_precomp, opacities, scales, rotations,
           theta, rho, viewmatrix, projmatrix, campos, bg):
    pad = _NPAD - _N

    def padT(x):
        k = x.shape[1]
        return jnp.pad(x, ((0, pad), (0, 0))).T.reshape(k, _NROWS, 128)
    m3r = padT(means3D)
    colr = padT(colors_precomp)
    opar = padT(opacities)
    sclr = padT(scales)
    rotr = padT(rotations)
    params = jnp.zeros((1, 128), jnp.float32)
    params = params.at[0, :16].set(viewmatrix.reshape(-1))
    params = params.at[0, 16:32].set(projmatrix.reshape(-1))
    params = params.astype(jnp.bfloat16).astype(jnp.float32)
    vals, ints = _phase1(m3r, colr, opar, sclr, rotr, params)
    accs = _sc_scatter(ints[0].reshape(_NSUB, _KJ, 128), vals.reshape(-1))
    bgp = jnp.zeros((1, 128), jnp.float32).at[0, :3].set(bg)
    colf, opacf, depf = _phase3(accs.reshape(6, _PROWS, 128), bgp)
    rad = ints[1].reshape(_NPAD)[:_N]
    tw = 2 * rad + 1
    nt = jnp.where(rad > 0, tw * tw, 0)
    return (colf.reshape(3, H, W), rad, depf.reshape(1, H, W),
            opacf.reshape(1, H, W), nt)

# --- scband reference (transcript-rebuilt; emitter-appended) ---
"""Pipeline reference for scband-gaussian-rasterizer-50397146251309 (READ-ONLY COPY).

The authoritative reference and input builder live on the scoring server;
editing this copy changes nothing except your own understanding.
"""

import jax, jax.numpy as jnp
import numpy as np

H, W = 800, 800
TANFOVX, TANFOVY = 0.5, 0.5
SCALE_MOD = 1.0
ZNEAR, ZFAR = 0.01, 100.0
N = 200000


def setup_inputs(seed: int = 0) -> dict:
    key = jax.random.key(seed)
    ks = [jax.random.fold_in(key, i) for i in range(10)]
    means3D = jax.random.normal(ks[0], (N, 3), dtype=jnp.float32)
    means2D = jnp.zeros((N, 3), dtype=jnp.float32)
    sh = jax.random.normal(ks[1], (N, 16, 3), dtype=jnp.float32)
    colors_precomp = jax.random.uniform(ks[2], (N, 3), dtype=jnp.float32)
    opacities = jax.random.uniform(ks[3], (N, 1), dtype=jnp.float32)
    scales = jax.random.uniform(ks[4], (N, 3), dtype=jnp.float32)
    rotations = jax.random.normal(ks[5], (N, 4), dtype=jnp.float32)
    theta = jnp.zeros((3,), dtype=jnp.float32)
    rho = jnp.zeros((3,), dtype=jnp.float32)
    # camera: identity rotation, translated so gaussians sit ~8 units in front (row-vector convention p @ M)
    viewmatrix = jnp.eye(4, dtype=jnp.float32).at[3, 2].set(8.0)
    P = jnp.array([[1.0 / TANFOVX, 0.0, 0.0, 0.0],
                   [0.0, 1.0 / TANFOVY, 0.0, 0.0],
                   [0.0, 0.0, ZFAR / (ZFAR - ZNEAR), 1.0],
                   [0.0, 0.0, -(ZFAR * ZNEAR) / (ZFAR - ZNEAR), 0.0]], dtype=jnp.float32)
    projmatrix = viewmatrix @ P
    campos = jnp.array([0.0, 0.0, -8.0], dtype=jnp.float32)
    bg = jnp.zeros((3,), dtype=jnp.float32)
    return {"means3D": means3D, "means2D": means2D, "sh": sh, "colors_precomp": colors_precomp,
            "opacities": opacities, "scales": scales, "rotations": rotations, "theta": theta, "rho": rho,
            "viewmatrix": viewmatrix, "projmatrix": projmatrix, "campos": campos, "bg": bg}


def _quat_to_rot(rotations):
    q = rotations / (jnp.linalg.norm(rotations, axis=1, keepdims=True) + 1e-8)
    r, x, y, z = q[:, 0], q[:, 1], q[:, 2], q[:, 3]
    row0 = jnp.stack([1.0 - 2.0 * (y * y + z * z), 2.0 * (x * y - r * z), 2.0 * (x * z + r * y)], axis=1)
    row1 = jnp.stack([2.0 * (x * y + r * z), 1.0 - 2.0 * (x * x + z * z), 2.0 * (y * z - r * x)], axis=1)
    row2 = jnp.stack([2.0 * (x * z - r * y), 2.0 * (y * z + r * x), 1.0 - 2.0 * (x * x + y * y)], axis=1)
    return jnp.stack([row0, row1, row2], axis=1)


def _forward(means3D, colors_precomp, opacities, scales, rotations, viewmatrix, projmatrix, bg):
    n = means3D.shape[0]
    ones = jnp.ones((n, 1), dtype=means3D.dtype)
    ph = jnp.concatenate([means3D, ones], axis=1)
    p_view = ph @ viewmatrix
    tx, ty, tz = p_view[:, 0], p_view[:, 1], p_view[:, 2]
    p_hom = ph @ projmatrix
    p_w = 1.0 / (p_hom[:, 3] + 1e-7)
    p_proj = p_hom[:, :3] * p_w[:, None]
    px = ((p_proj[:, 0] + 1.0) * W - 1.0) * 0.5
    py = ((p_proj[:, 1] + 1.0) * H - 1.0) * 0.5
    # 3D covariance from scale + rotation
    R = _quat_to_rot(rotations)
    s = scales * SCALE_MOD
    M = R * s[:, None, :]
    cov3D = M @ jnp.swapaxes(M, 1, 2)
    # EWA projection to 2D
    Wr = viewmatrix[:3, :3].T
    Vc = jnp.einsum('ij,njk,lk->nil', Wr, cov3D, Wr)
    fx = W / (2.0 * TANFOVX)
    fy = H / (2.0 * TANFOVY)
    tzc = jnp.maximum(tz, 1e-3)
    a = fx / tzc
    b = fy / tzc
    c1 = -fx * tx / (tzc * tzc)
    c2 = -fy * ty / (tzc * tzc)
    V00, V01, V02 = Vc[:, 0, 0], Vc[:, 0, 1], Vc[:, 0, 2]
    V11, V12, V22 = Vc[:, 1, 1], Vc[:, 1, 2], Vc[:, 2, 2]
    c00 = a * a * V00 + 2.0 * a * c1 * V02 + c1 * c1 * V22 + 0.3
    c01 = a * b * V01 + a * c2 * V02 + b * c1 * V12 + c1 * c2 * V22
    c11 = b * b * V11 + 2.0 * b * c2 * V12 + c2 * c2 * V22 + 0.3
    det = c00 * c11 - c01 * c01
    mid = 0.5 * (c00 + c11)
    lam = mid + jnp.sqrt(jnp.maximum(mid * mid - det, 0.1))
    radius_f = jnp.ceil(3.0 * jnp.sqrt(jnp.maximum(lam, 0.0)))
    maskb = (tz > 0.2) & (px >= 0.0) & (px <= W - 1.0) & (py >= 0.0) & (py <= H - 1.0) & (det > 0.0)
    mask = maskb.astype(means3D.dtype)
    radii = jnp.where(maskb, radius_f, 0.0).astype(jnp.int32)
    ix = jnp.clip(jnp.round(px), 0, W - 1).astype(jnp.int32)
    iy = jnp.clip(jnp.round(py), 0, H - 1).astype(jnp.int32)
    flat = iy * W + ix
    alpha = jnp.clip(opacities[:, 0], 0.0, 0.99) * mask
    acc_rgb = jnp.zeros((H * W, 3), dtype=means3D.dtype).at[flat].add(alpha[:, None] * colors_precomp)
    acc_a = jnp.zeros((H * W,), dtype=means3D.dtype).at[flat].add(alpha)
    acc_d = jnp.zeros((H * W,), dtype=means3D.dtype).at[flat].add(alpha * tz)
    Tt = jnp.clip(1.0 - acc_a, 0.0, 1.0)
    color = (acc_rgb + Tt[:, None] * bg[None, :]).reshape(H, W, 3).transpose(2, 0, 1)
    opacity = jnp.clip(acc_a, 0.0, 1.0).reshape(1, H, W)
    depth = (acc_d / (acc_a + 1e-6)).reshape(1, H, W)
    n_touched = jnp.where(maskb, (2 * radii + 1) * (2 * radii + 1), 0).astype(jnp.int32)
    return color, radii, depth, opacity, n_touched


def reference(means3D, means2D, sh, colors_precomp, opacities, scales, rotations, theta, rho, viewmatrix, projmatrix, campos, bg):
    return _forward(means3D, colors_precomp, opacities, scales, rotations, viewmatrix, projmatrix, bg)

if __name__ == "__main__":
    import jax
    _d = setup_inputs()
    print(jax.jit(kernel)(*tuple(_d.values())))

</pallas_src>

<mosaic_0001>
#map = affine_map<(d0, d1) -> (0, 0, 0)>
#map1 = affine_map<(d0, d1) -> (0)>
module attributes {stable_mosaic.version = 14 : i64} {
  func.func @_sc_scatter_body(%arg0: i32, %arg1: i32, %arg2: memref<16x100x128xi32, #tpu.memory_space<hbm>>, %arg3: memref<1024000xf32, #tpu.memory_space<hbm>>, %arg4: memref<3840000xf32, #tpu.memory_space<hbm>>, %arg5: memref<100x128xi32, #tpu.memory_space<vmem>>, %arg6: memref<12800xf32, #tpu.memory_space<vmem>>, %arg7: memref<12800xf32, #tpu.memory_space<vmem>>, %arg8: memref<8000xf32, #tpu.memory_space<vmem>>, %arg9: memref<640000xf32, #tpu.memory_space<vmem_shared>>, %arg10: memref<640000xf32, #tpu.memory_space<vmem_shared>>, %arg11: memref<!tpu.dma_semaphore, #tpu.memory_space<semaphore_mem>>, %arg12: memref<!tpu.dma_semaphore, #tpu.memory_space<semaphore_mem>>, %arg13: memref<!tpu.dma_semaphore, #tpu.memory_space<semaphore_mem>>, %arg14: memref<!tpu.dma_semaphore, #tpu.memory_space<semaphore_mem>>, %arg15: memref<!tpu.dma_semaphore, #tpu.memory_space<semaphore_mem>>) attributes {dimension_semantics = [#tpu.dimension_semantics<core_parallel>, #tpu.dimension_semantics<subcore_parallel>], iteration_bounds = array<i64: 2, 16>, scalar_prefetch = 0 : i64, scratch_operands = 11 : i64, tpu.core_type = #tpu.core_type<sc_vector_subcore>, window_params = [{transform_indices = #map}, {transform_indices = #map1}, {transform_indices = #map1}]} {
    %scan3A = arith.constant 0 : i32
    %scan3A_0 = arith.constant 0 : i32
    %scan3A_1 = arith.constant 500 : i32
    %scan3A_2 = arith.addi %scan3A_0, %scan3A_1 : i32
    %scan3A_3 = arith.constant 1 : i32
    %scan3A_4 = scf.for %scan3A_1059 = %scan3A_0 to %scan3A_2 step %scan3A_3 iter_args(%scan3A_1060 = %scan3A) -> (i32)  : i32 {
      %broadcast_in_dim3A = arith.constant 0.000000e+00 : f32
      %broadcast_in_dim3A_1061 = vector.broadcast %broadcast_in_dim3A : f32 to vector<16xf32>
      %mul3A_1062 = arith.constant 16 : i32
      %mul3A_1063 = arith.muli %scan3A_1059, %mul3A_1062 : i32
      %swap3A = arith.index_cast %mul3A_1063 : i32 to index
      %swap3A_1064 = tpu.vector_load %arg8[%swap3A] {strides = array<i32>} : memref<8000xf32, #tpu.memory_space<vmem>>, vector<16xf32>,
      %swap3A_1065 = vector.shape_cast %swap3A_1064 : vector<16xf32> to vector<16xf32>
      %swap3A_1066 = vector.shape_cast %broadcast_in_dim3A_1061 : vector<16xf32> to vector<16xf32>
      tpu.vector_store %arg8[%swap3A], %swap3A_1066 {strides = array<i32>} : memref<8000xf32, #tpu.memory_space<vmem>>, vector<16xf32>,
      %scan3A_1067 = arith.constant 0 : i32
      scf.yield %scan3A_1067 : i32
    }
    %scan3A_5 = arith.constant 500 : i32
    %dma_start3A = arith.constant 0 : i32
    %dma_start3A_6 = arith.constant 0 : i32
    %dma_start3A_7 = tpu.memref_slice %arg2[%arg1, %dma_start3A, %dma_start3A_6] : memref<16x100x128xi32, #tpu.memory_space<hbm>> -> memref<1x100x128xi32, #tpu.memory_space<hbm>>
    %dma_start3A_8 = tpu.memref_squeeze %dma_start3A_7 : memref<1x100x128xi32, #tpu.memory_space<hbm>> -> memref<100x128xi32, #tpu.memory_space<hbm>>
    %dma_start3A_9 = arith.constant 0 : i32
    %dma_start3A_10 = arith.constant 0 : i32
    %dma_start3A_11 = tpu.memref_slice %arg2[%arg1, %dma_start3A_9, %dma_start3A_10] : memref<16x100x128xi32, #tpu.memory_space<hbm>> -> memref<1x100x128xi32, #tpu.memory_space<hbm>>
    %dma_start3A_12 = tpu.memref_squeeze %dma_start3A_11 : memref<1x100x128xi32, #tpu.memory_space<hbm>> -> memref<100x128xi32, #tpu.memory_space<hbm>>
    tpu.enqueue_dma source(%dma_start3A_12 : memref<100x128xi32, #tpu.memory_space<hbm>>) target(%arg5 : memref<100x128xi32, #tpu.memory_space<vmem>>) target_semaphore(%arg11 : memref<!tpu.dma_semaphore, #tpu.memory_space<semaphore_mem>>)
    %mul3A = arith.constant 2 : i32
    %mul3A_13 = arith.muli %mul3A, %arg0 : i32
    %add3A = arith.constant 0 : i32
    %add3A_14 = arith.addi %mul3A_13, %add3A : i32
    %mul3A_15 = arith.constant 204800 : i32
    %mul3A_16 = arith.muli %add3A_14, %mul3A_15 : i32
    %mul3A_17 = arith.constant 12800 : i32
    %mul3A_18 = arith.muli %arg1, %mul3A_17 : i32
    %add3A_19 = arith.addi %mul3A_16, %mul3A_18 : i32
    %dma_start3A_20 = tpu.memref_slice %arg3[%add3A_19] : memref<1024000xf32, #tpu.memory_space<hbm>> -> memref<12800xf32, #tpu.memory_space<hbm>>
    %dma_start3A_21 = tpu.memref_slice %arg3[%add3A_19] : memref<1024000xf32, #tpu.memory_space<hbm>> -> memref<12800xf32, #tpu.memory_space<hbm>>
    tpu.enqueue_dma source(%dma_start3A_21 : memref<12800xf32, #tpu.memory_space<hbm>>) target(%arg6 : memref<12800xf32, #tpu.memory_space<vmem>>) target_semaphore(%arg12 : memref<!tpu.dma_semaphore, #tpu.memory_space<semaphore_mem>>)
    %mul3A_22 = arith.constant 2 : i32
    %mul3A_23 = arith.muli %mul3A_22, %arg0 : i32
    %add3A_24 = arith.constant 1 : i32
    %add3A_25 = arith.addi %mul3A_23, %add3A_24 : i32
    %mul3A_26 = arith.constant 204800 : i32
    %mul3A_27 = arith.muli %add3A_25, %mul3A_26 : i32
    %mul3A_28 = arith.constant 12800 : i32
    %mul3A_29 = arith.muli %arg1, %mul3A_28 : i32
    %add3A_30 = arith.addi %mul3A_27, %mul3A_29 : i32
    %dma_start3A_31 = tpu.memref_slice %arg3[%add3A_30] : memref<1024000xf32, #tpu.memory_space<hbm>> -> memref<12800xf32, #tpu.memory_space<hbm>>
    %dma_start3A_32 = tpu.memref_slice %arg3[%add3A_30] : memref<1024000xf32, #tpu.memory_space<hbm>> -> memref<12800xf32, #tpu.memory_space<hbm>>
    tpu.enqueue_dma source(%dma_start3A_32 : memref<12800xf32, #tpu.memory_space<hbm>>) target(%arg7 : memref<12800xf32, #tpu.memory_space<vmem>>) target_semaphore(%arg13 : memref<!tpu.dma_semaphore, #tpu.memory_space<semaphore_mem>>)
    %mul3A_33 = arith.constant 40000 : i32
    %mul3A_34 = arith.muli %arg1, %mul3A_33 : i32
    %add3A_35 = arith.constant 0 : i32
    %add3A_36 = arith.addi %mul3A_34, %add3A_35 : i32
    %dma_start3A_37 = tpu.memref_slice %arg9[%add3A_36] : memref<640000xf32, #tpu.memory_space<vmem_shared>> -> memref<8000xf32, #tpu.memory_space<vmem_shared>>
    %dma_start3A_38 = tpu.memref_slice %arg9[%add3A_36] : memref<640000xf32, #tpu.memory_space<vmem_shared>> -> memref<8000xf32, #tpu.memory_space<vmem_shared>>
    tpu.enqueue_dma source(%arg8 : memref<8000xf32, #tpu.memory_space<vmem>>) target(%dma_start3A_38 : memref<8000xf32, #tpu.memory_space<vmem_shared>>) target_semaphore(%arg14 : memref<!tpu.dma_semaphore, #tpu.memory_space<semaphore_mem>>)
    %mul3A_39 = arith.constant 40000 : i32
    %mul3A_40 = arith.muli %arg1, %mul3A_39 : i32
    %add3A_41 = arith.constant 8000 : i32
    %add3A_42 = arith.addi %mul3A_40, %add3A_41 : i32
    %dma_start3A_43 = tpu.memref_slice %arg9[%add3A_42] : memref<640000xf32, #tpu.memory_space<vmem_shared>> -> memref<8000xf32, #tpu.memory_space<vmem_shared>>
    %dma_start3A_44 = tpu.memref_slice %arg9[%add3A_42] : memref<640000xf32, #tpu.memory_space<vmem_shared>> -> memref<8000xf32, #tpu.memory_space<vmem_shared>>
    tpu.enqueue_dma source(%arg8 : memref<8000xf32, #tpu.memory_space<vmem>>) target(%dma_start3A_44 : memref<8000xf32, #tpu.memory_space<vmem_shared>>) target_semaphore(%arg14 : memref<!tpu.dma_semaphore, #tpu.memory_space<semaphore_mem>>)
    %mul3A_45 = arith.constant 40000 : i32
    %mul3A_46 = arith.muli %arg1, %mul3A_45 : i32
    %add3A_47 = arith.constant 16000 : i32
    %add3A_48 = arith.addi %mul3A_46, %add3A_47 : i32
    %dma_start3A_49 = tpu.memref_slice %arg9[%add3A_48] : memref<640000xf32, #tpu.memory_space<vmem_shared>> -> memref<8000xf32, #tpu.memory_space<vmem_shared>>
    %dma_start3A_50 = tpu.memref_slice %arg9[%add3A_48] : memref<640000xf32, #tpu.memory_space<vmem_shared>> -> memref<8000xf32, #tpu.memory_space<vmem_shared>>
    tpu.enqueue_dma source(%arg8 : memref<8000xf32, #tpu.memory_space<vmem>>) target(%dma_start3A_50 : memref<8000xf32, #tpu.memory_space<vmem_shared>>) target_semaphore(%arg14 : memref<!tpu.dma_semaphore, #tpu.memory_space<semaphore_mem>>)
    %mul3A_51 = arith.constant 40000 : i32
    %mul3A_52 = arith.muli %arg1, %mul3A_51 : i32
    %add3A_53 = arith.constant 24000 : i32
    %add3A_54 = arith.addi %mul3A_52, %add3A_53 : i32
    %dma_start3A_55 = tpu.memref_slice %arg9[%add3A_54] : memref<640000xf32, #tpu.memory_space<vmem_shared>> -> memref<8000xf32, #tpu.memory_space<vmem_shared>>
    %dma_start3A_56 = tpu.memref_slice %arg9[%add3A_54] : memref<640000xf32, #tpu.memory_space<vmem_shared>> -> memref<8000xf32, #tpu.memory_space<vmem_shared>>
    tpu.enqueue_dma source(%arg8 : memref<8000xf32, #tpu.memory_space<vmem>>) target(%dma_start3A_56 : memref<8000xf32, #tpu.memory_space<vmem_shared>>) target_semaphore(%arg14 : memref<!tpu.dma_semaphore, #tpu.memory_space<semaphore_mem>>)
    %mul3A_57 = arith.constant 40000 : i32
    %mul3A_58 = arith.muli %arg1, %mul3A_57 : i32
    %add3A_59 = arith.constant 32000 : i32
    %add3A_60 = arith.addi %mul3A_58, %add3A_59 : i32
    %dma_start3A_61 = tpu.memref_slice %arg9[%add3A_60] : memref<640000xf32, #tpu.memory_space<vmem_shared>> -> memref<8000xf32, #tpu.memory_space<vmem_shared>>
    %dma_start3A_62 = tpu.memref_slice %arg9[%add3A_60] : memref<640000xf32, #tpu.memory_space<vmem_shared>> -> memref<8000xf32, #tpu.memory_space<vmem_shared>>
    tpu.enqueue_dma source(%arg8 : memref<8000xf32, #tpu.memory_space<vmem>>) target(%dma_start3A_62 : memref<8000xf32, #tpu.memory_space<vmem_shared>>) target_semaphore(%arg14 : memref<!tpu.dma_semaphore, #tpu.memory_space<semaphore_mem>>)
    %mul3A_63 = arith.constant 40000 : i32
    %mul3A_64 = arith.muli %arg1, %mul3A_63 : i32
    %add3A_65 = arith.constant 0 : i32
    %add3A_66 = arith.addi %mul3A_64, %add3A_65 : i32
    %dma_start3A_67 = tpu.memref_slice %arg10[%add3A_66] : memref<640000xf32, #tpu.memory_space<vmem_shared>> -> memref<8000xf32, #tpu.memory_space<vmem_shared>>
    %dma_start3A_68 = tpu.memref_slice %arg10[%add3A_66] : memref<640000xf32, #tpu.memory_space<vmem_shared>> -> memref<8000xf32, #tpu.memory_space<vmem_shared>>
    tpu.enqueue_dma source(%arg8 : memref<8000xf32, #tpu.memory_space<vmem>>) target(%dma_start3A_68 : memref<8000xf32, #tpu.memory_space<vmem_shared>>) target_semaphore(%arg14 : memref<!tpu.dma_semaphore, #tpu.memory_space<semaphore_mem>>)
    %mul3A_69 = arith.constant 40000 : i32
    %mul3A_70 = arith.muli %arg1, %mul3A_69 : i32
    %add3A_71 = arith.constant 8000 : i32
    %add3A_72 = arith.addi %mul3A_70, %add3A_71 : i32
    %dma_start3A_73 = tpu.memref_slice %arg10[%add3A_72] : memref<640000xf32, #tpu.memory_space<vmem_shared>> -> memref<8000xf32, #tpu.memory_space<vmem_shared>>
    %dma_start3A_74 = tpu.memref_slice %arg10[%add3A_72] : memref<640000xf32, #tpu.memory_space<vmem_shared>> -> memref<8000xf32, #tpu.memory_space<vmem_shared>>
    tpu.enqueue_dma source(%arg8 : memref<8000xf32, #tpu.memory_space<vmem>>) target(%dma_start3A_74 : memref<8000xf32, #tpu.memory_space<vmem_shared>>) target_semaphore(%arg14 : memref<!tpu.dma_semaphore, #tpu.memory_space<semaphore_mem>>)
    %mul3A_75 = arith.constant 40000 : i32
    %mul3A_76 = arith.muli %arg1, %mul3A_75 : i32
    %add3A_77 = arith.constant 16000 : i32
    %add3A_78 = arith.addi %mul3A_76, %add3A_77 : i32
    %dma_start3A_79 = tpu.memref_slice %arg10[%add3A_78] : memref<640000xf32, #tpu.memory_space<vmem_shared>> -> memref<8000xf32, #tpu.memory_space<vmem_shared>>
    %dma_start3A_80 = tpu.memref_slice %arg10[%add3A_78] : memref<640000xf32, #tpu.memory_space<vmem_shared>> -> memref<8000xf32, #tpu.memory_space<vmem_shared>>
    tpu.enqueue_dma source(%arg8 : memref<8000xf32, #tpu.memory_space<vmem>>) target(%dma_start3A_80 : memref<8000xf32, #tpu.memory_space<vmem_shared>>) target_semaphore(%arg14 : memref<!tpu.dma_semaphore, #tpu.memory_space<semaphore_mem>>)
    %mul3A_81 = arith.constant 40000 : i32
    %mul3A_82 = arith.muli %arg1, %mul3A_81 : i32
    %add3A_83 = arith.constant 24000 : i32
    %add3A_84 = arith.addi %mul3A_82, %add3A_83 : i32
    %dma_start3A_85 = tpu.memref_slice %arg10[%add3A_84] : memref<640000xf32, #tpu.memory_space<vmem_shared>> -> memref<8000xf32, #tpu.memory_space<vmem_shared>>
    %dma_start3A_86 = tpu.memref_slice %arg10[%add3A_84] : memref<640000xf32, #tpu.memory_space<vmem_shared>> -> memref<8000xf32, #tpu.memory_space<vmem_shared>>
    tpu.enqueue_dma source(%arg8 : memref<8000xf32, #tpu.memory_space<vmem>>) target(%dma_start3A_86 : memref<8000xf32, #tpu.memory_space<vmem_shared>>) target_semaphore(%arg14 : memref<!tpu.dma_semaphore, #tpu.memory_space<semaphore_mem>>)
    %mul3A_87 = arith.constant 40000 : i32
    %mul3A_88 = arith.muli %arg1, %mul3A_87 : i32
    %add3A_89 = arith.constant 32000 : i32
    %add3A_90 = arith.addi %mul3A_88, %add3A_89 : i32
    %dma_start3A_91 = tpu.memref_slice %arg10[%add3A_90] : memref<640000xf32, #tpu.memory_space<vmem_shared>> -> memref<8000xf32, #tpu.memory_space<vmem_shared>>
    %dma_start3A_92 = tpu.memref_slice %arg10[%add3A_90] : memref<640000xf32, #tpu.memory_space<vmem_shared>> -> memref<8000xf32, #tpu.memory_space<vmem_shared>>
    tpu.enqueue_dma source(%arg8 : memref<8000xf32, #tpu.memory_space<vmem>>) target(%dma_start3A_92 : memref<8000xf32, #tpu.memory_space<vmem_shared>>) target_semaphore(%arg14 : memref<!tpu.dma_semaphore, #tpu.memory_space<semaphore_mem>>)
    %mul3A_93 = arith.constant 40000 : i32
    %mul3A_94 = arith.muli %arg1, %mul3A_93 : i32
    %add3A_95 = arith.constant 0 : i32
    %add3A_96 = arith.addi %mul3A_94, %add3A_95 : i32
    %dma_wait3A = tpu.memref_slice %arg9[%add3A_96] : memref<640000xf32, #tpu.memory_space<vmem_shared>> -> memref<8000xf32, #tpu.memory_space<vmem_shared>>
    %dma_wait3A_97 = tpu.memref_slice %arg9[%add3A_96] : memref<640000xf32, #tpu.memory_space<vmem_shared>> -> memref<8000xf32, #tpu.memory_space<vmem_shared>>
    tpu.wait_dma2 semaphore(%arg14 : memref<!tpu.dma_semaphore, #tpu.memory_space<semaphore_mem>>) src(%arg8 : memref<8000xf32, #tpu.memory_space<vmem>>) dst(%dma_wait3A_97 : memref<8000xf32, #tpu.memory_space<vmem_shared>>)
    %mul3A_98 = arith.constant 40000 : i32
    %mul3A_99 = arith.muli %arg1, %mul3A_98 : i32
    %add3A_100 = arith.constant 8000 : i32
    %add3A_101 = arith.addi %mul3A_99, %add3A_100 : i32
    %dma_wait3A_102 = tpu.memref_slice %arg9[%add3A_101] : memref<640000xf32, #tpu.memory_space<vmem_shared>> -> memref<8000xf32, #tpu.memory_space<vmem_shared>>
    %dma_wait3A_103 = tpu.memref_slice %arg9[%add3A_101] : memref<640000xf32, #tpu.memory_space<vmem_shared>> -> memref<8000xf32, #tpu.memory_space<vmem_shared>>
    tpu.wait_dma2 semaphore(%arg14 : memref<!tpu.dma_semaphore, #tpu.memory_space<semaphore_mem>>) src(%arg8 : memref<8000xf32, #tpu.memory_space<vmem>>) dst(%dma_wait3A_103 : memref<8000xf32, #tpu.memory_space<vmem_shared>>)
    %mul3A_104 = arith.constant 40000 : i32
    %mul3A_105 = arith.muli %arg1, %mul3A_104 : i32
    %add3A_106 = arith.constant 16000 : i32
    %add3A_107 = arith.addi %mul3A_105, %add3A_106 : i32
    %dma_wait3A_108 = tpu.memref_slice %arg9[%add3A_107] : memref<640000xf32, #tpu.memory_space<vmem_shared>> -> memref<8000xf32, #tpu.memory_space<vmem_shared>>
    %dma_wait3A_109 = tpu.memref_slice %arg9[%add3A_107] : memref<640000xf32, #tpu.memory_space<vmem_shared>> -> memref<8000xf32, #tpu.memory_space<vmem_shared>>
    tpu.wait_dma2 semaphore(%arg14 : memref<!tpu.dma_semaphore, #tpu.memory_space<semaphore_mem>>) src(%arg8 : memref<8000xf32, #tpu.memory_space<vmem>>) dst(%dma_wait3A_109 : memref<8000xf32, #tpu.memory_space<vmem_shared>>)
    %mul3A_110 = arith.constant 40000 : i32
    %mul3A_111 = arith.muli %arg1, %mul3A_110 : i32
    %add3A_112 = arith.constant 24000 : i32
    %add3A_113 = arith.addi %mul3A_111, %add3A_112 : i32
    %dma_wait3A_114 = tpu.memref_slice %arg9[%add3A_113] : memref<640000xf32, #tpu.memory_space<vmem_shared>> -> memref<8000xf32, #tpu.memory_space<vmem_shared>>
    %dma_wait3A_115 = tpu.memref_slice %arg9[%add3A_113] : memref<640000xf32, #tpu.memory_space<vmem_shared>> -> memref<8000xf32, #tpu.memory_space<vmem_shared>>
    tpu.wait_dma2 semaphore(%arg14 : memref<!tpu.dma_semaphore, #tpu.memory_space<semaphore_mem>>) src(%arg8 : memref<8000xf32, #tpu.memory_space<vmem>>) dst(%dma_wait3A_115 : memref<8000xf32, #tpu.memory_space<vmem_shared>>)
    %mul3A_116 = arith.constant 40000 : i32
    %mul3A_117 = arith.muli %arg1, %mul3A_116 : i32
    %add3A_118 = arith.constant 32000 : i32
    %add3A_119 = arith.addi %mul3A_117, %add3A_118 : i32
    %dma_wait3A_120 = tpu.memref_slice %arg9[%add3A_119] : memref<640000xf32, #tpu.memory_space<vmem_shared>> -> memref<8000xf32, #tpu.memory_space<vmem_shared>>
    %dma_wait3A_121 = tpu.memref_slice %arg9[%add3A_119] : memref<640000xf32, #tpu.memory_space<vmem_shared>> -> memref<8000xf32, #tpu.memory_space<vmem_shared>>
    tpu.wait_dma2 semaphore(%arg14 : memref<!tpu.dma_semaphore, #tpu.memory_space<semaphore_mem>>) src(%arg8 : memref<8000xf32, #tpu.memory_space<vmem>>) dst(%dma_wait3A_121 : memref<8000xf32, #tpu.memory_space<vmem_shared>>)
    %mul3A_122 = arith.constant 40000 : i32
    %mul3A_123 = arith.muli %arg1, %mul3A_122 : i32
    %add3A_124 = arith.constant 0 : i32
    %add3A_125 = arith.addi %mul3A_123, %add3A_124 : i32
    %dma_wait3A_126 = tpu.memref_slice %arg10[%add3A_125] : memref<640000xf32, #tpu.memory_space<vmem_shared>> -> memref<8000xf32, #tpu.memory_space<vmem_shared>>
    %dma_wait3A_127 = tpu.memref_slice %arg10[%add3A_125] : memref<640000xf32, #tpu.memory_space<vmem_shared>> -> memref<8000xf32, #tpu.memory_space<vmem_shared>>
    tpu.wait_dma2 semaphore(%arg14 : memref<!tpu.dma_semaphore, #tpu.memory_space<semaphore_mem>>) src(%arg8 : memref<8000xf32, #tpu.memory_space<vmem>>) dst(%dma_wait3A_127 : memref<8000xf32, #tpu.memory_space<vmem_shared>>)
    %mul3A_128 = arith.constant 40000 : i32
    %mul3A_129 = arith.muli %arg1, %mul3A_128 : i32
    %add3A_130 = arith.constant 8000 : i32
    %add3A_131 = arith.addi %mul3A_129, %add3A_130 : i32
    %dma_wait3A_132 = tpu.memref_slice %arg10[%add3A_131] : memref<640000xf32, #tpu.memory_space<vmem_shared>> -> memref<8000xf32, #tpu.memory_space<vmem_shared>>
    %dma_wait3A_133 = tpu.memref_slice %arg10[%add3A_131] : memref<640000xf32, #tpu.memory_space<vmem_shared>> -> memref<8000xf32, #tpu.memory_space<vmem_shared>>
    tpu.wait_dma2 semaphore(%arg14 : memref<!tpu.dma_semaphore, #tpu.memory_space<semaphore_mem>>) src(%arg8 : memref<8000xf32, #tpu.memory_space<vmem>>) dst(%dma_wait3A_133 : memref<8000xf32, #tpu.memory_space<vmem_shared>>)
    %mul3A_134 = arith.constant 40000 : i32
    %mul3A_135 = arith.muli %arg1, %mul3A_134 : i32
    %add3A_136 = arith.constant 16000 : i32
    %add3A_137 = arith.addi %mul3A_135, %add3A_136 : i32
    %dma_wait3A_138 = tpu.memref_slice %arg10[%add3A_137] : memref<640000xf32, #tpu.memory_space<vmem_shared>> -> memref<8000xf32, #tpu.memory_space<vmem_shared>>
    %dma_wait3A_139 = tpu.memref_slice %arg10[%add3A_137] : memref<640000xf32, #tpu.memory_space<vmem_shared>> -> memref<8000xf32, #tpu.memory_space<vmem_shared>>
    tpu.wait_dma2 semaphore(%arg14 : memref<!tpu.dma_semaphore, #tpu.memory_space<semaphore_mem>>) src(%arg8 : memref<8000xf32, #tpu.memory_space<vmem>>) dst(%dma_wait3A_139 : memref<8000xf32, #tpu.memory_space<vmem_shared>>)
    %mul3A_140 = arith.constant 40000 : i32
    %mul3A_141 = arith.muli %arg1, %mul3A_140 : i32
    %add3A_142 = arith.constant 24000 : i32
    %add3A_143 = arith.addi %mul3A_141, %add3A_142 : i32
    %dma_wait3A_144 = tpu.memref_slice %arg10[%add3A_143] : memref<640000xf32, #tpu.memory_space<vmem_shared>> -> memref<8000xf32, #tpu.memory_space<vmem_shared>>
    %dma_wait3A_145 = tpu.memref_slice %arg10[%add3A_143] : memref<640000xf32, #tpu.memory_space<vmem_shared>> -> memref<8000xf32, #tpu.memory_space<vmem_shared>>
    tpu.wait_dma2 semaphore(%arg14 : memref<!tpu.dma_semaphore, #tpu.memory_space<semaphore_mem>>) src(%arg8 : memref<8000xf32, #tpu.memory_space<vmem>>) dst(%dma_wait3A_145 : memref<8000xf32, #tpu.memory_space<vmem_shared>>)
    %mul3A_146 = arith.constant 40000 : i32
    %mul3A_147 = arith.muli %arg1, %mul3A_146 : i32
    %add3A_148 = arith.constant 32000 : i32
    %add3A_149 = arith.addi %mul3A_147, %add3A_148 : i32
    %dma_wait3A_150 = tpu.memref_slice %arg10[%add3A_149] : memref<640000xf32, #tpu.memory_space<vmem_shared>> -> memref<8000xf32, #tpu.memory_space<vmem_shared>>
    %dma_wait3A_151 = tpu.memref_slice %arg10[%add3A_149] : memref<640000xf32, #tpu.memory_space<vmem_shared>> -> memref<8000xf32, #tpu.memory_space<vmem_shared>>
    tpu.wait_dma2 semaphore(%arg14 : memref<!tpu.dma_semaphore, #tpu.memory_space<semaphore_mem>>) src(%arg8 : memref<8000xf32, #tpu.memory_space<vmem>>) dst(%dma_wait3A_151 : memref<8000xf32, #tpu.memory_space<vmem_shared>>)
    %barrier3A = arith.constant 0 : index
    tpu.barrier barrier_id(%barrier3A)
    %dma_wait3A_152 = arith.constant 0 : i32
    %dma_wait3A_153 = arith.constant 0 : i32
    %dma_wait3A_154 = tpu.memref_slice %arg2[%arg1, %dma_wait3A_152, %dma_wait3A_153] : memref<16x100x128xi32, #tpu.memory_space<hbm>> -> memref<1x100x128xi32, #tpu.memory_space<hbm>>
    %dma_wait3A_155 = tpu.memref_squeeze %dma_wait3A_154 : memref<1x100x128xi32, #tpu.memory_space<hbm>> -> memref<100x128xi32, #tpu.memory_space<hbm>>
    %dma_wait3A_156 = arith.constant 0 : i32
    %dma_wait3A_157 = arith.constant 0 : i32
    %dma_wait3A_158 = tpu.memref_slice %arg2[%arg1, %dma_wait3A_156, %dma_wait3A_157] : memref<16x100x128xi32, #tpu.memory_space<hbm>> -> memref<1x100x128xi32, #tpu.memory_space<hbm>>
    %dma_wait3A_159 = tpu.memref_squeeze %dma_wait3A_158 : memref<1x100x128xi32, #tpu.memory_space<hbm>> -> memref<100x128xi32, #tpu.memory_space<hbm>>
    tpu.wait_dma2 semaphore(%arg11 : memref<!tpu.dma_semaphore, #tpu.memory_space<semaphore_mem>>) src(%dma_wait3A_159 : memref<100x128xi32, #tpu.memory_space<hbm>>) dst(%arg5 : memref<100x128xi32, #tpu.memory_space<vmem>>)
    %dma_wait3A_160 = tpu.memref_slice %arg3[%add3A_19] : memref<1024000xf32, #tpu.memory_space<hbm>> -> memref<12800xf32, #tpu.memory_space<hbm>>
    %dma_wait3A_161 = tpu.memref_slice %arg3[%add3A_19] : memref<1024000xf32, #tpu.memory_space<hbm>> -> memref<12800xf32, #tpu.memory_space<hbm>>
    tpu.wait_dma2 semaphore(%arg12 : memref<!tpu.dma_semaphore, #tpu.memory_space<semaphore_mem>>) src(%dma_wait3A_161 : memref<12800xf32, #tpu.memory_space<hbm>>) dst(%arg6 : memref<12800xf32, #tpu.memory_space<vmem>>)
    %scan3A_162 = arith.constant 0 : i32
    %scan3A_163 = arith.constant 0 : i32
    %scan3A_164 = arith.constant 10 : i32
    %scan3A_165 = arith.addi %scan3A_163, %scan3A_164 : i32
    %scan3A_166 = arith.constant 1 : i32
    %scan3A_167 = scf.for %scan3A_1059 = %scan3A_163 to %scan3A_165 step %scan3A_166 iter_args(%scan3A_1060 = %scan3A_162) -> (i32)  : i32 {
      %mul3A_1061 = arith.constant 10 : i32
      %mul3A_1062 = arith.muli %scan3A_1059, %mul3A_1061 : i32
      %add3A_1063 = arith.constant 0 : i32
      %add3A_1064 = arith.addi %mul3A_1062, %add3A_1063 : i32
      %mul3A_1065 = arith.constant 128 : i32
      %mul3A_1066 = arith.muli %add3A_1064, %mul3A_1065 : i32
      %dma_start3A_1067 = tpu.memref_slice %arg6[%mul3A_1066] : memref<12800xf32, #tpu.memory_space<vmem>> -> memref<128xf32, #tpu.memory_space<vmem>>
      %dma_start3A_1068 = arith.constant 0 : i32
      %dma_start3A_1069 = tpu.memref_slice %arg5[%add3A_1064, %dma_start3A_1068] : memref<100x128xi32, #tpu.memory_space<vmem>> -> memref<1x128xi32, #tpu.memory_space<vmem>>
      %dma_start3A_1070 = tpu.memref_squeeze %dma_start3A_1069 : memref<1x128xi32, #tpu.memory_space<vmem>> -> memref<128xi32, #tpu.memory_space<vmem>>
      %dma_start3A_1071 = arith.constant 0 : i32
      %dma_start3A_1072 = tpu.memref_slice %arg9[%dma_start3A_1071] : memref<640000xf32, #tpu.memory_space<vmem_shared>> -> memref<640000xf32, #tpu.memory_space<vmem_shared>>
      tpu.enqueue_indirect_dma source(%dma_start3A_1067 : memref<128xf32, #tpu.memory_space<vmem>>) target(%dma_start3A_1072 : memref<640000xf32, #tpu.memory_space<vmem_shared>>) offsets(%dma_start3A_1070 : memref<128xi32, #tpu.memory_space<vmem>>) semaphore(%arg15 : memref<!tpu.dma_semaphore, #tpu.memory_space<semaphore_mem>>) {add = true}
      %mul3A_1073 = arith.constant 10 : i32
      %mul3A_1074 = arith.muli %scan3A_1059, %mul3A_1073 : i32
      %add3A_1075 = arith.constant 1 : i32
      %add3A_1076 = arith.addi %mul3A_1074, %add3A_1075 : i32
      %mul3A_1077 = arith.constant 128 : i32
      %mul3A_1078 = arith.muli %add3A_1076, %mul3A_1077 : i32
      %dma_start3A_1079 = tpu.memref_slice %arg6[%mul3A_1078] : memref<12800xf32, #tpu.memory_space<vmem>> -> memref<128xf32, #tpu.memory_space<vmem>>
      %dma_start3A_1080 = arith.constant 0 : i32
      %dma_start3A_1081 = tpu.memref_slice %arg5[%add3A_1076, %dma_start3A_1080] : memref<100x128xi32, #tpu.memory_space<vmem>> -> memref<1x128xi32, #tpu.memory_space<vmem>>
      %dma_start3A_1082 = tpu.memref_squeeze %dma_start3A_1081 : memref<1x128xi32, #tpu.memory_space<vmem>> -> memref<128xi32, #tpu.memory_space<vmem>>
      %dma_start3A_1083 = arith.constant 0 : i32
      %dma_start3A_1084 = tpu.memref_slice %arg9[%dma_start3A_1083] : memref<640000xf32, #tpu.memory_space<vmem_shared>> -> memref<640000xf32, #tpu.memory_space<vmem_shared>>
      tpu.enqueue_indirect_dma source(%dma_start3A_1079 : memref<128xf32, #tpu.memory_space<vmem>>) target(%dma_start3A_1084 : memref<640000xf32, #tpu.memory_space<vmem_shared>>) offsets(%dma_start3A_1082 : memref<128xi32, #tpu.memory_space<vmem>>) semaphore(%arg15 : memref<!tpu.dma_semaphore, #tpu.memory_space<semaphore_mem>>) {add = true}
      %mul3A_1085 = arith.constant 10 : i32
      %mul3A_1086 = arith.muli %scan3A_1059, %mul3A_1085 : i32
      %add3A_1087 = arith.constant 2 : i32
      %add3A_1088 = arith.addi %mul3A_1086, %add3A_1087 : i32
      %mul3A_1089 = arith.constant 128 : i32
      %mul3A_1090 = arith.muli %add3A_1088, %mul3A_1089 : i32
      %dma_start3A_1091 = tpu.memref_slice %arg6[%mul3A_1090] : memref<12800xf32, #tpu.memory_space<vmem>> -> memref<128xf32, #tpu.memory_space<vmem>>
      %dma_start3A_1092 = arith.constant 0 : i32
      %dma_start3A_1093 = tpu.memref_slice %arg5[%add3A_1088, %dma_start3A_1092] : memref<100x128xi32, #tpu.memory_space<vmem>> -> memref<1x128xi32, #tpu.memory_space<vmem>>
      %dma_start3A_1094 = tpu.memref_squeeze %dma_start3A_1093 : memref<1x128xi32, #tpu.memory_space<vmem>> -> memref<128xi32, #tpu.memory_space<vmem>>
      %dma_start3A_1095 = arith.constant 0 : i32
      %dma_start3A_1096 = tpu.memref_slice %arg9[%dma_start3A_1095] : memref<640000xf32, #tpu.memory_space<vmem_shared>> -> memref<640000xf32, #tpu.memory_space<vmem_shared>>
      tpu.enqueue_indirect_dma source(%dma_start3A_1091 : memref<128xf32, #tpu.memory_space<vmem>>) target(%dma_start3A_1096 : memref<640000xf32, #tpu.memory_space<vmem_shared>>) offsets(%dma_start3A_1094 : memref<128xi32, #tpu.memory_space<vmem>>) semaphore(%arg15 : memref<!tpu.dma_semaphore, #tpu.memory_space<semaphore_mem>>) {add = true}
      %mul3A_1097 = arith.constant 10 : i32
      %mul3A_1098 = arith.muli %scan3A_1059, %mul3A_1097 : i32
      %add3A_1099 = arith.constant 3 : i32
      %add3A_1100 = arith.addi %mul3A_1098, %add3A_1099 : i32
      %mul3A_1101 = arith.constant 128 : i32
      %mul3A_1102 = arith.muli %add3A_1100, %mul3A_1101 : i32
      %dma_start3A_1103 = tpu.memref_slice %arg6[%mul3A_1102] : memref<12800xf32, #tpu.memory_space<vmem>> -> memref<128xf32, #tpu.memory_space<vmem>>
      %dma_start3A_1104 = arith.constant 0 : i32
      %dma_start3A_1105 = tpu.memref_slice %arg5[%add3A_1100, %dma_start3A_1104] : memref<100x128xi32, #tpu.memory_space<vmem>> -> memref<1x128xi32, #tpu.memory_space<vmem>>
      %dma_start3A_1106 = tpu.memref_squeeze %dma_start3A_1105 : memref<1x128xi32, #tpu.memory_space<vmem>> -> memref<128xi32, #tpu.memory_space<vmem>>
      %dma_start3A_1107 = arith.constant 0 : i32
      %dma_start3A_1108 = tpu.memref_slice %arg9[%dma_start3A_1107] : memref<640000xf32, #tpu.memory_space<vmem_shared>> -> memref<640000xf32, #tpu.memory_space<vmem_shared>>
      tpu.enqueue_indirect_dma source(%dma_start3A_1103 : memref<128xf32, #tpu.memory_space<vmem>>) target(%dma_start3A_1108 : memref<640000xf32, #tpu.memory_space<vmem_shared>>) offsets(%dma_start3A_1106 : memref<128xi32, #tpu.memory_space<vmem>>) semaphore(%arg15 : memref<!tpu.dma_semaphore, #tpu.memory_space<semaphore_mem>>) {add = true}
      %mul3A_1109 = arith.constant 10 : i32
      %mul3A_1110 = arith.muli %scan3A_1059, %mul3A_1109 : i32
      %add3A_1111 = arith.constant 4 : i32
      %add3A_1112 = arith.addi %mul3A_1110, %add3A_1111 : i32
      %mul3A_1113 = arith.constant 128 : i32
      %mul3A_1114 = arith.muli %add3A_1112, %mul3A_1113 : i32
      %dma_start3A_1115 = tpu.memref_slice %arg6[%mul3A_1114] : memref<12800xf32, #tpu.memory_space<vmem>> -> memref<128xf32, #tpu.memory_space<vmem>>
      %dma_start3A_1116 = arith.constant 0 : i32
      %dma_start3A_1117 = tpu.memref_slice %arg5[%add3A_1112, %dma_start3A_1116] : memref<100x128xi32, #tpu.memory_space<vmem>> -> memref<1x128xi32, #tpu.memory_space<vmem>>
      %dma_start3A_1118 = tpu.memref_squeeze %dma_start3A_1117 : memref<1x128xi32, #tpu.memory_space<vmem>> -> memref<128xi32, #tpu.memory_space<vmem>>
      %dma_start3A_1119 = arith.constant 0 : i32
      %dma_start3A_1120 = tpu.memref_slice %arg9[%dma_start3A_1119] : memref<640000xf32, #tpu.memory_space<vmem_shared>> -> memref<640000xf32, #tpu.memory_space<vmem_shared>>
      tpu.enqueue_indirect_dma source(%dma_start3A_1115 : memref<128xf32, #tpu.memory_space<vmem>>) target(%dma_start3A_1120 : memref<640000xf32, #tpu.memory_space<vmem_shared>>) offsets(%dma_start3A_1118 : memref<128xi32, #tpu.memory_space<vmem>>) semaphore(%arg15 : memref<!tpu.dma_semaphore, #tpu.memory_space<semaphore_mem>>) {add = true}
      %mul3A_1121 = arith.constant 10 : i32
      %mul3A_1122 = arith.muli %scan3A_1059, %mul3A_1121 : i32
      %add3A_1123 = arith.constant 5 : i32
      %add3A_1124 = arith.addi %mul3A_1122, %add3A_1123 : i32
      %mul3A_1125 = arith.constant 128 : i32
      %mul3A_1126 = arith.muli %add3A_1124, %mul3A_1125 : i32
      %dma_start3A_1127 = tpu.memref_slice %arg6[%mul3A_1126] : memref<12800xf32, #tpu.memory_space<vmem>> -> memref<128xf32, #tpu.memory_space<vmem>>
      %dma_start3A_1128 = arith.constant 0 : i32
      %dma_start3A_1129 = tpu.memref_slice %arg5[%add3A_1124, %dma_start3A_1128] : memref<100x128xi32, #tpu.memory_space<vmem>> -> memref<1x128xi32, #tpu.memory_space<vmem>>
      %dma_start3A_1130 = tpu.memref_squeeze %dma_start3A_1129 : memref<1x128xi32, #tpu.memory_space<vmem>> -> memref<128xi32, #tpu.memory_space<vmem>>
      %dma_start3A_1131 = arith.constant 0 : i32
      %dma_start3A_1132 = tpu.memref_slice %arg9[%dma_start3A_1131] : memref<640000xf32, #tpu.memory_space<vmem_shared>> -> memref<640000xf32, #tpu.memory_space<vmem_shared>>
      tpu.enqueue_indirect_dma source(%dma_start3A_1127 : memref<128xf32, #tpu.memory_space<vmem>>) target(%dma_start3A_1132 : memref<640000xf32, #tpu.memory_space<vmem_shared>>) offsets(%dma_start3A_1130 : memref<128xi32, #tpu.memory_space<vmem>>) semaphore(%arg15 : memref<!tpu.dma_semaphore, #tpu.memory_space<semaphore_mem>>) {add = true}
      %mul3A_1133 = arith.constant 10 : i32
      %mul3A_1134 = arith.muli %scan3A_1059, %mul3A_1133 : i32
      %add3A_1135 = arith.constant 6 : i32
      %add3A_1136 = arith.addi %mul3A_1134, %add3A_1135 : i32
      %mul3A_1137 = arith.constant 128 : i32
      %mul3A_1138 = arith.muli %add3A_1136, %mul3A_1137 : i32
      %dma_start3A_1139 = tpu.memref_slice %arg6[%mul3A_1138] : memref<12800xf32, #tpu.memory_space<vmem>> -> memref<128xf32, #tpu.memory_space<vmem>>
      %dma_start3A_1140 = arith.constant 0 : i32
      %dma_start3A_1141 = tpu.memref_slice %arg5[%add3A_1136, %dma_start3A_1140] : memref<100x128xi32, #tpu.memory_space<vmem>> -> memref<1x128xi32, #tpu.memory_space<vmem>>
      %dma_start3A_1142 = tpu.memref_squeeze %dma_start3A_1141 : memref<1x128xi32, #tpu.memory_space<vmem>> -> memref<128xi32, #tpu.memory_space<vmem>>
      %dma_start3A_1143 = arith.constant 0 : i32
      %dma_start3A_1144 = tpu.memref_slice %arg9[%dma_start3A_1143] : memref<640000xf32, #tpu.memory_space<vmem_shared>> -> memref<640000xf32, #tpu.memory_space<vmem_shared>>
      tpu.enqueue_indirect_dma source(%dma_start3A_1139 : memref<128xf32, #tpu.memory_space<vmem>>) target(%dma_start3A_1144 : memref<640000xf32, #tpu.memory_space<vmem_shared>>) offsets(%dma_start3A_1142 : memref<128xi32, #tpu.memory_space<vmem>>) semaphore(%arg15 : memref<!tpu.dma_semaphore, #tpu.memory_space<semaphore_mem>>) {add = true}
      %mul3A_1145 = arith.constant 10 : i32
      %mul3A_1146 = arith.muli %scan3A_1059, %mul3A_1145 : i32
      %add3A_1147 = arith.constant 7 : i32
      %add3A_1148 = arith.addi %mul3A_1146, %add3A_1147 : i32
      %mul3A_1149 = arith.constant 128 : i32
      %mul3A_1150 = arith.muli %add3A_1148, %mul3A_1149 : i32
      %dma_start3A_1151 = tpu.memref_slice %arg6[%mul3A_1150] : memref<12800xf32, #tpu.memory_space<vmem>> -> memref<128xf32, #tpu.memory_space<vmem>>
      %dma_start3A_1152 = arith.constant 0 : i32
      %dma_start3A_1153 = tpu.memref_slice %arg5[%add3A_1148, %dma_start3A_1152] : memref<100x128xi32, #tpu.memory_space<vmem>> -> memref<1x128xi32, #tpu.memory_space<vmem>>
      %dma_start3A_1154 = tpu.memref_squeeze %dma_start3A_1153 : memref<1x128xi32, #tpu.memory_space<vmem>> -> memref<128xi32, #tpu.memory_space<vmem>>
      %dma_start3A_1155 = arith.constant 0 : i32
      %dma_start3A_1156 = tpu.memref_slice %arg9[%dma_start3A_1155] : memref<640000xf32, #tpu.memory_space<vmem_shared>> -> memref<640000xf32, #tpu.memory_space<vmem_shared>>
      tpu.enqueue_indirect_dma source(%dma_start3A_1151 : memref<128xf32, #tpu.memory_space<vmem>>) target(%dma_start3A_1156 : memref<640000xf32, #tpu.memory_space<vmem_shared>>) offsets(%dma_start3A_1154 : memref<128xi32, #tpu.memory_space<vmem>>) semaphore(%arg15 : memref<!tpu.dma_semaphore, #tpu.memory_space<semaphore_mem>>) {add = true}
      %mul3A_1157 = arith.constant 10 : i32
      %mul3A_1158 = arith.muli %scan3A_1059, %mul3A_1157 : i32
      %add3A_1159 = arith.constant 8 : i32
      %add3A_1160 = arith.addi %mul3A_1158, %add3A_1159 : i32
      %mul3A_1161 = arith.constant 128 : i32
      %mul3A_1162 = arith.muli %add3A_1160, %mul3A_1161 : i32
      %dma_start3A_1163 = tpu.memref_slice %arg6[%mul3A_1162] : memref<12800xf32, #tpu.memory_space<vmem>> -> memref<128xf32, #tpu.memory_space<vmem>>
      %dma_start3A_1164 = arith.constant 0 : i32
      %dma_start3A_1165 = tpu.memref_slice %arg5[%add3A_1160, %dma_start3A_1164] : memref<100x128xi32, #tpu.memory_space<vmem>> -> memref<1x128xi32, #tpu.memory_space<vmem>>
      %dma_start3A_1166 = tpu.memref_squeeze %dma_start3A_1165 : memref<1x128xi32, #tpu.memory_space<vmem>> -> memref<128xi32, #tpu.memory_space<vmem>>
      %dma_start3A_1167 = arith.constant 0 : i32
      %dma_start3A_1168 = tpu.memref_slice %arg9[%dma_start3A_1167] : memref<640000xf32, #tpu.memory_space<vmem_shared>> -> memref<640000xf32, #tpu.memory_space<vmem_shared>>
      tpu.enqueue_indirect_dma source(%dma_start3A_1163 : memref<128xf32, #tpu.memory_space<vmem>>) target(%dma_start3A_1168 : memref<640000xf32, #tpu.memory_space<vmem_shared>>) offsets(%dma_start3A_1166 : memref<128xi32, #tpu.memory_space<vmem>>) semaphore(%arg15 : memref<!tpu.dma_semaphore, #tpu.memory_space<semaphore_mem>>) {add = true}
      %mul3A_1169 = arith.constant 10 : i32
      %mul3A_1170 = arith.muli %scan3A_1059, %mul3A_1169 : i32
      %add3A_1171 = arith.constant 9 : i32
      %add3A_1172 = arith.addi %mul3A_1170, %add3A_1171 : i32
      %mul3A_1173 = arith.constant 128 : i32
      %mul3A_1174 = arith.muli %add3A_1172, %mul3A_1173 : i32
      %dma_start3A_1175 = tpu.memref_slice %arg6[%mul3A_1174] : memref<12800xf32, #tpu.memory_space<vmem>> -> memref<128xf32, #tpu.memory_space<vmem>>
      %dma_start3A_1176 = arith.constant 0 : i32
      %dma_start3A_1177 = tpu.memref_slice %arg5[%add3A_1172, %dma_start3A_1176] : memref<100x128xi32, #tpu.memory_space<vmem>> -> memref<1x128xi32, #tpu.memory_space<vmem>>
      %dma_start3A_1178 = tpu.memref_squeeze %dma_start3A_1177 : memref<1x128xi32, #tpu.memory_space<vmem>> -> memref<128xi32, #tpu.memory_space<vmem>>
      %dma_start3A_1179 = arith.constant 0 : i32
      %dma_start3A_1180 = tpu.memref_slice %arg9[%dma_start3A_1179] : memref<640000xf32, #tpu.memory_space<vmem_shared>> -> memref<640000xf32, #tpu.memory_space<vmem_shared>>
      tpu.enqueue_indirect_dma source(%dma_start3A_1175 : memref<128xf32, #tpu.memory_space<vmem>>) target(%dma_start3A_1180 : memref<640000xf32, #tpu.memory_space<vmem_shared>>) offsets(%dma_start3A_1178 : memref<128xi32, #tpu.memory_space<vmem>>) semaphore(%arg15 : memref<!tpu.dma_semaphore, #tpu.memory_space<semaphore_mem>>) {add = true}
      %mul3A_1181 = arith.constant 10 : i32
      %mul3A_1182 = arith.muli %scan3A_1059, %mul3A_1181 : i32
      %add3A_1183 = arith.constant 0 : i32
      %add3A_1184 = arith.addi %mul3A_1182, %add3A_1183 : i32
      %mul3A_1185 = arith.constant 128 : i32
      %mul3A_1186 = arith.muli %add3A_1184, %mul3A_1185 : i32
      %dma_wait3A_1187 = tpu.memref_slice %arg6[%mul3A_1186] : memref<12800xf32, #tpu.memory_space<vmem>> -> memref<128xf32, #tpu.memory_space<vmem>>
      %dma_wait3A_1188 = arith.constant 0 : i32
      %dma_wait3A_1189 = tpu.memref_slice %arg5[%add3A_1184, %dma_wait3A_1188] : memref<100x128xi32, #tpu.memory_space<vmem>> -> memref<1x128xi32, #tpu.memory_space<vmem>>
      %dma_wait3A_1190 = tpu.memref_squeeze %dma_wait3A_1189 : memref<1x128xi32, #tpu.memory_space<vmem>> -> memref<128xi32, #tpu.memory_space<vmem>>
      %dma_wait3A_1191 = arith.constant 0 : i32
      %dma_wait3A_1192 = tpu.memref_slice %arg9[%dma_wait3A_1191] : memref<640000xf32, #tpu.memory_space<vmem_shared>> -> memref<640000xf32, #tpu.memory_space<vmem_shared>>
      tpu.wait_indirect_dma semaphore(%arg15 : memref<!tpu.dma_semaphore, #tpu.memory_space<semaphore_mem>>) src(%dma_wait3A_1187 : memref<128xf32, #tpu.memory_space<vmem>>) dst(%dma_wait3A_1192 : memref<640000xf32, #tpu.memory_space<vmem_shared>>)
      %mul3A_1193 = arith.constant 10 : i32
      %mul3A_1194 = arith.muli %scan3A_1059, %mul3A_1193 : i32
      %add3A_1195 = arith.constant 1 : i32
      %add3A_1196 = arith.addi %mul3A_1194, %add3A_1195 : i32
      %mul3A_1197 = arith.constant 128 : i32
      %mul3A_1198 = arith.muli %add3A_1196, %mul3A_1197 : i32
      %dma_wait3A_1199 = tpu.memref_slice %arg6[%mul3A_1198] : memref<12800xf32, #tpu.memory_space<vmem>> -> memref<128xf32, #tpu.memory_space<vmem>>
      %dma_wait3A_1200 = arith.constant 0 : i32
      %dma_wait3A_1201 = tpu.memref_slice %arg5[%add3A_1196, %dma_wait3A_1200] : memref<100x128xi32, #tpu.memory_space<vmem>> -> memref<1x128xi32, #tpu.memory_space<vmem>>
      %dma_wait3A_1202 = tpu.memref_squeeze %dma_wait3A_1201 : memref<1x128xi32, #tpu.memory_space<vmem>> -> memref<128xi32, #tpu.memory_space<vmem>>
      %dma_wait3A_1203 = arith.constant 0 : i32
      %dma_wait3A_1204 = tpu.memref_slice %arg9[%dma_wait3A_1203] : memref<640000xf32, #tpu.memory_space<vmem_shared>> -> memref<640000xf32, #tpu.memory_space<vmem_shared>>
      tpu.wait_indirect_dma semaphore(%arg15 : memref<!tpu.dma_semaphore, #tpu.memory_space<semaphore_mem>>) src(%dma_wait3A_1199 : memref<128xf32, #tpu.memory_space<vmem>>) dst(%dma_wait3A_1204 : memref<640000xf32, #tpu.memory_space<vmem_shared>>)
      %mul3A_1205 = arith.constant 10 : i32
      %mul3A_1206 = arith.muli %scan3A_1059, %mul3A_1205 : i32
      %add3A_1207 = arith.constant 2 : i32
      %add3A_1208 = arith.addi %mul3A_1206, %add3A_1207 : i32
      %mul3A_1209 = arith.constant 128 : i32
      %mul3A_1210 = arith.muli %add3A_1208, %mul3A_1209 : i32
      %dma_wait3A_1211 = tpu.memref_slice %arg6[%mul3A_1210] : memref<12800xf32, #tpu.memory_space<vmem>> -> memref<128xf32, #tpu.memory_space<vmem>>
      %dma_wait3A_1212 = arith.constant 0 : i32
      %dma_wait3A_1213 = tpu.memref_slice %arg5[%add3A_1208, %dma_wait3A_1212] : memref<100x128xi32, #tpu.memory_space<vmem>> -> memref<1x128xi32, #tpu.memory_space<vmem>>
      %dma_wait3A_1214 = tpu.memref_squeeze %dma_wait3A_1213 : memref<1x128xi32, #tpu.memory_space<vmem>> -> memref<128xi32, #tpu.memory_space<vmem>>
      %dma_wait3A_1215 = arith.constant 0 : i32
      %dma_wait3A_1216 = tpu.memref_slice %arg9[%dma_wait3A_1215] : memref<640000xf32, #tpu.memory_space<vmem_shared>> -> memref<640000xf32, #tpu.memory_space<vmem_shared>>
      tpu.wait_indirect_dma semaphore(%arg15 : memref<!tpu.dma_semaphore, #tpu.memory_space<semaphore_mem>>) src(%dma_wait3A_1211 : memref<128xf32, #tpu.memory_space<vmem>>) dst(%dma_wait3A_1216 : memref<640000xf32, #tpu.memory_space<vmem_shared>>)
      %mul3A_1217 = arith.constant 10 : i32
      %mul3A_1218 = arith.muli %scan3A_1059, %mul3A_1217 : i32
      %add3A_1219 = arith.constant 3 : i32
      %add3A_1220 = arith.addi %mul3A_1218, %add3A_1219 : i32
      %mul3A_1221 = arith.constant 128 : i32
      %mul3A_1222 = arith.muli %add3A_1220, %mul3A_1221 : i32
      %dma_wait3A_1223 = tpu.memref_slice %arg6[%mul3A_1222] : memref<12800xf32, #tpu.memory_space<vmem>> -> memref<128xf32, #tpu.memory_space<vmem>>
      %dma_wait3A_1224 = arith.constant 0 : i32
      %dma_wait3A_1225 = tpu.memref_slice %arg5[%add3A_1220, %dma_wait3A_1224] : memref<100x128xi32, #tpu.memory_space<vmem>> -> memref<1x128xi32, #tpu.memory_space<vmem>>
      %dma_wait3A_1226 = tpu.memref_squeeze %dma_wait3A_1225 : memref<1x128xi32, #tpu.memory_space<vmem>> -> memref<128xi32, #tpu.memory_space<vmem>>
      %dma_wait3A_1227 = arith.constant 0 : i32
      %dma_wait3A_1228 = tpu.memref_slice %arg9[%dma_wait3A_1227] : memref<640000xf32, #tpu.memory_space<vmem_shared>> -> memref<640000xf32, #tpu.memory_space<vmem_shared>>
      tpu.wait_indirect_dma semaphore(%arg15 : memref<!tpu.dma_semaphore, #tpu.memory_space<semaphore_mem>>) src(%dma_wait3A_1223 : memref<128xf32, #tpu.memory_space<vmem>>) dst(%dma_wait3A_1228 : memref<640000xf32, #tpu.memory_space<vmem_shared>>)
      %mul3A_1229 = arith.constant 10 : i32
      %mul3A_1230 = arith.muli %scan3A_1059, %mul3A_1229 : i32
      %add3A_1231 = arith.constant 4 : i32
      %add3A_1232 = arith.addi %mul3A_1230, %add3A_1231 : i32
      %mul3A_1233 = arith.constant 128 : i32
      %mul3A_1234 = arith.muli %add3A_1232, %mul3A_1233 : i32
      %dma_wait3A_1235 = tpu.memref_slice %arg6[%mul3A_1234] : memref<12800xf32, #tpu.memory_space<vmem>> -> memref<128xf32, #tpu.memory_space<vmem>>
      %dma_wait3A_1236 = arith.constant 0 : i32
      %dma_wait3A_1237 = tpu.memref_slice %arg5[%add3A_1232, %dma_wait3A_1236] : memref<100x128xi32, #tpu.memory_space<vmem>> -> memref<1x128xi32, #tpu.memory_space<vmem>>
      %dma_wait3A_1238 = tpu.memref_squeeze %dma_wait3A_1237 : memref<1x128xi32, #tpu.memory_space<vmem>> -> memref<128xi32, #tpu.memory_space<vmem>>
      %dma_wait3A_1239 = arith.constant 0 : i32
      %dma_wait3A_1240 = tpu.memref_slice %arg9[%dma_wait3A_1239] : memref<640000xf32, #tpu.memory_space<vmem_shared>> -> memref<640000xf32, #tpu.memory_space<vmem_shared>>
      tpu.wait_indirect_dma semaphore(%arg15 : memref<!tpu.dma_semaphore, #tpu.memory_space<semaphore_mem>>) src(%dma_wait3A_1235 : memref<128xf32, #tpu.memory_space<vmem>>) dst(%dma_wait3A_1240 : memref<640000xf32, #tpu.memory_space<vmem_shared>>)
      %mul3A_1241 = arith.constant 10 : i32
      %mul3A_1242 = arith.muli %scan3A_1059, %mul3A_1241 : i32
      %add3A_1243 = arith.constant 5 : i32
      %add3A_1244 = arith.addi %mul3A_1242, %add3A_1243 : i32
      %mul3A_1245 = arith.constant 128 : i32
      %mul3A_1246 = arith.muli %add3A_1244, %mul3A_1245 : i32
      %dma_wait3A_1247 = tpu.memref_slice %arg6[%mul3A_1246] : memref<12800xf32, #tpu.memory_space<vmem>> -> memref<128xf32, #tpu.memory_space<vmem>>
      %dma_wait3A_1248 = arith.constant 0 : i32
      %dma_wait3A_1249 = tpu.memref_slice %arg5[%add3A_1244, %dma_wait3A_1248] : memref<100x128xi32, #tpu.memory_space<vmem>> -> memref<1x128xi32, #tpu.memory_space<vmem>>
      %dma_wait3A_1250 = tpu.memref_squeeze %dma_wait3A_1249 : memref<1x128xi32, #tpu.memory_space<vmem>> -> memref<128xi32, #tpu.memory_space<vmem>>
      %dma_wait3A_1251 = arith.constant 0 : i32
      %dma_wait3A_1252 = tpu.memref_slice %arg9[%dma_wait3A_1251] : memref<640000xf32, #tpu.memory_space<vmem_shared>> -> memref<640000xf32, #tpu.memory_space<vmem_shared>>
      tpu.wait_indirect_dma semaphore(%arg15 : memref<!tpu.dma_semaphore, #tpu.memory_space<semaphore_mem>>) src(%dma_wait3A_1247 : memref<128xf32, #tpu.memory_space<vmem>>) dst(%dma_wait3A_1252 : memref<640000xf32, #tpu.memory_space<vmem_shared>>)
      %mul3A_1253 = arith.constant 10 : i32
      %mul3A_1254 = arith.muli %scan3A_1059, %mul3A_1253 : i32
      %add3A_1255 = arith.constant 6 : i32
      %add3A_1256 = arith.addi %mul3A_1254, %add3A_1255 : i32
      %mul3A_1257 = arith.constant 128 : i32
      %mul3A_1258 = arith.muli %add3A_1256, %mul3A_1257 : i32
      %dma_wait3A_1259 = tpu.memref_slice %arg6[%mul3A_1258] : memref<12800xf32, #tpu.memory_space<vmem>> -> memref<128xf32, #tpu.memory_space<vmem>>
      %dma_wait3A_1260 = arith.constant 0 : i32
      %dma_wait3A_1261 = tpu.memref_slice %arg5[%add3A_1256, %dma_wait3A_1260] : memref<100x128xi32, #tpu.memory_space<vmem>> -> memref<1x128xi32, #tpu.memory_space<vmem>>
      %dma_wait3A_1262 = tpu.memref_squeeze %dma_wait3A_1261 : memref<1x128xi32, #tpu.memory_space<vmem>> -> memref<128xi32, #tpu.memory_space<vmem>>
      %dma_wait3A_1263 = arith.constant 0 : i32
      %dma_wait3A_1264 = tpu.memref_slice %arg9[%dma_wait3A_1263] : memref<640000xf32, #tpu.memory_space<vmem_shared>> -> memref<640000xf32, #tpu.memory_space<vmem_shared>>
      tpu.wait_indirect_dma semaphore(%arg15 : memref<!tpu.dma_semaphore, #tpu.memory_space<semaphore_mem>>) src(%dma_wait3A_1259 : memref<128xf32, #tpu.memory_space<vmem>>) dst(%dma_wait3A_1264 : memref<640000xf32, #tpu.memory_space<vmem_shared>>)
      %mul3A_1265 = arith.constant 10 : i32
      %mul3A_1266 = arith.muli %scan3A_1059, %mul3A_1265 : i32
      %add3A_1267 = arith.constant 7 : i32
      %add3A_1268 = arith.addi %mul3A_1266, %add3A_1267 : i32
      %mul3A_1269 = arith.constant 128 : i32
      %mul3A_1270 = arith.muli %add3A_1268, %mul3A_1269 : i32
      %dma_wait3A_1271 = tpu.memref_slice %arg6[%mul3A_1270] : memref<12800xf32, #tpu.memory_space<vmem>> -> memref<128xf32, #tpu.memory_space<vmem>>
      %dma_wait3A_1272 = arith.constant 0 : i32
      %dma_wait3A_1273 = tpu.memref_slice %arg5[%add3A_1268, %dma_wait3A_1272] : memref<100x128xi32, #tpu.memory_space<vmem>> -> memref<1x128xi32, #tpu.memory_space<vmem>>
      %dma_wait3A_1274 = tpu.memref_squeeze %dma_wait3A_1273 : memref<1x128xi32, #tpu.memory_space<vmem>> -> memref<128xi32, #tpu.memory_space<vmem>>
      %dma_wait3A_1275 = arith.constant 0 : i32
      %dma_wait3A_1276 = tpu.memref_slice %arg9[%dma_wait3A_1275] : memref<640000xf32, #tpu.memory_space<vmem_shared>> -> memref<640000xf32, #tpu.memory_space<vmem_shared>>
      tpu.wait_indirect_dma semaphore(%arg15 : memref<!tpu.dma_semaphore, #tpu.memory_space<semaphore_mem>>) src(%dma_wait3A_1271 : memref<128xf32, #tpu.memory_space<vmem>>) dst(%dma_wait3A_1276 : memref<640000xf32, #tpu.memory_space<vmem_shared>>)
      %mul3A_1277 = arith.constant 10 : i32
      %mul3A_1278 = arith.muli %scan3A_1059, %mul3A_1277 : i32
      %add3A_1279 = arith.constant 8 : i32
      %add3A_1280 = arith.addi %mul3A_1278, %add3A_1279 : i32
      %mul3A_1281 = arith.constant 128 : i32
      %mul3A_1282 = arith.muli %add3A_1280, %mul3A_1281 : i32
      %dma_wait3A_1283 = tpu.memref_slice %arg6[%mul3A_1282] : memref<12800xf32, #tpu.memory_space<vmem>> -> memref<128xf32, #tpu.memory_space<vmem>>
      %dma_wait3A_1284 = arith.constant 0 : i32
      %dma_wait3A_1285 = tpu.memref_slice %arg5[%add3A_1280, %dma_wait3A_1284] : memref<100x128xi32, #tpu.memory_space<vmem>> -> memref<1x128xi32, #tpu.memory_space<vmem>>
      %dma_wait3A_1286 = tpu.memref_squeeze %dma_wait3A_1285 : memref<1x128xi32, #tpu.memory_space<vmem>> -> memref<128xi32, #tpu.memory_space<vmem>>
      %dma_wait3A_1287 = arith.constant 0 : i32
      %dma_wait3A_1288 = tpu.memref_slice %arg9[%dma_wait3A_1287] : memref<640000xf32, #tpu.memory_space<vmem_shared>> -> memref<640000xf32, #tpu.memory_space<vmem_shared>>
      tpu.wait_indirect_dma semaphore(%arg15 : memref<!tpu.dma_semaphore, #tpu.memory_space<semaphore_mem>>) src(%dma_wait3A_1283 : memref<128xf32, #tpu.memory_space<vmem>>) dst(%dma_wait3A_1288 : memref<640000xf32, #tpu.memory_space<vmem_shared>>)
      %mul3A_1289 = arith.constant 10 : i32
      %mul3A_1290 = arith.muli %scan3A_1059, %mul3A_1289 : i32
      %add3A_1291 = arith.constant 9 : i32
      %add3A_1292 = arith.addi %mul3A_1290, %add3A_1291 : i32
      %mul3A_1293 = arith.constant 128 : i32
      %mul3A_1294 = arith.muli %add3A_1292, %mul3A_1293 : i32
      %dma_wait3A_1295 = tpu.memref_slice %arg6[%mul3A_1294] : memref<12800xf32, #tpu.memory_space<vmem>> -> memref<128xf32, #tpu.memory_space<vmem>>
      %dma_wait3A_1296 = arith.constant 0 : i32
      %dma_wait3A_1297 = tpu.memref_slice %arg5[%add3A_1292, %dma_wait3A_1296] : memref<100x128xi32, #tpu.memory_space<vmem>> -> memref<1x128xi32, #tpu.memory_space<vmem>>
      %dma_wait3A_1298 = tpu.memref_squeeze %dma_wait3A_1297 : memref<1x128xi32, #tpu.memory_space<vmem>> -> memref<128xi32, #tpu.memory_space<vmem>>
      %dma_wait3A_1299 = arith.constant 0 : i32
      %dma_wait3A_1300 = tpu.memref_slice %arg9[%dma_wait3A_1299] : memref<640000xf32, #tpu.memory_space<vmem_shared>> -> memref<640000xf32, #tpu.memory_space<vmem_shared>>
      tpu.wait_indirect_dma semaphore(%arg15 : memref<!tpu.dma_semaphore, #tpu.memory_space<semaphore_mem>>) src(%dma_wait3A_1295 : memref<128xf32, #tpu.memory_space<vmem>>) dst(%dma_wait3A_1300 : memref<640000xf32, #tpu.memory_space<vmem_shared>>)
      %scan3A_1301 = arith.constant 0 : i32
      scf.yield %scan3A_1301 : i32
    }
    %scan3A_168 = arith.constant 10 : i32
    %dma_wait3A_169 = tpu.memref_slice %arg3[%add3A_30] : memref<1024000xf32, #tpu.memory_space<hbm>> -> memref<12800xf32, #tpu.memory_space<hbm>>
    %dma_wait3A_170 = tpu.memref_slice %arg3[%add3A_30] : memref<1024000xf32, #tpu.memory_space<hbm>> -> memref<12800xf32, #tpu.memory_space<hbm>>
    tpu.wait_dma2 semaphore(%arg13 : memref<!tpu.dma_semaphore, #tpu.memory_space<semaphore_mem>>) src(%dma_wait3A_170 : memref<12800xf32, #tpu.memory_space<hbm>>) dst(%arg7 : memref<12800xf32, #tpu.memory_space<vmem>>)
    %scan3A_171 = arith.constant 0 : i32
    %scan3A_172 = arith.constant 0 : i32
    %scan3A_173 = arith.constant 10 : i32
    %scan3A_174 = arith.addi %scan3A_172, %scan3A_173 : i32
    %scan3A_175 = arith.constant 1 : i32
    %scan3A_176 = scf.for %scan3A_1059 = %scan3A_172 to %scan3A_174 step %scan3A_175 iter_args(%scan3A_1060 = %scan3A_171) -> (i32)  : i32 {
      %mul3A_1061 = arith.constant 10 : i32
      %mul3A_1062 = arith.muli %scan3A_1059, %mul3A_1061 : i32
      %add3A_1063 = arith.constant 0 : i32
      %add3A_1064 = arith.addi %mul3A_1062, %add3A_1063 : i32
      %mul3A_1065 = arith.constant 128 : i32
      %mul3A_1066 = arith.muli %add3A_1064, %mul3A_1065 : i32
      %dma_start3A_1067 = tpu.memref_slice %arg7[%mul3A_1066] : memref<12800xf32, #tpu.memory_space<vmem>> -> memref<128xf32, #tpu.memory_space<vmem>>
      %dma_start3A_1068 = arith.constant 0 : i32
      %dma_start3A_1069 = tpu.memref_slice %arg5[%add3A_1064, %dma_start3A_1068] : memref<100x128xi32, #tpu.memory_space<vmem>> -> memref<1x128xi32, #tpu.memory_space<vmem>>
      %dma_start3A_1070 = tpu.memref_squeeze %dma_start3A_1069 : memref<1x128xi32, #tpu.memory_space<vmem>> -> memref<128xi32, #tpu.memory_space<vmem>>
      %dma_start3A_1071 = arith.constant 0 : i32
      %dma_start3A_1072 = tpu.memref_slice %arg10[%dma_start3A_1071] : memref<640000xf32, #tpu.memory_space<vmem_shared>> -> memref<640000xf32, #tpu.memory_space<vmem_shared>>
      tpu.enqueue_indirect_dma source(%dma_start3A_1067 : memref<128xf32, #tpu.memory_space<vmem>>) target(%dma_start3A_1072 : memref<640000xf32, #tpu.memory_space<vmem_shared>>) offsets(%dma_start3A_1070 : memref<128xi32, #tpu.memory_space<vmem>>) semaphore(%arg15 : memref<!tpu.dma_semaphore, #tpu.memory_space<semaphore_mem>>) {add = true}
      %mul3A_1073 = arith.constant 10 : i32
      %mul3A_1074 = arith.muli %scan3A_1059, %mul3A_1073 : i32
      %add3A_1075 = arith.constant 1 : i32
      %add3A_1076 = arith.addi %mul3A_1074, %add3A_1075 : i32
      %mul3A_1077 = arith.constant 128 : i32
      %mul3A_1078 = arith.muli %add3A_1076, %mul3A_1077 : i32
      %dma_start3A_1079 = tpu.memref_slice %arg7[%mul3A_1078] : memref<12800xf32, #tpu.memory_space<vmem>> -> memref<128xf32, #tpu.memory_space<vmem>>
      %dma_start3A_1080 = arith.constant 0 : i32
      %dma_start3A_1081 = tpu.memref_slice %arg5[%add3A_1076, %dma_start3A_1080] : memref<100x128xi32, #tpu.memory_space<vmem>> -> memref<1x128xi32, #tpu.memory_space<vmem>>
      %dma_start3A_1082 = tpu.memref_squeeze %dma_start3A_1081 : memref<1x128xi32, #tpu.memory_space<vmem>> -> memref<128xi32, #tpu.memory_space<vmem>>
      %dma_start3A_1083 = arith.constant 0 : i32
      %dma_start3A_1084 = tpu.memref_slice %arg10[%dma_start3A_1083] : memref<640000xf32, #tpu.memory_space<vmem_shared>> -> memref<640000xf32, #tpu.memory_space<vmem_shared>>
      tpu.enqueue_indirect_dma source(%dma_start3A_1079 : memref<128xf32, #tpu.memory_space<vmem>>) target(%dma_start3A_1084 : memref<640000xf32, #tpu.memory_space<vmem_shared>>) offsets(%dma_start3A_1082 : memref<128xi32, #tpu.memory_space<vmem>>) semaphore(%arg15 : memref<!tpu.dma_semaphore, #tpu.memory_space<semaphore_mem>>) {add = true}
      %mul3A_1085 = arith.constant 10 : i32
      %mul3A_1086 = arith.muli %scan3A_1059, %mul3A_1085 : i32
      %add3A_1087 = arith.constant 2 : i32
      %add3A_1088 = arith.addi %mul3A_1086, %add3A_1087 : i32
      %mul3A_1089 = arith.constant 128 : i32
      %mul3A_1090 = arith.muli %add3A_1088, %mul3A_1089 : i32
      %dma_start3A_1091 = tpu.memref_slice %arg7[%mul3A_1090] : memref<12800xf32, #tpu.memory_space<vmem>> -> memref<128xf32, #tpu.memory_space<vmem>>
      %dma_start3A_1092 = arith.constant 0 : i32
      %dma_start3A_1093 = tpu.memref_slice %arg5[%add3A_1088, %dma_start3A_1092] : memref<100x128xi32, #tpu.memory_space<vmem>> -> memref<1x128xi32, #tpu.memory_space<vmem>>
      %dma_start3A_1094 = tpu.memref_squeeze %dma_start3A_1093 : memref<1x128xi32, #tpu.memory_space<vmem>> -> memref<128xi32, #tpu.memory_space<vmem>>
      %dma_start3A_1095 = arith.constant 0 : i32
      %dma_start3A_1096 = tpu.memref_slice %arg10[%dma_start3A_1095] : memref<640000xf32, #tpu.memory_space<vmem_shared>> -> memref<640000xf32, #tpu.memory_space<vmem_shared>>
      tpu.enqueue_indirect_dma source(%dma_start3A_1091 : memref<128xf32, #tpu.memory_space<vmem>>) target(%dma_start3A_1096 : memref<640000xf32, #tpu.memory_space<vmem_shared>>) offsets(%dma_start3A_1094 : memref<128xi32, #tpu.memory_space<vmem>>) semaphore(%arg15 : memref<!tpu.dma_semaphore, #tpu.memory_space<semaphore_mem>>) {add = true}
      %mul3A_1097 = arith.constant 10 : i32
      %mul3A_1098 = arith.muli %scan3A_1059, %mul3A_1097 : i32
      %add3A_1099 = arith.constant 3 : i32
      %add3A_1100 = arith.addi %mul3A_1098, %add3A_1099 : i32
      %mul3A_1101 = arith.constant 128 : i32
      %mul3A_1102 = arith.muli %add3A_1100, %mul3A_1101 : i32
      %dma_start3A_1103 = tpu.memref_slice %arg7[%mul3A_1102] : memref<12800xf32, #tpu.memory_space<vmem>> -> memref<128xf32, #tpu.memory_space<vmem>>
      %dma_start3A_1104 = arith.constant 0 : i32
      %dma_start3A_1105 = tpu.memref_slice %arg5[%add3A_1100, %dma_start3A_1104] : memref<100x128xi32, #tpu.memory_space<vmem>> -> memref<1x128xi32, #tpu.memory_space<vmem>>
      %dma_start3A_1106 = tpu.memref_squeeze %dma_start3A_1105 : memref<1x128xi32, #tpu.memory_space<vmem>> -> memref<128xi32, #tpu.memory_space<vmem>>
      %dma_start3A_1107 = arith.constant 0 : i32
      %dma_start3A_1108 = tpu.memref_slice %arg10[%dma_start3A_1107] : memref<640000xf32, #tpu.memory_space<vmem_shared>> -> memref<640000xf32, #tpu.memory_space<vmem_shared>>
      tpu.enqueue_indirect_dma source(%dma_start3A_1103 : memref<128xf32, #tpu.memory_space<vmem>>) target(%dma_start3A_1108 : memref<640000xf32, #tpu.memory_space<vmem_shared>>) offsets(%dma_start3A_1106 : memref<128xi32, #tpu.memory_space<vmem>>) semaphore(%arg15 : memref<!tpu.dma_semaphore, #tpu.memory_space<semaphore_mem>>) {add = true}
      %mul3A_1109 = arith.constant 10 : i32
      %mul3A_1110 = arith.muli %scan3A_1059, %mul3A_1109 : i32
      %add3A_1111 = arith.constant 4 : i32
      %add3A_1112 = arith.addi %mul3A_1110, %add3A_1111 : i32
      %mul3A_1113 = arith.constant 128 : i32
      %mul3A_1114 = arith.muli %add3A_1112, %mul3A_1113 : i32
      %dma_start3A_1115 = tpu.memref_slice %arg7[%mul3A_1114] : memref<12800xf32, #tpu.memory_space<vmem>> -> memref<128xf32, #tpu.memory_space<vmem>>
      %dma_start3A_1116 = arith.constant 0 : i32
      %dma_start3A_1117 = tpu.memref_slice %arg5[%add3A_1112, %dma_start3A_1116] : memref<100x128xi32, #tpu.memory_space<vmem>> -> memref<1x128xi32, #tpu.memory_space<vmem>>
      %dma_start3A_1118 = tpu.memref_squeeze %dma_start3A_1117 : memref<1x128xi32, #tpu.memory_space<vmem>> -> memref<128xi32, #tpu.memory_space<vmem>>
      %dma_start3A_1119 = arith.constant 0 : i32
      %dma_start3A_1120 = tpu.memref_slice %arg10[%dma_start3A_1119] : memref<640000xf32, #tpu.memory_space<vmem_shared>> -> memref<640000xf32, #tpu.memory_space<vmem_shared>>
      tpu.enqueue_indirect_dma source(%dma_start3A_1115 : memref<128xf32, #tpu.memory_space<vmem>>) target(%dma_start3A_1120 : memref<640000xf32, #tpu.memory_space<vmem_shared>>) offsets(%dma_start3A_1118 : memref<128xi32, #tpu.memory_space<vmem>>) semaphore(%arg15 : memref<!tpu.dma_semaphore, #tpu.memory_space<semaphore_mem>>) {add = true}
      %mul3A_1121 = arith.constant 10 : i32
      %mul3A_1122 = arith.muli %scan3A_1059, %mul3A_1121 : i32
      %add3A_1123 = arith.constant 5 : i32
      %add3A_1124 = arith.addi %mul3A_1122, %add3A_1123 : i32
      %mul3A_1125 = arith.constant 128 : i32
      %mul3A_1126 = arith.muli %add3A_1124, %mul3A_1125 : i32
      %dma_start3A_1127 = tpu.memref_slice %arg7[%mul3A_1126] : memref<12800xf32, #tpu.memory_space<vmem>> -> memref<128xf32, #tpu.memory_space<vmem>>
      %dma_start3A_1128 = arith.constant 0 : i32
      %dma_start3A_1129 = tpu.memref_slice %arg5[%add3A_1124, %dma_start3A_1128] : memref<100x128xi32, #tpu.memory_space<vmem>> -> memref<1x128xi32, #tpu.memory_space<vmem>>
      %dma_start3A_1130 = tpu.memref_squeeze %dma_start3A_1129 : memref<1x128xi32, #tpu.memory_space<vmem>> -> memref<128xi32, #tpu.memory_space<vmem>>
      %dma_start3A_1131 = arith.constant 0 : i32
      %dma_start3A_1132 = tpu.memref_slice %arg10[%dma_start3A_1131] : memref<640000xf32, #tpu.memory_space<vmem_shared>> -> memref<640000xf32, #tpu.memory_space<vmem_shared>>
      tpu.enqueue_indirect_dma source(%dma_start3A_1127 : memref<128xf32, #tpu.memory_space<vmem>>) target(%dma_start3A_1132 : memref<640000xf32, #tpu.memory_space<vmem_shared>>) offsets(%dma_start3A_1130 : memref<128xi32, #tpu.memory_space<vmem>>) semaphore(%arg15 : memref<!tpu.dma_semaphore, #tpu.memory_space<semaphore_mem>>) {add = true}
      %mul3A_1133 = arith.constant 10 : i32
      %mul3A_1134 = arith.muli %scan3A_1059, %mul3A_1133 : i32
      %add3A_1135 = arith.constant 6 : i32
      %add3A_1136 = arith.addi %mul3A_1134, %add3A_1135 : i32
      %mul3A_1137 = arith.constant 128 : i32
      %mul3A_1138 = arith.muli %add3A_1136, %mul3A_1137 : i32
      %dma_start3A_1139 = tpu.memref_slice %arg7[%mul3A_1138] : memref<12800xf32, #tpu.memory_space<vmem>> -> memref<128xf32, #tpu.memory_space<vmem>>
      %dma_start3A_1140 = arith.constant 0 : i32
      %dma_start3A_1141 = tpu.memref_slice %arg5[%add3A_1136, %dma_start3A_1140] : memref<100x128xi32, #tpu.memory_space<vmem>> -> memref<1x128xi32, #tpu.memory_space<vmem>>
      %dma_start3A_1142 = tpu.memref_squeeze %dma_start3A_1141 : memref<1x128xi32, #tpu.memory_space<vmem>> -> memref<128xi32, #tpu.memory_space<vmem>>
      %dma_start3A_1143 = arith.constant 0 : i32
      %dma_start3A_1144 = tpu.memref_slice %arg10[%dma_start3A_1143] : memref<640000xf32, #tpu.memory_space<vmem_shared>> -> memref<640000xf32, #tpu.memory_space<vmem_shared>>
      tpu.enqueue_indirect_dma source(%dma_start3A_1139 : memref<128xf32, #tpu.memory_space<vmem>>) target(%dma_start3A_1144 : memref<640000xf32, #tpu.memory_space<vmem_shared>>) offsets(%dma_start3A_1142 : memref<128xi32, #tpu.memory_space<vmem>>) semaphore(%arg15 : memref<!tpu.dma_semaphore, #tpu.memory_space<semaphore_mem>>) {add = true}
      %mul3A_1145 = arith.constant 10 : i32
      %mul3A_1146 = arith.muli %scan3A_1059, %mul3A_1145 : i32
      %add3A_1147 = arith.constant 7 : i32
      %add3A_1148 = arith.addi %mul3A_1146, %add3A_1147 : i32
      %mul3A_1149 = arith.constant 128 : i32
      %mul3A_1150 = arith.muli %add3A_1148, %mul3A_1149 : i32
      %dma_start3A_1151 = tpu.memref_slice %arg7[%mul3A_1150] : memref<12800xf32, #tpu.memory_space<vmem>> -> memref<128xf32, #tpu.memory_space<vmem>>
      %dma_start3A_1152 = arith.constant 0 : i32
      %dma_start3A_1153 = tpu.memref_slice %arg5[%add3A_1148, %dma_start3A_1152] : memref<100x128xi32, #tpu.memory_space<vmem>> -> memref<1x128xi32, #tpu.memory_space<vmem>>
      %dma_start3A_1154 = tpu.memref_squeeze %dma_start3A_1153 : memref<1x128xi32, #tpu.memory_space<vmem>> -> memref<128xi32, #tpu.memory_space<vmem>>
      %dma_start3A_1155 = arith.constant 0 : i32
      %dma_start3A_1156 = tpu.memref_slice %arg10[%dma_start3A_1155] : memref<640000xf32, #tpu.memory_space<vmem_shared>> -> memref<640000xf32, #tpu.memory_space<vmem_shared>>
      tpu.enqueue_indirect_dma source(%dma_start3A_1151 : memref<128xf32, #tpu.memory_space<vmem>>) target(%dma_start3A_1156 : memref<640000xf32, #tpu.memory_space<vmem_shared>>) offsets(%dma_start3A_1154 : memref<128xi32, #tpu.memory_space<vmem>>) semaphore(%arg15 : memref<!tpu.dma_semaphore, #tpu.memory_space<semaphore_mem>>) {add = true}
      %mul3A_1157 = arith.constant 10 : i32
      %mul3A_1158 = arith.muli %scan3A_1059, %mul3A_1157 : i32
      %add3A_1159 = arith.constant 8 : i32
      %add3A_1160 = arith.addi %mul3A_1158, %add3A_1159 : i32
      %mul3A_1161 = arith.constant 128 : i32
      %mul3A_1162 = arith.muli %add3A_1160, %mul3A_1161 : i32
      %dma_start3A_1163 = tpu.memref_slice %arg7[%mul3A_1162] : memref<12800xf32, #tpu.memory_space<vmem>> -> memref<128xf32, #tpu.memory_space<vmem>>
      %dma_start3A_1164 = arith.constant 0 : i32
      %dma_start3A_1165 = tpu.memref_slice %arg5[%add3A_1160, %dma_start3A_1164] : memref<100x128xi32, #tpu.memory_space<vmem>> -> memref<1x128xi32, #tpu.memory_space<vmem>>
      %dma_start3A_1166 = tpu.memref_squeeze %dma_start3A_1165 : memref<1x128xi32, #tpu.memory_space<vmem>> -> memref<128xi32, #tpu.memory_space<vmem>>
      %dma_start3A_1167 = arith.constant 0 : i32
      %dma_start3A_1168 = tpu.memref_slice %arg10[%dma_start3A_1167] : memref<640000xf32, #tpu.memory_space<vmem_shared>> -> memref<640000xf32, #tpu.memory_space<vmem_shared>>
      tpu.enqueue_indirect_dma source(%dma_start3A_1163 : memref<128xf32, #tpu.memory_space<vmem>>) target(%dma_start3A_1168 : memref<640000xf32, #tpu.memory_space<vmem_shared>>) offsets(%dma_start3A_1166 : memref<128xi32, #tpu.memory_space<vmem>>) semaphore(%arg15 : memref<!tpu.dma_semaphore, #tpu.memory_space<semaphore_mem>>) {add = true}
      %mul3A_1169 = arith.constant 10 : i32
      %mul3A_1170 = arith.muli %scan3A_1059, %mul3A_1169 : i32
      %add3A_1171 = arith.constant 9 : i32
      %add3A_1172 = arith.addi %mul3A_1170, %add3A_1171 : i32
      %mul3A_1173 = arith.constant 128 : i32
      %mul3A_1174 = arith.muli %add3A_1172, %mul3A_1173 : i32
      %dma_start3A_1175 = tpu.memref_slice %arg7[%mul3A_1174] : memref<12800xf32, #tpu.memory_space<vmem>> -> memref<128xf32, #tpu.memory_space<vmem>>
      %dma_start3A_1176 = arith.constant 0 : i32
      %dma_start3A_1177 = tpu.memref_slice %arg5[%add3A_1172, %dma_start3A_1176] : memref<100x128xi32, #tpu.memory_space<vmem>> -> memref<1x128xi32, #tpu.memory_space<vmem>>
      %dma_start3A_1178 = tpu.memref_squeeze %dma_start3A_1177 : memref<1x128xi32, #tpu.memory_space<vmem>> -> memref<128xi32, #tpu.memory_space<vmem>>
      %dma_start3A_1179 = arith.constant 0 : i32
      %dma_start3A_1180 = tpu.memref_slice %arg10[%dma_start3A_1179] : memref<640000xf32, #tpu.memory_space<vmem_shared>> -> memref<640000xf32, #tpu.memory_space<vmem_shared>>
      tpu.enqueue_indirect_dma source(%dma_start3A_1175 : memref<128xf32, #tpu.memory_space<vmem>>) target(%dma_start3A_1180 : memref<640000xf32, #tpu.memory_space<vmem_shared>>) offsets(%dma_start3A_1178 : memref<128xi32, #tpu.memory_space<vmem>>) semaphore(%arg15 : memref<!tpu.dma_semaphore, #tpu.memory_space<semaphore_mem>>) {add = true}
      %mul3A_1181 = arith.constant 10 : i32
      %mul3A_1182 = arith.muli %scan3A_1059, %mul3A_1181 : i32
      %add3A_1183 = arith.constant 0 : i32
      %add3A_1184 = arith.addi %mul3A_1182, %add3A_1183 : i32
      %mul3A_1185 = arith.constant 128 : i32
      %mul3A_1186 = arith.muli %add3A_1184, %mul3A_1185 : i32
      %dma_wait3A_1187 = tpu.memref_slice %arg7[%mul3A_1186] : memref<12800xf32, #tpu.memory_space<vmem>> -> memref<128xf32, #tpu.memory_space<vmem>>
      %dma_wait3A_1188 = arith.constant 0 : i32
      %dma_wait3A_1189 = tpu.memref_slice %arg5[%add3A_1184, %dma_wait3A_1188] : memref<100x128xi32, #tpu.memory_space<vmem>> -> memref<1x128xi32, #tpu.memory_space<vmem>>
      %dma_wait3A_1190 = tpu.memref_squeeze %dma_wait3A_1189 : memref<1x128xi32, #tpu.memory_space<vmem>> -> memref<128xi32, #tpu.memory_space<vmem>>
      %dma_wait3A_1191 = arith.constant 0 : i32
      %dma_wait3A_1192 = tpu.memref_slice %arg10[%dma_wait3A_1191] : memref<640000xf32, #tpu.memory_space<vmem_shared>> -> memref<640000xf32, #tpu.memory_space<vmem_shared>>
      tpu.wait_indirect_dma semaphore(%arg15 : memref<!tpu.dma_semaphore, #tpu.memory_space<semaphore_mem>>) src(%dma_wait3A_1187 : memref<128xf32, #tpu.memory_space<vmem>>) dst(%dma_wait3A_1192 : memref<640000xf32, #tpu.memory_space<vmem_shared>>)
      %mul3A_1193 = arith.constant 10 : i32
      %mul3A_1194 = arith.muli %scan3A_1059, %mul3A_1193 : i32
      %add3A_1195 = arith.constant 1 : i32
      %add3A_1196 = arith.addi %mul3A_1194, %add3A_1195 : i32
      %mul3A_1197 = arith.constant 128 : i32
      %mul3A_1198 = arith.muli %add3A_1196, %mul3A_1197 : i32
      %dma_wait3A_1199 = tpu.memref_slice %arg7[%mul3A_1198] : memref<12800xf32, #tpu.memory_space<vmem>> -> memref<128xf32, #tpu.memory_space<vmem>>
      %dma_wait3A_1200 = arith.constant 0 : i32
      %dma_wait3A_1201 = tpu.memref_slice %arg5[%add3A_1196, %dma_wait3A_1200] : memref<100x128xi32, #tpu.memory_space<vmem>> -> memref<1x128xi32, #tpu.memory_space<vmem>>
      %dma_wait3A_1202 = tpu.memref_squeeze %dma_wait3A_1201 : memref<1x128xi32, #tpu.memory_space<vmem>> -> memref<128xi32, #tpu.memory_space<vmem>>
      %dma_wait3A_1203 = arith.constant 0 : i32
      %dma_wait3A_1204 = tpu.memref_slice %arg10[%dma_wait3A_1203] : memref<640000xf32, #tpu.memory_space<vmem_shared>> -> memref<640000xf32, #tpu.memory_space<vmem_shared>>
      tpu.wait_indirect_dma semaphore(%arg15 : memref<!tpu.dma_semaphore, #tpu.memory_space<semaphore_mem>>) src(%dma_wait3A_1199 : memref<128xf32, #tpu.memory_space<vmem>>) dst(%dma_wait3A_1204 : memref<640000xf32, #tpu.memory_space<vmem_shared>>)
      %mul3A_1205 = arith.constant 10 : i32
      %mul3A_1206 = arith.muli %scan3A_1059, %mul3A_1205 : i32
      %add3A_1207 = arith.constant 2 : i32
      %add3A_1208 = arith.addi %mul3A_1206, %add3A_1207 : i32
      %mul3A_1209 = arith.constant 128 : i32
      %mul3A_1210 = arith.muli %add3A_1208, %mul3A_1209 : i32
      %dma_wait3A_1211 = tpu.memref_slice %arg7[%mul3A_1210] : memref<12800xf32, #tpu.memory_space<vmem>> -> memref<128xf32, #tpu.memory_space<vmem>>
      %dma_wait3A_1212 = arith.constant 0 : i32
      %dma_wait3A_1213 = tpu.memref_slice %arg5[%add3A_1208, %dma_wait3A_1212] : memref<100x128xi32, #tpu.memory_space<vmem>> -> memref<1x128xi32, #tpu.memory_space<vmem>>
      %dma_wait3A_1214 = tpu.memref_squeeze %dma_wait3A_1213 : memref<1x128xi32, #tpu.memory_space<vmem>> -> memref<128xi32, #tpu.memory_space<vmem>>
      %dma_wait3A_1215 = arith.constant 0 : i32
      %dma_wait3A_1216 = tpu.memref_slice %arg10[%dma_wait3A_1215] : memref<640000xf32, #tpu.memory_space<vmem_shared>> -> memref<640000xf32, #tpu.memory_space<vmem_shared>>
      tpu.wait_indirect_dma semaphore(%arg15 : memref<!tpu.dma_semaphore, #tpu.memory_space<semaphore_mem>>) src(%dma_wait3A_1211 : memref<128xf32, #tpu.memory_space<vmem>>) dst(%dma_wait3A_1216 : memref<640000xf32, #tpu.memory_space<vmem_shared>>)
      %mul3A_1217 = arith.constant 10 : i32
      %mul3A_1218 = arith.muli %scan3A_1059, %mul3A_1217 : i32
      %add3A_1219 = arith.constant 3 : i32
      %add3A_1220 = arith.addi %mul3A_1218, %add3A_1219 : i32
      %mul3A_1221 = arith.constant 128 : i32
      %mul3A_1222 = arith.muli %add3A_1220, %mul3A_1221 : i32
      %dma_wait3A_1223 = tpu.memref_slice %arg7[%mul3A_1222] : memref<12800xf32, #tpu.memory_space<vmem>> -> memref<128xf32, #tpu.memory_space<vmem>>
      %dma_wait3A_1224 = arith.constant 0 : i32
      %dma_wait3A_1225 = tpu.memref_slice %arg5[%add3A_1220, %dma_wait3A_1224] : memref<100x128xi32, #tpu.memory_space<vmem>> -> memref<1x128xi32, #tpu.memory_space<vmem>>
      %dma_wait3A_1226 = tpu.memref_squeeze %dma_wait3A_1225 : memref<1x128xi32, #tpu.memory_space<vmem>> -> memref<128xi32, #tpu.memory_space<vmem>>
      %dma_wait3A_1227 = arith.constant 0 : i32
      %dma_wait3A_1228 = tpu.memref_slice %arg10[%dma_wait3A_1227] : memref<640000xf32, #tpu.memory_space<vmem_shared>> -> memref<640000xf32, #tpu.memory_space<vmem_shared>>
      tpu.wait_indirect_dma semaphore(%arg15 : memref<!tpu.dma_semaphore, #tpu.memory_space<semaphore_mem>>) src(%dma_wait3A_1223 : memref<128xf32, #tpu.memory_space<vmem>>) dst(%dma_wait3A_1228 : memref<640000xf32, #tpu.memory_space<vmem_shared>>)
      %mul3A_1229 = arith.constant 10 : i32
      %mul3A_1230 = arith.muli %scan3A_1059, %mul3A_1229 : i32
      %add3A_1231 = arith.constant 4 : i32
      %add3A_1232 = arith.addi %mul3A_1230, %add3A_1231 : i32
      %mul3A_1233 = arith.constant 128 : i32
      %mul3A_1234 = arith.muli %add3A_1232, %mul3A_1233 : i32
      %dma_wait3A_1235 = tpu.memref_slice %arg7[%mul3A_1234] : memref<12800xf32, #tpu.memory_space<vmem>> -> memref<128xf32, #tpu.memory_space<vmem>>
      %dma_wait3A_1236 = arith.constant 0 : i32
      %dma_wait3A_1237 = tpu.memref_slice %arg5[%add3A_1232, %dma_wait3A_1236] : memref<100x128xi32, #tpu.memory_space<vmem>> -> memref<1x128xi32, #tpu.memory_space<vmem>>
      %dma_wait3A_1238 = tpu.memref_squeeze %dma_wait3A_1237 : memref<1x128xi32, #tpu.memory_space<vmem>> -> memref<128xi32, #tpu.memory_space<vmem>>
      %dma_wait3A_1239 = arith.constant 0 : i32
      %dma_wait3A_1240 = tpu.memref_slice %arg10[%dma_wait3A_1239] : memref<640000xf32, #tpu.memory_space<vmem_shared>> -> memref<640000xf32, #tpu.memory_space<vmem_shared>>
      tpu.wait_indirect_dma semaphore(%arg15 : memref<!tpu.dma_semaphore, #tpu.memory_space<semaphore_mem>>) src(%dma_wait3A_1235 : memref<128xf32, #tpu.memory_space<vmem>>) dst(%dma_wait3A_1240 : memref<640000xf32, #tpu.memory_space<vmem_shared>>)
      %mul3A_1241 = arith.constant 10 : i32
      %mul3A_1242 = arith.muli %scan3A_1059, %mul3A_1241 : i32
      %add3A_1243 = arith.constant 5 : i32
      %add3A_1244 = arith.addi %mul3A_1242, %add3A_1243 : i32
      %mul3A_1245 = arith.constant 128 : i32
      %mul3A_1246 = arith.muli %add3A_1244, %mul3A_1245 : i32
      %dma_wait3A_1247 = tpu.memref_slice %arg7[%mul3A_1246] : memref<12800xf32, #tpu.memory_space<vmem>> -> memref<128xf32, #tpu.memory_space<vmem>>
      %dma_wait3A_1248 = arith.constant 0 : i32
      %dma_wait3A_1249 = tpu.memref_slice %arg5[%add3A_1244, %dma_wait3A_1248] : memref<100x128xi32, #tpu.memory_space<vmem>> -> memref<1x128xi32, #tpu.memory_space<vmem>>
      %dma_wait3A_1250 = tpu.memref_squeeze %dma_wait3A_1249 : memref<1x128xi32, #tpu.memory_space<vmem>> -> memref<128xi32, #tpu.memory_space<vmem>>
      %dma_wait3A_1251 = arith.constant 0 : i32
      %dma_wait3A_1252 = tpu.memref_slice %arg10[%dma_wait3A_1251] : memref<640000xf32, #tpu.memory_space<vmem_shared>> -> memref<640000xf32, #tpu.memory_space<vmem_shared>>
      tpu.wait_indirect_dma semaphore(%arg15 : memref<!tpu.dma_semaphore, #tpu.memory_space<semaphore_mem>>) src(%dma_wait3A_1247 : memref<128xf32, #tpu.memory_space<vmem>>) dst(%dma_wait3A_1252 : memref<640000xf32, #tpu.memory_space<vmem_shared>>)
      %mul3A_1253 = arith.constant 10 : i32
      %mul3A_1254 = arith.muli %scan3A_1059, %mul3A_1253 : i32
      %add3A_1255 = arith.constant 6 : i32
      %add3A_1256 = arith.addi %mul3A_1254, %add3A_1255 : i32
      %mul3A_1257 = arith.constant 128 : i32
      %mul3A_1258 = arith.muli %add3A_1256, %mul3A_1257 : i32
      %dma_wait3A_1259 = tpu.memref_slice %arg7[%mul3A_1258] : memref<12800xf32, #tpu.memory_space<vmem>> -> memref<128xf32, #tpu.memory_space<vmem>>
      %dma_wait3A_1260 = arith.constant 0 : i32
      %dma_wait3A_1261 = tpu.memref_slice %arg5[%add3A_1256, %dma_wait3A_1260] : memref<100x128xi32, #tpu.memory_space<vmem>> -> memref<1x128xi32, #tpu.memory_space<vmem>>
      %dma_wait3A_1262 = tpu.memref_squeeze %dma_wait3A_1261 : memref<1x128xi32, #tpu.memory_space<vmem>> -> memref<128xi32, #tpu.memory_space<vmem>>
      %dma_wait3A_1263 = arith.constant 0 : i32
      %dma_wait3A_1264 = tpu.memref_slice %arg10[%dma_wait3A_1263] : memref<640000xf32, #tpu.memory_space<vmem_shared>> -> memref<640000xf32, #tpu.memory_space<vmem_shared>>
      tpu.wait_indirect_dma semaphore(%arg15 : memref<!tpu.dma_semaphore, #tpu.memory_space<semaphore_mem>>) src(%dma_wait3A_1259 : memref<128xf32, #tpu.memory_space<vmem>>) dst(%dma_wait3A_1264 : memref<640000xf32, #tpu.memory_space<vmem_shared>>)
      %mul3A_1265 = arith.constant 10 : i32
      %mul3A_1266 = arith.muli %scan3A_1059, %mul3A_1265 : i32
      %add3A_1267 = arith.constant 7 : i32
      %add3A_1268 = arith.addi %mul3A_1266, %add3A_1267 : i32
      %mul3A_1269 = arith.constant 128 : i32
      %mul3A_1270 = arith.muli %add3A_1268, %mul3A_1269 : i32
      %dma_wait3A_1271 = tpu.memref_slice %arg7[%mul3A_1270] : memref<12800xf32, #tpu.memory_space<vmem>> -> memref<128xf32, #tpu.memory_space<vmem>>
      %dma_wait3A_1272 = arith.constant 0 : i32
      %dma_wait3A_1273 = tpu.memref_slice %arg5[%add3A_1268, %dma_wait3A_1272] : memref<100x128xi32, #tpu.memory_space<vmem>> -> memref<1x128xi32, #tpu.memory_space<vmem>>
      %dma_wait3A_1274 = tpu.memref_squeeze %dma_wait3A_1273 : memref<1x128xi32, #tpu.memory_space<vmem>> -> memref<128xi32, #tpu.memory_space<vmem>>
      %dma_wait3A_1275 = arith.constant 0 : i32
      %dma_wait3A_1276 = tpu.memref_slice %arg10[%dma_wait3A_1275] : memref<640000xf32, #tpu.memory_space<vmem_shared>> -> memref<640000xf32, #tpu.memory_space<vmem_shared>>
      tpu.wait_indirect_dma semaphore(%arg15 : memref<!tpu.dma_semaphore, #tpu.memory_space<semaphore_mem>>) src(%dma_wait3A_1271 : memref<128xf32, #tpu.memory_space<vmem>>) dst(%dma_wait3A_1276 : memref<640000xf32, #tpu.memory_space<vmem_shared>>)
      %mul3A_1277 = arith.constant 10 : i32
      %mul3A_1278 = arith.muli %scan3A_1059, %mul3A_1277 : i32
      %add3A_1279 = arith.constant 8 : i32
      %add3A_1280 = arith.addi %mul3A_1278, %add3A_1279 : i32
      %mul3A_1281 = arith.constant 128 : i32
      %mul3A_1282 = arith.muli %add3A_1280, %mul3A_1281 : i32
      %dma_wait3A_1283 = tpu.memref_slice %arg7[%mul3A_1282] : memref<12800xf32, #tpu.memory_space<vmem>> -> memref<128xf32, #tpu.memory_space<vmem>>
      %dma_wait3A_1284 = arith.constant 0 : i32
      %dma_wait3A_1285 = tpu.memref_slice %arg5[%add3A_1280, %dma_wait3A_1284] : memref<100x128xi32, #tpu.memory_space<vmem>> -> memref<1x128xi32, #tpu.memory_space<vmem>>
      %dma_wait3A_1286 = tpu.memref_squeeze %dma_wait3A_1285 : memref<1x128xi32, #tpu.memory_space<vmem>> -> memref<128xi32, #tpu.memory_space<vmem>>
      %dma_wait3A_1287 = arith.constant 0 : i32
      %dma_wait3A_1288 = tpu.memref_slice %arg10[%dma_wait3A_1287] : memref<640000xf32, #tpu.memory_space<vmem_shared>> -> memref<640000xf32, #tpu.memory_space<vmem_shared>>
      tpu.wait_indirect_dma semaphore(%arg15 : memref<!tpu.dma_semaphore, #tpu.memory_space<semaphore_mem>>) src(%dma_wait3A_1283 : memref<128xf32, #tpu.memory_space<vmem>>) dst(%dma_wait3A_1288 : memref<640000xf32, #tpu.memory_space<vmem_shared>>)
      %mul3A_1289 = arith.constant 10 : i32
      %mul3A_1290 = arith.muli %scan3A_1059, %mul3A_1289 : i32
      %add3A_1291 = arith.constant 9 : i32
      %add3A_1292 = arith.addi %mul3A_1290, %add3A_1291 : i32
      %mul3A_1293 = arith.constant 128 : i32
      %mul3A_1294 = arith.muli %add3A_1292, %mul3A_1293 : i32
      %dma_wait3A_1295 = tpu.memref_slice %arg7[%mul3A_1294] : memref<12800xf32, #tpu.memory_space<vmem>> -> memref<128xf32, #tpu.memory_space<vmem>>
      %dma_wait3A_1296 = arith.constant 0 : i32
      %dma_wait3A_1297 = tpu.memref_slice %arg5[%add3A_1292, %dma_wait3A_1296] : memref<100x128xi32, #tpu.memory_space<vmem>> -> memref<1x128xi32, #tpu.memory_space<vmem>>
      %dma_wait3A_1298 = tpu.memref_squeeze %dma_wait3A_1297 : memref<1x128xi32, #tpu.memory_space<vmem>> -> memref<128xi32, #tpu.memory_space<vmem>>
      %dma_wait3A_1299 = arith.constant 0 : i32
      %dma_wait3A_1300 = tpu.memref_slice %arg10[%dma_wait3A_1299] : memref<640000xf32, #tpu.memory_space<vmem_shared>> -> memref<640000xf32, #tpu.memory_space<vmem_shared>>
      tpu.wait_indirect_dma semaphore(%arg15 : memref<!tpu.dma_semaphore, #tpu.memory_space<semaphore_mem>>) src(%dma_wait3A_1295 : memref<128xf32, #tpu.memory_space<vmem>>) dst(%dma_wait3A_1300 : memref<640000xf32, #tpu.memory_space<vmem_shared>>)
      %scan3A_1301 = arith.constant 0 : i32
      scf.yield %scan3A_1301 : i32
    }
    %scan3A_177 = arith.constant 10 : i32
    %barrier3A_178 = arith.constant 0 : index
    tpu.barrier barrier_id(%barrier3A_178)
    %mul3A_179 = arith.constant 2 : i32
    %mul3A_180 = arith.muli %mul3A_179, %arg0 : i32
    %add3A_181 = arith.constant 0 : i32
    %add3A_182 = arith.addi %mul3A_180, %add3A_181 : i32
    %mul3A_183 = arith.constant 40000 : i32
    %mul3A_184 = arith.muli %arg1, %mul3A_183 : i32
    %add3A_185 = arith.constant 0 : i32
    %add3A_186 = arith.addi %mul3A_184, %add3A_185 : i32
    "tpu.region"() ({
      %run_scoped3A = tpu.sem_alloc : memref<!tpu.dma_semaphore, #tpu.memory_space<semaphore_mem>>
      %dma_start3A_1059 = arith.constant 0 : i32
      %dma_start3A_1060 = tpu.memref_slice %arg6[%dma_start3A_1059] : memref<12800xf32, #tpu.memory_space<vmem>> -> memref<5000xf32, #tpu.memory_space<vmem>>
      %dma_start3A_1061 = tpu.memref_slice %arg9[%add3A_186] : memref<640000xf32, #tpu.memory_space<vmem_shared>> -> memref<5000xf32, #tpu.memory_space<vmem_shared>>
      %dma_start3A_1062 = arith.constant 0 : i32
      %dma_start3A_1063 = tpu.memref_slice %arg6[%dma_start3A_1062] : memref<12800xf32, #tpu.memory_space<vmem>> -> memref<5000xf32, #tpu.memory_space<vmem>>
      %dma_start3A_1064 = tpu.memref_slice %arg9[%add3A_186] : memref<640000xf32, #tpu.memory_space<vmem_shared>> -> memref<5000xf32, #tpu.memory_space<vmem_shared>>
      tpu.enqueue_dma source(%dma_start3A_1064 : memref<5000xf32, #tpu.memory_space<vmem_shared>>) target(%dma_start3A_1063 : memref<5000xf32, #tpu.memory_space<vmem>>) target_semaphore(%run_scoped3A : memref<!tpu.dma_semaphore, #tpu.memory_space<semaphore_mem>>)
      %dma_wait3A_1065 = arith.constant 0 : i32
      %dma_wait3A_1066 = tpu.memref_slice %arg6[%dma_wait3A_1065] : memref<12800xf32, #tpu.memory_space<vmem>> -> memref<5000xf32, #tpu.memory_space<vmem>>
      %dma_wait3A_1067 = tpu.memref_slice %arg9[%add3A_186] : memref<640000xf32, #tpu.memory_space<vmem_shared>> -> memref<5000xf32, #tpu.memory_space<vmem_shared>>
      %dma_wait3A_1068 = arith.constant 0 : i32
      %dma_wait3A_1069 = tpu.memref_slice %arg6[%dma_wait3A_1068] : memref<12800xf32, #tpu.memory_space<vmem>> -> memref<5000xf32, #tpu.memory_space<vmem>>
      %dma_wait3A_1070 = tpu.memref_slice %arg9[%add3A_186] : memref<640000xf32, #tpu.memory_space<vmem_shared>> -> memref<5000xf32, #tpu.memory_space<vmem_shared>>
      tpu.wait_dma2 semaphore(%run_scoped3A : memref<!tpu.dma_semaphore, #tpu.memory_space<semaphore_mem>>) src(%dma_wait3A_1070 : memref<5000xf32, #tpu.memory_space<vmem_shared>>) dst(%dma_wait3A_1069 : memref<5000xf32, #tpu.memory_space<vmem>>)
      tpu.yield
    }) : () -> ()
    %mul3A_187 = arith.constant 640000 : i32
    %mul3A_188 = arith.muli %add3A_182, %mul3A_187 : i32
    %mul3A_189 = arith.constant 40000 : i32
    %mul3A_190 = arith.muli %arg1, %mul3A_189 : i32
    %add3A_191 = arith.addi %mul3A_188, %mul3A_190 : i32
    %add3A_192 = arith.constant 0 : i32
    %add3A_193 = arith.addi %add3A_191, %add3A_192 : i32
    %dma_start3A_194 = arith.constant 0 : i32
    %dma_start3A_195 = tpu.memref_slice %arg6[%dma_start3A_194] : memref<12800xf32, #tpu.memory_space<vmem>> -> memref<5000xf32, #tpu.memory_space<vmem>>
    %dma_start3A_196 = tpu.memref_slice %arg4[%add3A_193] : memref<3840000xf32, #tpu.memory_space<hbm>> -> memref<5000xf32, #tpu.memory_space<hbm>>
    %dma_start3A_197 = tpu.memref_slice %arg4[%add3A_193] : memref<3840000xf32, #tpu.memory_space<hbm>> -> memref<5000xf32, #tpu.memory_space<hbm>>
    %dma_start3A_198 = arith.constant 0 : i32
    %dma_start3A_199 = tpu.memref_slice %arg6[%dma_start3A_198] : memref<12800xf32, #tpu.memory_space<vmem>> -> memref<5000xf32, #tpu.memory_space<vmem>>
    tpu.enqueue_dma source(%dma_start3A_199 : memref<5000xf32, #tpu.memory_space<vmem>>) target(%dma_start3A_197 : memref<5000xf32, #tpu.memory_space<hbm>>) target_semaphore(%arg15 : memref<!tpu.dma_semaphore, #tpu.memory_space<semaphore_mem>>)
    %mul3A_200 = arith.constant 40000 : i32
    %mul3A_201 = arith.muli %arg1, %mul3A_200 : i32
    %add3A_202 = arith.constant 5000 : i32
    %add3A_203 = arith.addi %mul3A_201, %add3A_202 : i32
    "tpu.region"() ({
      %run_scoped3A = tpu.sem_alloc : memref<!tpu.dma_semaphore, #tpu.memory_space<semaphore_mem>>
      %dma_start3A_1059 = arith.constant 0 : i32
      %dma_start3A_1060 = tpu.memref_slice %arg7[%dma_start3A_1059] : memref<12800xf32, #tpu.memory_space<vmem>> -> memref<5000xf32, #tpu.memory_space<vmem>>
      %dma_start3A_1061 = tpu.memref_slice %arg9[%add3A_203] : memref<640000xf32, #tpu.memory_space<vmem_shared>> -> memref<5000xf32, #tpu.memory_space<vmem_shared>>
      %dma_start3A_1062 = arith.constant 0 : i32
      %dma_start3A_1063 = tpu.memref_slice %arg7[%dma_start3A_1062] : memref<12800xf32, #tpu.memory_space<vmem>> -> memref<5000xf32, #tpu.memory_space<vmem>>
      %dma_start3A_1064 = tpu.memref_slice %arg9[%add3A_203] : memref<640000xf32, #tpu.memory_space<vmem_shared>> -> memref<5000xf32, #tpu.memory_space<vmem_shared>>
      tpu.enqueue_dma source(%dma_start3A_1064 : memref<5000xf32, #tpu.memory_space<vmem_shared>>) target(%dma_start3A_1063 : memref<5000xf32, #tpu.memory_space<vmem>>) target_semaphore(%run_scoped3A : memref<!tpu.dma_semaphore, #tpu.memory_space<semaphore_mem>>)
      %dma_wait3A_1065 = arith.constant 0 : i32
      %dma_wait3A_1066 = tpu.memref_slice %arg7[%dma_wait3A_1065] : memref<12800xf32, #tpu.memory_space<vmem>> -> memref<5000xf32, #tpu.memory_space<vmem>>
      %dma_wait3A_1067 = tpu.memref_slice %arg9[%add3A_203] : memref<640000xf32, #tpu.memory_space<vmem_shared>> -> memref<5000xf32, #tpu.memory_space<vmem_shared>>
      %dma_wait3A_1068 = arith.constant 0 : i32
      %dma_wait3A_1069 = tpu.memref_slice %arg7[%dma_wait3A_1068] : memref<12800xf32, #tpu.memory_space<vmem>> -> memref<5000xf32, #tpu.memory_space<vmem>>
      %dma_wait3A_1070 = tpu.memref_slice %arg9[%add3A_203] : memref<640000xf32, #tpu.memory_space<vmem_shared>> -> memref<5000xf32, #tpu.memory_space<vmem_shared>>
      tpu.wait_dma2 semaphore(%run_scoped3A : memref<!tpu.dma_semaphore, #tpu.memory_space<semaphore_mem>>) src(%dma_wait3A_1070 : memref<5000xf32, #tpu.memory_space<vmem_shared>>) dst(%dma_wait3A_1069 : memref<5000xf32, #tpu.memory_space<vmem>>)
      tpu.yield
    }) : () -> ()
    %mul3A_204 = arith.constant 640000 : i32
    %mul3A_205 = arith.muli %add3A_182, %mul3A_204 : i32
    %mul3A_206 = arith.constant 40000 : i32
    %mul3A_207 = arith.muli %arg1, %mul3A_206 : i32
    %add3A_208 = arith.addi %mul3A_205, %mul3A_207 : i32
    %add3A_209 = arith.constant 5000 : i32
    %add3A_210 = arith.addi %add3A_208, %add3A_209 : i32
    %dma_start3A_211 = arith.constant 0 : i32
    %dma_start3A_212 = tpu.memref_slice %arg7[%dma_start3A_211] : memref<12800xf32, #tpu.memory_space<vmem>> -> memref<5000xf32, #tpu.memory_space<vmem>>
    %dma_start3A_213 = tpu.memref_slice %arg4[%add3A_210] : memref<3840000xf32, #tpu.memory_space<hbm>> -> memref<5000xf32, #tpu.memory_space<hbm>>
    %dma_start3A_214 = tpu.memref_slice %arg4[%add3A_210] : memref<3840000xf32, #tpu.memory_space<hbm>> -> memref<5000xf32, #tpu.memory_space<hbm>>
    %dma_start3A_215 = arith.constant 0 : i32
    %dma_start3A_216 = tpu.memref_slice %arg7[%dma_start3A_215] : memref<12800xf32, #tpu.memory_space<vmem>> -> memref<5000xf32, #tpu.memory_space<vmem>>
    tpu.enqueue_dma source(%dma_start3A_216 : memref<5000xf32, #tpu.memory_space<vmem>>) target(%dma_start3A_214 : memref<5000xf32, #tpu.memory_space<hbm>>) target_semaphore(%arg15 : memref<!tpu.dma_semaphore, #tpu.memory_space<semaphore_mem>>)
    %mul3A_217 = arith.constant 640000 : i32
    %mul3A_218 = arith.muli %add3A_182, %mul3A_217 : i32
    %mul3A_219 = arith.constant 40000 : i32
    %mul3A_220 = arith.muli %arg1, %mul3A_219 : i32
    %add3A_221 = arith.addi %mul3A_218, %mul3A_220 : i32
    %add3A_222 = arith.constant 0 : i32
    %add3A_223 = arith.addi %add3A_221, %add3A_222 : i32
    %dma_wait3A_224 = arith.constant 0 : i32
    %dma_wait3A_225 = tpu.memref_slice %arg6[%dma_wait3A_224] : memref<12800xf32, #tpu.memory_space<vmem>> -> memref<5000xf32, #tpu.memory_space<vmem>>
    %dma_wait3A_226 = tpu.memref_slice %arg4[%add3A_223] : memref<3840000xf32, #tpu.memory_space<hbm>> -> memref<5000xf32, #tpu.memory_space<hbm>>
    %dma_wait3A_227 = tpu.memref_slice %arg4[%add3A_223] : memref<3840000xf32, #tpu.memory_space<hbm>> -> memref<5000xf32, #tpu.memory_space<hbm>>
    %dma_wait3A_228 = arith.constant 0 : i32
    %dma_wait3A_229 = tpu.memref_slice %arg6[%dma_wait3A_228] : memref<12800xf32, #tpu.memory_space<vmem>> -> memref<5000xf32, #tpu.memory_space<vmem>>
    tpu.wait_dma2 semaphore(%arg15 : memref<!tpu.dma_semaphore, #tpu.memory_space<semaphore_mem>>) src(%dma_wait3A_229 : memref<5000xf32, #tpu.memory_space<vmem>>) dst(%dma_wait3A_227 : memref<5000xf32, #tpu.memory_space<hbm>>)
    %mul3A_230 = arith.constant 40000 : i32
    %mul3A_231 = arith.muli %arg1, %mul3A_230 : i32
    %add3A_232 = arith.constant 10000 : i32
    %add3A_233 = arith.addi %mul3A_231, %add3A_232 : i32
    "tpu.region"() ({
      %run_scoped3A = tpu.sem_alloc : memref<!tpu.dma_semaphore, #tpu.memory_space<semaphore_mem>>
      %dma_start3A_1059 = arith.constant 0 : i32
      %dma_start3A_1060 = tpu.memref_slice %arg6[%dma_start3A_1059] : memref<12800xf32, #tpu.memory_space<vmem>> -> memref<5000xf32, #tpu.memory_space<vmem>>
      %dma_start3A_1061 = tpu.memref_slice %arg9[%add3A_233] : memref<640000xf32, #tpu.memory_space<vmem_shared>> -> memref<5000xf32, #tpu.memory_space<vmem_shared>>
      %dma_start3A_1062 = arith.constant 0 : i32
      %dma_start3A_1063 = tpu.memref_slice %arg6[%dma_start3A_1062] : memref<12800xf32, #tpu.memory_space<vmem>> -> memref<5000xf32, #tpu.memory_space<vmem>>
      %dma_start3A_1064 = tpu.memref_slice %arg9[%add3A_233] : memref<640000xf32, #tpu.memory_space<vmem_shared>> -> memref<5000xf32, #tpu.memory_space<vmem_shared>>
      tpu.enqueue_dma source(%dma_start3A_1064 : memref<5000xf32, #tpu.memory_space<vmem_shared>>) target(%dma_start3A_1063 : memref<5000xf32, #tpu.memory_space<vmem>>) target_semaphore(%run_scoped3A : memref<!tpu.dma_semaphore, #tpu.memory_space<semaphore_mem>>)
      %dma_wait3A_1065 = arith.constant 0 : i32
      %dma_wait3A_1066 = tpu.memref_slice %arg6[%dma_wait3A_1065] : memref<12800xf32, #tpu.memory_space<vmem>> -> memref<5000xf32, #tpu.memory_space<vmem>>
      %dma_wait3A_1067 = tpu.memref_slice %arg9[%add3A_233] : memref<640000xf32, #tpu.memory_space<vmem_shared>> -> memref<5000xf32, #tpu.memory_space<vmem_shared>>
      %dma_wait3A_1068 = arith.constant 0 : i32
      %dma_wait3A_1069 = tpu.memref_slice %arg6[%dma_wait3A_1068] : memref<12800xf32, #tpu.memory_space<vmem>> -> memref<5000xf32, #tpu.memory_space<vmem>>
      %dma_wait3A_1070 = tpu.memref_slice %arg9[%add3A_233] : memref<640000xf32, #tpu.memory_space<vmem_shared>> -> memref<5000xf32, #tpu.memory_space<vmem_shared>>
      tpu.wait_dma2 semaphore(%run_scoped3A : memref<!tpu.dma_semaphore, #tpu.memory_space<semaphore_mem>>) src(%dma_wait3A_1070 : memref<5000xf32, #tpu.memory_space<vmem_shared>>) dst(%dma_wait3A_1069 : memref<5000xf32, #tpu.memory_space<vmem>>)
      tpu.yield
    }) : () -> ()
    %mul3A_234 = arith.constant 640000 : i32
    %mul3A_235 = arith.muli %add3A_182, %mul3A_234 : i32
    %mul3A_236 = arith.constant 40000 : i32
    %mul3A_237 = arith.muli %arg1, %mul3A_236 : i32
    %add3A_238 = arith.addi %mul3A_235, %mul3A_237 : i32
    %add3A_239 = arith.constant 10000 : i32
    %add3A_240 = arith.addi %add3A_238, %add3A_239 : i32
    %dma_start3A_241 = arith.constant 0 : i32
    %dma_start3A_242 = tpu.memref_slice %arg6[%dma_start3A_241] : memref<12800xf32, #tpu.memory_space<vmem>> -> memref<5000xf32, #tpu.memory_space<vmem>>
    %dma_start3A_243 = tpu.memref_slice %arg4[%add3A_240] : memref<3840000xf32, #tpu.memory_space<hbm>> -> memref<5000xf32, #tpu.memory_space<hbm>>
    %dma_start3A_244 = tpu.memref_slice %arg4[%add3A_240] : memref<3840000xf32, #tpu.memory_space<hbm>> -> memref<5000xf32, #tpu.memory_space<hbm>>
    %dma_start3A_245 = arith.constant 0 : i32
    %dma_start3A_246 = tpu.memref_slice %arg6[%dma_start3A_245] : memref<12800xf32, #tpu.memory_space<vmem>> -> memref<5000xf32, #tpu.memory_space<vmem>>
    tpu.enqueue_dma source(%dma_start3A_246 : memref<5000xf32, #tpu.memory_space<vmem>>) target(%dma_start3A_244 : memref<5000xf32, #tpu.memory_space<hbm>>) target_semaphore(%arg15 : memref<!tpu.dma_semaphore, #tpu.memory_space<semaphore_mem>>)
    %mul3A_247 = arith.constant 640000 : i32
    %mul3A_248 = arith.muli %add3A_182, %mul3A_247 : i32
    %mul3A_249 = arith.constant 40000 : i32
    %mul3A_250 = arith.muli %arg1, %mul3A_249 : i32
    %add3A_251 = arith.addi %mul3A_248, %mul3A_250 : i32
    %add3A_252 = arith.constant 5000 : i32
    %add3A_253 = arith.addi %add3A_251, %add3A_252 : i32
    %dma_wait3A_254 = arith.constant 0 : i32
    %dma_wait3A_255 = tpu.memref_slice %arg7[%dma_wait3A_254] : memref<12800xf32, #tpu.memory_space<vmem>> -> memref<5000xf32, #tpu.memory_space<vmem>>
    %dma_wait3A_256 = tpu.memref_slice %arg4[%add3A_253] : memref<3840000xf32, #tpu.memory_space<hbm>> -> memref<5000xf32, #tpu.memory_space<hbm>>
    %dma_wait3A_257 = tpu.memref_slice %arg4[%add3A_253] : memref<3840000xf32, #tpu.memory_space<hbm>> -> memref<5000xf32, #tpu.memory_space<hbm>>
    %dma_wait3A_258 = arith.constant 0 : i32
    %dma_wait3A_259 = tpu.memref_slice %arg7[%dma_wait3A_258] : memref<12800xf32, #tpu.memory_space<vmem>> -> memref<5000xf32, #tpu.memory_space<vmem>>
    tpu.wait_dma2 semaphore(%arg15 : memref<!tpu.dma_semaphore, #tpu.memory_space<semaphore_mem>>) src(%dma_wait3A_259 : memref<5000xf32, #tpu.memory_space<vmem>>) dst(%dma_wait3A_257 : memref<5000xf32, #tpu.memory_space<hbm>>)
    %mul3A_260 = arith.constant 40000 : i32
    %mul3A_261 = arith.muli %arg1, %mul3A_260 : i32
    %add3A_262 = arith.constant 15000 : i32
    %add3A_263 = arith.addi %mul3A_261, %add3A_262 : i32
    "tpu.region"() ({
      %run_scoped3A = tpu.sem_alloc : memref<!tpu.dma_semaphore, #tpu.memory_space<semaphore_mem>>
      %dma_start3A_1059 = arith.constant 0 : i32
      %dma_start3A_1060 = tpu.memref_slice %arg7[%dma_start3A_1059] : memref<12800xf32, #tpu.memory_space<vmem>> -> memref<5000xf32, #tpu.memory_space<vmem>>
      %dma_start3A_1061 = tpu.memref_slice %arg9[%add3A_263] : memref<640000xf32, #tpu.memory_space<vmem_shared>> -> memref<5000xf32, #tpu.memory_space<vmem_shared>>
      %dma_start3A_1062 = arith.constant 0 : i32
      %dma_start3A_1063 = tpu.memref_slice %arg7[%dma_start3A_1062] : memref<12800xf32, #tpu.memory_space<vmem>> -> memref<5000xf32, #tpu.memory_space<vmem>>
      %dma_start3A_1064 = tpu.memref_slice %arg9[%add3A_263] : memref<640000xf32, #tpu.memory_space<vmem_shared>> -> memref<5000xf32, #tpu.memory_space<vmem_shared>>
      tpu.enqueue_dma source(%dma_start3A_1064 : memref<5000xf32, #tpu.memory_space<vmem_shared>>) target(%dma_start3A_1063 : memref<5000xf32, #tpu.memory_space<vmem>>) target_semaphore(%run_scoped3A : memref<!tpu.dma_semaphore, #tpu.memory_space<semaphore_mem>>)
      %dma_wait3A_1065 = arith.constant 0 : i32
      %dma_wait3A_1066 = tpu.memref_slice %arg7[%dma_wait3A_1065] : memref<12800xf32, #tpu.memory_space<vmem>> -> memref<5000xf32, #tpu.memory_space<vmem>>
      %dma_wait3A_1067 = tpu.memref_slice %arg9[%add3A_263] : memref<640000xf32, #tpu.memory_space<vmem_shared>> -> memref<5000xf32, #tpu.memory_space<vmem_shared>>
      %dma_wait3A_1068 = arith.constant 0 : i32
      %dma_wait3A_1069 = tpu.memref_slice %arg7[%dma_wait3A_1068] : memref<12800xf32, #tpu.memory_space<vmem>> -> memref<5000xf32, #tpu.memory_space<vmem>>
      %dma_wait3A_1070 = tpu.memref_slice %arg9[%add3A_263] : memref<640000xf32, #tpu.memory_space<vmem_shared>> -> memref<5000xf32, #tpu.memory_space<vmem_shared>>
      tpu.wait_dma2 semaphore(%run_scoped3A : memref<!tpu.dma_semaphore, #tpu.memory_space<semaphore_mem>>) src(%dma_wait3A_1070 : memref<5000xf32, #tpu.memory_space<vmem_shared>>) dst(%dma_wait3A_1069 : memref<5000xf32, #tpu.memory_space<vmem>>)
      tpu.yield
    }) : () -> ()
    %mul3A_264 = arith.constant 640000 : i32
    %mul3A_265 = arith.muli %add3A_182, %mul3A_264 : i32
    %mul3A_266 = arith.constant 40000 : i32
    %mul3A_267 = arith.muli %arg1, %mul3A_266 : i32
    %add3A_268 = arith.addi %mul3A_265, %mul3A_267 : i32
    %add3A_269 = arith.constant 15000 : i32
    %add3A_270 = arith.addi %add3A_268, %add3A_269 : i32
    %dma_start3A_271 = arith.constant 0 : i32
    %dma_start3A_272 = tpu.memref_slice %arg7[%dma_start3A_271] : memref<12800xf32, #tpu.memory_space<vmem>> -> memref<5000xf32, #tpu.memory_space<vmem>>
    %dma_start3A_273 = tpu.memref_slice %arg4[%add3A_270] : memref<3840000xf32, #tpu.memory_space<hbm>> -> memref<5000xf32, #tpu.memory_space<hbm>>
    %dma_start3A_274 = tpu.memref_slice %arg4[%add3A_270] : memref<3840000xf32, #tpu.memory_space<hbm>> -> memref<5000xf32, #tpu.memory_space<hbm>>
    %dma_start3A_275 = arith.constant 0 : i32
    %dma_start3A_276 = tpu.memref_slice %arg7[%dma_start3A_275] : memref<12800xf32, #tpu.memory_space<vmem>> -> memref<5000xf32, #tpu.memory_space<vmem>>
    tpu.enqueue_dma source(%dma_start3A_276 : memref<5000xf32, #tpu.memory_space<vmem>>) target(%dma_start3A_274 : memref<5000xf32, #tpu.memory_space<hbm>>) target_semaphore(%arg15 : memref<!tpu.dma_semaphore, #tpu.memory_space<semaphore_mem>>)
    %mul3A_277 = arith.constant 640000 : i32
    %mul3A_278 = arith.muli %add3A_182, %mul3A_277 : i32
    %mul3A_279 = arith.constant 40000 : i32
    %mul3A_280 = arith.muli %arg1, %mul3A_279 : i32
    %add3A_281 = arith.addi %mul3A_278, %mul3A_280 : i32
    %add3A_282 = arith.constant 10000 : i32
    %add3A_283 = arith.addi %add3A_281, %add3A_282 : i32
    %dma_wait3A_284 = arith.constant 0 : i32
    %dma_wait3A_285 = tpu.memref_slice %arg6[%dma_wait3A_284] : memref<12800xf32, #tpu.memory_space<vmem>> -> memref<5000xf32, #tpu.memory_space<vmem>>
    %dma_wait3A_286 = tpu.memref_slice %arg4[%add3A_283] : memref<3840000xf32, #tpu.memory_space<hbm>> -> memref<5000xf32, #tpu.memory_space<hbm>>
    %dma_wait3A_287 = tpu.memref_slice %arg4[%add3A_283] : memref<3840000xf32, #tpu.memory_space<hbm>> -> memref<5000xf32, #tpu.memory_space<hbm>>
    %dma_wait3A_288 = arith.constant 0 : i32
    %dma_wait3A_289 = tpu.memref_slice %arg6[%dma_wait3A_288] : memref<12800xf32, #tpu.memory_space<vmem>> -> memref<5000xf32, #tpu.memory_space<vmem>>
    tpu.wait_dma2 semaphore(%arg15 : memref<!tpu.dma_semaphore, #tpu.memory_space<semaphore_mem>>) src(%dma_wait3A_289 : memref<5000xf32, #tpu.memory_space<vmem>>) dst(%dma_wait3A_287 : memref<5000xf32, #tpu.memory_space<hbm>>)
    %mul3A_290 = arith.constant 40000 : i32
    %mul3A_291 = arith.muli %arg1, %mul3A_290 : i32
    %add3A_292 = arith.constant 20000 : i32
    %add3A_293 = arith.addi %mul3A_291, %add3A_292 : i32
    "tpu.region"() ({
      %run_scoped3A = tpu.sem_alloc : memref<!tpu.dma_semaphore, #tpu.memory_space<semaphore_mem>>
      %dma_start3A_1059 = arith.constant 0 : i32
      %dma_start3A_1060 = tpu.memref_slice %arg6[%dma_start3A_1059] : memref<12800xf32, #tpu.memory_space<vmem>> -> memref<5000xf32, #tpu.memory_space<vmem>>
      %dma_start3A_1061 = tpu.memref_slice %arg9[%add3A_293] : memref<640000xf32, #tpu.memory_space<vmem_shared>> -> memref<5000xf32, #tpu.memory_space<vmem_shared>>
      %dma_start3A_1062 = arith.constant 0 : i32
      %dma_start3A_1063 = tpu.memref_slice %arg6[%dma_start3A_1062] : memref<12800xf32, #tpu.memory_space<vmem>> -> memref<5000xf32, #tpu.memory_space<vmem>>
      %dma_start3A_1064 = tpu.memref_slice %arg9[%add3A_293] : memref<640000xf32, #tpu.memory_space<vmem_shared>> -> memref<5000xf32, #tpu.memory_space<vmem_shared>>
      tpu.enqueue_dma source(%dma_start3A_1064 : memref<5000xf32, #tpu.memory_space<vmem_shared>>) target(%dma_start3A_1063 : memref<5000xf32, #tpu.memory_space<vmem>>) target_semaphore(%run_scoped3A : memref<!tpu.dma_semaphore, #tpu.memory_space<semaphore_mem>>)
      %dma_wait3A_1065 = arith.constant 0 : i32
      %dma_wait3A_1066 = tpu.memref_slice %arg6[%dma_wait3A_1065] : memref<12800xf32, #tpu.memory_space<vmem>> -> memref<5000xf32, #tpu.memory_space<vmem>>
      %dma_wait3A_1067 = tpu.memref_slice %arg9[%add3A_293] : memref<640000xf32, #tpu.memory_space<vmem_shared>> -> memref<5000xf32, #tpu.memory_space<vmem_shared>>
      %dma_wait3A_1068 = arith.constant 0 : i32
      %dma_wait3A_1069 = tpu.memref_slice %arg6[%dma_wait3A_1068] : memref<12800xf32, #tpu.memory_space<vmem>> -> memref<5000xf32, #tpu.memory_space<vmem>>
      %dma_wait3A_1070 = tpu.memref_slice %arg9[%add3A_293] : memref<640000xf32, #tpu.memory_space<vmem_shared>> -> memref<5000xf32, #tpu.memory_space<vmem_shared>>
      tpu.wait_dma2 semaphore(%run_scoped3A : memref<!tpu.dma_semaphore, #tpu.memory_space<semaphore_mem>>) src(%dma_wait3A_1070 : memref<5000xf32, #tpu.memory_space<vmem_shared>>) dst(%dma_wait3A_1069 : memref<5000xf32, #tpu.memory_space<vmem>>)
      tpu.yield
    }) : () -> ()
    %mul3A_294 = arith.constant 640000 : i32
    %mul3A_295 = arith.muli %add3A_182, %mul3A_294 : i32
    %mul3A_296 = arith.constant 40000 : i32
    %mul3A_297 = arith.muli %arg1, %mul3A_296 : i32
    %add3A_298 = arith.addi %mul3A_295, %mul3A_297 : i32
    %add3A_299 = arith.constant 20000 : i32
    %add3A_300 = arith.addi %add3A_298, %add3A_299 : i32
    %dma_start3A_301 = arith.constant 0 : i32
    %dma_start3A_302 = tpu.memref_slice %arg6[%dma_start3A_301] : memref<12800xf32, #tpu.memory_space<vmem>> -> memref<5000xf32, #tpu.memory_space<vmem>>
    %dma_start3A_303 = tpu.memref_slice %arg4[%add3A_300] : memref<3840000xf32, #tpu.memory_space<hbm>> -> memref<5000xf32, #tpu.memory_space<hbm>>
    %dma_start3A_304 = tpu.memref_slice %arg4[%add3A_300] : memref<3840000xf32, #tpu.memory_space<hbm>> -> memref<5000xf32, #tpu.memory_space<hbm>>
    %dma_start3A_305 = arith.constant 0 : i32
    %dma_start3A_306 = tpu.memref_slice %arg6[%dma_start3A_305] : memref<12800xf32, #tpu.memory_space<vmem>> -> memref<5000xf32, #tpu.memory_space<vmem>>
    tpu.enqueue_dma source(%dma_start3A_306 : memref<5000xf32, #tpu.memory_space<vmem>>) target(%dma_start3A_304 : memref<5000xf32, #tpu.memory_space<hbm>>) target_semaphore(%arg15 : memref<!tpu.dma_semaphore, #tpu.memory_space<semaphore_mem>>)
    %mul3A_307 = arith.constant 640000 : i32
    %mul3A_308 = arith.muli %add3A_182, %mul3A_307 : i32
    %mul3A_309 = arith.constant 40000 : i32
    %mul3A_310 = arith.muli %arg1, %mul3A_309 : i32
    %add3A_311 = arith.addi %mul3A_308, %mul3A_310 : i32
    %add3A_312 = arith.constant 15000 : i32
    %add3A_313 = arith.addi %add3A_311, %add3A_312 : i32
    %dma_wait3A_314 = arith.constant 0 : i32
    %dma_wait3A_315 = tpu.memref_slice %arg7[%dma_wait3A_314] : memref<12800xf32, #tpu.memory_space<vmem>> -> memref<5000xf32, #tpu.memory_space<vmem>>
    %dma_wait3A_316 = tpu.memref_slice %arg4[%add3A_313] : memref<3840000xf32, #tpu.memory_space<hbm>> -> memref<5000xf32, #tpu.memory_space<hbm>>
    %dma_wait3A_317 = tpu.memref_slice %arg4[%add3A_313] : memref<3840000xf32, #tpu.memory_space<hbm>> -> memref<5000xf32, #tpu.memory_space<hbm>>
    %dma_wait3A_318 = arith.constant 0 : i32
    %dma_wait3A_319 = tpu.memref_slice %arg7[%dma_wait3A_318] : memref<12800xf32, #tpu.memory_space<vmem>> -> memref<5000xf32, #tpu.memory_space<vmem>>
    tpu.wait_dma2 semaphore(%arg15 : memref<!tpu.dma_semaphore, #tpu.memory_space<semaphore_mem>>) src(%dma_wait3A_319 : memref<5000xf32, #tpu.memory_space<vmem>>) dst(%dma_wait3A_317 : memref<5000xf32, #tpu.memory_space<hbm>>)
    %mul3A_320 = arith.constant 40000 : i32
    %mul3A_321 = arith.muli %arg1, %mul3A_320 : i32
    %add3A_322 = arith.constant 25000 : i32
    %add3A_323 = arith.addi %mul3A_321, %add3A_322 : i32
    "tpu.region"() ({
      %run_scoped3A = tpu.sem_alloc : memref<!tpu.dma_semaphore, #tpu.memory_space<semaphore_mem>>
      %dma_start3A_1059 = arith.constant 0 : i32
      %dma_start3A_1060 = tpu.memref_slice %arg7[%dma_start3A_1059] : memref<12800xf32, #tpu.memory_space<vmem>> -> memref<5000xf32, #tpu.memory_space<vmem>>
      %dma_start3A_1061 = tpu.memref_slice %arg9[%add3A_323] : memref<640000xf32, #tpu.memory_space<vmem_shared>> -> memref<5000xf32, #tpu.memory_space<vmem_shared>>
      %dma_start3A_1062 = arith.constant 0 : i32
      %dma_start3A_1063 = tpu.memref_slice %arg7[%dma_start3A_1062] : memref<12800xf32, #tpu.memory_space<vmem>> -> memref<5000xf32, #tpu.memory_space<vmem>>
      %dma_start3A_1064 = tpu.memref_slice %arg9[%add3A_323] : memref<640000xf32, #tpu.memory_space<vmem_shared>> -> memref<5000xf32, #tpu.memory_space<vmem_shared>>
      tpu.enqueue_dma source(%dma_start3A_1064 : memref<5000xf32, #tpu.memory_space<vmem_shared>>) target(%dma_start3A_1063 : memref<5000xf32, #tpu.memory_space<vmem>>) target_semaphore(%run_scoped3A : memref<!tpu.dma_semaphore, #tpu.memory_space<semaphore_mem>>)
      %dma_wait3A_1065 = arith.constant 0 : i32
      %dma_wait3A_1066 = tpu.memref_slice %arg7[%dma_wait3A_1065] : memref<12800xf32, #tpu.memory_space<vmem>> -> memref<5000xf32, #tpu.memory_space<vmem>>
      %dma_wait3A_1067 = tpu.memref_slice %arg9[%add3A_323] : memref<640000xf32, #tpu.memory_space<vmem_shared>> -> memref<5000xf32, #tpu.memory_space<vmem_shared>>
      %dma_wait3A_1068 = arith.constant 0 : i32
      %dma_wait3A_1069 = tpu.memref_slice %arg7[%dma_wait3A_1068] : memref<12800xf32, #tpu.memory_space<vmem>> -> memref<5000xf32, #tpu.memory_space<vmem>>
      %dma_wait3A_1070 = tpu.memref_slice %arg9[%add3A_323] : memref<640000xf32, #tpu.memory_space<vmem_shared>> -> memref<5000xf32, #tpu.memory_space<vmem_shared>>
      tpu.wait_dma2 semaphore(%run_scoped3A : memref<!tpu.dma_semaphore, #tpu.memory_space<semaphore_mem>>) src(%dma_wait3A_1070 : memref<5000xf32, #tpu.memory_space<vmem_shared>>) dst(%dma_wait3A_1069 : memref<5000xf32, #tpu.memory_space<vmem>>)
      tpu.yield
    }) : () -> ()
    %mul3A_324 = arith.constant 640000 : i32
    %mul3A_325 = arith.muli %add3A_182, %mul3A_324 : i32
    %mul3A_326 = arith.constant 40000 : i32
    %mul3A_327 = arith.muli %arg1, %mul3A_326 : i32
    %add3A_328 = arith.addi %mul3A_325, %mul3A_327 : i32
    %add3A_329 = arith.constant 25000 : i32
    %add3A_330 = arith.addi %add3A_328, %add3A_329 : i32
    %dma_start3A_331 = arith.constant 0 : i32
    %dma_start3A_332 = tpu.memref_slice %arg7[%dma_start3A_331] : memref<12800xf32, #tpu.memory_space<vmem>> -> memref<5000xf32, #tpu.memory_space<vmem>>
    %dma_start3A_333 = tpu.memref_slice %arg4[%add3A_330] : memref<3840000xf32, #tpu.memory_space<hbm>> -> memref<5000xf32, #tpu.memory_space<hbm>>
    %dma_start3A_334 = tpu.memref_slice %arg4[%add3A_330] : memref<3840000xf32, #tpu.memory_space<hbm>> -> memref<5000xf32, #tpu.memory_space<hbm>>
    %dma_start3A_335 = arith.constant 0 : i32
    %dma_start3A_336 = tpu.memref_slice %arg7[%dma_start3A_335] : memref<12800xf32, #tpu.memory_space<vmem>> -> memref<5000xf32, #tpu.memory_space<vmem>>
    tpu.enqueue_dma source(%dma_start3A_336 : memref<5000xf32, #tpu.memory_space<vmem>>) target(%dma_start3A_334 : memref<5000xf32, #tpu.memory_space<hbm>>) target_semaphore(%arg15 : memref<!tpu.dma_semaphore, #tpu.memory_space<semaphore_mem>>)
    %mul3A_337 = arith.constant 640000 : i32
    %mul3A_338 = arith.muli %add3A_182, %mul3A_337 : i32
    %mul3A_339 = arith.constant 40000 : i32
    %mul3A_340 = arith.muli %arg1, %mul3A_339 : i32
    %add3A_341 = arith.addi %mul3A_338, %mul3A_340 : i32
    %add3A_342 = arith.constant 20000 : i32
    %add3A_343 = arith.addi %add3A_341, %add3A_342 : i32
    %dma_wait3A_344 = arith.constant 0 : i32
    %dma_wait3A_345 = tpu.memref_slice %arg6[%dma_wait3A_344] : memref<12800xf32, #tpu.memory_space<vmem>> -> memref<5000xf32, #tpu.memory_space<vmem>>
    %dma_wait3A_346 = tpu.memref_slice %arg4[%add3A_343] : memref<3840000xf32, #tpu.memory_space<hbm>> -> memref<5000xf32, #tpu.memory_space<hbm>>
    %dma_wait3A_347 = tpu.memref_slice %arg4[%add3A_343] : memref<3840000xf32, #tpu.memory_space<hbm>> -> memref<5000xf32, #tpu.memory_space<hbm>>
    %dma_wait3A_348 = arith.constant 0 : i32
    %dma_wait3A_349 = tpu.memref_slice %arg6[%dma_wait3A_348] : memref<12800xf32, #tpu.memory_space<vmem>> -> memref<5000xf32, #tpu.memory_space<vmem>>
    tpu.wait_dma2 semaphore(%arg15 : memref<!tpu.dma_semaphore, #tpu.memory_space<semaphore_mem>>) src(%dma_wait3A_349 : memref<5000xf32, #tpu.memory_space<vmem>>) dst(%dma_wait3A_347 : memref<5000xf32, #tpu.memory_space<hbm>>)
    %mul3A_350 = arith.constant 40000 : i32
    %mul3A_351 = arith.muli %arg1, %mul3A_350 : i32
    %add3A_352 = arith.constant 30000 : i32
    %add3A_353 = arith.addi %mul3A_351, %add3A_352 : i32
    "tpu.region"() ({
      %run_scoped3A = tpu.sem_alloc : memref<!tpu.dma_semaphore, #tpu.memory_space<semaphore_mem>>
      %dma_start3A_1059 = arith.constant 0 : i32
      %dma_start3A_1060 = tpu.memref_slice %arg6[%dma_start3A_1059] : memref<12800xf32, #tpu.memory_space<vmem>> -> memref<5000xf32, #tpu.memory_space<vmem>>
      %dma_start3A_1061 = tpu.memref_slice %arg9[%add3A_353] : memref<640000xf32, #tpu.memory_space<vmem_shared>> -> memref<5000xf32, #tpu.memory_space<vmem_shared>>
      %dma_start3A_1062 = arith.constant 0 : i32
      %dma_start3A_1063 = tpu.memref_slice %arg6[%dma_start3A_1062] : memref<12800xf32, #tpu.memory_space<vmem>> -> memref<5000xf32, #tpu.memory_space<vmem>>
      %dma_start3A_1064 = tpu.memref_slice %arg9[%add3A_353] : memref<640000xf32, #tpu.memory_space<vmem_shared>> -> memref<5000xf32, #tpu.memory_space<vmem_shared>>
      tpu.enqueue_dma source(%dma_start3A_1064 : memref<5000xf32, #tpu.memory_space<vmem_shared>>) target(%dma_start3A_1063 : memref<5000xf32, #tpu.memory_space<vmem>>) target_semaphore(%run_scoped3A : memref<!tpu.dma_semaphore, #tpu.memory_space<semaphore_mem>>)
      %dma_wait3A_1065 = arith.constant 0 : i32
      %dma_wait3A_1066 = tpu.memref_slice %arg6[%dma_wait3A_1065] : memref<12800xf32, #tpu.memory_space<vmem>> -> memref<5000xf32, #tpu.memory_space<vmem>>
      %dma_wait3A_1067 = tpu.memref_slice %arg9[%add3A_353] : memref<640000xf32, #tpu.memory_space<vmem_shared>> -> memref<5000xf32, #tpu.memory_space<vmem_shared>>
      %dma_wait3A_1068 = arith.constant 0 : i32
      %dma_wait3A_1069 = tpu.memref_slice %arg6[%dma_wait3A_1068] : memref<12800xf32, #tpu.memory_space<vmem>> -> memref<5000xf32, #tpu.memory_space<vmem>>
      %dma_wait3A_1070 = tpu.memref_slice %arg9[%add3A_353] : memref<640000xf32, #tpu.memory_space<vmem_shared>> -> memref<5000xf32, #tpu.memory_space<vmem_shared>>
      tpu.wait_dma2 semaphore(%run_scoped3A : memref<!tpu.dma_semaphore, #tpu.memory_space<semaphore_mem>>) src(%dma_wait3A_1070 : memref<5000xf32, #tpu.memory_space<vmem_shared>>) dst(%dma_wait3A_1069 : memref<5000xf32, #tpu.memory_space<vmem>>)
      tpu.yield
    }) : () -> ()
    %mul3A_354 = arith.constant 640000 : i32
    %mul3A_355 = arith.muli %add3A_182, %mul3A_354 : i32
    %mul3A_356 = arith.constant 40000 : i32
    %mul3A_357 = arith.muli %arg1, %mul3A_356 : i32
    %add3A_358 = arith.addi %mul3A_355, %mul3A_357 : i32
    %add3A_359 = arith.constant 30000 : i32
    %add3A_360 = arith.addi %add3A_358, %add3A_359 : i32
    %dma_start3A_361 = arith.constant 0 : i32
    %dma_start3A_362 = tpu.memref_slice %arg6[%dma_start3A_361] : memref<12800xf32, #tpu.memory_space<vmem>> -> memref<5000xf32, #tpu.memory_space<vmem>>
    %dma_start3A_363 = tpu.memref_slice %arg4[%add3A_360] : memref<3840000xf32, #tpu.memory_space<hbm>> -> memref<5000xf32, #tpu.memory_space<hbm>>
    %dma_start3A_364 = tpu.memref_slice %arg4[%add3A_360] : memref<3840000xf32, #tpu.memory_space<hbm>> -> memref<5000xf32, #tpu.memory_space<hbm>>
    %dma_start3A_365 = arith.constant 0 : i32
    %dma_start3A_366 = tpu.memref_slice %arg6[%dma_start3A_365] : memref<12800xf32, #tpu.memory_space<vmem>> -> memref<5000xf32, #tpu.memory_space<vmem>>
    tpu.enqueue_dma source(%dma_start3A_366 : memref<5000xf32, #tpu.memory_space<vmem>>) target(%dma_start3A_364 : memref<5000xf32, #tpu.memory_space<hbm>>) target_semaphore(%arg15 : memref<!tpu.dma_semaphore, #tpu.memory_space<semaphore_mem>>)
    %mul3A_367 = arith.constant 640000 : i32
    %mul3A_368 = arith.muli %add3A_182, %mul3A_367 : i32
    %mul3A_369 = arith.constant 40000 : i32
    %mul3A_370 = arith.muli %arg1, %mul3A_369 : i32
    %add3A_371 = arith.addi %mul3A_368, %mul3A_370 : i32
    %add3A_372 = arith.constant 25000 : i32
    %add3A_373 = arith.addi %add3A_371, %add3A_372 : i32
    %dma_wait3A_374 = arith.constant 0 : i32
    %dma_wait3A_375 = tpu.memref_slice %arg7[%dma_wait3A_374] : memref<12800xf32, #tpu.memory_space<vmem>> -> memref<5000xf32, #tpu.memory_space<vmem>>
    %dma_wait3A_376 = tpu.memref_slice %arg4[%add3A_373] : memref<3840000xf32, #tpu.memory_space<hbm>> -> memref<5000xf32, #tpu.memory_space<hbm>>
    %dma_wait3A_377 = tpu.memref_slice %arg4[%add3A_373] : memref<3840000xf32, #tpu.memory_space<hbm>> -> memref<5000xf32, #tpu.memory_space<hbm>>
    %dma_wait3A_378 = arith.constant 0 : i32
    %dma_wait3A_379 = tpu.memref_slice %arg7[%dma_wait3A_378] : memref<12800xf32, #tpu.memory_space<vmem>> -> memref<5000xf32, #tpu.memory_space<vmem>>
    tpu.wait_dma2 semaphore(%arg15 : memref<!tpu.dma_semaphore, #tpu.memory_space<semaphore_mem>>) src(%dma_wait3A_379 : memref<5000xf32, #tpu.memory_space<vmem>>) dst(%dma_wait3A_377 : memref<5000xf32, #tpu.memory_space<hbm>>)
    %mul3A_380 = arith.constant 40000 : i32
    %mul3A_381 = arith.muli %arg1, %mul3A_380 : i32
    %add3A_382 = arith.constant 35000 : i32
    %add3A_383 = arith.addi %mul3A_381, %add3A_382 : i32
    "tpu.region"() ({
      %run_scoped3A = tpu.sem_alloc : memref<!tpu.dma_semaphore, #tpu.memory_space<semaphore_mem>>
      %dma_start3A_1059 = arith.constant 0 : i32
      %dma_start3A_1060 = tpu.memref_slice %arg7[%dma_start3A_1059] : memref<12800xf32, #tpu.memory_space<vmem>> -> memref<5000xf32, #tpu.memory_space<vmem>>
      %dma_start3A_1061 = tpu.memref_slice %arg9[%add3A_383] : memref<640000xf32, #tpu.memory_space<vmem_shared>> -> memref<5000xf32, #tpu.memory_space<vmem_shared>>
      %dma_start3A_1062 = arith.constant 0 : i32
      %dma_start3A_1063 = tpu.memref_slice %arg7[%dma_start3A_1062] : memref<12800xf32, #tpu.memory_space<vmem>> -> memref<5000xf32, #tpu.memory_space<vmem>>
      %dma_start3A_1064 = tpu.memref_slice %arg9[%add3A_383] : memref<640000xf32, #tpu.memory_space<vmem_shared>> -> memref<5000xf32, #tpu.memory_space<vmem_shared>>
      tpu.enqueue_dma source(%dma_start3A_1064 : memref<5000xf32, #tpu.memory_space<vmem_shared>>) target(%dma_start3A_1063 : memref<5000xf32, #tpu.memory_space<vmem>>) target_semaphore(%run_scoped3A : memref<!tpu.dma_semaphore, #tpu.memory_space<semaphore_mem>>)
      %dma_wait3A_1065 = arith.constant 0 : i32
      %dma_wait3A_1066 = tpu.memref_slice %arg7[%dma_wait3A_1065] : memref<12800xf32, #tpu.memory_space<vmem>> -> memref<5000xf32, #tpu.memory_space<vmem>>
      %dma_wait3A_1067 = tpu.memref_slice %arg9[%add3A_383] : memref<640000xf32, #tpu.memory_space<vmem_shared>> -> memref<5000xf32, #tpu.memory_space<vmem_shared>>
      %dma_wait3A_1068 = arith.constant 0 : i32
      %dma_wait3A_1069 = tpu.memref_slice %arg7[%dma_wait3A_1068] : memref<12800xf32, #tpu.memory_space<vmem>> -> memref<5000xf32, #tpu.memory_space<vmem>>
      %dma_wait3A_1070 = tpu.memref_slice %arg9[%add3A_383] : memref<640000xf32, #tpu.memory_space<vmem_shared>> -> memref<5000xf32, #tpu.memory_space<vmem_shared>>
      tpu.wait_dma2 semaphore(%run_scoped3A : memref<!tpu.dma_semaphore, #tpu.memory_space<semaphore_mem>>) src(%dma_wait3A_1070 : memref<5000xf32, #tpu.memory_space<vmem_shared>>) dst(%dma_wait3A_1069 : memref<5000xf32, #tpu.memory_space<vmem>>)
      tpu.yield
    }) : () -> ()
    %mul3A_384 = arith.constant 640000 : i32
    %mul3A_385 = arith.muli %add3A_182, %mul3A_384 : i32
    %mul3A_386 = arith.constant 40000 : i32
    %mul3A_387 = arith.muli %arg1, %mul3A_386 : i32
    %add3A_388 = arith.addi %mul3A_385, %mul3A_387 : i32
    %add3A_389 = arith.constant 35000 : i32
    %add3A_390 = arith.addi %add3A_388, %add3A_389 : i32
    %dma_start3A_391 = arith.constant 0 : i32
    %dma_start3A_392 = tpu.memref_slice %arg7[%dma_start3A_391] : memref<12800xf32, #tpu.memory_space<vmem>> -> memref<5000xf32, #tpu.memory_space<vmem>>
    %dma_start3A_393 = tpu.memref_slice %arg4[%add3A_390] : memref<3840000xf32, #tpu.memory_space<hbm>> -> memref<5000xf32, #tpu.memory_space<hbm>>
    %dma_start3A_394 = tpu.memref_slice %arg4[%add3A_390] : memref<3840000xf32, #tpu.memory_space<hbm>> -> memref<5000xf32, #tpu.memory_space<hbm>>
    %dma_start3A_395 = arith.constant 0 : i32
    %dma_start3A_396 = tpu.memref_slice %arg7[%dma_start3A_395] : memref<12800xf32, #tpu.memory_space<vmem>> -> memref<5000xf32, #tpu.memory_space<vmem>>
    tpu.enqueue_dma source(%dma_start3A_396 : memref<5000xf32, #tpu.memory_space<vmem>>) target(%dma_start3A_394 : memref<5000xf32, #tpu.memory_space<hbm>>) target_semaphore(%arg15 : memref<!tpu.dma_semaphore, #tpu.memory_space<semaphore_mem>>)
    %mul3A_397 = arith.constant 640000 : i32
    %mul3A_398 = arith.muli %add3A_182, %mul3A_397 : i32
    %mul3A_399 = arith.constant 40000 : i32
    %mul3A_400 = arith.muli %arg1, %mul3A_399 : i32
    %add3A_401 = arith.addi %mul3A_398, %mul3A_400 : i32
    %add3A_402 = arith.constant 30000 : i32
    %add3A_403 = arith.addi %add3A_401, %add3A_402 : i32
    %dma_wait3A_404 = arith.constant 0 : i32
    %dma_wait3A_405 = tpu.memref_slice %arg6[%dma_wait3A_404] : memref<12800xf32, #tpu.memory_space<vmem>> -> memref<5000xf32, #tpu.memory_space<vmem>>
    %dma_wait3A_406 = tpu.memref_slice %arg4[%add3A_403] : memref<3840000xf32, #tpu.memory_space<hbm>> -> memref<5000xf32, #tpu.memory_space<hbm>>
    %dma_wait3A_407 = tpu.memref_slice %arg4[%add3A_403] : memref<3840000xf32, #tpu.memory_space<hbm>> -> memref<5000xf32, #tpu.memory_space<hbm>>
    %dma_wait3A_408 = arith.constant 0 : i32
    %dma_wait3A_409 = tpu.memref_slice %arg6[%dma_wait3A_408] : memref<12800xf32, #tpu.memory_space<vmem>> -> memref<5000xf32, #tpu.memory_space<vmem>>
    tpu.wait_dma2 semaphore(%arg15 : memref<!tpu.dma_semaphore, #tpu.memory_space<semaphore_mem>>) src(%dma_wait3A_409 : memref<5000xf32, #tpu.memory_space<vmem>>) dst(%dma_wait3A_407 : memref<5000xf32, #tpu.memory_space<hbm>>)
    %mul3A_410 = arith.constant 640000 : i32
    %mul3A_411 = arith.muli %add3A_182, %mul3A_410 : i32
    %mul3A_412 = arith.constant 40000 : i32
    %mul3A_413 = arith.muli %arg1, %mul3A_412 : i32
    %add3A_414 = arith.addi %mul3A_411, %mul3A_413 : i32
    %add3A_415 = arith.constant 35000 : i32
    %add3A_416 = arith.addi %add3A_414, %add3A_415 : i32
    %dma_wait3A_417 = arith.constant 0 : i32
    %dma_wait3A_418 = tpu.memref_slice %arg7[%dma_wait3A_417] : memref<12800xf32, #tpu.memory_space<vmem>> -> memref<5000xf32, #tpu.memory_space<vmem>>
    %dma_wait3A_419 = tpu.memref_slice %arg4[%add3A_416] : memref<3840000xf32, #tpu.memory_space<hbm>> -> memref<5000xf32, #tpu.memory_space<hbm>>
    %dma_wait3A_420 = tpu.memref_slice %arg4[%add3A_416] : memref<3840000xf32, #tpu.memory_space<hbm>> -> memref<5000xf32, #tpu.memory_space<hbm>>
    %dma_wait3A_421 = arith.constant 0 : i32
    %dma_wait3A_422 = tpu.memref_slice %arg7[%dma_wait3A_421] : memref<12800xf32, #tpu.memory_space<vmem>> -> memref<5000xf32, #tpu.memory_space<vmem>>
    tpu.wait_dma2 semaphore(%arg15 : memref<!tpu.dma_semaphore, #tpu.memory_space<semaphore_mem>>) src(%dma_wait3A_422 : memref<5000xf32, #tpu.memory_space<vmem>>) dst(%dma_wait3A_420 : memref<5000xf32, #tpu.memory_space<hbm>>)
    %mul3A_423 = arith.constant 12800 : i32
    %mul3A_424 = arith.muli %arg1, %mul3A_423 : i32
    %add3A_425 = arith.constant 819200 : i32
    %add3A_426 = arith.addi %add3A_425, %mul3A_424 : i32
    %dma_start3A_427 = tpu.memref_slice %arg3[%add3A_426] : memref<1024000xf32, #tpu.memory_space<hbm>> -> memref<12800xf32, #tpu.memory_space<hbm>>
    %dma_start3A_428 = tpu.memref_slice %arg3[%add3A_426] : memref<1024000xf32, #tpu.memory_space<hbm>> -> memref<12800xf32, #tpu.memory_space<hbm>>
    tpu.enqueue_dma source(%dma_start3A_428 : memref<12800xf32, #tpu.memory_space<hbm>>) target(%arg7 : memref<12800xf32, #tpu.memory_space<vmem>>) target_semaphore(%arg13 : memref<!tpu.dma_semaphore, #tpu.memory_space<semaphore_mem>>)
    %mul3A_429 = arith.constant 2 : i32
    %mul3A_430 = arith.muli %mul3A_429, %arg0 : i32
    %add3A_431 = arith.constant 1 : i32
    %add3A_432 = arith.addi %mul3A_430, %add3A_431 : i32
    %mul3A_433 = arith.constant 40000 : i32
    %mul3A_434 = arith.muli %arg1, %mul3A_433 : i32
    %add3A_435 = arith.constant 0 : i32
    %add3A_436 = arith.addi %mul3A_434, %add3A_435 : i32
    "tpu.region"() ({
      %run_scoped3A = tpu.sem_alloc : memref<!tpu.dma_semaphore, #tpu.memory_space<semaphore_mem>>
      %dma_start3A_1059 = arith.constant 0 : i32
      %dma_start3A_1060 = tpu.memref_slice %arg6[%dma_start3A_1059] : memref<12800xf32, #tpu.memory_space<vmem>> -> memref<5000xf32, #tpu.memory_space<vmem>>
      %dma_start3A_1061 = tpu.memref_slice %arg10[%add3A_436] : memref<640000xf32, #tpu.memory_space<vmem_shared>> -> memref<5000xf32, #tpu.memory_space<vmem_shared>>
      %dma_start3A_1062 = arith.constant 0 : i32
      %dma_start3A_1063 = tpu.memref_slice %arg6[%dma_start3A_1062] : memref<12800xf32, #tpu.memory_space<vmem>> -> memref<5000xf32, #tpu.memory_space<vmem>>
      %dma_start3A_1064 = tpu.memref_slice %arg10[%add3A_436] : memref<640000xf32, #tpu.memory_space<vmem_shared>> -> memref<5000xf32, #tpu.memory_space<vmem_shared>>
      tpu.enqueue_dma source(%dma_start3A_1064 : memref<5000xf32, #tpu.memory_space<vmem_shared>>) target(%dma_start3A_1063 : memref<5000xf32, #tpu.memory_space<vmem>>) target_semaphore(%run_scoped3A : memref<!tpu.dma_semaphore, #tpu.memory_space<semaphore_mem>>)
      %dma_wait3A_1065 = arith.constant 0 : i32
      %dma_wait3A_1066 = tpu.memref_slice %arg6[%dma_wait3A_1065] : memref<12800xf32, #tpu.memory_space<vmem>> -> memref<5000xf32, #tpu.memory_space<vmem>>
      %dma_wait3A_1067 = tpu.memref_slice %arg10[%add3A_436] : memref<640000xf32, #tpu.memory_space<vmem_shared>> -> memref<5000xf32, #tpu.memory_space<vmem_shared>>
      %dma_wait3A_1068 = arith.constant 0 : i32
      %dma_wait3A_1069 = tpu.memref_slice %arg6[%dma_wait3A_1068] : memref<12800xf32, #tpu.memory_space<vmem>> -> memref<5000xf32, #tpu.memory_space<vmem>>
      %dma_wait3A_1070 = tpu.memref_slice %arg10[%add3A_436] : memref<640000xf32, #tpu.memory_space<vmem_shared>> -> memref<5000xf32, #tpu.memory_space<vmem_shared>>
      tpu.wait_dma2 semaphore(%run_scoped3A : memref<!tpu.dma_semaphore, #tpu.memory_space<semaphore_mem>>) src(%dma_wait3A_1070 : memref<5000xf32, #tpu.memory_space<vmem_shared>>) dst(%dma_wait3A_1069 : memref<5000xf32, #tpu.memory_space<vmem>>)
      tpu.yield
    }) : () -> ()
    %mul3A_437 = arith.constant 640000 : i32
    %mul3A_438 = arith.muli %add3A_432, %mul3A_437 : i32
    %mul3A_439 = arith.constant 40000 : i32
    %mul3A_440 = arith.muli %arg1, %mul3A_439 : i32
    %add3A_441 = arith.addi %mul3A_438, %mul3A_440 : i32
    %add3A_442 = arith.constant 0 : i32
    %add3A_443 = arith.addi %add3A_441, %add3A_442 : i32
    %dma_start3A_444 = arith.constant 0 : i32
    %dma_start3A_445 = tpu.memref_slice %arg6[%dma_start3A_444] : memref<12800xf32, #tpu.memory_space<vmem>> -> memref<5000xf32, #tpu.memory_space<vmem>>
    %dma_start3A_446 = tpu.memref_slice %arg4[%add3A_443] : memref<3840000xf32, #tpu.memory_space<hbm>> -> memref<5000xf32, #tpu.memory_space<hbm>>
    %dma_start3A_447 = tpu.memref_slice %arg4[%add3A_443] : memref<3840000xf32, #tpu.memory_space<hbm>> -> memref<5000xf32, #tpu.memory_space<hbm>>
    %dma_start3A_448 = arith.constant 0 : i32
    %dma_start3A_449 = tpu.memref_slice %arg6[%dma_start3A_448] : memref<12800xf32, #tpu.memory_space<vmem>> -> memref<5000xf32, #tpu.memory_space<vmem>>
    tpu.enqueue_dma source(%dma_start3A_449 : memref<5000xf32, #tpu.memory_space<vmem>>) target(%dma_start3A_447 : memref<5000xf32, #tpu.memory_space<hbm>>) target_semaphore(%arg15 : memref<!tpu.dma_semaphore, #tpu.memory_space<semaphore_mem>>)
    %mul3A_450 = arith.constant 40000 : i32
    %mul3A_451 = arith.muli %arg1, %mul3A_450 : i32
    %add3A_452 = arith.constant 5000 : i32
    %add3A_453 = arith.addi %mul3A_451, %add3A_452 : i32
    "tpu.region"() ({
      %run_scoped3A = tpu.sem_alloc : memref<!tpu.dma_semaphore, #tpu.memory_space<semaphore_mem>>
      %dma_start3A_1059 = arith.constant 5000 : i32
      %dma_start3A_1060 = tpu.memref_slice %arg6[%dma_start3A_1059] : memref<12800xf32, #tpu.memory_space<vmem>> -> memref<5000xf32, #tpu.memory_space<vmem>>
      %dma_start3A_1061 = arith.constant 0 : i32
      %dma_start3A_1062 = tpu.memref_slice %dma_start3A_1060[%dma_start3A_1061] : memref<5000xf32, #tpu.memory_space<vmem>> -> memref<5000xf32, #tpu.memory_space<vmem>>
      %dma_start3A_1063 = tpu.memref_slice %arg10[%add3A_453] : memref<640000xf32, #tpu.memory_space<vmem_shared>> -> memref<5000xf32, #tpu.memory_space<vmem_shared>>
      %dma_start3A_1064 = arith.constant 5000 : i32
      %dma_start3A_1065 = tpu.memref_slice %arg6[%dma_start3A_1064] : memref<12800xf32, #tpu.memory_space<vmem>> -> memref<5000xf32, #tpu.memory_space<vmem>>
      %dma_start3A_1066 = arith.constant 0 : i32
      %dma_start3A_1067 = tpu.memref_slice %dma_start3A_1065[%dma_start3A_1066] : memref<5000xf32, #tpu.memory_space<vmem>> -> memref<5000xf32, #tpu.memory_space<vmem>>
      %dma_start3A_1068 = tpu.memref_slice %arg10[%add3A_453] : memref<640000xf32, #tpu.memory_space<vmem_shared>> -> memref<5000xf32, #tpu.memory_space<vmem_shared>>
      tpu.enqueue_dma source(%dma_start3A_1068 : memref<5000xf32, #tpu.memory_space<vmem_shared>>) target(%dma_start3A_1067 : memref<5000xf32, #tpu.memory_space<vmem>>) target_semaphore(%run_scoped3A : memref<!tpu.dma_semaphore, #tpu.memory_space<semaphore_mem>>)
      %dma_wait3A_1069 = arith.constant 5000 : i32
      %dma_wait3A_1070 = tpu.memref_slice %arg6[%dma_wait3A_1069] : memref<12800xf32, #tpu.memory_space<vmem>> -> memref<5000xf32, #tpu.memory_space<vmem>>
      %dma_wait3A_1071 = arith.constant 0 : i32
      %dma_wait3A_1072 = tpu.memref_slice %dma_wait3A_1070[%dma_wait3A_1071] : memref<5000xf32, #tpu.memory_space<vmem>> -> memref<5000xf32, #tpu.memory_space<vmem>>
      %dma_wait3A_1073 = tpu.memref_slice %arg10[%add3A_453] : memref<640000xf32, #tpu.memory_space<vmem_shared>> -> memref<5000xf32, #tpu.memory_space<vmem_shared>>
      %dma_wait3A_1074 = arith.constant 5000 : i32
      %dma_wait3A_1075 = tpu.memref_slice %arg6[%dma_wait3A_1074] : memref<12800xf32, #tpu.memory_space<vmem>> -> memref<5000xf32, #tpu.memory_space<vmem>>
      %dma_wait3A_1076 = arith.constant 0 : i32
      %dma_wait3A_1077 = tpu.memref_slice %dma_wait3A_1075[%dma_wait3A_1076] : memref<5000xf32, #tpu.memory_space<vmem>> -> memref<5000xf32, #tpu.memory_space<vmem>>
      %dma_wait3A_1078 = tpu.memref_slice %arg10[%add3A_453] : memref<640000xf32, #tpu.memory_space<vmem_shared>> -> memref<5000xf32, #tpu.memory_space<vmem_shared>>
      tpu.wait_dma2 semaphore(%run_scoped3A : memref<!tpu.dma_semaphore, #tpu.memory_space<semaphore_mem>>) src(%dma_wait3A_1078 : memref<5000xf32, #tpu.memory_space<vmem_shared>>) dst(%dma_wait3A_1077 : memref<5000xf32, #tpu.memory_space<vmem>>)
      tpu.yield
    }) : () -> ()
    %mul3A_454 = arith.constant 640000 : i32
    %mul3A_455 = arith.muli %add3A_432, %mul3A_454 : i32
    %mul3A_456 = arith.constant 40000 : i32
    %mul3A_457 = arith.muli %arg1, %mul3A_456 : i32
    %add3A_458 = arith.addi %mul3A_455, %mul3A_457 : i32
    %add3A_459 = arith.constant 5000 : i32
    %add3A_460 = arith.addi %add3A_458, %add3A_459 : i32
    %dma_start3A_461 = arith.constant 5000 : i32
    %dma_start3A_462 = tpu.memref_slice %arg6[%dma_start3A_461] : memref<12800xf32, #tpu.memory_space<vmem>> -> memref<5000xf32, #tpu.memory_space<vmem>>
    %dma_start3A_463 = arith.constant 0 : i32
    %dma_start3A_464 = tpu.memref_slice %dma_start3A_462[%dma_start3A_463] : memref<5000xf32, #tpu.memory_space<vmem>> -> memref<5000xf32, #tpu.memory_space<vmem>>
    %dma_start3A_465 = tpu.memref_slice %arg4[%add3A_460] : memref<3840000xf32, #tpu.memory_space<hbm>> -> memref<5000xf32, #tpu.memory_space<hbm>>
    %dma_start3A_466 = tpu.memref_slice %arg4[%add3A_460] : memref<3840000xf32, #tpu.memory_space<hbm>> -> memref<5000xf32, #tpu.memory_space<hbm>>
    %dma_start3A_467 = arith.constant 5000 : i32
    %dma_start3A_468 = tpu.memref_slice %arg6[%dma_start3A_467] : memref<12800xf32, #tpu.memory_space<vmem>> -> memref<5000xf32, #tpu.memory_space<vmem>>
    %dma_start3A_469 = arith.constant 0 : i32
    %dma_start3A_470 = tpu.memref_slice %dma_start3A_468[%dma_start3A_469] : memref<5000xf32, #tpu.memory_space<vmem>> -> memref<5000xf32, #tpu.memory_space<vmem>>
    tpu.enqueue_dma source(%dma_start3A_470 : memref<5000xf32, #tpu.memory_space<vmem>>) target(%dma_start3A_466 : memref<5000xf32, #tpu.memory_space<hbm>>) target_semaphore(%arg15 : memref<!tpu.dma_semaphore, #tpu.memory_space<semaphore_mem>>)
    %mul3A_471 = arith.constant 640000 : i32
    %mul3A_472 = arith.muli %add3A_432, %mul3A_471 : i32
    %mul3A_473 = arith.constant 40000 : i32
    %mul3A_474 = arith.muli %arg1, %mul3A_473 : i32
    %add3A_475 = arith.addi %mul3A_472, %mul3A_474 : i32
    %add3A_476 = arith.constant 0 : i32
    %add3A_477 = arith.addi %add3A_475, %add3A_476 : i32
    %dma_wait3A_478 = arith.constant 0 : i32
    %dma_wait3A_479 = tpu.memref_slice %arg6[%dma_wait3A_478] : memref<12800xf32, #tpu.memory_space<vmem>> -> memref<5000xf32, #tpu.memory_space<vmem>>
    %dma_wait3A_480 = tpu.memref_slice %arg4[%add3A_477] : memref<3840000xf32, #tpu.memory_space<hbm>> -> memref<5000xf32, #tpu.memory_space<hbm>>
    %dma_wait3A_481 = tpu.memref_slice %arg4[%add3A_477] : memref<3840000xf32, #tpu.memory_space<hbm>> -> memref<5000xf32, #tpu.memory_space<hbm>>
    %dma_wait3A_482 = arith.constant 0 : i32
    %dma_wait3A_483 = tpu.memref_slice %arg6[%dma_wait3A_482] : memref<12800xf32, #tpu.memory_space<vmem>> -> memref<5000xf32, #tpu.memory_space<vmem>>
    tpu.wait_dma2 semaphore(%arg15 : memref<!tpu.dma_semaphore, #tpu.memory_space<semaphore_mem>>) src(%dma_wait3A_483 : memref<5000xf32, #tpu.memory_space<vmem>>) dst(%dma_wait3A_481 : memref<5000xf32, #tpu.memory_space<hbm>>)
    %mul3A_484 = arith.constant 40000 : i32
    %mul3A_485 = arith.muli %arg1, %mul3A_484 : i32
    %add3A_486 = arith.constant 10000 : i32
    %add3A_487 = arith.addi %mul3A_485, %add3A_486 : i32
    "tpu.region"() ({
      %run_scoped3A = tpu.sem_alloc : memref<!tpu.dma_semaphore, #tpu.memory_space<semaphore_mem>>
      %dma_start3A_1059 = arith.constant 0 : i32
      %dma_start3A_1060 = tpu.memref_slice %arg6[%dma_start3A_1059] : memref<12800xf32, #tpu.memory_space<vmem>> -> memref<5000xf32, #tpu.memory_space<vmem>>
      %dma_start3A_1061 = tpu.memref_slice %arg10[%add3A_487] : memref<640000xf32, #tpu.memory_space<vmem_shared>> -> memref<5000xf32, #tpu.memory_space<vmem_shared>>
      %dma_start3A_1062 = arith.constant 0 : i32
      %dma_start3A_1063 = tpu.memref_slice %arg6[%dma_start3A_1062] : memref<12800xf32, #tpu.memory_space<vmem>> -> memref<5000xf32, #tpu.memory_space<vmem>>
      %dma_start3A_1064 = tpu.memref_slice %arg10[%add3A_487] : memref<640000xf32, #tpu.memory_space<vmem_shared>> -> memref<5000xf32, #tpu.memory_space<vmem_shared>>
      tpu.enqueue_dma source(%dma_start3A_1064 : memref<5000xf32, #tpu.memory_space<vmem_shared>>) target(%dma_start3A_1063 : memref<5000xf32, #tpu.memory_space<vmem>>) target_semaphore(%run_scoped3A : memref<!tpu.dma_semaphore, #tpu.memory_space<semaphore_mem>>)
      %dma_wait3A_1065 = arith.constant 0 : i32
      %dma_wait3A_1066 = tpu.memref_slice %arg6[%dma_wait3A_1065] : memref<12800xf32, #tpu.memory_space<vmem>> -> memref<5000xf32, #tpu.memory_space<vmem>>
      %dma_wait3A_1067 = tpu.memref_slice %arg10[%add3A_487] : memref<640000xf32, #tpu.memory_space<vmem_shared>> -> memref<5000xf32, #tpu.memory_space<vmem_shared>>
      %dma_wait3A_1068 = arith.constant 0 : i32
      %dma_wait3A_1069 = tpu.memref_slice %arg6[%dma_wait3A_1068] : memref<12800xf32, #tpu.memory_space<vmem>> -> memref<5000xf32, #tpu.memory_space<vmem>>
      %dma_wait3A_1070 = tpu.memref_slice %arg10[%add3A_487] : memref<640000xf32, #tpu.memory_space<vmem_shared>> -> memref<5000xf32, #tpu.memory_space<vmem_shared>>
      tpu.wait_dma2 semaphore(%run_scoped3A : memref<!tpu.dma_semaphore, #tpu.memory_space<semaphore_mem>>) src(%dma_wait3A_1070 : memref<5000xf32, #tpu.memory_space<vmem_shared>>) dst(%dma_wait3A_1069 : memref<5000xf32, #tpu.memory_space<vmem>>)
      tpu.yield
    }) : () -> ()
    %mul3A_488 = arith.constant 640000 : i32
    %mul3A_489 = arith.muli %add3A_432, %mul3A_488 : i32
    %mul3A_490 = arith.constant 40000 : i32
    %mul3A_491 = arith.muli %arg1, %mul3A_490 : i32
    %add3A_492 = arith.addi %mul3A_489, %mul3A_491 : i32
    %add3A_493 = arith.constant 10000 : i32
    %add3A_494 = arith.addi %add3A_492, %add3A_493 : i32
    %dma_start3A_495 = arith.constant 0 : i32
    %dma_start3A_496 = tpu.memref_slice %arg6[%dma_start3A_495] : memref<12800xf32, #tpu.memory_space<vmem>> -> memref<5000xf32, #tpu.memory_space<vmem>>
    %dma_start3A_497 = tpu.memref_slice %arg4[%add3A_494] : memref<3840000xf32, #tpu.memory_space<hbm>> -> memref<5000xf32, #tpu.memory_space<hbm>>
    %dma_start3A_498 = tpu.memref_slice %arg4[%add3A_494] : memref<3840000xf32, #tpu.memory_space<hbm>> -> memref<5000xf32, #tpu.memory_space<hbm>>
    %dma_start3A_499 = arith.constant 0 : i32
    %dma_start3A_500 = tpu.memref_slice %arg6[%dma_start3A_499] : memref<12800xf32, #tpu.memory_space<vmem>> -> memref<5000xf32, #tpu.memory_space<vmem>>
    tpu.enqueue_dma source(%dma_start3A_500 : memref<5000xf32, #tpu.memory_space<vmem>>) target(%dma_start3A_498 : memref<5000xf32, #tpu.memory_space<hbm>>) target_semaphore(%arg15 : memref<!tpu.dma_semaphore, #tpu.memory_space<semaphore_mem>>)
    %mul3A_501 = arith.constant 640000 : i32
    %mul3A_502 = arith.muli %add3A_432, %mul3A_501 : i32
    %mul3A_503 = arith.constant 40000 : i32
    %mul3A_504 = arith.muli %arg1, %mul3A_503 : i32
    %add3A_505 = arith.addi %mul3A_502, %mul3A_504 : i32
    %add3A_506 = arith.constant 5000 : i32
    %add3A_507 = arith.addi %add3A_505, %add3A_506 : i32
    %dma_wait3A_508 = arith.constant 5000 : i32
    %dma_wait3A_509 = tpu.memref_slice %arg6[%dma_wait3A_508] : memref<12800xf32, #tpu.memory_space<vmem>> -> memref<5000xf32, #tpu.memory_space<vmem>>
    %dma_wait3A_510 = arith.constant 0 : i32
    %dma_wait3A_511 = tpu.memref_slice %dma_wait3A_509[%dma_wait3A_510] : memref<5000xf32, #tpu.memory_space<vmem>> -> memref<5000xf32, #tpu.memory_space<vmem>>
    %dma_wait3A_512 = tpu.memref_slice %arg4[%add3A_507] : memref<3840000xf32, #tpu.memory_space<hbm>> -> memref<5000xf32, #tpu.memory_space<hbm>>
    %dma_wait3A_513 = tpu.memref_slice %arg4[%add3A_507] : memref<3840000xf32, #tpu.memory_space<hbm>> -> memref<5000xf32, #tpu.memory_space<hbm>>
    %dma_wait3A_514 = arith.constant 5000 : i32
    %dma_wait3A_515 = tpu.memref_slice %arg6[%dma_wait3A_514] : memref<12800xf32, #tpu.memory_space<vmem>> -> memref<5000xf32, #tpu.memory_space<vmem>>
    %dma_wait3A_516 = arith.constant 0 : i32
    %dma_wait3A_517 = tpu.memref_slice %dma_wait3A_515[%dma_wait3A_516] : memref<5000xf32, #tpu.memory_space<vmem>> -> memref<5000xf32, #tpu.memory_space<vmem>>
    tpu.wait_dma2 semaphore(%arg15 : memref<!tpu.dma_semaphore, #tpu.memory_space<semaphore_mem>>) src(%dma_wait3A_517 : memref<5000xf32, #tpu.memory_space<vmem>>) dst(%dma_wait3A_513 : memref<5000xf32, #tpu.memory_space<hbm>>)
    %mul3A_518 = arith.constant 40000 : i32
    %mul3A_519 = arith.muli %arg1, %mul3A_518 : i32
    %add3A_520 = arith.constant 15000 : i32
    %add3A_521 = arith.addi %mul3A_519, %add3A_520 : i32
    "tpu.region"() ({
      %run_scoped3A = tpu.sem_alloc : memref<!tpu.dma_semaphore, #tpu.memory_space<semaphore_mem>>
      %dma_start3A_1059 = arith.constant 5000 : i32
      %dma_start3A_1060 = tpu.memref_slice %arg6[%dma_start3A_1059] : memref<12800xf32, #tpu.memory_space<vmem>> -> memref<5000xf32, #tpu.memory_space<vmem>>
      %dma_start3A_1061 = arith.constant 0 : i32
      %dma_start3A_1062 = tpu.memref_slice %dma_start3A_1060[%dma_start3A_1061] : memref<5000xf32, #tpu.memory_space<vmem>> -> memref<5000xf32, #tpu.memory_space<vmem>>
      %dma_start3A_1063 = tpu.memref_slice %arg10[%add3A_521] : memref<640000xf32, #tpu.memory_space<vmem_shared>> -> memref<5000xf32, #tpu.memory_space<vmem_shared>>
      %dma_start3A_1064 = arith.constant 5000 : i32
      %dma_start3A_1065 = tpu.memref_slice %arg6[%dma_start3A_1064] : memref<12800xf32, #tpu.memory_space<vmem>> -> memref<5000xf32, #tpu.memory_space<vmem>>
      %dma_start3A_1066 = arith.constant 0 : i32
      %dma_start3A_1067 = tpu.memref_slice %dma_start3A_1065[%dma_start3A_1066] : memref<5000xf32, #tpu.memory_space<vmem>> -> memref<5000xf32, #tpu.memory_space<vmem>>
      %dma_start3A_1068 = tpu.memref_slice %arg10[%add3A_521] : memref<640000xf32, #tpu.memory_space<vmem_shared>> -> memref<5000xf32, #tpu.memory_space<vmem_shared>>
      tpu.enqueue_dma source(%dma_start3A_1068 : memref<5000xf32, #tpu.memory_space<vmem_shared>>) target(%dma_start3A_1067 : memref<5000xf32, #tpu.memory_space<vmem>>) target_semaphore(%run_scoped3A : memref<!tpu.dma_semaphore, #tpu.memory_space<semaphore_mem>>)
      %dma_wait3A_1069 = arith.constant 5000 : i32
      %dma_wait3A_1070 = tpu.memref_slice %arg6[%dma_wait3A_1069] : memref<12800xf32, #tpu.memory_space<vmem>> -> memref<5000xf32, #tpu.memory_space<vmem>>
      %dma_wait3A_1071 = arith.constant 0 : i32
      %dma_wait3A_1072 = tpu.memref_slice %dma_wait3A_1070[%dma_wait3A_1071] : memref<5000xf32, #tpu.memory_space<vmem>> -> memref<5000xf32, #tpu.memory_space<vmem>>
      %dma_wait3A_1073 = tpu.memref_slice %arg10[%add3A_521] : memref<640000xf32, #tpu.memory_space<vmem_shared>> -> memref<5000xf32, #tpu.memory_space<vmem_shared>>
      %dma_wait3A_1074 = arith.constant 5000 : i32
      %dma_wait3A_1075 = tpu.memref_slice %arg6[%dma_wait3A_1074] : memref<12800xf32, #tpu.memory_space<vmem>> -> memref<5000xf32, #tpu.memory_space<vmem>>
      %dma_wait3A_1076 = arith.constant 0 : i32
      %dma_wait3A_1077 = tpu.memref_slice %dma_wait3A_1075[%dma_wait3A_1076] : memref<5000xf32, #tpu.memory_space<vmem>> -> memref<5000xf32, #tpu.memory_space<vmem>>
      %dma_wait3A_1078 = tpu.memref_slice %arg10[%add3A_521] : memref<640000xf32, #tpu.memory_space<vmem_shared>> -> memref<5000xf32, #tpu.memory_space<vmem_shared>>
      tpu.wait_dma2 semaphore(%run_scoped3A : memref<!tpu.dma_semaphore, #tpu.memory_space<semaphore_mem>>) src(%dma_wait3A_1078 : memref<5000xf32, #tpu.memory_space<vmem_shared>>) dst(%dma_wait3A_1077 : memref<5000xf32, #tpu.memory_space<vmem>>)
      tpu.yield
    }) : () -> ()
    %mul3A_522 = arith.constant 640000 : i32
    %mul3A_523 = arith.muli %add3A_432, %mul3A_522 : i32
    %mul3A_524 = arith.constant 40000 : i32
    %mul3A_525 = arith.muli %arg1, %mul3A_524 : i32
    %add3A_526 = arith.addi %mul3A_523, %mul3A_525 : i32
    %add3A_527 = arith.constant 15000 : i32
    %add3A_528 = arith.addi %add3A_526, %add3A_527 : i32
    %dma_start3A_529 = arith.constant 5000 : i32
    %dma_start3A_530 = tpu.memref_slice %arg6[%dma_start3A_529] : memref<12800xf32, #tpu.memory_space<vmem>> -> memref<5000xf32, #tpu.memory_space<vmem>>
    %dma_start3A_531 = arith.constant 0 : i32
    %dma_start3A_532 = tpu.memref_slice %dma_start3A_530[%dma_start3A_531] : memref<5000xf32, #tpu.memory_space<vmem>> -> memref<5000xf32, #tpu.memory_space<vmem>>
    %dma_start3A_533 = tpu.memref_slice %arg4[%add3A_528] : memref<3840000xf32, #tpu.memory_space<hbm>> -> memref<5000xf32, #tpu.memory_space<hbm>>
    %dma_start3A_534 = tpu.memref_slice %arg4[%add3A_528] : memref<3840000xf32, #tpu.memory_space<hbm>> -> memref<5000xf32, #tpu.memory_space<hbm>>
    %dma_start3A_535 = arith.constant 5000 : i32
    %dma_start3A_536 = tpu.memref_slice %arg6[%dma_start3A_535] : memref<12800xf32, #tpu.memory_space<vmem>> -> memref<5000xf32, #tpu.memory_space<vmem>>
    %dma_start3A_537 = arith.constant 0 : i32
    %dma_start3A_538 = tpu.memref_slice %dma_start3A_536[%dma_start3A_537] : memref<5000xf32, #tpu.memory_space<vmem>> -> memref<5000xf32, #tpu.memory_space<vmem>>
    tpu.enqueue_dma source(%dma_start3A_538 : memref<5000xf32, #tpu.memory_space<vmem>>) target(%dma_start3A_534 : memref<5000xf32, #tpu.memory_space<hbm>>) target_semaphore(%arg15 : memref<!tpu.dma_semaphore, #tpu.memory_space<semaphore_mem>>)
    %mul3A_539 = arith.constant 640000 : i32
    %mul3A_540 = arith.muli %add3A_432, %mul3A_539 : i32
    %mul3A_541 = arith.constant 40000 : i32
    %mul3A_542 = arith.muli %arg1, %mul3A_541 : i32
    %add3A_543 = arith.addi %mul3A_540, %mul3A_542 : i32
    %add3A_544 = arith.constant 10000 : i32
    %add3A_545 = arith.addi %add3A_543, %add3A_544 : i32
    %dma_wait3A_546 = arith.constant 0 : i32
    %dma_wait3A_547 = tpu.memref_slice %arg6[%dma_wait3A_546] : memref<12800xf32, #tpu.memory_space<vmem>> -> memref<5000xf32, #tpu.memory_space<vmem>>
    %dma_wait3A_548 = tpu.memref_slice %arg4[%add3A_545] : memref<3840000xf32, #tpu.memory_space<hbm>> -> memref<5000xf32, #tpu.memory_space<hbm>>
    %dma_wait3A_549 = tpu.memref_slice %arg4[%add3A_545] : memref<3840000xf32, #tpu.memory_space<hbm>> -> memref<5000xf32, #tpu.memory_space<hbm>>
    %dma_wait3A_550 = arith.constant 0 : i32
    %dma_wait3A_551 = tpu.memref_slice %arg6[%dma_wait3A_550] : memref<12800xf32, #tpu.memory_space<vmem>> -> memref<5000xf32, #tpu.memory_space<vmem>>
    tpu.wait_dma2 semaphore(%arg15 : memref<!tpu.dma_semaphore, #tpu.memory_space<semaphore_mem>>) src(%dma_wait3A_551 : memref<5000xf32, #tpu.memory_space<vmem>>) dst(%dma_wait3A_549 : memref<5000xf32, #tpu.memory_space<hbm>>)
    %mul3A_552 = arith.constant 40000 : i32
    %mul3A_553 = arith.muli %arg1, %mul3A_552 : i32
    %add3A_554 = arith.constant 20000 : i32
    %add3A_555 = arith.addi %mul3A_553, %add3A_554 : i32
    "tpu.region"() ({
      %run_scoped3A = tpu.sem_alloc : memref<!tpu.dma_semaphore, #tpu.memory_space<semaphore_mem>>
      %dma_start3A_1059 = arith.constant 0 : i32
      %dma_start3A_1060 = tpu.memref_slice %arg6[%dma_start3A_1059] : memref<12800xf32, #tpu.memory_space<vmem>> -> memref<5000xf32, #tpu.memory_space<vmem>>
      %dma_start3A_1061 = tpu.memref_slice %arg10[%add3A_555] : memref<640000xf32, #tpu.memory_space<vmem_shared>> -> memref<5000xf32, #tpu.memory_space<vmem_shared>>
      %dma_start3A_1062 = arith.constant 0 : i32
      %dma_start3A_1063 = tpu.memref_slice %arg6[%dma_start3A_1062] : memref<12800xf32, #tpu.memory_space<vmem>> -> memref<5000xf32, #tpu.memory_space<vmem>>
      %dma_start3A_1064 = tpu.memref_slice %arg10[%add3A_555] : memref<640000xf32, #tpu.memory_space<vmem_shared>> -> memref<5000xf32, #tpu.memory_space<vmem_shared>>
      tpu.enqueue_dma source(%dma_start3A_1064 : memref<5000xf32, #tpu.memory_space<vmem_shared>>) target(%dma_start3A_1063 : memref<5000xf32, #tpu.memory_space<vmem>>) target_semaphore(%run_scoped3A : memref<!tpu.dma_semaphore, #tpu.memory_space<semaphore_mem>>)
      %dma_wait3A_1065 = arith.constant 0 : i32
      %dma_wait3A_1066 = tpu.memref_slice %arg6[%dma_wait3A_1065] : memref<12800xf32, #tpu.memory_space<vmem>> -> memref<5000xf32, #tpu.memory_space<vmem>>
      %dma_wait3A_1067 = tpu.memref_slice %arg10[%add3A_555] : memref<640000xf32, #tpu.memory_space<vmem_shared>> -> memref<5000xf32, #tpu.memory_space<vmem_shared>>
      %dma_wait3A_1068 = arith.constant 0 : i32
      %dma_wait3A_1069 = tpu.memref_slice %arg6[%dma_wait3A_1068] : memref<12800xf32, #tpu.memory_space<vmem>> -> memref<5000xf32, #tpu.memory_space<vmem>>
      %dma_wait3A_1070 = tpu.memref_slice %arg10[%add3A_555] : memref<640000xf32, #tpu.memory_space<vmem_shared>> -> memref<5000xf32, #tpu.memory_space<vmem_shared>>
      tpu.wait_dma2 semaphore(%run_scoped3A : memref<!tpu.dma_semaphore, #tpu.memory_space<semaphore_mem>>) src(%dma_wait3A_1070 : memref<5000xf32, #tpu.memory_space<vmem_shared>>) dst(%dma_wait3A_1069 : memref<5000xf32, #tpu.memory_space<vmem>>)
      tpu.yield
    }) : () -> ()
    %mul3A_556 = arith.constant 640000 : i32
    %mul3A_557 = arith.muli %add3A_432, %mul3A_556 : i32
    %mul3A_558 = arith.constant 40000 : i32
    %mul3A_559 = arith.muli %arg1, %mul3A_558 : i32
    %add3A_560 = arith.addi %mul3A_557, %mul3A_559 : i32
    %add3A_561 = arith.constant 20000 : i32
    %add3A_562 = arith.addi %add3A_560, %add3A_561 : i32
    %dma_start3A_563 = arith.constant 0 : i32
    %dma_start3A_564 = tpu.memref_slice %arg6[%dma_start3A_563] : memref<12800xf32, #tpu.memory_space<vmem>> -> memref<5000xf32, #tpu.memory_space<vmem>>
    %dma_start3A_565 = tpu.memref_slice %arg4[%add3A_562] : memref<3840000xf32, #tpu.memory_space<hbm>> -> memref<5000xf32, #tpu.memory_space<hbm>>
    %dma_start3A_566 = tpu.memref_slice %arg4[%add3A_562] : memref<3840000xf32, #tpu.memory_space<hbm>> -> memref<5000xf32, #tpu.memory_space<hbm>>
    %dma_start3A_567 = arith.constant 0 : i32
    %dma_start3A_568 = tpu.memref_slice %arg6[%dma_start3A_567] : memref<12800xf32, #tpu.memory_space<vmem>> -> memref<5000xf32, #tpu.memory_space<vmem>>
    tpu.enqueue_dma source(%dma_start3A_568 : memref<5000xf32, #tpu.memory_space<vmem>>) target(%dma_start3A_566 : memref<5000xf32, #tpu.memory_space<hbm>>) target_semaphore(%arg15 : memref<!tpu.dma_semaphore, #tpu.memory_space<semaphore_mem>>)
    %mul3A_569 = arith.constant 640000 : i32
    %mul3A_570 = arith.muli %add3A_432, %mul3A_569 : i32
    %mul3A_571 = arith.constant 40000 : i32
    %mul3A_572 = arith.muli %arg1, %mul3A_571 : i32
    %add3A_573 = arith.addi %mul3A_570, %mul3A_572 : i32
    %add3A_574 = arith.constant 15000 : i32
    %add3A_575 = arith.addi %add3A_573, %add3A_574 : i32
    %dma_wait3A_576 = arith.constant 5000 : i32
    %dma_wait3A_577 = tpu.memref_slice %arg6[%dma_wait3A_576] : memref<12800xf32, #tpu.memory_space<vmem>> -> memref<5000xf32, #tpu.memory_space<vmem>>
    %dma_wait3A_578 = arith.constant 0 : i32
    %dma_wait3A_579 = tpu.memref_slice %dma_wait3A_577[%dma_wait3A_578] : memref<5000xf32, #tpu.memory_space<vmem>> -> memref<5000xf32, #tpu.memory_space<vmem>>
    %dma_wait3A_580 = tpu.memref_slice %arg4[%add3A_575] : memref<3840000xf32, #tpu.memory_space<hbm>> -> memref<5000xf32, #tpu.memory_space<hbm>>
    %dma_wait3A_581 = tpu.memref_slice %arg4[%add3A_575] : memref<3840000xf32, #tpu.memory_space<hbm>> -> memref<5000xf32, #tpu.memory_space<hbm>>
    %dma_wait3A_582 = arith.constant 5000 : i32
    %dma_wait3A_583 = tpu.memref_slice %arg6[%dma_wait3A_582] : memref<12800xf32, #tpu.memory_space<vmem>> -> memref<5000xf32, #tpu.memory_space<vmem>>
    %dma_wait3A_584 = arith.constant 0 : i32
    %dma_wait3A_585 = tpu.memref_slice %dma_wait3A_583[%dma_wait3A_584] : memref<5000xf32, #tpu.memory_space<vmem>> -> memref<5000xf32, #tpu.memory_space<vmem>>
    tpu.wait_dma2 semaphore(%arg15 : memref<!tpu.dma_semaphore, #tpu.memory_space<semaphore_mem>>) src(%dma_wait3A_585 : memref<5000xf32, #tpu.memory_space<vmem>>) dst(%dma_wait3A_581 : memref<5000xf32, #tpu.memory_space<hbm>>)
    %mul3A_586 = arith.constant 40000 : i32
    %mul3A_587 = arith.muli %arg1, %mul3A_586 : i32
    %add3A_588 = arith.constant 25000 : i32
    %add3A_589 = arith.addi %mul3A_587, %add3A_588 : i32
    "tpu.region"() ({
      %run_scoped3A = tpu.sem_alloc : memref<!tpu.dma_semaphore, #tpu.memory_space<semaphore_mem>>
      %dma_start3A_1059 = arith.constant 5000 : i32
      %dma_start3A_1060 = tpu.memref_slice %arg6[%dma_start3A_1059] : memref<12800xf32, #tpu.memory_space<vmem>> -> memref<5000xf32, #tpu.memory_space<vmem>>
      %dma_start3A_1061 = arith.constant 0 : i32
      %dma_start3A_1062 = tpu.memref_slice %dma_start3A_1060[%dma_start3A_1061] : memref<5000xf32, #tpu.memory_space<vmem>> -> memref<5000xf32, #tpu.memory_space<vmem>>
      %dma_start3A_1063 = tpu.memref_slice %arg10[%add3A_589] : memref<640000xf32, #tpu.memory_space<vmem_shared>> -> memref<5000xf32, #tpu.memory_space<vmem_shared>>
      %dma_start3A_1064 = arith.constant 5000 : i32
      %dma_start3A_1065 = tpu.memref_slice %arg6[%dma_start3A_1064] : memref<12800xf32, #tpu.memory_space<vmem>> -> memref<5000xf32, #tpu.memory_space<vmem>>
      %dma_start3A_1066 = arith.constant 0 : i32
      %dma_start3A_1067 = tpu.memref_slice %dma_start3A_1065[%dma_start3A_1066] : memref<5000xf32, #tpu.memory_space<vmem>> -> memref<5000xf32, #tpu.memory_space<vmem>>
      %dma_start3A_1068 = tpu.memref_slice %arg10[%add3A_589] : memref<640000xf32, #tpu.memory_space<vmem_shared>> -> memref<5000xf32, #tpu.memory_space<vmem_shared>>
      tpu.enqueue_dma source(%dma_start3A_1068 : memref<5000xf32, #tpu.memory_space<vmem_shared>>) target(%dma_start3A_1067 : memref<5000xf32, #tpu.memory_space<vmem>>) target_semaphore(%run_scoped3A : memref<!tpu.dma_semaphore, #tpu.memory_space<semaphore_mem>>)
      %dma_wait3A_1069 = arith.constant 5000 : i32
      %dma_wait3A_1070 = tpu.memref_slice %arg6[%dma_wait3A_1069] : memref<12800xf32, #tpu.memory_space<vmem>> -> memref<5000xf32, #tpu.memory_space<vmem>>
      %dma_wait3A_1071 = arith.constant 0 : i32
      %dma_wait3A_1072 = tpu.memref_slice %dma_wait3A_1070[%dma_wait3A_1071] : memref<5000xf32, #tpu.memory_space<vmem>> -> memref<5000xf32, #tpu.memory_space<vmem>>
      %dma_wait3A_1073 = tpu.memref_slice %arg10[%add3A_589] : memref<640000xf32, #tpu.memory_space<vmem_shared>> -> memref<5000xf32, #tpu.memory_space<vmem_shared>>
      %dma_wait3A_1074 = arith.constant 5000 : i32
      %dma_wait3A_1075 = tpu.memref_slice %arg6[%dma_wait3A_1074] : memref<12800xf32, #tpu.memory_space<vmem>> -> memref<5000xf32, #tpu.memory_space<vmem>>
      %dma_wait3A_1076 = arith.constant 0 : i32
      %dma_wait3A_1077 = tpu.memref_slice %dma_wait3A_1075[%dma_wait3A_1076] : memref<5000xf32, #tpu.memory_space<vmem>> -> memref<5000xf32, #tpu.memory_space<vmem>>
      %dma_wait3A_1078 = tpu.memref_slice %arg10[%add3A_589] : memref<640000xf32, #tpu.memory_space<vmem_shared>> -> memref<5000xf32, #tpu.memory_space<vmem_shared>>
      tpu.wait_dma2 semaphore(%run_scoped3A : memref<!tpu.dma_semaphore, #tpu.memory_space<semaphore_mem>>) src(%dma_wait3A_1078 : memref<5000xf32, #tpu.memory_space<vmem_shared>>) dst(%dma_wait3A_1077 : memref<5000xf32, #tpu.memory_space<vmem>>)
      tpu.yield
    }) : () -> ()
    %mul3A_590 = arith.constant 640000 : i32
    %mul3A_591 = arith.muli %add3A_432, %mul3A_590 : i32
    %mul3A_592 = arith.constant 40000 : i32
    %mul3A_593 = arith.muli %arg1, %mul3A_592 : i32
    %add3A_594 = arith.addi %mul3A_591, %mul3A_593 : i32
    %add3A_595 = arith.constant 25000 : i32
    %add3A_596 = arith.addi %add3A_594, %add3A_595 : i32
    %dma_start3A_597 = arith.constant 5000 : i32
    %dma_start3A_598 = tpu.memref_slice %arg6[%dma_start3A_597] : memref<12800xf32, #tpu.memory_space<vmem>> -> memref<5000xf32, #tpu.memory_space<vmem>>
    %dma_start3A_599 = arith.constant 0 : i32
    %dma_start3A_600 = tpu.memref_slice %dma_start3A_598[%dma_start3A_599] : memref<5000xf32, #tpu.memory_space<vmem>> -> memref<5000xf32, #tpu.memory_space<vmem>>
    %dma_start3A_601 = tpu.memref_slice %arg4[%add3A_596] : memref<3840000xf32, #tpu.memory_space<hbm>> -> memref<5000xf32, #tpu.memory_space<hbm>>
    %dma_start3A_602 = tpu.memref_slice %arg4[%add3A_596] : memref<3840000xf32, #tpu.memory_space<hbm>> -> memref<5000xf32, #tpu.memory_space<hbm>>
    %dma_start3A_603 = arith.constant 5000 : i32
    %dma_start3A_604 = tpu.memref_slice %arg6[%dma_start3A_603] : memref<12800xf32, #tpu.memory_space<vmem>> -> memref<5000xf32, #tpu.memory_space<vmem>>
    %dma_start3A_605 = arith.constant 0 : i32
    %dma_start3A_606 = tpu.memref_slice %dma_start3A_604[%dma_start3A_605] : memref<5000xf32, #tpu.memory_space<vmem>> -> memref<5000xf32, #tpu.memory_space<vmem>>
    tpu.enqueue_dma source(%dma_start3A_606 : memref<5000xf32, #tpu.memory_space<vmem>>) target(%dma_start3A_602 : memref<5000xf32, #tpu.memory_space<hbm>>) target_semaphore(%arg15 : memref<!tpu.dma_semaphore, #tpu.memory_space<semaphore_mem>>)
    %mul3A_607 = arith.constant 640000 : i32
    %mul3A_608 = arith.muli %add3A_432, %mul3A_607 : i32
    %mul3A_609 = arith.constant 40000 : i32
    %mul3A_610 = arith.muli %arg1, %mul3A_609 : i32
    %add3A_611 = arith.addi %mul3A_608, %mul3A_610 : i32
    %add3A_612 = arith.constant 20000 : i32
    %add3A_613 = arith.addi %add3A_611, %add3A_612 : i32
    %dma_wait3A_614 = arith.constant 0 : i32
    %dma_wait3A_615 = tpu.memref_slice %arg6[%dma_wait3A_614] : memref<12800xf32, #tpu.memory_space<vmem>> -> memref<5000xf32, #tpu.memory_space<vmem>>
    %dma_wait3A_616 = tpu.memref_slice %arg4[%add3A_613] : memref<3840000xf32, #tpu.memory_space<hbm>> -> memref<5000xf32, #tpu.memory_space<hbm>>
    %dma_wait3A_617 = tpu.memref_slice %arg4[%add3A_613] : memref<3840000xf32, #tpu.memory_space<hbm>> -> memref<5000xf32, #tpu.memory_space<hbm>>
    %dma_wait3A_618 = arith.constant 0 : i32
    %dma_wait3A_619 = tpu.memref_slice %arg6[%dma_wait3A_618] : memref<12800xf32, #tpu.memory_space<vmem>> -> memref<5000xf32, #tpu.memory_space<vmem>>
    tpu.wait_dma2 semaphore(%arg15 : memref<!tpu.dma_semaphore, #tpu.memory_space<semaphore_mem>>) src(%dma_wait3A_619 : memref<5000xf32, #tpu.memory_space<vmem>>) dst(%dma_wait3A_617 : memref<5000xf32, #tpu.memory_space<hbm>>)
    %mul3A_620 = arith.constant 40000 : i32
    %mul3A_621 = arith.muli %arg1, %mul3A_620 : i32
    %add3A_622 = arith.constant 30000 : i32
    %add3A_623 = arith.addi %mul3A_621, %add3A_622 : i32
    "tpu.region"() ({
      %run_scoped3A = tpu.sem_alloc : memref<!tpu.dma_semaphore, #tpu.memory_space<semaphore_mem>>
      %dma_start3A_1059 = arith.constant 0 : i32
      %dma_start3A_1060 = tpu.memref_slice %arg6[%dma_start3A_1059] : memref<12800xf32, #tpu.memory_space<vmem>> -> memref<5000xf32, #tpu.memory_space<vmem>>
      %dma_start3A_1061 = tpu.memref_slice %arg10[%add3A_623] : memref<640000xf32, #tpu.memory_space<vmem_shared>> -> memref<5000xf32, #tpu.memory_space<vmem_shared>>
      %dma_start3A_1062 = arith.constant 0 : i32
      %dma_start3A_1063 = tpu.memref_slice %arg6[%dma_start3A_1062] : memref<12800xf32, #tpu.memory_space<vmem>> -> memref<5000xf32, #tpu.memory_space<vmem>>
      %dma_start3A_1064 = tpu.memref_slice %arg10[%add3A_623] : memref<640000xf32, #tpu.memory_space<vmem_shared>> -> memref<5000xf32, #tpu.memory_space<vmem_shared>>
      tpu.enqueue_dma source(%dma_start3A_1064 : memref<5000xf32, #tpu.memory_space<vmem_shared>>) target(%dma_start3A_1063 : memref<5000xf32, #tpu.memory_space<vmem>>) target_semaphore(%run_scoped3A : memref<!tpu.dma_semaphore, #tpu.memory_space<semaphore_mem>>)
      %dma_wait3A_1065 = arith.constant 0 : i32
      %dma_wait3A_1066 = tpu.memref_slice %arg6[%dma_wait3A_1065] : memref<12800xf32, #tpu.memory_space<vmem>> -> memref<5000xf32, #tpu.memory_space<vmem>>
      %dma_wait3A_1067 = tpu.memref_slice %arg10[%add3A_623] : memref<640000xf32, #tpu.memory_space<vmem_shared>> -> memref<5000xf32, #tpu.memory_space<vmem_shared>>
      %dma_wait3A_1068 = arith.constant 0 : i32
      %dma_wait3A_1069 = tpu.memref_slice %arg6[%dma_wait3A_1068] : memref<12800xf32, #tpu.memory_space<vmem>> -> memref<5000xf32, #tpu.memory_space<vmem>>
      %dma_wait3A_1070 = tpu.memref_slice %arg10[%add3A_623] : memref<640000xf32, #tpu.memory_space<vmem_shared>> -> memref<5000xf32, #tpu.memory_space<vmem_shared>>
      tpu.wait_dma2 semaphore(%run_scoped3A : memref<!tpu.dma_semaphore, #tpu.memory_space<semaphore_mem>>) src(%dma_wait3A_1070 : memref<5000xf32, #tpu.memory_space<vmem_shared>>) dst(%dma_wait3A_1069 : memref<5000xf32, #tpu.memory_space<vmem>>)
      tpu.yield
    }) : () -> ()
    %mul3A_624 = arith.constant 640000 : i32
    %mul3A_625 = arith.muli %add3A_432, %mul3A_624 : i32
    %mul3A_626 = arith.constant 40000 : i32
    %mul3A_627 = arith.muli %arg1, %mul3A_626 : i32
    %add3A_628 = arith.addi %mul3A_625, %mul3A_627 : i32
    %add3A_629 = arith.constant 30000 : i32
    %add3A_630 = arith.addi %add3A_628, %add3A_629 : i32
    %dma_start3A_631 = arith.constant 0 : i32
    %dma_start3A_632 = tpu.memref_slice %arg6[%dma_start3A_631] : memref<12800xf32, #tpu.memory_space<vmem>> -> memref<5000xf32, #tpu.memory_space<vmem>>
    %dma_start3A_633 = tpu.memref_slice %arg4[%add3A_630] : memref<3840000xf32, #tpu.memory_space<hbm>> -> memref<5000xf32, #tpu.memory_space<hbm>>
    %dma_start3A_634 = tpu.memref_slice %arg4[%add3A_630] : memref<3840000xf32, #tpu.memory_space<hbm>> -> memref<5000xf32, #tpu.memory_space<hbm>>
    %dma_start3A_635 = arith.constant 0 : i32
    %dma_start3A_636 = tpu.memref_slice %arg6[%dma_start3A_635] : memref<12800xf32, #tpu.memory_space<vmem>> -> memref<5000xf32, #tpu.memory_space<vmem>>
    tpu.enqueue_dma source(%dma_start3A_636 : memref<5000xf32, #tpu.memory_space<vmem>>) target(%dma_start3A_634 : memref<5000xf32, #tpu.memory_space<hbm>>) target_semaphore(%arg15 : memref<!tpu.dma_semaphore, #tpu.memory_space<semaphore_mem>>)
    %mul3A_637 = arith.constant 640000 : i32
    %mul3A_638 = arith.muli %add3A_432, %mul3A_637 : i32
    %mul3A_639 = arith.constant 40000 : i32
    %mul3A_640 = arith.muli %arg1, %mul3A_639 : i32
    %add3A_641 = arith.addi %mul3A_638, %mul3A_640 : i32
    %add3A_642 = arith.constant 25000 : i32
    %add3A_643 = arith.addi %add3A_641, %add3A_642 : i32
    %dma_wait3A_644 = arith.constant 5000 : i32
    %dma_wait3A_645 = tpu.memref_slice %arg6[%dma_wait3A_644] : memref<12800xf32, #tpu.memory_space<vmem>> -> memref<5000xf32, #tpu.memory_space<vmem>>
    %dma_wait3A_646 = arith.constant 0 : i32
    %dma_wait3A_647 = tpu.memref_slice %dma_wait3A_645[%dma_wait3A_646] : memref<5000xf32, #tpu.memory_space<vmem>> -> memref<5000xf32, #tpu.memory_space<vmem>>
    %dma_wait3A_648 = tpu.memref_slice %arg4[%add3A_643] : memref<3840000xf32, #tpu.memory_space<hbm>> -> memref<5000xf32, #tpu.memory_space<hbm>>
    %dma_wait3A_649 = tpu.memref_slice %arg4[%add3A_643] : memref<3840000xf32, #tpu.memory_space<hbm>> -> memref<5000xf32, #tpu.memory_space<hbm>>
    %dma_wait3A_650 = arith.constant 5000 : i32
    %dma_wait3A_651 = tpu.memref_slice %arg6[%dma_wait3A_650] : memref<12800xf32, #tpu.memory_space<vmem>> -> memref<5000xf32, #tpu.memory_space<vmem>>
    %dma_wait3A_652 = arith.constant 0 : i32
    %dma_wait3A_653 = tpu.memref_slice %dma_wait3A_651[%dma_wait3A_652] : memref<5000xf32, #tpu.memory_space<vmem>> -> memref<5000xf32, #tpu.memory_space<vmem>>
    tpu.wait_dma2 semaphore(%arg15 : memref<!tpu.dma_semaphore, #tpu.memory_space<semaphore_mem>>) src(%dma_wait3A_653 : memref<5000xf32, #tpu.memory_space<vmem>>) dst(%dma_wait3A_649 : memref<5000xf32, #tpu.memory_space<hbm>>)
    %mul3A_654 = arith.constant 40000 : i32
    %mul3A_655 = arith.muli %arg1, %mul3A_654 : i32
    %add3A_656 = arith.constant 35000 : i32
    %add3A_657 = arith.addi %mul3A_655, %add3A_656 : i32
    "tpu.region"() ({
      %run_scoped3A = tpu.sem_alloc : memref<!tpu.dma_semaphore, #tpu.memory_space<semaphore_mem>>
      %dma_start3A_1059 = arith.constant 5000 : i32
      %dma_start3A_1060 = tpu.memref_slice %arg6[%dma_start3A_1059] : memref<12800xf32, #tpu.memory_space<vmem>> -> memref<5000xf32, #tpu.memory_space<vmem>>
      %dma_start3A_1061 = arith.constant 0 : i32
      %dma_start3A_1062 = tpu.memref_slice %dma_start3A_1060[%dma_start3A_1061] : memref<5000xf32, #tpu.memory_space<vmem>> -> memref<5000xf32, #tpu.memory_space<vmem>>
      %dma_start3A_1063 = tpu.memref_slice %arg10[%add3A_657] : memref<640000xf32, #tpu.memory_space<vmem_shared>> -> memref<5000xf32, #tpu.memory_space<vmem_shared>>
      %dma_start3A_1064 = arith.constant 5000 : i32
      %dma_start3A_1065 = tpu.memref_slice %arg6[%dma_start3A_1064] : memref<12800xf32, #tpu.memory_space<vmem>> -> memref<5000xf32, #tpu.memory_space<vmem>>
      %dma_start3A_1066 = arith.constant 0 : i32
      %dma_start3A_1067 = tpu.memref_slice %dma_start3A_1065[%dma_start3A_1066] : memref<5000xf32, #tpu.memory_space<vmem>> -> memref<5000xf32, #tpu.memory_space<vmem>>
      %dma_start3A_1068 = tpu.memref_slice %arg10[%add3A_657] : memref<640000xf32, #tpu.memory_space<vmem_shared>> -> memref<5000xf32, #tpu.memory_space<vmem_shared>>
      tpu.enqueue_dma source(%dma_start3A_1068 : memref<5000xf32, #tpu.memory_space<vmem_shared>>) target(%dma_start3A_1067 : memref<5000xf32, #tpu.memory_space<vmem>>) target_semaphore(%run_scoped3A : memref<!tpu.dma_semaphore, #tpu.memory_space<semaphore_mem>>)
      %dma_wait3A_1069 = arith.constant 5000 : i32
      %dma_wait3A_1070 = tpu.memref_slice %arg6[%dma_wait3A_1069] : memref<12800xf32, #tpu.memory_space<vmem>> -> memref<5000xf32, #tpu.memory_space<vmem>>
      %dma_wait3A_1071 = arith.constant 0 : i32
      %dma_wait3A_1072 = tpu.memref_slice %dma_wait3A_1070[%dma_wait3A_1071] : memref<5000xf32, #tpu.memory_space<vmem>> -> memref<5000xf32, #tpu.memory_space<vmem>>
      %dma_wait3A_1073 = tpu.memref_slice %arg10[%add3A_657] : memref<640000xf32, #tpu.memory_space<vmem_shared>> -> memref<5000xf32, #tpu.memory_space<vmem_shared>>
      %dma_wait3A_1074 = arith.constant 5000 : i32
      %dma_wait3A_1075 = tpu.memref_slice %arg6[%dma_wait3A_1074] : memref<12800xf32, #tpu.memory_space<vmem>> -> memref<5000xf32, #tpu.memory_space<vmem>>
      %dma_wait3A_1076 = arith.constant 0 : i32
      %dma_wait3A_1077 = tpu.memref_slice %dma_wait3A_1075[%dma_wait3A_1076] : memref<5000xf32, #tpu.memory_space<vmem>> -> memref<5000xf32, #tpu.memory_space<vmem>>
      %dma_wait3A_1078 = tpu.memref_slice %arg10[%add3A_657] : memref<640000xf32, #tpu.memory_space<vmem_shared>> -> memref<5000xf32, #tpu.memory_space<vmem_shared>>
      tpu.wait_dma2 semaphore(%run_scoped3A : memref<!tpu.dma_semaphore, #tpu.memory_space<semaphore_mem>>) src(%dma_wait3A_1078 : memref<5000xf32, #tpu.memory_space<vmem_shared>>) dst(%dma_wait3A_1077 : memref<5000xf32, #tpu.memory_space<vmem>>)
      tpu.yield
    }) : () -> ()
    %mul3A_658 = arith.constant 640000 : i32
    %mul3A_659 = arith.muli %add3A_432, %mul3A_658 : i32
    %mul3A_660 = arith.constant 40000 : i32
    %mul3A_661 = arith.muli %arg1, %mul3A_660 : i32
    %add3A_662 = arith.addi %mul3A_659, %mul3A_661 : i32
    %add3A_663 = arith.constant 35000 : i32
    %add3A_664 = arith.addi %add3A_662, %add3A_663 : i32
    %dma_start3A_665 = arith.constant 5000 : i32
    %dma_start3A_666 = tpu.memref_slice %arg6[%dma_start3A_665] : memref<12800xf32, #tpu.memory_space<vmem>> -> memref<5000xf32, #tpu.memory_space<vmem>>
    %dma_start3A_667 = arith.constant 0 : i32
    %dma_start3A_668 = tpu.memref_slice %dma_start3A_666[%dma_start3A_667] : memref<5000xf32, #tpu.memory_space<vmem>> -> memref<5000xf32, #tpu.memory_space<vmem>>
    %dma_start3A_669 = tpu.memref_slice %arg4[%add3A_664] : memref<3840000xf32, #tpu.memory_space<hbm>> -> memref<5000xf32, #tpu.memory_space<hbm>>
    %dma_start3A_670 = tpu.memref_slice %arg4[%add3A_664] : memref<3840000xf32, #tpu.memory_space<hbm>> -> memref<5000xf32, #tpu.memory_space<hbm>>
    %dma_start3A_671 = arith.constant 5000 : i32
    %dma_start3A_672 = tpu.memref_slice %arg6[%dma_start3A_671] : memref<12800xf32, #tpu.memory_space<vmem>> -> memref<5000xf32, #tpu.memory_space<vmem>>
    %dma_start3A_673 = arith.constant 0 : i32
    %dma_start3A_674 = tpu.memref_slice %dma_start3A_672[%dma_start3A_673] : memref<5000xf32, #tpu.memory_space<vmem>> -> memref<5000xf32, #tpu.memory_space<vmem>>
    tpu.enqueue_dma source(%dma_start3A_674 : memref<5000xf32, #tpu.memory_space<vmem>>) target(%dma_start3A_670 : memref<5000xf32, #tpu.memory_space<hbm>>) target_semaphore(%arg15 : memref<!tpu.dma_semaphore, #tpu.memory_space<semaphore_mem>>)
    %mul3A_675 = arith.constant 640000 : i32
    %mul3A_676 = arith.muli %add3A_432, %mul3A_675 : i32
    %mul3A_677 = arith.constant 40000 : i32
    %mul3A_678 = arith.muli %arg1, %mul3A_677 : i32
    %add3A_679 = arith.addi %mul3A_676, %mul3A_678 : i32
    %add3A_680 = arith.constant 30000 : i32
    %add3A_681 = arith.addi %add3A_679, %add3A_680 : i32
    %dma_wait3A_682 = arith.constant 0 : i32
    %dma_wait3A_683 = tpu.memref_slice %arg6[%dma_wait3A_682] : memref<12800xf32, #tpu.memory_space<vmem>> -> memref<5000xf32, #tpu.memory_space<vmem>>
    %dma_wait3A_684 = tpu.memref_slice %arg4[%add3A_681] : memref<3840000xf32, #tpu.memory_space<hbm>> -> memref<5000xf32, #tpu.memory_space<hbm>>
    %dma_wait3A_685 = tpu.memref_slice %arg4[%add3A_681] : memref<3840000xf32, #tpu.memory_space<hbm>> -> memref<5000xf32, #tpu.memory_space<hbm>>
    %dma_wait3A_686 = arith.constant 0 : i32
    %dma_wait3A_687 = tpu.memref_slice %arg6[%dma_wait3A_686] : memref<12800xf32, #tpu.memory_space<vmem>> -> memref<5000xf32, #tpu.memory_space<vmem>>
    tpu.wait_dma2 semaphore(%arg15 : memref<!tpu.dma_semaphore, #tpu.memory_space<semaphore_mem>>) src(%dma_wait3A_687 : memref<5000xf32, #tpu.memory_space<vmem>>) dst(%dma_wait3A_685 : memref<5000xf32, #tpu.memory_space<hbm>>)
    %mul3A_688 = arith.constant 640000 : i32
    %mul3A_689 = arith.muli %add3A_432, %mul3A_688 : i32
    %mul3A_690 = arith.constant 40000 : i32
    %mul3A_691 = arith.muli %arg1, %mul3A_690 : i32
    %add3A_692 = arith.addi %mul3A_689, %mul3A_691 : i32
    %add3A_693 = arith.constant 35000 : i32
    %add3A_694 = arith.addi %add3A_692, %add3A_693 : i32
    %dma_wait3A_695 = arith.constant 5000 : i32
    %dma_wait3A_696 = tpu.memref_slice %arg6[%dma_wait3A_695] : memref<12800xf32, #tpu.memory_space<vmem>> -> memref<5000xf32, #tpu.memory_space<vmem>>
    %dma_wait3A_697 = arith.constant 0 : i32
    %dma_wait3A_698 = tpu.memref_slice %dma_wait3A_696[%dma_wait3A_697] : memref<5000xf32, #tpu.memory_space<vmem>> -> memref<5000xf32, #tpu.memory_space<vmem>>
    %dma_wait3A_699 = tpu.memref_slice %arg4[%add3A_694] : memref<3840000xf32, #tpu.memory_space<hbm>> -> memref<5000xf32, #tpu.memory_space<hbm>>
    %dma_wait3A_700 = tpu.memref_slice %arg4[%add3A_694] : memref<3840000xf32, #tpu.memory_space<hbm>> -> memref<5000xf32, #tpu.memory_space<hbm>>
    %dma_wait3A_701 = arith.constant 5000 : i32
    %dma_wait3A_702 = tpu.memref_slice %arg6[%dma_wait3A_701] : memref<12800xf32, #tpu.memory_space<vmem>> -> memref<5000xf32, #tpu.memory_space<vmem>>
    %dma_wait3A_703 = arith.constant 0 : i32
    %dma_wait3A_704 = tpu.memref_slice %dma_wait3A_702[%dma_wait3A_703] : memref<5000xf32, #tpu.memory_space<vmem>> -> memref<5000xf32, #tpu.memory_space<vmem>>
    tpu.wait_dma2 semaphore(%arg15 : memref<!tpu.dma_semaphore, #tpu.memory_space<semaphore_mem>>) src(%dma_wait3A_704 : memref<5000xf32, #tpu.memory_space<vmem>>) dst(%dma_wait3A_700 : memref<5000xf32, #tpu.memory_space<hbm>>)
    %mul3A_705 = arith.constant 40000 : i32
    %mul3A_706 = arith.muli %arg1, %mul3A_705 : i32
    %add3A_707 = arith.constant 0 : i32
    %add3A_708 = arith.addi %mul3A_706, %add3A_707 : i32
    %dma_start3A_709 = tpu.memref_slice %arg9[%add3A_708] : memref<640000xf32, #tpu.memory_space<vmem_shared>> -> memref<8000xf32, #tpu.memory_space<vmem_shared>>
    %dma_start3A_710 = tpu.memref_slice %arg9[%add3A_708] : memref<640000xf32, #tpu.memory_space<vmem_shared>> -> memref<8000xf32, #tpu.memory_space<vmem_shared>>
    tpu.enqueue_dma source(%arg8 : memref<8000xf32, #tpu.memory_space<vmem>>) target(%dma_start3A_710 : memref<8000xf32, #tpu.memory_space<vmem_shared>>) target_semaphore(%arg14 : memref<!tpu.dma_semaphore, #tpu.memory_space<semaphore_mem>>)
    %mul3A_711 = arith.constant 40000 : i32
    %mul3A_712 = arith.muli %arg1, %mul3A_711 : i32
    %add3A_713 = arith.constant 8000 : i32
    %add3A_714 = arith.addi %mul3A_712, %add3A_713 : i32
    %dma_start3A_715 = tpu.memref_slice %arg9[%add3A_714] : memref<640000xf32, #tpu.memory_space<vmem_shared>> -> memref<8000xf32, #tpu.memory_space<vmem_shared>>
    %dma_start3A_716 = tpu.memref_slice %arg9[%add3A_714] : memref<640000xf32, #tpu.memory_space<vmem_shared>> -> memref<8000xf32, #tpu.memory_space<vmem_shared>>
    tpu.enqueue_dma source(%arg8 : memref<8000xf32, #tpu.memory_space<vmem>>) target(%dma_start3A_716 : memref<8000xf32, #tpu.memory_space<vmem_shared>>) target_semaphore(%arg14 : memref<!tpu.dma_semaphore, #tpu.memory_space<semaphore_mem>>)
    %mul3A_717 = arith.constant 40000 : i32
    %mul3A_718 = arith.muli %arg1, %mul3A_717 : i32
    %add3A_719 = arith.constant 16000 : i32
    %add3A_720 = arith.addi %mul3A_718, %add3A_719 : i32
    %dma_start3A_721 = tpu.memref_slice %arg9[%add3A_720] : memref<640000xf32, #tpu.memory_space<vmem_shared>> -> memref<8000xf32, #tpu.memory_space<vmem_shared>>
    %dma_start3A_722 = tpu.memref_slice %arg9[%add3A_720] : memref<640000xf32, #tpu.memory_space<vmem_shared>> -> memref<8000xf32, #tpu.memory_space<vmem_shared>>
    tpu.enqueue_dma source(%arg8 : memref<8000xf32, #tpu.memory_space<vmem>>) target(%dma_start3A_722 : memref<8000xf32, #tpu.memory_space<vmem_shared>>) target_semaphore(%arg14 : memref<!tpu.dma_semaphore, #tpu.memory_space<semaphore_mem>>)
    %mul3A_723 = arith.constant 40000 : i32
    %mul3A_724 = arith.muli %arg1, %mul3A_723 : i32
    %add3A_725 = arith.constant 24000 : i32
    %add3A_726 = arith.addi %mul3A_724, %add3A_725 : i32
    %dma_start3A_727 = tpu.memref_slice %arg9[%add3A_726] : memref<640000xf32, #tpu.memory_space<vmem_shared>> -> memref<8000xf32, #tpu.memory_space<vmem_shared>>
    %dma_start3A_728 = tpu.memref_slice %arg9[%add3A_726] : memref<640000xf32, #tpu.memory_space<vmem_shared>> -> memref<8000xf32, #tpu.memory_space<vmem_shared>>
    tpu.enqueue_dma source(%arg8 : memref<8000xf32, #tpu.memory_space<vmem>>) target(%dma_start3A_728 : memref<8000xf32, #tpu.memory_space<vmem_shared>>) target_semaphore(%arg14 : memref<!tpu.dma_semaphore, #tpu.memory_space<semaphore_mem>>)
    %mul3A_729 = arith.constant 40000 : i32
    %mul3A_730 = arith.muli %arg1, %mul3A_729 : i32
    %add3A_731 = arith.constant 32000 : i32
    %add3A_732 = arith.addi %mul3A_730, %add3A_731 : i32
    %dma_start3A_733 = tpu.memref_slice %arg9[%add3A_732] : memref<640000xf32, #tpu.memory_space<vmem_shared>> -> memref<8000xf32, #tpu.memory_space<vmem_shared>>
    %dma_start3A_734 = tpu.memref_slice %arg9[%add3A_732] : memref<640000xf32, #tpu.memory_space<vmem_shared>> -> memref<8000xf32, #tpu.memory_space<vmem_shared>>
    tpu.enqueue_dma source(%arg8 : memref<8000xf32, #tpu.memory_space<vmem>>) target(%dma_start3A_734 : memref<8000xf32, #tpu.memory_space<vmem_shared>>) target_semaphore(%arg14 : memref<!tpu.dma_semaphore, #tpu.memory_space<semaphore_mem>>)
    %mul3A_735 = arith.constant 40000 : i32
    %mul3A_736 = arith.muli %arg1, %mul3A_735 : i32
    %add3A_737 = arith.constant 0 : i32
    %add3A_738 = arith.addi %mul3A_736, %add3A_737 : i32
    %dma_wait3A_739 = tpu.memref_slice %arg9[%add3A_738] : memref<640000xf32, #tpu.memory_space<vmem_shared>> -> memref<8000xf32, #tpu.memory_space<vmem_shared>>
    %dma_wait3A_740 = tpu.memref_slice %arg9[%add3A_738] : memref<640000xf32, #tpu.memory_space<vmem_shared>> -> memref<8000xf32, #tpu.memory_space<vmem_shared>>
    tpu.wait_dma2 semaphore(%arg14 : memref<!tpu.dma_semaphore, #tpu.memory_space<semaphore_mem>>) src(%arg8 : memref<8000xf32, #tpu.memory_space<vmem>>) dst(%dma_wait3A_740 : memref<8000xf32, #tpu.memory_space<vmem_shared>>)
    %mul3A_741 = arith.constant 40000 : i32
    %mul3A_742 = arith.muli %arg1, %mul3A_741 : i32
    %add3A_743 = arith.constant 8000 : i32
    %add3A_744 = arith.addi %mul3A_742, %add3A_743 : i32
    %dma_wait3A_745 = tpu.memref_slice %arg9[%add3A_744] : memref<640000xf32, #tpu.memory_space<vmem_shared>> -> memref<8000xf32, #tpu.memory_space<vmem_shared>>
    %dma_wait3A_746 = tpu.memref_slice %arg9[%add3A_744] : memref<640000xf32, #tpu.memory_space<vmem_shared>> -> memref<8000xf32, #tpu.memory_space<vmem_shared>>
    tpu.wait_dma2 semaphore(%arg14 : memref<!tpu.dma_semaphore, #tpu.memory_space<semaphore_mem>>) src(%arg8 : memref<8000xf32, #tpu.memory_space<vmem>>) dst(%dma_wait3A_746 : memref<8000xf32, #tpu.memory_space<vmem_shared>>)
    %mul3A_747 = arith.constant 40000 : i32
    %mul3A_748 = arith.muli %arg1, %mul3A_747 : i32
    %add3A_749 = arith.constant 16000 : i32
    %add3A_750 = arith.addi %mul3A_748, %add3A_749 : i32
    %dma_wait3A_751 = tpu.memref_slice %arg9[%add3A_750] : memref<640000xf32, #tpu.memory_space<vmem_shared>> -> memref<8000xf32, #tpu.memory_space<vmem_shared>>
    %dma_wait3A_752 = tpu.memref_slice %arg9[%add3A_750] : memref<640000xf32, #tpu.memory_space<vmem_shared>> -> memref<8000xf32, #tpu.memory_space<vmem_shared>>
    tpu.wait_dma2 semaphore(%arg14 : memref<!tpu.dma_semaphore, #tpu.memory_space<semaphore_mem>>) src(%arg8 : memref<8000xf32, #tpu.memory_space<vmem>>) dst(%dma_wait3A_752 : memref<8000xf32, #tpu.memory_space<vmem_shared>>)
    %mul3A_753 = arith.constant 40000 : i32
    %mul3A_754 = arith.muli %arg1, %mul3A_753 : i32
    %add3A_755 = arith.constant 24000 : i32
    %add3A_756 = arith.addi %mul3A_754, %add3A_755 : i32
    %dma_wait3A_757 = tpu.memref_slice %arg9[%add3A_756] : memref<640000xf32, #tpu.memory_space<vmem_shared>> -> memref<8000xf32, #tpu.memory_space<vmem_shared>>
    %dma_wait3A_758 = tpu.memref_slice %arg9[%add3A_756] : memref<640000xf32, #tpu.memory_space<vmem_shared>> -> memref<8000xf32, #tpu.memory_space<vmem_shared>>
    tpu.wait_dma2 semaphore(%arg14 : memref<!tpu.dma_semaphore, #tpu.memory_space<semaphore_mem>>) src(%arg8 : memref<8000xf32, #tpu.memory_space<vmem>>) dst(%dma_wait3A_758 : memref<8000xf32, #tpu.memory_space<vmem_shared>>)
    %mul3A_759 = arith.constant 40000 : i32
    %mul3A_760 = arith.muli %arg1, %mul3A_759 : i32
    %add3A_761 = arith.constant 32000 : i32
    %add3A_762 = arith.addi %mul3A_760, %add3A_761 : i32
    %dma_wait3A_763 = tpu.memref_slice %arg9[%add3A_762] : memref<640000xf32, #tpu.memory_space<vmem_shared>> -> memref<8000xf32, #tpu.memory_space<vmem_shared>>
    %dma_wait3A_764 = tpu.memref_slice %arg9[%add3A_762] : memref<640000xf32, #tpu.memory_space<vmem_shared>> -> memref<8000xf32, #tpu.memory_space<vmem_shared>>
    tpu.wait_dma2 semaphore(%arg14 : memref<!tpu.dma_semaphore, #tpu.memory_space<semaphore_mem>>) src(%arg8 : memref<8000xf32, #tpu.memory_space<vmem>>) dst(%dma_wait3A_764 : memref<8000xf32, #tpu.memory_space<vmem_shared>>)
    %barrier3A_765 = arith.constant 0 : index
    tpu.barrier barrier_id(%barrier3A_765)
    %dma_wait3A_766 = tpu.memref_slice %arg3[%add3A_426] : memref<1024000xf32, #tpu.memory_space<hbm>> -> memref<12800xf32, #tpu.memory_space<hbm>>
    %dma_wait3A_767 = tpu.memref_slice %arg3[%add3A_426] : memref<1024000xf32, #tpu.memory_space<hbm>> -> memref<12800xf32, #tpu.memory_space<hbm>>
    tpu.wait_dma2 semaphore(%arg13 : memref<!tpu.dma_semaphore, #tpu.memory_space<semaphore_mem>>) src(%dma_wait3A_767 : memref<12800xf32, #tpu.memory_space<hbm>>) dst(%arg7 : memref<12800xf32, #tpu.memory_space<vmem>>)
    %mul3A_768 = arith.constant 5 : i32
    %mul3A_769 = arith.muli %mul3A_768, %arg0 : i32
    %mul3A_770 = arith.constant 5 : i32
    %mul3A_771 = arith.muli %mul3A_770, %arg0 : i32
    %add3A_772 = arith.constant 5 : i32
    %add3A_773 = arith.addi %add3A_772, %mul3A_771 : i32
    %while3A = arith.constant 0 : i32
    %while3A_774 = arith.subi %add3A_773, %mul3A_769 : i32
    %while3A_775 = arith.addi %mul3A_769, %while3A_774 : i32
    %while3A_776 = arith.constant 1 : i32
    %while3A_777 = arith.divsi %while3A_774, %while3A_776 : i32
    %while3A_778 = arith.muli %while3A_777, %while3A_776 : i32
    %while3A_779 = arith.addi %mul3A_769, %while3A_778 : i32
    %while3A_780 = arith.constant 1 : i32
    %while3A_781 = scf.for %while3A_1059 = %mul3A_769 to %while3A_779 step %while3A_780 iter_args(%while3A_1060 = %while3A) -> (i32)  : i32 {
      %mul3A_1061 = arith.constant 10 : i32
      %mul3A_1062 = arith.muli %while3A_1059, %mul3A_1061 : i32
      %add3A_1063 = arith.constant 0 : i32
      %add3A_1064 = arith.addi %mul3A_1062, %add3A_1063 : i32
      %mul3A_1065 = arith.constant 128 : i32
      %mul3A_1066 = arith.muli %add3A_1064, %mul3A_1065 : i32
      %dma_start3A_1067 = tpu.memref_slice %arg7[%mul3A_1066] : memref<12800xf32, #tpu.memory_space<vmem>> -> memref<128xf32, #tpu.memory_space<vmem>>
      %dma_start3A_1068 = arith.constant 0 : i32
      %dma_start3A_1069 = tpu.memref_slice %arg5[%add3A_1064, %dma_start3A_1068] : memref<100x128xi32, #tpu.memory_space<vmem>> -> memref<1x128xi32, #tpu.memory_space<vmem>>
      %dma_start3A_1070 = tpu.memref_squeeze %dma_start3A_1069 : memref<1x128xi32, #tpu.memory_space<vmem>> -> memref<128xi32, #tpu.memory_space<vmem>>
      %dma_start3A_1071 = arith.constant 0 : i32
      %dma_start3A_1072 = tpu.memref_slice %arg9[%dma_start3A_1071] : memref<640000xf32, #tpu.memory_space<vmem_shared>> -> memref<640000xf32, #tpu.memory_space<vmem_shared>>
      tpu.enqueue_indirect_dma source(%dma_start3A_1067 : memref<128xf32, #tpu.memory_space<vmem>>) target(%dma_start3A_1072 : memref<640000xf32, #tpu.memory_space<vmem_shared>>) offsets(%dma_start3A_1070 : memref<128xi32, #tpu.memory_space<vmem>>) semaphore(%arg15 : memref<!tpu.dma_semaphore, #tpu.memory_space<semaphore_mem>>) {add = true}
      %mul3A_1073 = arith.constant 10 : i32
      %mul3A_1074 = arith.muli %while3A_1059, %mul3A_1073 : i32
      %add3A_1075 = arith.constant 1 : i32
      %add3A_1076 = arith.addi %mul3A_1074, %add3A_1075 : i32
      %mul3A_1077 = arith.constant 128 : i32
      %mul3A_1078 = arith.muli %add3A_1076, %mul3A_1077 : i32
      %dma_start3A_1079 = tpu.memref_slice %arg7[%mul3A_1078] : memref<12800xf32, #tpu.memory_space<vmem>> -> memref<128xf32, #tpu.memory_space<vmem>>
      %dma_start3A_1080 = arith.constant 0 : i32
      %dma_start3A_1081 = tpu.memref_slice %arg5[%add3A_1076, %dma_start3A_1080] : memref<100x128xi32, #tpu.memory_space<vmem>> -> memref<1x128xi32, #tpu.memory_space<vmem>>
      %dma_start3A_1082 = tpu.memref_squeeze %dma_start3A_1081 : memref<1x128xi32, #tpu.memory_space<vmem>> -> memref<128xi32, #tpu.memory_space<vmem>>
      %dma_start3A_1083 = arith.constant 0 : i32
      %dma_start3A_1084 = tpu.memref_slice %arg9[%dma_start3A_1083] : memref<640000xf32, #tpu.memory_space<vmem_shared>> -> memref<640000xf32, #tpu.memory_space<vmem_shared>>
      tpu.enqueue_indirect_dma source(%dma_start3A_1079 : memref<128xf32, #tpu.memory_space<vmem>>) target(%dma_start3A_1084 : memref<640000xf32, #tpu.memory_space<vmem_shared>>) offsets(%dma_start3A_1082 : memref<128xi32, #tpu.memory_space<vmem>>) semaphore(%arg15 : memref<!tpu.dma_semaphore, #tpu.memory_space<semaphore_mem>>) {add = true}
      %mul3A_1085 = arith.constant 10 : i32
      %mul3A_1086 = arith.muli %while3A_1059, %mul3A_1085 : i32
      %add3A_1087 = arith.constant 2 : i32
      %add3A_1088 = arith.addi %mul3A_1086, %add3A_1087 : i32
      %mul3A_1089 = arith.constant 128 : i32
      %mul3A_1090 = arith.muli %add3A_1088, %mul3A_1089 : i32
      %dma_start3A_1091 = tpu.memref_slice %arg7[%mul3A_1090] : memref<12800xf32, #tpu.memory_space<vmem>> -> memref<128xf32, #tpu.memory_space<vmem>>
      %dma_start3A_1092 = arith.constant 0 : i32
      %dma_start3A_1093 = tpu.memref_slice %arg5[%add3A_1088, %dma_start3A_1092] : memref<100x128xi32, #tpu.memory_space<vmem>> -> memref<1x128xi32, #tpu.memory_space<vmem>>
      %dma_start3A_1094 = tpu.memref_squeeze %dma_start3A_1093 : memref<1x128xi32, #tpu.memory_space<vmem>> -> memref<128xi32, #tpu.memory_space<vmem>>
      %dma_start3A_1095 = arith.constant 0 : i32
      %dma_start3A_1096 = tpu.memref_slice %arg9[%dma_start3A_1095] : memref<640000xf32, #tpu.memory_space<vmem_shared>> -> memref<640000xf32, #tpu.memory_space<vmem_shared>>
      tpu.enqueue_indirect_dma source(%dma_start3A_1091 : memref<128xf32, #tpu.memory_space<vmem>>) target(%dma_start3A_1096 : memref<640000xf32, #tpu.memory_space<vmem_shared>>) offsets(%dma_start3A_1094 : memref<128xi32, #tpu.memory_space<vmem>>) semaphore(%arg15 : memref<!tpu.dma_semaphore, #tpu.memory_space<semaphore_mem>>) {add = true}
      %mul3A_1097 = arith.constant 10 : i32
      %mul3A_1098 = arith.muli %while3A_1059, %mul3A_1097 : i32
      %add3A_1099 = arith.constant 3 : i32
      %add3A_1100 = arith.addi %mul3A_1098, %add3A_1099 : i32
      %mul3A_1101 = arith.constant 128 : i32
      %mul3A_1102 = arith.muli %add3A_1100, %mul3A_1101 : i32
      %dma_start3A_1103 = tpu.memref_slice %arg7[%mul3A_1102] : memref<12800xf32, #tpu.memory_space<vmem>> -> memref<128xf32, #tpu.memory_space<vmem>>
      %dma_start3A_1104 = arith.constant 0 : i32
      %dma_start3A_1105 = tpu.memref_slice %arg5[%add3A_1100, %dma_start3A_1104] : memref<100x128xi32, #tpu.memory_space<vmem>> -> memref<1x128xi32, #tpu.memory_space<vmem>>
      %dma_start3A_1106 = tpu.memref_squeeze %dma_start3A_1105 : memref<1x128xi32, #tpu.memory_space<vmem>> -> memref<128xi32, #tpu.memory_space<vmem>>
      %dma_start3A_1107 = arith.constant 0 : i32
      %dma_start3A_1108 = tpu.memref_slice %arg9[%dma_start3A_1107] : memref<640000xf32, #tpu.memory_space<vmem_shared>> -> memref<640000xf32, #tpu.memory_space<vmem_shared>>
      tpu.enqueue_indirect_dma source(%dma_start3A_1103 : memref<128xf32, #tpu.memory_space<vmem>>) target(%dma_start3A_1108 : memref<640000xf32, #tpu.memory_space<vmem_shared>>) offsets(%dma_start3A_1106 : memref<128xi32, #tpu.memory_space<vmem>>) semaphore(%arg15 : memref<!tpu.dma_semaphore, #tpu.memory_space<semaphore_mem>>) {add = true}
      %mul3A_1109 = arith.constant 10 : i32
      %mul3A_1110 = arith.muli %while3A_1059, %mul3A_1109 : i32
      %add3A_1111 = arith.constant 4 : i32
      %add3A_1112 = arith.addi %mul3A_1110, %add3A_1111 : i32
      %mul3A_1113 = arith.constant 128 : i32
      %mul3A_1114 = arith.muli %add3A_1112, %mul3A_1113 : i32
      %dma_start3A_1115 = tpu.memref_slice %arg7[%mul3A_1114] : memref<12800xf32, #tpu.memory_space<vmem>> -> memref<128xf32, #tpu.memory_space<vmem>>
      %dma_start3A_1116 = arith.constant 0 : i32
      %dma_start3A_1117 = tpu.memref_slice %arg5[%add3A_1112, %dma_start3A_1116] : memref<100x128xi32, #tpu.memory_space<vmem>> -> memref<1x128xi32, #tpu.memory_space<vmem>>
      %dma_start3A_1118 = tpu.memref_squeeze %dma_start3A_1117 : memref<1x128xi32, #tpu.memory_space<vmem>> -> memref<128xi32, #tpu.memory_space<vmem>>
      %dma_start3A_1119 = arith.constant 0 : i32
      %dma_start3A_1120 = tpu.memref_slice %arg9[%dma_start3A_1119] : memref<640000xf32, #tpu.memory_space<vmem_shared>> -> memref<640000xf32, #tpu.memory_space<vmem_shared>>
      tpu.enqueue_indirect_dma source(%dma_start3A_1115 : memref<128xf32, #tpu.memory_space<vmem>>) target(%dma_start3A_1120 : memref<640000xf32, #tpu.memory_space<vmem_shared>>) offsets(%dma_start3A_1118 : memref<128xi32, #tpu.memory_space<vmem>>) semaphore(%arg15 : memref<!tpu.dma_semaphore, #tpu.memory_space<semaphore_mem>>) {add = true}
      %mul3A_1121 = arith.constant 10 : i32
      %mul3A_1122 = arith.muli %while3A_1059, %mul3A_1121 : i32
      %add3A_1123 = arith.constant 5 : i32
      %add3A_1124 = arith.addi %mul3A_1122, %add3A_1123 : i32
      %mul3A_1125 = arith.constant 128 : i32
      %mul3A_1126 = arith.muli %add3A_1124, %mul3A_1125 : i32
      %dma_start3A_1127 = tpu.memref_slice %arg7[%mul3A_1126] : memref<12800xf32, #tpu.memory_space<vmem>> -> memref<128xf32, #tpu.memory_space<vmem>>
      %dma_start3A_1128 = arith.constant 0 : i32
      %dma_start3A_1129 = tpu.memref_slice %arg5[%add3A_1124, %dma_start3A_1128] : memref<100x128xi32, #tpu.memory_space<vmem>> -> memref<1x128xi32, #tpu.memory_space<vmem>>
      %dma_start3A_1130 = tpu.memref_squeeze %dma_start3A_1129 : memref<1x128xi32, #tpu.memory_space<vmem>> -> memref<128xi32, #tpu.memory_space<vmem>>
      %dma_start3A_1131 = arith.constant 0 : i32
      %dma_start3A_1132 = tpu.memref_slice %arg9[%dma_start3A_1131] : memref<640000xf32, #tpu.memory_space<vmem_shared>> -> memref<640000xf32, #tpu.memory_space<vmem_shared>>
      tpu.enqueue_indirect_dma source(%dma_start3A_1127 : memref<128xf32, #tpu.memory_space<vmem>>) target(%dma_start3A_1132 : memref<640000xf32, #tpu.memory_space<vmem_shared>>) offsets(%dma_start3A_1130 : memref<128xi32, #tpu.memory_space<vmem>>) semaphore(%arg15 : memref<!tpu.dma_semaphore, #tpu.memory_space<semaphore_mem>>) {add = true}
      %mul3A_1133 = arith.constant 10 : i32
      %mul3A_1134 = arith.muli %while3A_1059, %mul3A_1133 : i32
      %add3A_1135 = arith.constant 6 : i32
      %add3A_1136 = arith.addi %mul3A_1134, %add3A_1135 : i32
      %mul3A_1137 = arith.constant 128 : i32
      %mul3A_1138 = arith.muli %add3A_1136, %mul3A_1137 : i32
      %dma_start3A_1139 = tpu.memref_slice %arg7[%mul3A_1138] : memref<12800xf32, #tpu.memory_space<vmem>> -> memref<128xf32, #tpu.memory_space<vmem>>
      %dma_start3A_1140 = arith.constant 0 : i32
      %dma_start3A_1141 = tpu.memref_slice %arg5[%add3A_1136, %dma_start3A_1140] : memref<100x128xi32, #tpu.memory_space<vmem>> -> memref<1x128xi32, #tpu.memory_space<vmem>>
      %dma_start3A_1142 = tpu.memref_squeeze %dma_start3A_1141 : memref<1x128xi32, #tpu.memory_space<vmem>> -> memref<128xi32, #tpu.memory_space<vmem>>
      %dma_start3A_1143 = arith.constant 0 : i32
      %dma_start3A_1144 = tpu.memref_slice %arg9[%dma_start3A_1143] : memref<640000xf32, #tpu.memory_space<vmem_shared>> -> memref<640000xf32, #tpu.memory_space<vmem_shared>>
      tpu.enqueue_indirect_dma source(%dma_start3A_1139 : memref<128xf32, #tpu.memory_space<vmem>>) target(%dma_start3A_1144 : memref<640000xf32, #tpu.memory_space<vmem_shared>>) offsets(%dma_start3A_1142 : memref<128xi32, #tpu.memory_space<vmem>>) semaphore(%arg15 : memref<!tpu.dma_semaphore, #tpu.memory_space<semaphore_mem>>) {add = true}
      %mul3A_1145 = arith.constant 10 : i32
      %mul3A_1146 = arith.muli %while3A_1059, %mul3A_1145 : i32
      %add3A_1147 = arith.constant 7 : i32
      %add3A_1148 = arith.addi %mul3A_1146, %add3A_1147 : i32
      %mul3A_1149 = arith.constant 128 : i32
      %mul3A_1150 = arith.muli %add3A_1148, %mul3A_1149 : i32
      %dma_start3A_1151 = tpu.memref_slice %arg7[%mul3A_1150] : memref<12800xf32, #tpu.memory_space<vmem>> -> memref<128xf32, #tpu.memory_space<vmem>>
      %dma_start3A_1152 = arith.constant 0 : i32
      %dma_start3A_1153 = tpu.memref_slice %arg5[%add3A_1148, %dma_start3A_1152] : memref<100x128xi32, #tpu.memory_space<vmem>> -> memref<1x128xi32, #tpu.memory_space<vmem>>
      %dma_start3A_1154 = tpu.memref_squeeze %dma_start3A_1153 : memref<1x128xi32, #tpu.memory_space<vmem>> -> memref<128xi32, #tpu.memory_space<vmem>>
      %dma_start3A_1155 = arith.constant 0 : i32
      %dma_start3A_1156 = tpu.memref_slice %arg9[%dma_start3A_1155] : memref<640000xf32, #tpu.memory_space<vmem_shared>> -> memref<640000xf32, #tpu.memory_space<vmem_shared>>
      tpu.enqueue_indirect_dma source(%dma_start3A_1151 : memref<128xf32, #tpu.memory_space<vmem>>) target(%dma_start3A_1156 : memref<640000xf32, #tpu.memory_space<vmem_shared>>) offsets(%dma_start3A_1154 : memref<128xi32, #tpu.memory_space<vmem>>) semaphore(%arg15 : memref<!tpu.dma_semaphore, #tpu.memory_space<semaphore_mem>>) {add = true}
      %mul3A_1157 = arith.constant 10 : i32
      %mul3A_1158 = arith.muli %while3A_1059, %mul3A_1157 : i32
      %add3A_1159 = arith.constant 8 : i32
      %add3A_1160 = arith.addi %mul3A_1158, %add3A_1159 : i32
      %mul3A_1161 = arith.constant 128 : i32
      %mul3A_1162 = arith.muli %add3A_1160, %mul3A_1161 : i32
      %dma_start3A_1163 = tpu.memref_slice %arg7[%mul3A_1162] : memref<12800xf32, #tpu.memory_space<vmem>> -> memref<128xf32, #tpu.memory_space<vmem>>
      %dma_start3A_1164 = arith.constant 0 : i32
      %dma_start3A_1165 = tpu.memref_slice %arg5[%add3A_1160, %dma_start3A_1164] : memref<100x128xi32, #tpu.memory_space<vmem>> -> memref<1x128xi32, #tpu.memory_space<vmem>>
      %dma_start3A_1166 = tpu.memref_squeeze %dma_start3A_1165 : memref<1x128xi32, #tpu.memory_space<vmem>> -> memref<128xi32, #tpu.memory_space<vmem>>
      %dma_start3A_1167 = arith.constant 0 : i32
      %dma_start3A_1168 = tpu.memref_slice %arg9[%dma_start3A_1167] : memref<640000xf32, #tpu.memory_space<vmem_shared>> -> memref<640000xf32, #tpu.memory_space<vmem_shared>>
      tpu.enqueue_indirect_dma source(%dma_start3A_1163 : memref<128xf32, #tpu.memory_space<vmem>>) target(%dma_start3A_1168 : memref<640000xf32, #tpu.memory_space<vmem_shared>>) offsets(%dma_start3A_1166 : memref<128xi32, #tpu.memory_space<vmem>>) semaphore(%arg15 : memref<!tpu.dma_semaphore, #tpu.memory_space<semaphore_mem>>) {add = true}
      %mul3A_1169 = arith.constant 10 : i32
      %mul3A_1170 = arith.muli %while3A_1059, %mul3A_1169 : i32
      %add3A_1171 = arith.constant 9 : i32
      %add3A_1172 = arith.addi %mul3A_1170, %add3A_1171 : i32
      %mul3A_1173 = arith.constant 128 : i32
      %mul3A_1174 = arith.muli %add3A_1172, %mul3A_1173 : i32
      %dma_start3A_1175 = tpu.memref_slice %arg7[%mul3A_1174] : memref<12800xf32, #tpu.memory_space<vmem>> -> memref<128xf32, #tpu.memory_space<vmem>>
      %dma_start3A_1176 = arith.constant 0 : i32
      %dma_start3A_1177 = tpu.memref_slice %arg5[%add3A_1172, %dma_start3A_1176] : memref<100x128xi32, #tpu.memory_space<vmem>> -> memref<1x128xi32, #tpu.memory_space<vmem>>
      %dma_start3A_1178 = tpu.memref_squeeze %dma_start3A_1177 : memref<1x128xi32, #tpu.memory_space<vmem>> -> memref<128xi32, #tpu.memory_space<vmem>>
      %dma_start3A_1179 = arith.constant 0 : i32
      %dma_start3A_1180 = tpu.memref_slice %arg9[%dma_start3A_1179] : memref<640000xf32, #tpu.memory_space<vmem_shared>> -> memref<640000xf32, #tpu.memory_space<vmem_shared>>
      tpu.enqueue_indirect_dma source(%dma_start3A_1175 : memref<128xf32, #tpu.memory_space<vmem>>) target(%dma_start3A_1180 : memref<640000xf32, #tpu.memory_space<vmem_shared>>) offsets(%dma_start3A_1178 : memref<128xi32, #tpu.memory_space<vmem>>) semaphore(%arg15 : memref<!tpu.dma_semaphore, #tpu.memory_space<semaphore_mem>>) {add = true}
      %mul3A_1181 = arith.constant 10 : i32
      %mul3A_1182 = arith.muli %while3A_1059, %mul3A_1181 : i32
      %add3A_1183 = arith.constant 0 : i32
      %add3A_1184 = arith.addi %mul3A_1182, %add3A_1183 : i32
      %mul3A_1185 = arith.constant 128 : i32
      %mul3A_1186 = arith.muli %add3A_1184, %mul3A_1185 : i32
      %dma_wait3A_1187 = tpu.memref_slice %arg7[%mul3A_1186] : memref<12800xf32, #tpu.memory_space<vmem>> -> memref<128xf32, #tpu.memory_space<vmem>>
      %dma_wait3A_1188 = arith.constant 0 : i32
      %dma_wait3A_1189 = tpu.memref_slice %arg5[%add3A_1184, %dma_wait3A_1188] : memref<100x128xi32, #tpu.memory_space<vmem>> -> memref<1x128xi32, #tpu.memory_space<vmem>>
      %dma_wait3A_1190 = tpu.memref_squeeze %dma_wait3A_1189 : memref<1x128xi32, #tpu.memory_space<vmem>> -> memref<128xi32, #tpu.memory_space<vmem>>
      %dma_wait3A_1191 = arith.constant 0 : i32
      %dma_wait3A_1192 = tpu.memref_slice %arg9[%dma_wait3A_1191] : memref<640000xf32, #tpu.memory_space<vmem_shared>> -> memref<640000xf32, #tpu.memory_space<vmem_shared>>
      tpu.wait_indirect_dma semaphore(%arg15 : memref<!tpu.dma_semaphore, #tpu.memory_space<semaphore_mem>>) src(%dma_wait3A_1187 : memref<128xf32, #tpu.memory_space<vmem>>) dst(%dma_wait3A_1192 : memref<640000xf32, #tpu.memory_space<vmem_shared>>)
      %mul3A_1193 = arith.constant 10 : i32
      %mul3A_1194 = arith.muli %while3A_1059, %mul3A_1193 : i32
      %add3A_1195 = arith.constant 1 : i32
      %add3A_1196 = arith.addi %mul3A_1194, %add3A_1195 : i32
      %mul3A_1197 = arith.constant 128 : i32
      %mul3A_1198 = arith.muli %add3A_1196, %mul3A_1197 : i32
      %dma_wait3A_1199 = tpu.memref_slice %arg7[%mul3A_1198] : memref<12800xf32, #tpu.memory_space<vmem>> -> memref<128xf32, #tpu.memory_space<vmem>>
      %dma_wait3A_1200 = arith.constant 0 : i32
      %dma_wait3A_1201 = tpu.memref_slice %arg5[%add3A_1196, %dma_wait3A_1200] : memref<100x128xi32, #tpu.memory_space<vmem>> -> memref<1x128xi32, #tpu.memory_space<vmem>>
      %dma_wait3A_1202 = tpu.memref_squeeze %dma_wait3A_1201 : memref<1x128xi32, #tpu.memory_space<vmem>> -> memref<128xi32, #tpu.memory_space<vmem>>
      %dma_wait3A_1203 = arith.constant 0 : i32
      %dma_wait3A_1204 = tpu.memref_slice %arg9[%dma_wait3A_1203] : memref<640000xf32, #tpu.memory_space<vmem_shared>> -> memref<640000xf32, #tpu.memory_space<vmem_shared>>
      tpu.wait_indirect_dma semaphore(%arg15 : memref<!tpu.dma_semaphore, #tpu.memory_space<semaphore_mem>>) src(%dma_wait3A_1199 : memref<128xf32, #tpu.memory_space<vmem>>) dst(%dma_wait3A_1204 : memref<640000xf32, #tpu.memory_space<vmem_shared>>)
      %mul3A_1205 = arith.constant 10 : i32
      %mul3A_1206 = arith.muli %while3A_1059, %mul3A_1205 : i32
      %add3A_1207 = arith.constant 2 : i32
      %add3A_1208 = arith.addi %mul3A_1206, %add3A_1207 : i32
      %mul3A_1209 = arith.constant 128 : i32
      %mul3A_1210 = arith.muli %add3A_1208, %mul3A_1209 : i32
      %dma_wait3A_1211 = tpu.memref_slice %arg7[%mul3A_1210] : memref<12800xf32, #tpu.memory_space<vmem>> -> memref<128xf32, #tpu.memory_space<vmem>>
      %dma_wait3A_1212 = arith.constant 0 : i32
      %dma_wait3A_1213 = tpu.memref_slice %arg5[%add3A_1208, %dma_wait3A_1212] : memref<100x128xi32, #tpu.memory_space<vmem>> -> memref<1x128xi32, #tpu.memory_space<vmem>>
      %dma_wait3A_1214 = tpu.memref_squeeze %dma_wait3A_1213 : memref<1x128xi32, #tpu.memory_space<vmem>> -> memref<128xi32, #tpu.memory_space<vmem>>
      %dma_wait3A_1215 = arith.constant 0 : i32
      %dma_wait3A_1216 = tpu.memref_slice %arg9[%dma_wait3A_1215] : memref<640000xf32, #tpu.memory_space<vmem_shared>> -> memref<640000xf32, #tpu.memory_space<vmem_shared>>
      tpu.wait_indirect_dma semaphore(%arg15 : memref<!tpu.dma_semaphore, #tpu.memory_space<semaphore_mem>>) src(%dma_wait3A_1211 : memref<128xf32, #tpu.memory_space<vmem>>) dst(%dma_wait3A_1216 : memref<640000xf32, #tpu.memory_space<vmem_shared>>)
      %mul3A_1217 = arith.constant 10 : i32
      %mul3A_1218 = arith.muli %while3A_1059, %mul3A_1217 : i32
      %add3A_1219 = arith.constant 3 : i32
      %add3A_1220 = arith.addi %mul3A_1218, %add3A_1219 : i32
      %mul3A_1221 = arith.constant 128 : i32
      %mul3A_1222 = arith.muli %add3A_1220, %mul3A_1221 : i32
      %dma_wait3A_1223 = tpu.memref_slice %arg7[%mul3A_1222] : memref<12800xf32, #tpu.memory_space<vmem>> -> memref<128xf32, #tpu.memory_space<vmem>>
      %dma_wait3A_1224 = arith.constant 0 : i32
      %dma_wait3A_1225 = tpu.memref_slice %arg5[%add3A_1220, %dma_wait3A_1224] : memref<100x128xi32, #tpu.memory_space<vmem>> -> memref<1x128xi32, #tpu.memory_space<vmem>>
      %dma_wait3A_1226 = tpu.memref_squeeze %dma_wait3A_1225 : memref<1x128xi32, #tpu.memory_space<vmem>> -> memref<128xi32, #tpu.memory_space<vmem>>
      %dma_wait3A_1227 = arith.constant 0 : i32
      %dma_wait3A_1228 = tpu.memref_slice %arg9[%dma_wait3A_1227] : memref<640000xf32, #tpu.memory_space<vmem_shared>> -> memref<640000xf32, #tpu.memory_space<vmem_shared>>
      tpu.wait_indirect_dma semaphore(%arg15 : memref<!tpu.dma_semaphore, #tpu.memory_space<semaphore_mem>>) src(%dma_wait3A_1223 : memref<128xf32, #tpu.memory_space<vmem>>) dst(%dma_wait3A_1228 : memref<640000xf32, #tpu.memory_space<vmem_shared>>)
      %mul3A_1229 = arith.constant 10 : i32
      %mul3A_1230 = arith.muli %while3A_1059, %mul3A_1229 : i32
      %add3A_1231 = arith.constant 4 : i32
      %add3A_1232 = arith.addi %mul3A_1230, %add3A_1231 : i32
      %mul3A_1233 = arith.constant 128 : i32
      %mul3A_1234 = arith.muli %add3A_1232, %mul3A_1233 : i32
      %dma_wait3A_1235 = tpu.memref_slice %arg7[%mul3A_1234] : memref<12800xf32, #tpu.memory_space<vmem>> -> memref<128xf32, #tpu.memory_space<vmem>>
      %dma_wait3A_1236 = arith.constant 0 : i32
      %dma_wait3A_1237 = tpu.memref_slice %arg5[%add3A_1232, %dma_wait3A_1236] : memref<100x128xi32, #tpu.memory_space<vmem>> -> memref<1x128xi32, #tpu.memory_space<vmem>>
      %dma_wait3A_1238 = tpu.memref_squeeze %dma_wait3A_1237 : memref<1x128xi32, #tpu.memory_space<vmem>> -> memref<128xi32, #tpu.memory_space<vmem>>
      %dma_wait3A_1239 = arith.constant 0 : i32
      %dma_wait3A_1240 = tpu.memref_slice %arg9[%dma_wait3A_1239] : memref<640000xf32, #tpu.memory_space<vmem_shared>> -> memref<640000xf32, #tpu.memory_space<vmem_shared>>
      tpu.wait_indirect_dma semaphore(%arg15 : memref<!tpu.dma_semaphore, #tpu.memory_space<semaphore_mem>>) src(%dma_wait3A_1235 : memref<128xf32, #tpu.memory_space<vmem>>) dst(%dma_wait3A_1240 : memref<640000xf32, #tpu.memory_space<vmem_shared>>)
      %mul3A_1241 = arith.constant 10 : i32
      %mul3A_1242 = arith.muli %while3A_1059, %mul3A_1241 : i32
      %add3A_1243 = arith.constant 5 : i32
      %add3A_1244 = arith.addi %mul3A_1242, %add3A_1243 : i32
      %mul3A_1245 = arith.constant 128 : i32
      %mul3A_1246 = arith.muli %add3A_1244, %mul3A_1245 : i32
      %dma_wait3A_1247 = tpu.memref_slice %arg7[%mul3A_1246] : memref<12800xf32, #tpu.memory_space<vmem>> -> memref<128xf32, #tpu.memory_space<vmem>>
      %dma_wait3A_1248 = arith.constant 0 : i32
      %dma_wait3A_1249 = tpu.memref_slice %arg5[%add3A_1244, %dma_wait3A_1248] : memref<100x128xi32, #tpu.memory_space<vmem>> -> memref<1x128xi32, #tpu.memory_space<vmem>>
      %dma_wait3A_1250 = tpu.memref_squeeze %dma_wait3A_1249 : memref<1x128xi32, #tpu.memory_space<vmem>> -> memref<128xi32, #tpu.memory_space<vmem>>
      %dma_wait3A_1251 = arith.constant 0 : i32
      %dma_wait3A_1252 = tpu.memref_slice %arg9[%dma_wait3A_1251] : memref<640000xf32, #tpu.memory_space<vmem_shared>> -> memref<640000xf32, #tpu.memory_space<vmem_shared>>
      tpu.wait_indirect_dma semaphore(%arg15 : memref<!tpu.dma_semaphore, #tpu.memory_space<semaphore_mem>>) src(%dma_wait3A_1247 : memref<128xf32, #tpu.memory_space<vmem>>) dst(%dma_wait3A_1252 : memref<640000xf32, #tpu.memory_space<vmem_shared>>)
      %mul3A_1253 = arith.constant 10 : i32
      %mul3A_1254 = arith.muli %while3A_1059, %mul3A_1253 : i32
      %add3A_1255 = arith.constant 6 : i32
      %add3A_1256 = arith.addi %mul3A_1254, %add3A_1255 : i32
      %mul3A_1257 = arith.constant 128 : i32
      %mul3A_1258 = arith.muli %add3A_1256, %mul3A_1257 : i32
      %dma_wait3A_1259 = tpu.memref_slice %arg7[%mul3A_1258] : memref<12800xf32, #tpu.memory_space<vmem>> -> memref<128xf32, #tpu.memory_space<vmem>>
      %dma_wait3A_1260 = arith.constant 0 : i32
      %dma_wait3A_1261 = tpu.memref_slice %arg5[%add3A_1256, %dma_wait3A_1260] : memref<100x128xi32, #tpu.memory_space<vmem>> -> memref<1x128xi32, #tpu.memory_space<vmem>>
      %dma_wait3A_1262 = tpu.memref_squeeze %dma_wait3A_1261 : memref<1x128xi32, #tpu.memory_space<vmem>> -> memref<128xi32, #tpu.memory_space<vmem>>
      %dma_wait3A_1263 = arith.constant 0 : i32
      %dma_wait3A_1264 = tpu.memref_slice %arg9[%dma_wait3A_1263] : memref<640000xf32, #tpu.memory_space<vmem_shared>> -> memref<640000xf32, #tpu.memory_space<vmem_shared>>
      tpu.wait_indirect_dma semaphore(%arg15 : memref<!tpu.dma_semaphore, #tpu.memory_space<semaphore_mem>>) src(%dma_wait3A_1259 : memref<128xf32, #tpu.memory_space<vmem>>) dst(%dma_wait3A_1264 : memref<640000xf32, #tpu.memory_space<vmem_shared>>)
      %mul3A_1265 = arith.constant 10 : i32
      %mul3A_1266 = arith.muli %while3A_1059, %mul3A_1265 : i32
      %add3A_1267 = arith.constant 7 : i32
      %add3A_1268 = arith.addi %mul3A_1266, %add3A_1267 : i32
      %mul3A_1269 = arith.constant 128 : i32
      %mul3A_1270 = arith.muli %add3A_1268, %mul3A_1269 : i32
      %dma_wait3A_1271 = tpu.memref_slice %arg7[%mul3A_1270] : memref<12800xf32, #tpu.memory_space<vmem>> -> memref<128xf32, #tpu.memory_space<vmem>>
      %dma_wait3A_1272 = arith.constant 0 : i32
      %dma_wait3A_1273 = tpu.memref_slice %arg5[%add3A_1268, %dma_wait3A_1272] : memref<100x128xi32, #tpu.memory_space<vmem>> -> memref<1x128xi32, #tpu.memory_space<vmem>>
      %dma_wait3A_1274 = tpu.memref_squeeze %dma_wait3A_1273 : memref<1x128xi32, #tpu.memory_space<vmem>> -> memref<128xi32, #tpu.memory_space<vmem>>
      %dma_wait3A_1275 = arith.constant 0 : i32
      %dma_wait3A_1276 = tpu.memref_slice %arg9[%dma_wait3A_1275] : memref<640000xf32, #tpu.memory_space<vmem_shared>> -> memref<640000xf32, #tpu.memory_space<vmem_shared>>
      tpu.wait_indirect_dma semaphore(%arg15 : memref<!tpu.dma_semaphore, #tpu.memory_space<semaphore_mem>>) src(%dma_wait3A_1271 : memref<128xf32, #tpu.memory_space<vmem>>) dst(%dma_wait3A_1276 : memref<640000xf32, #tpu.memory_space<vmem_shared>>)
      %mul3A_1277 = arith.constant 10 : i32
      %mul3A_1278 = arith.muli %while3A_1059, %mul3A_1277 : i32
      %add3A_1279 = arith.constant 8 : i32
      %add3A_1280 = arith.addi %mul3A_1278, %add3A_1279 : i32
      %mul3A_1281 = arith.constant 128 : i32
      %mul3A_1282 = arith.muli %add3A_1280, %mul3A_1281 : i32
      %dma_wait3A_1283 = tpu.memref_slice %arg7[%mul3A_1282] : memref<12800xf32, #tpu.memory_space<vmem>> -> memref<128xf32, #tpu.memory_space<vmem>>
      %dma_wait3A_1284 = arith.constant 0 : i32
      %dma_wait3A_1285 = tpu.memref_slice %arg5[%add3A_1280, %dma_wait3A_1284] : memref<100x128xi32, #tpu.memory_space<vmem>> -> memref<1x128xi32, #tpu.memory_space<vmem>>
      %dma_wait3A_1286 = tpu.memref_squeeze %dma_wait3A_1285 : memref<1x128xi32, #tpu.memory_space<vmem>> -> memref<128xi32, #tpu.memory_space<vmem>>
      %dma_wait3A_1287 = arith.constant 0 : i32
      %dma_wait3A_1288 = tpu.memref_slice %arg9[%dma_wait3A_1287] : memref<640000xf32, #tpu.memory_space<vmem_shared>> -> memref<640000xf32, #tpu.memory_space<vmem_shared>>
      tpu.wait_indirect_dma semaphore(%arg15 : memref<!tpu.dma_semaphore, #tpu.memory_space<semaphore_mem>>) src(%dma_wait3A_1283 : memref<128xf32, #tpu.memory_space<vmem>>) dst(%dma_wait3A_1288 : memref<640000xf32, #tpu.memory_space<vmem_shared>>)
      %mul3A_1289 = arith.constant 10 : i32
      %mul3A_1290 = arith.muli %while3A_1059, %mul3A_1289 : i32
      %add3A_1291 = arith.constant 9 : i32
      %add3A_1292 = arith.addi %mul3A_1290, %add3A_1291 : i32
      %mul3A_1293 = arith.constant 128 : i32
      %mul3A_1294 = arith.muli %add3A_1292, %mul3A_1293 : i32
      %dma_wait3A_1295 = tpu.memref_slice %arg7[%mul3A_1294] : memref<12800xf32, #tpu.memory_space<vmem>> -> memref<128xf32, #tpu.memory_space<vmem>>
      %dma_wait3A_1296 = arith.constant 0 : i32
      %dma_wait3A_1297 = tpu.memref_slice %arg5[%add3A_1292, %dma_wait3A_1296] : memref<100x128xi32, #tpu.memory_space<vmem>> -> memref<1x128xi32, #tpu.memory_space<vmem>>
      %dma_wait3A_1298 = tpu.memref_squeeze %dma_wait3A_1297 : memref<1x128xi32, #tpu.memory_space<vmem>> -> memref<128xi32, #tpu.memory_space<vmem>>
      %dma_wait3A_1299 = arith.constant 0 : i32
      %dma_wait3A_1300 = tpu.memref_slice %arg9[%dma_wait3A_1299] : memref<640000xf32, #tpu.memory_space<vmem_shared>> -> memref<640000xf32, #tpu.memory_space<vmem_shared>>
      tpu.wait_indirect_dma semaphore(%arg15 : memref<!tpu.dma_semaphore, #tpu.memory_space<semaphore_mem>>) src(%dma_wait3A_1295 : memref<128xf32, #tpu.memory_space<vmem>>) dst(%dma_wait3A_1300 : memref<640000xf32, #tpu.memory_space<vmem_shared>>)
      %while3A_1301 = arith.constant 0 : i32
      scf.yield %while3A_1301 : i32
    }
    %while3A_782 = arith.constant 1 : i32
    %while3A_783 = scf.for %while3A_1059 = %while3A_779 to %while3A_775 step %while3A_782 iter_args(%while3A_1060 = %while3A_781) -> (i32)  : i32 {
      %mul3A_1061 = arith.constant 10 : i32
      %mul3A_1062 = arith.muli %while3A_1059, %mul3A_1061 : i32
      %add3A_1063 = arith.constant 0 : i32
      %add3A_1064 = arith.addi %mul3A_1062, %add3A_1063 : i32
      %mul3A_1065 = arith.constant 128 : i32
      %mul3A_1066 = arith.muli %add3A_1064, %mul3A_1065 : i32
      %dma_start3A_1067 = tpu.memref_slice %arg7[%mul3A_1066] : memref<12800xf32, #tpu.memory_space<vmem>> -> memref<128xf32, #tpu.memory_space<vmem>>
      %dma_start3A_1068 = arith.constant 0 : i32
      %dma_start3A_1069 = tpu.memref_slice %arg5[%add3A_1064, %dma_start3A_1068] : memref<100x128xi32, #tpu.memory_space<vmem>> -> memref<1x128xi32, #tpu.memory_space<vmem>>
      %dma_start3A_1070 = tpu.memref_squeeze %dma_start3A_1069 : memref<1x128xi32, #tpu.memory_space<vmem>> -> memref<128xi32, #tpu.memory_space<vmem>>
      %dma_start3A_1071 = arith.constant 0 : i32
      %dma_start3A_1072 = tpu.memref_slice %arg9[%dma_start3A_1071] : memref<640000xf32, #tpu.memory_space<vmem_shared>> -> memref<640000xf32, #tpu.memory_space<vmem_shared>>
      tpu.enqueue_indirect_dma source(%dma_start3A_1067 : memref<128xf32, #tpu.memory_space<vmem>>) target(%dma_start3A_1072 : memref<640000xf32, #tpu.memory_space<vmem_shared>>) offsets(%dma_start3A_1070 : memref<128xi32, #tpu.memory_space<vmem>>) semaphore(%arg15 : memref<!tpu.dma_semaphore, #tpu.memory_space<semaphore_mem>>) {add = true}
      %mul3A_1073 = arith.constant 10 : i32
      %mul3A_1074 = arith.muli %while3A_1059, %mul3A_1073 : i32
      %add3A_1075 = arith.constant 1 : i32
      %add3A_1076 = arith.addi %mul3A_1074, %add3A_1075 : i32
      %mul3A_1077 = arith.constant 128 : i32
      %mul3A_1078 = arith.muli %add3A_1076, %mul3A_1077 : i32
      %dma_start3A_1079 = tpu.memref_slice %arg7[%mul3A_1078] : memref<12800xf32, #tpu.memory_space<vmem>> -> memref<128xf32, #tpu.memory_space<vmem>>
      %dma_start3A_1080 = arith.constant 0 : i32
      %dma_start3A_1081 = tpu.memref_slice %arg5[%add3A_1076, %dma_start3A_1080] : memref<100x128xi32, #tpu.memory_space<vmem>> -> memref<1x128xi32, #tpu.memory_space<vmem>>
      %dma_start3A_1082 = tpu.memref_squeeze %dma_start3A_1081 : memref<1x128xi32, #tpu.memory_space<vmem>> -> memref<128xi32, #tpu.memory_space<vmem>>
      %dma_start3A_1083 = arith.constant 0 : i32
      %dma_start3A_1084 = tpu.memref_slice %arg9[%dma_start3A_1083] : memref<640000xf32, #tpu.memory_space<vmem_shared>> -> memref<640000xf32, #tpu.memory_space<vmem_shared>>
      tpu.enqueue_indirect_dma source(%dma_start3A_1079 : memref<128xf32, #tpu.memory_space<vmem>>) target(%dma_start3A_1084 : memref<640000xf32, #tpu.memory_space<vmem_shared>>) offsets(%dma_start3A_1082 : memref<128xi32, #tpu.memory_space<vmem>>) semaphore(%arg15 : memref<!tpu.dma_semaphore, #tpu.memory_space<semaphore_mem>>) {add = true}
      %mul3A_1085 = arith.constant 10 : i32
      %mul3A_1086 = arith.muli %while3A_1059, %mul3A_1085 : i32
      %add3A_1087 = arith.constant 2 : i32
      %add3A_1088 = arith.addi %mul3A_1086, %add3A_1087 : i32
      %mul3A_1089 = arith.constant 128 : i32
      %mul3A_1090 = arith.muli %add3A_1088, %mul3A_1089 : i32
      %dma_start3A_1091 = tpu.memref_slice %arg7[%mul3A_1090] : memref<12800xf32, #tpu.memory_space<vmem>> -> memref<128xf32, #tpu.memory_space<vmem>>
      %dma_start3A_1092 = arith.constant 0 : i32
      %dma_start3A_1093 = tpu.memref_slice %arg5[%add3A_1088, %dma_start3A_1092] : memref<100x128xi32, #tpu.memory_space<vmem>> -> memref<1x128xi32, #tpu.memory_space<vmem>>
      %dma_start3A_1094 = tpu.memref_squeeze %dma_start3A_1093 : memref<1x128xi32, #tpu.memory_space<vmem>> -> memref<128xi32, #tpu.memory_space<vmem>>
      %dma_start3A_1095 = arith.constant 0 : i32
      %dma_start3A_1096 = tpu.memref_slice %arg9[%dma_start3A_1095] : memref<640000xf32, #tpu.memory_space<vmem_shared>> -> memref<640000xf32, #tpu.memory_space<vmem_shared>>
      tpu.enqueue_indirect_dma source(%dma_start3A_1091 : memref<128xf32, #tpu.memory_space<vmem>>) target(%dma_start3A_1096 : memref<640000xf32, #tpu.memory_space<vmem_shared>>) offsets(%dma_start3A_1094 : memref<128xi32, #tpu.memory_space<vmem>>) semaphore(%arg15 : memref<!tpu.dma_semaphore, #tpu.memory_space<semaphore_mem>>) {add = true}
      %mul3A_1097 = arith.constant 10 : i32
      %mul3A_1098 = arith.muli %while3A_1059, %mul3A_1097 : i32
      %add3A_1099 = arith.constant 3 : i32
      %add3A_1100 = arith.addi %mul3A_1098, %add3A_1099 : i32
      %mul3A_1101 = arith.constant 128 : i32
      %mul3A_1102 = arith.muli %add3A_1100, %mul3A_1101 : i32
      %dma_start3A_1103 = tpu.memref_slice %arg7[%mul3A_1102] : memref<12800xf32, #tpu.memory_space<vmem>> -> memref<128xf32, #tpu.memory_space<vmem>>
      %dma_start3A_1104 = arith.constant 0 : i32
      %dma_start3A_1105 = tpu.memref_slice %arg5[%add3A_1100, %dma_start3A_1104] : memref<100x128xi32, #tpu.memory_space<vmem>> -> memref<1x128xi32, #tpu.memory_space<vmem>>
      %dma_start3A_1106 = tpu.memref_squeeze %dma_start3A_1105 : memref<1x128xi32, #tpu.memory_space<vmem>> -> memref<128xi32, #tpu.memory_space<vmem>>
      %dma_start3A_1107 = arith.constant 0 : i32
      %dma_start3A_1108 = tpu.memref_slice %arg9[%dma_start3A_1107] : memref<640000xf32, #tpu.memory_space<vmem_shared>> -> memref<640000xf32, #tpu.memory_space<vmem_shared>>
      tpu.enqueue_indirect_dma source(%dma_start3A_1103 : memref<128xf32, #tpu.memory_space<vmem>>) target(%dma_start3A_1108 : memref<640000xf32, #tpu.memory_space<vmem_shared>>) offsets(%dma_start3A_1106 : memref<128xi32, #tpu.memory_space<vmem>>) semaphore(%arg15 : memref<!tpu.dma_semaphore, #tpu.memory_space<semaphore_mem>>) {add = true}
      %mul3A_1109 = arith.constant 10 : i32
      %mul3A_1110 = arith.muli %while3A_1059, %mul3A_1109 : i32
      %add3A_1111 = arith.constant 4 : i32
      %add3A_1112 = arith.addi %mul3A_1110, %add3A_1111 : i32
      %mul3A_1113 = arith.constant 128 : i32
      %mul3A_1114 = arith.muli %add3A_1112, %mul3A_1113 : i32
      %dma_start3A_1115 = tpu.memref_slice %arg7[%mul3A_1114] : memref<12800xf32, #tpu.memory_space<vmem>> -> memref<128xf32, #tpu.memory_space<vmem>>
      %dma_start3A_1116 = arith.constant 0 : i32
      %dma_start3A_1117 = tpu.memref_slice %arg5[%add3A_1112, %dma_start3A_1116] : memref<100x128xi32, #tpu.memory_space<vmem>> -> memref<1x128xi32, #tpu.memory_space<vmem>>
      %dma_start3A_1118 = tpu.memref_squeeze %dma_start3A_1117 : memref<1x128xi32, #tpu.memory_space<vmem>> -> memref<128xi32, #tpu.memory_space<vmem>>
      %dma_start3A_1119 = arith.constant 0 : i32
      %dma_start3A_1120 = tpu.memref_slice %arg9[%dma_start3A_1119] : memref<640000xf32, #tpu.memory_space<vmem_shared>> -> memref<640000xf32, #tpu.memory_space<vmem_shared>>
      tpu.enqueue_indirect_dma source(%dma_start3A_1115 : memref<128xf32, #tpu.memory_space<vmem>>) target(%dma_start3A_1120 : memref<640000xf32, #tpu.memory_space<vmem_shared>>) offsets(%dma_start3A_1118 : memref<128xi32, #tpu.memory_space<vmem>>) semaphore(%arg15 : memref<!tpu.dma_semaphore, #tpu.memory_space<semaphore_mem>>) {add = true}
      %mul3A_1121 = arith.constant 10 : i32
      %mul3A_1122 = arith.muli %while3A_1059, %mul3A_1121 : i32
      %add3A_1123 = arith.constant 5 : i32
      %add3A_1124 = arith.addi %mul3A_1122, %add3A_1123 : i32
      %mul3A_1125 = arith.constant 128 : i32
      %mul3A_1126 = arith.muli %add3A_1124, %mul3A_1125 : i32
      %dma_start3A_1127 = tpu.memref_slice %arg7[%mul3A_1126] : memref<12800xf32, #tpu.memory_space<vmem>> -> memref<128xf32, #tpu.memory_space<vmem>>
      %dma_start3A_1128 = arith.constant 0 : i32
      %dma_start3A_1129 = tpu.memref_slice %arg5[%add3A_1124, %dma_start3A_1128] : memref<100x128xi32, #tpu.memory_space<vmem>> -> memref<1x128xi32, #tpu.memory_space<vmem>>
      %dma_start3A_1130 = tpu.memref_squeeze %dma_start3A_1129 : memref<1x128xi32, #tpu.memory_space<vmem>> -> memref<128xi32, #tpu.memory_space<vmem>>
      %dma_start3A_1131 = arith.constant 0 : i32
      %dma_start3A_1132 = tpu.memref_slice %arg9[%dma_start3A_1131] : memref<640000xf32, #tpu.memory_space<vmem_shared>> -> memref<640000xf32, #tpu.memory_space<vmem_shared>>
      tpu.enqueue_indirect_dma source(%dma_start3A_1127 : memref<128xf32, #tpu.memory_space<vmem>>) target(%dma_start3A_1132 : memref<640000xf32, #tpu.memory_space<vmem_shared>>) offsets(%dma_start3A_1130 : memref<128xi32, #tpu.memory_space<vmem>>) semaphore(%arg15 : memref<!tpu.dma_semaphore, #tpu.memory_space<semaphore_mem>>) {add = true}
      %mul3A_1133 = arith.constant 10 : i32
      %mul3A_1134 = arith.muli %while3A_1059, %mul3A_1133 : i32
      %add3A_1135 = arith.constant 6 : i32
      %add3A_1136 = arith.addi %mul3A_1134, %add3A_1135 : i32
      %mul3A_1137 = arith.constant 128 : i32
      %mul3A_1138 = arith.muli %add3A_1136, %mul3A_1137 : i32
      %dma_start3A_1139 = tpu.memref_slice %arg7[%mul3A_1138] : memref<12800xf32, #tpu.memory_space<vmem>> -> memref<128xf32, #tpu.memory_space<vmem>>
      %dma_start3A_1140 = arith.constant 0 : i32
      %dma_start3A_1141 = tpu.memref_slice %arg5[%add3A_1136, %dma_start3A_1140] : memref<100x128xi32, #tpu.memory_space<vmem>> -> memref<1x128xi32, #tpu.memory_space<vmem>>
      %dma_start3A_1142 = tpu.memref_squeeze %dma_start3A_1141 : memref<1x128xi32, #tpu.memory_space<vmem>> -> memref<128xi32, #tpu.memory_space<vmem>>
      %dma_start3A_1143 = arith.constant 0 : i32
      %dma_start3A_1144 = tpu.memref_slice %arg9[%dma_start3A_1143] : memref<640000xf32, #tpu.memory_space<vmem_shared>> -> memref<640000xf32, #tpu.memory_space<vmem_shared>>
      tpu.enqueue_indirect_dma source(%dma_start3A_1139 : memref<128xf32, #tpu.memory_space<vmem>>) target(%dma_start3A_1144 : memref<640000xf32, #tpu.memory_space<vmem_shared>>) offsets(%dma_start3A_1142 : memref<128xi32, #tpu.memory_space<vmem>>) semaphore(%arg15 : memref<!tpu.dma_semaphore, #tpu.memory_space<semaphore_mem>>) {add = true}
      %mul3A_1145 = arith.constant 10 : i32
      %mul3A_1146 = arith.muli %while3A_1059, %mul3A_1145 : i32
      %add3A_1147 = arith.constant 7 : i32
      %add3A_1148 = arith.addi %mul3A_1146, %add3A_1147 : i32
      %mul3A_1149 = arith.constant 128 : i32
      %mul3A_1150 = arith.muli %add3A_1148, %mul3A_1149 : i32
      %dma_start3A_1151 = tpu.memref_slice %arg7[%mul3A_1150] : memref<12800xf32, #tpu.memory_space<vmem>> -> memref<128xf32, #tpu.memory_space<vmem>>
      %dma_start3A_1152 = arith.constant 0 : i32
      %dma_start3A_1153 = tpu.memref_slice %arg5[%add3A_1148, %dma_start3A_1152] : memref<100x128xi32, #tpu.memory_space<vmem>> -> memref<1x128xi32, #tpu.memory_space<vmem>>
      %dma_start3A_1154 = tpu.memref_squeeze %dma_start3A_1153 : memref<1x128xi32, #tpu.memory_space<vmem>> -> memref<128xi32, #tpu.memory_space<vmem>>
      %dma_start3A_1155 = arith.constant 0 : i32
      %dma_start3A_1156 = tpu.memref_slice %arg9[%dma_start3A_1155] : memref<640000xf32, #tpu.memory_space<vmem_shared>> -> memref<640000xf32, #tpu.memory_space<vmem_shared>>
      tpu.enqueue_indirect_dma source(%dma_start3A_1151 : memref<128xf32, #tpu.memory_space<vmem>>) target(%dma_start3A_1156 : memref<640000xf32, #tpu.memory_space<vmem_shared>>) offsets(%dma_start3A_1154 : memref<128xi32, #tpu.memory_space<vmem>>) semaphore(%arg15 : memref<!tpu.dma_semaphore, #tpu.memory_space<semaphore_mem>>) {add = true}
      %mul3A_1157 = arith.constant 10 : i32
      %mul3A_1158 = arith.muli %while3A_1059, %mul3A_1157 : i32
      %add3A_1159 = arith.constant 8 : i32
      %add3A_1160 = arith.addi %mul3A_1158, %add3A_1159 : i32
      %mul3A_1161 = arith.constant 128 : i32
      %mul3A_1162 = arith.muli %add3A_1160, %mul3A_1161 : i32
      %dma_start3A_1163 = tpu.memref_slice %arg7[%mul3A_1162] : memref<12800xf32, #tpu.memory_space<vmem>> -> memref<128xf32, #tpu.memory_space<vmem>>
      %dma_start3A_1164 = arith.constant 0 : i32
      %dma_start3A_1165 = tpu.memref_slice %arg5[%add3A_1160, %dma_start3A_1164] : memref<100x128xi32, #tpu.memory_space<vmem>> -> memref<1x128xi32, #tpu.memory_space<vmem>>
      %dma_start3A_1166 = tpu.memref_squeeze %dma_start3A_1165 : memref<1x128xi32, #tpu.memory_space<vmem>> -> memref<128xi32, #tpu.memory_space<vmem>>
      %dma_start3A_1167 = arith.constant 0 : i32
      %dma_start3A_1168 = tpu.memref_slice %arg9[%dma_start3A_1167] : memref<640000xf32, #tpu.memory_space<vmem_shared>> -> memref<640000xf32, #tpu.memory_space<vmem_shared>>
      tpu.enqueue_indirect_dma source(%dma_start3A_1163 : memref<128xf32, #tpu.memory_space<vmem>>) target(%dma_start3A_1168 : memref<640000xf32, #tpu.memory_space<vmem_shared>>) offsets(%dma_start3A_1166 : memref<128xi32, #tpu.memory_space<vmem>>) semaphore(%arg15 : memref<!tpu.dma_semaphore, #tpu.memory_space<semaphore_mem>>) {add = true}
      %mul3A_1169 = arith.constant 10 : i32
      %mul3A_1170 = arith.muli %while3A_1059, %mul3A_1169 : i32
      %add3A_1171 = arith.constant 9 : i32
      %add3A_1172 = arith.addi %mul3A_1170, %add3A_1171 : i32
      %mul3A_1173 = arith.constant 128 : i32
      %mul3A_1174 = arith.muli %add3A_1172, %mul3A_1173 : i32
      %dma_start3A_1175 = tpu.memref_slice %arg7[%mul3A_1174] : memref<12800xf32, #tpu.memory_space<vmem>> -> memref<128xf32, #tpu.memory_space<vmem>>
      %dma_start3A_1176 = arith.constant 0 : i32
      %dma_start3A_1177 = tpu.memref_slice %arg5[%add3A_1172, %dma_start3A_1176] : memref<100x128xi32, #tpu.memory_space<vmem>> -> memref<1x128xi32, #tpu.memory_space<vmem>>
      %dma_start3A_1178 = tpu.memref_squeeze %dma_start3A_1177 : memref<1x128xi32, #tpu.memory_space<vmem>> -> memref<128xi32, #tpu.memory_space<vmem>>
      %dma_start3A_1179 = arith.constant 0 : i32
      %dma_start3A_1180 = tpu.memref_slice %arg9[%dma_start3A_1179] : memref<640000xf32, #tpu.memory_space<vmem_shared>> -> memref<640000xf32, #tpu.memory_space<vmem_shared>>
      tpu.enqueue_indirect_dma source(%dma_start3A_1175 : memref<128xf32, #tpu.memory_space<vmem>>) target(%dma_start3A_1180 : memref<640000xf32, #tpu.memory_space<vmem_shared>>) offsets(%dma_start3A_1178 : memref<128xi32, #tpu.memory_space<vmem>>) semaphore(%arg15 : memref<!tpu.dma_semaphore, #tpu.memory_space<semaphore_mem>>) {add = true}
      %mul3A_1181 = arith.constant 10 : i32
      %mul3A_1182 = arith.muli %while3A_1059, %mul3A_1181 : i32
      %add3A_1183 = arith.constant 0 : i32
      %add3A_1184 = arith.addi %mul3A_1182, %add3A_1183 : i32
      %mul3A_1185 = arith.constant 128 : i32
      %mul3A_1186 = arith.muli %add3A_1184, %mul3A_1185 : i32
      %dma_wait3A_1187 = tpu.memref_slice %arg7[%mul3A_1186] : memref<12800xf32, #tpu.memory_space<vmem>> -> memref<128xf32, #tpu.memory_space<vmem>>
      %dma_wait3A_1188 = arith.constant 0 : i32
      %dma_wait3A_1189 = tpu.memref_slice %arg5[%add3A_1184, %dma_wait3A_1188] : memref<100x128xi32, #tpu.memory_space<vmem>> -> memref<1x128xi32, #tpu.memory_space<vmem>>
      %dma_wait3A_1190 = tpu.memref_squeeze %dma_wait3A_1189 : memref<1x128xi32, #tpu.memory_space<vmem>> -> memref<128xi32, #tpu.memory_space<vmem>>
      %dma_wait3A_1191 = arith.constant 0 : i32
      %dma_wait3A_1192 = tpu.memref_slice %arg9[%dma_wait3A_1191] : memref<640000xf32, #tpu.memory_space<vmem_shared>> -> memref<640000xf32, #tpu.memory_space<vmem_shared>>
      tpu.wait_indirect_dma semaphore(%arg15 : memref<!tpu.dma_semaphore, #tpu.memory_space<semaphore_mem>>) src(%dma_wait3A_1187 : memref<128xf32, #tpu.memory_space<vmem>>) dst(%dma_wait3A_1192 : memref<640000xf32, #tpu.memory_space<vmem_shared>>)
      %mul3A_1193 = arith.constant 10 : i32
      %mul3A_1194 = arith.muli %while3A_1059, %mul3A_1193 : i32
      %add3A_1195 = arith.constant 1 : i32
      %add3A_1196 = arith.addi %mul3A_1194, %add3A_1195 : i32
      %mul3A_1197 = arith.constant 128 : i32
      %mul3A_1198 = arith.muli %add3A_1196, %mul3A_1197 : i32
      %dma_wait3A_1199 = tpu.memref_slice %arg7[%mul3A_1198] : memref<12800xf32, #tpu.memory_space<vmem>> -> memref<128xf32, #tpu.memory_space<vmem>>
      %dma_wait3A_1200 = arith.constant 0 : i32
      %dma_wait3A_1201 = tpu.memref_slice %arg5[%add3A_1196, %dma_wait3A_1200] : memref<100x128xi32, #tpu.memory_space<vmem>> -> memref<1x128xi32, #tpu.memory_space<vmem>>
      %dma_wait3A_1202 = tpu.memref_squeeze %dma_wait3A_1201 : memref<1x128xi32, #tpu.memory_space<vmem>> -> memref<128xi32, #tpu.memory_space<vmem>>
      %dma_wait3A_1203 = arith.constant 0 : i32
      %dma_wait3A_1204 = tpu.memref_slice %arg9[%dma_wait3A_1203] : memref<640000xf32, #tpu.memory_space<vmem_shared>> -> memref<640000xf32, #tpu.memory_space<vmem_shared>>
      tpu.wait_indirect_dma semaphore(%arg15 : memref<!tpu.dma_semaphore, #tpu.memory_space<semaphore_mem>>) src(%dma_wait3A_1199 : memref<128xf32, #tpu.memory_space<vmem>>) dst(%dma_wait3A_1204 : memref<640000xf32, #tpu.memory_space<vmem_shared>>)
      %mul3A_1205 = arith.constant 10 : i32
      %mul3A_1206 = arith.muli %while3A_1059, %mul3A_1205 : i32
      %add3A_1207 = arith.constant 2 : i32
      %add3A_1208 = arith.addi %mul3A_1206, %add3A_1207 : i32
      %mul3A_1209 = arith.constant 128 : i32
      %mul3A_1210 = arith.muli %add3A_1208, %mul3A_1209 : i32
      %dma_wait3A_1211 = tpu.memref_slice %arg7[%mul3A_1210] : memref<12800xf32, #tpu.memory_space<vmem>> -> memref<128xf32, #tpu.memory_space<vmem>>
      %dma_wait3A_1212 = arith.constant 0 : i32
      %dma_wait3A_1213 = tpu.memref_slice %arg5[%add3A_1208, %dma_wait3A_1212] : memref<100x128xi32, #tpu.memory_space<vmem>> -> memref<1x128xi32, #tpu.memory_space<vmem>>
      %dma_wait3A_1214 = tpu.memref_squeeze %dma_wait3A_1213 : memref<1x128xi32, #tpu.memory_space<vmem>> -> memref<128xi32, #tpu.memory_space<vmem>>
      %dma_wait3A_1215 = arith.constant 0 : i32
      %dma_wait3A_1216 = tpu.memref_slice %arg9[%dma_wait3A_1215] : memref<640000xf32, #tpu.memory_space<vmem_shared>> -> memref<640000xf32, #tpu.memory_space<vmem_shared>>
      tpu.wait_indirect_dma semaphore(%arg15 : memref<!tpu.dma_semaphore, #tpu.memory_space<semaphore_mem>>) src(%dma_wait3A_1211 : memref<128xf32, #tpu.memory_space<vmem>>) dst(%dma_wait3A_1216 : memref<640000xf32, #tpu.memory_space<vmem_shared>>)
      %mul3A_1217 = arith.constant 10 : i32
      %mul3A_1218 = arith.muli %while3A_1059, %mul3A_1217 : i32
      %add3A_1219 = arith.constant 3 : i32
      %add3A_1220 = arith.addi %mul3A_1218, %add3A_1219 : i32
      %mul3A_1221 = arith.constant 128 : i32
      %mul3A_1222 = arith.muli %add3A_1220, %mul3A_1221 : i32
      %dma_wait3A_1223 = tpu.memref_slice %arg7[%mul3A_1222] : memref<12800xf32, #tpu.memory_space<vmem>> -> memref<128xf32, #tpu.memory_space<vmem>>
      %dma_wait3A_1224 = arith.constant 0 : i32
      %dma_wait3A_1225 = tpu.memref_slice %arg5[%add3A_1220, %dma_wait3A_1224] : memref<100x128xi32, #tpu.memory_space<vmem>> -> memref<1x128xi32, #tpu.memory_space<vmem>>
      %dma_wait3A_1226 = tpu.memref_squeeze %dma_wait3A_1225 : memref<1x128xi32, #tpu.memory_space<vmem>> -> memref<128xi32, #tpu.memory_space<vmem>>
      %dma_wait3A_1227 = arith.constant 0 : i32
      %dma_wait3A_1228 = tpu.memref_slice %arg9[%dma_wait3A_1227] : memref<640000xf32, #tpu.memory_space<vmem_shared>> -> memref<640000xf32, #tpu.memory_space<vmem_shared>>
      tpu.wait_indirect_dma semaphore(%arg15 : memref<!tpu.dma_semaphore, #tpu.memory_space<semaphore_mem>>) src(%dma_wait3A_1223 : memref<128xf32, #tpu.memory_space<vmem>>) dst(%dma_wait3A_1228 : memref<640000xf32, #tpu.memory_space<vmem_shared>>)
      %mul3A_1229 = arith.constant 10 : i32
      %mul3A_1230 = arith.muli %while3A_1059, %mul3A_1229 : i32
      %add3A_1231 = arith.constant 4 : i32
      %add3A_1232 = arith.addi %mul3A_1230, %add3A_1231 : i32
      %mul3A_1233 = arith.constant 128 : i32
      %mul3A_1234 = arith.muli %add3A_1232, %mul3A_1233 : i32
      %dma_wait3A_1235 = tpu.memref_slice %arg7[%mul3A_1234] : memref<12800xf32, #tpu.memory_space<vmem>> -> memref<128xf32, #tpu.memory_space<vmem>>
      %dma_wait3A_1236 = arith.constant 0 : i32
      %dma_wait3A_1237 = tpu.memref_slice %arg5[%add3A_1232, %dma_wait3A_1236] : memref<100x128xi32, #tpu.memory_space<vmem>> -> memref<1x128xi32, #tpu.memory_space<vmem>>
      %dma_wait3A_1238 = tpu.memref_squeeze %dma_wait3A_1237 : memref<1x128xi32, #tpu.memory_space<vmem>> -> memref<128xi32, #tpu.memory_space<vmem>>
      %dma_wait3A_1239 = arith.constant 0 : i32
      %dma_wait3A_1240 = tpu.memref_slice %arg9[%dma_wait3A_1239] : memref<640000xf32, #tpu.memory_space<vmem_shared>> -> memref<640000xf32, #tpu.memory_space<vmem_shared>>
      tpu.wait_indirect_dma semaphore(%arg15 : memref<!tpu.dma_semaphore, #tpu.memory_space<semaphore_mem>>) src(%dma_wait3A_1235 : memref<128xf32, #tpu.memory_space<vmem>>) dst(%dma_wait3A_1240 : memref<640000xf32, #tpu.memory_space<vmem_shared>>)
      %mul3A_1241 = arith.constant 10 : i32
      %mul3A_1242 = arith.muli %while3A_1059, %mul3A_1241 : i32
      %add3A_1243 = arith.constant 5 : i32
      %add3A_1244 = arith.addi %mul3A_1242, %add3A_1243 : i32
      %mul3A_1245 = arith.constant 128 : i32
      %mul3A_1246 = arith.muli %add3A_1244, %mul3A_1245 : i32
      %dma_wait3A_1247 = tpu.memref_slice %arg7[%mul3A_1246] : memref<12800xf32, #tpu.memory_space<vmem>> -> memref<128xf32, #tpu.memory_space<vmem>>
      %dma_wait3A_1248 = arith.constant 0 : i32
      %dma_wait3A_1249 = tpu.memref_slice %arg5[%add3A_1244, %dma_wait3A_1248] : memref<100x128xi32, #tpu.memory_space<vmem>> -> memref<1x128xi32, #tpu.memory_space<vmem>>
      %dma_wait3A_1250 = tpu.memref_squeeze %dma_wait3A_1249 : memref<1x128xi32, #tpu.memory_space<vmem>> -> memref<128xi32, #tpu.memory_space<vmem>>
      %dma_wait3A_1251 = arith.constant 0 : i32
      %dma_wait3A_1252 = tpu.memref_slice %arg9[%dma_wait3A_1251] : memref<640000xf32, #tpu.memory_space<vmem_shared>> -> memref<640000xf32, #tpu.memory_space<vmem_shared>>
      tpu.wait_indirect_dma semaphore(%arg15 : memref<!tpu.dma_semaphore, #tpu.memory_space<semaphore_mem>>) src(%dma_wait3A_1247 : memref<128xf32, #tpu.memory_space<vmem>>) dst(%dma_wait3A_1252 : memref<640000xf32, #tpu.memory_space<vmem_shared>>)
      %mul3A_1253 = arith.constant 10 : i32
      %mul3A_1254 = arith.muli %while3A_1059, %mul3A_1253 : i32
      %add3A_1255 = arith.constant 6 : i32
      %add3A_1256 = arith.addi %mul3A_1254, %add3A_1255 : i32
      %mul3A_1257 = arith.constant 128 : i32
      %mul3A_1258 = arith.muli %add3A_1256, %mul3A_1257 : i32
      %dma_wait3A_1259 = tpu.memref_slice %arg7[%mul3A_1258] : memref<12800xf32, #tpu.memory_space<vmem>> -> memref<128xf32, #tpu.memory_space<vmem>>
      %dma_wait3A_1260 = arith.constant 0 : i32
      %dma_wait3A_1261 = tpu.memref_slice %arg5[%add3A_1256, %dma_wait3A_1260] : memref<100x128xi32, #tpu.memory_space<vmem>> -> memref<1x128xi32, #tpu.memory_space<vmem>>
      %dma_wait3A_1262 = tpu.memref_squeeze %dma_wait3A_1261 : memref<1x128xi32, #tpu.memory_space<vmem>> -> memref<128xi32, #tpu.memory_space<vmem>>
      %dma_wait3A_1263 = arith.constant 0 : i32
      %dma_wait3A_1264 = tpu.memref_slice %arg9[%dma_wait3A_1263] : memref<640000xf32, #tpu.memory_space<vmem_shared>> -> memref<640000xf32, #tpu.memory_space<vmem_shared>>
      tpu.wait_indirect_dma semaphore(%arg15 : memref<!tpu.dma_semaphore, #tpu.memory_space<semaphore_mem>>) src(%dma_wait3A_1259 : memref<128xf32, #tpu.memory_space<vmem>>) dst(%dma_wait3A_1264 : memref<640000xf32, #tpu.memory_space<vmem_shared>>)
      %mul3A_1265 = arith.constant 10 : i32
      %mul3A_1266 = arith.muli %while3A_1059, %mul3A_1265 : i32
      %add3A_1267 = arith.constant 7 : i32
      %add3A_1268 = arith.addi %mul3A_1266, %add3A_1267 : i32
      %mul3A_1269 = arith.constant 128 : i32
      %mul3A_1270 = arith.muli %add3A_1268, %mul3A_1269 : i32
      %dma_wait3A_1271 = tpu.memref_slice %arg7[%mul3A_1270] : memref<12800xf32, #tpu.memory_space<vmem>> -> memref<128xf32, #tpu.memory_space<vmem>>
      %dma_wait3A_1272 = arith.constant 0 : i32
      %dma_wait3A_1273 = tpu.memref_slice %arg5[%add3A_1268, %dma_wait3A_1272] : memref<100x128xi32, #tpu.memory_space<vmem>> -> memref<1x128xi32, #tpu.memory_space<vmem>>
      %dma_wait3A_1274 = tpu.memref_squeeze %dma_wait3A_1273 : memref<1x128xi32, #tpu.memory_space<vmem>> -> memref<128xi32, #tpu.memory_space<vmem>>
      %dma_wait3A_1275 = arith.constant 0 : i32
      %dma_wait3A_1276 = tpu.memref_slice %arg9[%dma_wait3A_1275] : memref<640000xf32, #tpu.memory_space<vmem_shared>> -> memref<640000xf32, #tpu.memory_space<vmem_shared>>
      tpu.wait_indirect_dma semaphore(%arg15 : memref<!tpu.dma_semaphore, #tpu.memory_space<semaphore_mem>>) src(%dma_wait3A_1271 : memref<128xf32, #tpu.memory_space<vmem>>) dst(%dma_wait3A_1276 : memref<640000xf32, #tpu.memory_space<vmem_shared>>)
      %mul3A_1277 = arith.constant 10 : i32
      %mul3A_1278 = arith.muli %while3A_1059, %mul3A_1277 : i32
      %add3A_1279 = arith.constant 8 : i32
      %add3A_1280 = arith.addi %mul3A_1278, %add3A_1279 : i32
      %mul3A_1281 = arith.constant 128 : i32
      %mul3A_1282 = arith.muli %add3A_1280, %mul3A_1281 : i32
      %dma_wait3A_1283 = tpu.memref_slice %arg7[%mul3A_1282] : memref<12800xf32, #tpu.memory_space<vmem>> -> memref<128xf32, #tpu.memory_space<vmem>>
      %dma_wait3A_1284 = arith.constant 0 : i32
      %dma_wait3A_1285 = tpu.memref_slice %arg5[%add3A_1280, %dma_wait3A_1284] : memref<100x128xi32, #tpu.memory_space<vmem>> -> memref<1x128xi32, #tpu.memory_space<vmem>>
      %dma_wait3A_1286 = tpu.memref_squeeze %dma_wait3A_1285 : memref<1x128xi32, #tpu.memory_space<vmem>> -> memref<128xi32, #tpu.memory_space<vmem>>
      %dma_wait3A_1287 = arith.constant 0 : i32
      %dma_wait3A_1288 = tpu.memref_slice %arg9[%dma_wait3A_1287] : memref<640000xf32, #tpu.memory_space<vmem_shared>> -> memref<640000xf32, #tpu.memory_space<vmem_shared>>
      tpu.wait_indirect_dma semaphore(%arg15 : memref<!tpu.dma_semaphore, #tpu.memory_space<semaphore_mem>>) src(%dma_wait3A_1283 : memref<128xf32, #tpu.memory_space<vmem>>) dst(%dma_wait3A_1288 : memref<640000xf32, #tpu.memory_space<vmem_shared>>)
      %mul3A_1289 = arith.constant 10 : i32
      %mul3A_1290 = arith.muli %while3A_1059, %mul3A_1289 : i32
      %add3A_1291 = arith.constant 9 : i32
      %add3A_1292 = arith.addi %mul3A_1290, %add3A_1291 : i32
      %mul3A_1293 = arith.constant 128 : i32
      %mul3A_1294 = arith.muli %add3A_1292, %mul3A_1293 : i32
      %dma_wait3A_1295 = tpu.memref_slice %arg7[%mul3A_1294] : memref<12800xf32, #tpu.memory_space<vmem>> -> memref<128xf32, #tpu.memory_space<vmem>>
      %dma_wait3A_1296 = arith.constant 0 : i32
      %dma_wait3A_1297 = tpu.memref_slice %arg5[%add3A_1292, %dma_wait3A_1296] : memref<100x128xi32, #tpu.memory_space<vmem>> -> memref<1x128xi32, #tpu.memory_space<vmem>>
      %dma_wait3A_1298 = tpu.memref_squeeze %dma_wait3A_1297 : memref<1x128xi32, #tpu.memory_space<vmem>> -> memref<128xi32, #tpu.memory_space<vmem>>
      %dma_wait3A_1299 = arith.constant 0 : i32
      %dma_wait3A_1300 = tpu.memref_slice %arg9[%dma_wait3A_1299] : memref<640000xf32, #tpu.memory_space<vmem_shared>> -> memref<640000xf32, #tpu.memory_space<vmem_shared>>
      tpu.wait_indirect_dma semaphore(%arg15 : memref<!tpu.dma_semaphore, #tpu.memory_space<semaphore_mem>>) src(%dma_wait3A_1295 : memref<128xf32, #tpu.memory_space<vmem>>) dst(%dma_wait3A_1300 : memref<640000xf32, #tpu.memory_space<vmem_shared>>)
      %while3A_1301 = arith.constant 0 : i32
      scf.yield %while3A_1301 : i32
    }
    %barrier3A_784 = arith.constant 0 : index
    tpu.barrier barrier_id(%barrier3A_784)
    %add3A_785 = arith.constant 4 : i32
    %add3A_786 = arith.addi %add3A_785, %arg0 : i32
    %mul3A_787 = arith.constant 40000 : i32
    %mul3A_788 = arith.muli %arg1, %mul3A_787 : i32
    %add3A_789 = arith.constant 0 : i32
    %add3A_790 = arith.addi %mul3A_788, %add3A_789 : i32
    "tpu.region"() ({
      %run_scoped3A = tpu.sem_alloc : memref<!tpu.dma_semaphore, #tpu.memory_space<semaphore_mem>>
      %dma_start3A_1059 = arith.constant 0 : i32
      %dma_start3A_1060 = tpu.memref_slice %arg6[%dma_start3A_1059] : memref<12800xf32, #tpu.memory_space<vmem>> -> memref<5000xf32, #tpu.memory_space<vmem>>
      %dma_start3A_1061 = tpu.memref_slice %arg9[%add3A_790] : memref<640000xf32, #tpu.memory_space<vmem_shared>> -> memref<5000xf32, #tpu.memory_space<vmem_shared>>
      %dma_start3A_1062 = arith.constant 0 : i32
      %dma_start3A_1063 = tpu.memref_slice %arg6[%dma_start3A_1062] : memref<12800xf32, #tpu.memory_space<vmem>> -> memref<5000xf32, #tpu.memory_space<vmem>>
      %dma_start3A_1064 = tpu.memref_slice %arg9[%add3A_790] : memref<640000xf32, #tpu.memory_space<vmem_shared>> -> memref<5000xf32, #tpu.memory_space<vmem_shared>>
      tpu.enqueue_dma source(%dma_start3A_1064 : memref<5000xf32, #tpu.memory_space<vmem_shared>>) target(%dma_start3A_1063 : memref<5000xf32, #tpu.memory_space<vmem>>) target_semaphore(%run_scoped3A : memref<!tpu.dma_semaphore, #tpu.memory_space<semaphore_mem>>)
      %dma_wait3A_1065 = arith.constant 0 : i32
      %dma_wait3A_1066 = tpu.memref_slice %arg6[%dma_wait3A_1065] : memref<12800xf32, #tpu.memory_space<vmem>> -> memref<5000xf32, #tpu.memory_space<vmem>>
      %dma_wait3A_1067 = tpu.memref_slice %arg9[%add3A_790] : memref<640000xf32, #tpu.memory_space<vmem_shared>> -> memref<5000xf32, #tpu.memory_space<vmem_shared>>
      %dma_wait3A_1068 = arith.constant 0 : i32
      %dma_wait3A_1069 = tpu.memref_slice %arg6[%dma_wait3A_1068] : memref<12800xf32, #tpu.memory_space<vmem>> -> memref<5000xf32, #tpu.memory_space<vmem>>
      %dma_wait3A_1070 = tpu.memref_slice %arg9[%add3A_790] : memref<640000xf32, #tpu.memory_space<vmem_shared>> -> memref<5000xf32, #tpu.memory_space<vmem_shared>>
      tpu.wait_dma2 semaphore(%run_scoped3A : memref<!tpu.dma_semaphore, #tpu.memory_space<semaphore_mem>>) src(%dma_wait3A_1070 : memref<5000xf32, #tpu.memory_space<vmem_shared>>) dst(%dma_wait3A_1069 : memref<5000xf32, #tpu.memory_space<vmem>>)
      tpu.yield
    }) : () -> ()
    %mul3A_791 = arith.constant 640000 : i32
    %mul3A_792 = arith.muli %add3A_786, %mul3A_791 : i32
    %mul3A_793 = arith.constant 40000 : i32
    %mul3A_794 = arith.muli %arg1, %mul3A_793 : i32
    %add3A_795 = arith.addi %mul3A_792, %mul3A_794 : i32
    %add3A_796 = arith.constant 0 : i32
    %add3A_797 = arith.addi %add3A_795, %add3A_796 : i32
    %dma_start3A_798 = arith.constant 0 : i32
    %dma_start3A_799 = tpu.memref_slice %arg6[%dma_start3A_798] : memref<12800xf32, #tpu.memory_space<vmem>> -> memref<5000xf32, #tpu.memory_space<vmem>>
    %dma_start3A_800 = tpu.memref_slice %arg4[%add3A_797] : memref<3840000xf32, #tpu.memory_space<hbm>> -> memref<5000xf32, #tpu.memory_space<hbm>>
    %dma_start3A_801 = tpu.memref_slice %arg4[%add3A_797] : memref<3840000xf32, #tpu.memory_space<hbm>> -> memref<5000xf32, #tpu.memory_space<hbm>>
    %dma_start3A_802 = arith.constant 0 : i32
    %dma_start3A_803 = tpu.memref_slice %arg6[%dma_start3A_802] : memref<12800xf32, #tpu.memory_space<vmem>> -> memref<5000xf32, #tpu.memory_space<vmem>>
    tpu.enqueue_dma source(%dma_start3A_803 : memref<5000xf32, #tpu.memory_space<vmem>>) target(%dma_start3A_801 : memref<5000xf32, #tpu.memory_space<hbm>>) target_semaphore(%arg15 : memref<!tpu.dma_semaphore, #tpu.memory_space<semaphore_mem>>)
    %mul3A_804 = arith.constant 40000 : i32
    %mul3A_805 = arith.muli %arg1, %mul3A_804 : i32
    %add3A_806 = arith.constant 5000 : i32
    %add3A_807 = arith.addi %mul3A_805, %add3A_806 : i32
    "tpu.region"() ({
      %run_scoped3A = tpu.sem_alloc : memref<!tpu.dma_semaphore, #tpu.memory_space<semaphore_mem>>
      %dma_start3A_1059 = arith.constant 5000 : i32
      %dma_start3A_1060 = tpu.memref_slice %arg6[%dma_start3A_1059] : memref<12800xf32, #tpu.memory_space<vmem>> -> memref<5000xf32, #tpu.memory_space<vmem>>
      %dma_start3A_1061 = arith.constant 0 : i32
      %dma_start3A_1062 = tpu.memref_slice %dma_start3A_1060[%dma_start3A_1061] : memref<5000xf32, #tpu.memory_space<vmem>> -> memref<5000xf32, #tpu.memory_space<vmem>>
      %dma_start3A_1063 = tpu.memref_slice %arg9[%add3A_807] : memref<640000xf32, #tpu.memory_space<vmem_shared>> -> memref<5000xf32, #tpu.memory_space<vmem_shared>>
      %dma_start3A_1064 = arith.constant 5000 : i32
      %dma_start3A_1065 = tpu.memref_slice %arg6[%dma_start3A_1064] : memref<12800xf32, #tpu.memory_space<vmem>> -> memref<5000xf32, #tpu.memory_space<vmem>>
      %dma_start3A_1066 = arith.constant 0 : i32
      %dma_start3A_1067 = tpu.memref_slice %dma_start3A_1065[%dma_start3A_1066] : memref<5000xf32, #tpu.memory_space<vmem>> -> memref<5000xf32, #tpu.memory_space<vmem>>
      %dma_start3A_1068 = tpu.memref_slice %arg9[%add3A_807] : memref<640000xf32, #tpu.memory_space<vmem_shared>> -> memref<5000xf32, #tpu.memory_space<vmem_shared>>
      tpu.enqueue_dma source(%dma_start3A_1068 : memref<5000xf32, #tpu.memory_space<vmem_shared>>) target(%dma_start3A_1067 : memref<5000xf32, #tpu.memory_space<vmem>>) target_semaphore(%run_scoped3A : memref<!tpu.dma_semaphore, #tpu.memory_space<semaphore_mem>>)
      %dma_wait3A_1069 = arith.constant 5000 : i32
      %dma_wait3A_1070 = tpu.memref_slice %arg6[%dma_wait3A_1069] : memref<12800xf32, #tpu.memory_space<vmem>> -> memref<5000xf32, #tpu.memory_space<vmem>>
      %dma_wait3A_1071 = arith.constant 0 : i32
      %dma_wait3A_1072 = tpu.memref_slice %dma_wait3A_1070[%dma_wait3A_1071] : memref<5000xf32, #tpu.memory_space<vmem>> -> memref<5000xf32, #tpu.memory_space<vmem>>
      %dma_wait3A_1073 = tpu.memref_slice %arg9[%add3A_807] : memref<640000xf32, #tpu.memory_space<vmem_shared>> -> memref<5000xf32, #tpu.memory_space<vmem_shared>>
      %dma_wait3A_1074 = arith.constant 5000 : i32
      %dma_wait3A_1075 = tpu.memref_slice %arg6[%dma_wait3A_1074] : memref<12800xf32, #tpu.memory_space<vmem>> -> memref<5000xf32, #tpu.memory_space<vmem>>
      %dma_wait3A_1076 = arith.constant 0 : i32
      %dma_wait3A_1077 = tpu.memref_slice %dma_wait3A_1075[%dma_wait3A_1076] : memref<5000xf32, #tpu.memory_space<vmem>> -> memref<5000xf32, #tpu.memory_space<vmem>>
      %dma_wait3A_1078 = tpu.memref_slice %arg9[%add3A_807] : memref<640000xf32, #tpu.memory_space<vmem_shared>> -> memref<5000xf32, #tpu.memory_space<vmem_shared>>
      tpu.wait_dma2 semaphore(%run_scoped3A : memref<!tpu.dma_semaphore, #tpu.memory_space<semaphore_mem>>) src(%dma_wait3A_1078 : memref<5000xf32, #tpu.memory_space<vmem_shared>>) dst(%dma_wait3A_1077 : memref<5000xf32, #tpu.memory_space<vmem>>)
      tpu.yield
    }) : () -> ()
    %mul3A_808 = arith.constant 640000 : i32
    %mul3A_809 = arith.muli %add3A_786, %mul3A_808 : i32
    %mul3A_810 = arith.constant 40000 : i32
    %mul3A_811 = arith.muli %arg1, %mul3A_810 : i32
    %add3A_812 = arith.addi %mul3A_809, %mul3A_811 : i32
    %add3A_813 = arith.constant 5000 : i32
    %add3A_814 = arith.addi %add3A_812, %add3A_813 : i32
    %dma_start3A_815 = arith.constant 5000 : i32
    %dma_start3A_816 = tpu.memref_slice %arg6[%dma_start3A_815] : memref<12800xf32, #tpu.memory_space<vmem>> -> memref<5000xf32, #tpu.memory_space<vmem>>
    %dma_start3A_817 = arith.constant 0 : i32
    %dma_start3A_818 = tpu.memref_slice %dma_start3A_816[%dma_start3A_817] : memref<5000xf32, #tpu.memory_space<vmem>> -> memref<5000xf32, #tpu.memory_space<vmem>>
    %dma_start3A_819 = tpu.memref_slice %arg4[%add3A_814] : memref<3840000xf32, #tpu.memory_space<hbm>> -> memref<5000xf32, #tpu.memory_space<hbm>>
    %dma_start3A_820 = tpu.memref_slice %arg4[%add3A_814] : memref<3840000xf32, #tpu.memory_space<hbm>> -> memref<5000xf32, #tpu.memory_space<hbm>>
    %dma_start3A_821 = arith.constant 5000 : i32
    %dma_start3A_822 = tpu.memref_slice %arg6[%dma_start3A_821] : memref<12800xf32, #tpu.memory_space<vmem>> -> memref<5000xf32, #tpu.memory_space<vmem>>
    %dma_start3A_823 = arith.constant 0 : i32
    %dma_start3A_824 = tpu.memref_slice %dma_start3A_822[%dma_start3A_823] : memref<5000xf32, #tpu.memory_space<vmem>> -> memref<5000xf32, #tpu.memory_space<vmem>>
    tpu.enqueue_dma source(%dma_start3A_824 : memref<5000xf32, #tpu.memory_space<vmem>>) target(%dma_start3A_820 : memref<5000xf32, #tpu.memory_space<hbm>>) target_semaphore(%arg15 : memref<!tpu.dma_semaphore, #tpu.memory_space<semaphore_mem>>)
    %mul3A_825 = arith.constant 640000 : i32
    %mul3A_826 = arith.muli %add3A_786, %mul3A_825 : i32
    %mul3A_827 = arith.constant 40000 : i32
    %mul3A_828 = arith.muli %arg1, %mul3A_827 : i32
    %add3A_829 = arith.addi %mul3A_826, %mul3A_828 : i32
    %add3A_830 = arith.constant 0 : i32
    %add3A_831 = arith.addi %add3A_829, %add3A_830 : i32
    %dma_wait3A_832 = arith.constant 0 : i32
    %dma_wait3A_833 = tpu.memref_slice %arg6[%dma_wait3A_832] : memref<12800xf32, #tpu.memory_space<vmem>> -> memref<5000xf32, #tpu.memory_space<vmem>>
    %dma_wait3A_834 = tpu.memref_slice %arg4[%add3A_831] : memref<3840000xf32, #tpu.memory_space<hbm>> -> memref<5000xf32, #tpu.memory_space<hbm>>
    %dma_wait3A_835 = tpu.memref_slice %arg4[%add3A_831] : memref<3840000xf32, #tpu.memory_space<hbm>> -> memref<5000xf32, #tpu.memory_space<hbm>>
    %dma_wait3A_836 = arith.constant 0 : i32
    %dma_wait3A_837 = tpu.memref_slice %arg6[%dma_wait3A_836] : memref<12800xf32, #tpu.memory_space<vmem>> -> memref<5000xf32, #tpu.memory_space<vmem>>
    tpu.wait_dma2 semaphore(%arg15 : memref<!tpu.dma_semaphore, #tpu.memory_space<semaphore_mem>>) src(%dma_wait3A_837 : memref<5000xf32, #tpu.memory_space<vmem>>) dst(%dma_wait3A_835 : memref<5000xf32, #tpu.memory_space<hbm>>)
    %mul3A_838 = arith.constant 40000 : i32
    %mul3A_839 = arith.muli %arg1, %mul3A_838 : i32
    %add3A_840 = arith.constant 10000 : i32
    %add3A_841 = arith.addi %mul3A_839, %add3A_840 : i32
    "tpu.region"() ({
      %run_scoped3A = tpu.sem_alloc : memref<!tpu.dma_semaphore, #tpu.memory_space<semaphore_mem>>
      %dma_start3A_1059 = arith.constant 0 : i32
      %dma_start3A_1060 = tpu.memref_slice %arg6[%dma_start3A_1059] : memref<12800xf32, #tpu.memory_space<vmem>> -> memref<5000xf32, #tpu.memory_space<vmem>>
      %dma_start3A_1061 = tpu.memref_slice %arg9[%add3A_841] : memref<640000xf32, #tpu.memory_space<vmem_shared>> -> memref<5000xf32, #tpu.memory_space<vmem_shared>>
      %dma_start3A_1062 = arith.constant 0 : i32
      %dma_start3A_1063 = tpu.memref_slice %arg6[%dma_start3A_1062] : memref<12800xf32, #tpu.memory_space<vmem>> -> memref<5000xf32, #tpu.memory_space<vmem>>
      %dma_start3A_1064 = tpu.memref_slice %arg9[%add3A_841] : memref<640000xf32, #tpu.memory_space<vmem_shared>> -> memref<5000xf32, #tpu.memory_space<vmem_shared>>
      tpu.enqueue_dma source(%dma_start3A_1064 : memref<5000xf32, #tpu.memory_space<vmem_shared>>) target(%dma_start3A_1063 : memref<5000xf32, #tpu.memory_space<vmem>>) target_semaphore(%run_scoped3A : memref<!tpu.dma_semaphore, #tpu.memory_space<semaphore_mem>>)
      %dma_wait3A_1065 = arith.constant 0 : i32
      %dma_wait3A_1066 = tpu.memref_slice %arg6[%dma_wait3A_1065] : memref<12800xf32, #tpu.memory_space<vmem>> -> memref<5000xf32, #tpu.memory_space<vmem>>
      %dma_wait3A_1067 = tpu.memref_slice %arg9[%add3A_841] : memref<640000xf32, #tpu.memory_space<vmem_shared>> -> memref<5000xf32, #tpu.memory_space<vmem_shared>>
      %dma_wait3A_1068 = arith.constant 0 : i32
      %dma_wait3A_1069 = tpu.memref_slice %arg6[%dma_wait3A_1068] : memref<12800xf32, #tpu.memory_space<vmem>> -> memref<5000xf32, #tpu.memory_space<vmem>>
      %dma_wait3A_1070 = tpu.memref_slice %arg9[%add3A_841] : memref<640000xf32, #tpu.memory_space<vmem_shared>> -> memref<5000xf32, #tpu.memory_space<vmem_shared>>
      tpu.wait_dma2 semaphore(%run_scoped3A : memref<!tpu.dma_semaphore, #tpu.memory_space<semaphore_mem>>) src(%dma_wait3A_1070 : memref<5000xf32, #tpu.memory_space<vmem_shared>>) dst(%dma_wait3A_1069 : memref<5000xf32, #tpu.memory_space<vmem>>)
      tpu.yield
    }) : () -> ()
    %mul3A_842 = arith.constant 640000 : i32
    %mul3A_843 = arith.muli %add3A_786, %mul3A_842 : i32
    %mul3A_844 = arith.constant 40000 : i32
    %mul3A_845 = arith.muli %arg1, %mul3A_844 : i32
    %add3A_846 = arith.addi %mul3A_843, %mul3A_845 : i32
    %add3A_847 = arith.constant 10000 : i32
    %add3A_848 = arith.addi %add3A_846, %add3A_847 : i32
    %dma_start3A_849 = arith.constant 0 : i32
    %dma_start3A_850 = tpu.memref_slice %arg6[%dma_start3A_849] : memref<12800xf32, #tpu.memory_space<vmem>> -> memref<5000xf32, #tpu.memory_space<vmem>>
    %dma_start3A_851 = tpu.memref_slice %arg4[%add3A_848] : memref<3840000xf32, #tpu.memory_space<hbm>> -> memref<5000xf32, #tpu.memory_space<hbm>>
    %dma_start3A_852 = tpu.memref_slice %arg4[%add3A_848] : memref<3840000xf32, #tpu.memory_space<hbm>> -> memref<5000xf32, #tpu.memory_space<hbm>>
    %dma_start3A_853 = arith.constant 0 : i32
    %dma_start3A_854 = tpu.memref_slice %arg6[%dma_start3A_853] : memref<12800xf32, #tpu.memory_space<vmem>> -> memref<5000xf32, #tpu.memory_space<vmem>>
    tpu.enqueue_dma source(%dma_start3A_854 : memref<5000xf32, #tpu.memory_space<vmem>>) target(%dma_start3A_852 : memref<5000xf32, #tpu.memory_space<hbm>>) target_semaphore(%arg15 : memref<!tpu.dma_semaphore, #tpu.memory_space<semaphore_mem>>)
    %mul3A_855 = arith.constant 640000 : i32
    %mul3A_856 = arith.muli %add3A_786, %mul3A_855 : i32
    %mul3A_857 = arith.constant 40000 : i32
    %mul3A_858 = arith.muli %arg1, %mul3A_857 : i32
    %add3A_859 = arith.addi %mul3A_856, %mul3A_858 : i32
    %add3A_860 = arith.constant 5000 : i32
    %add3A_861 = arith.addi %add3A_859, %add3A_860 : i32
    %dma_wait3A_862 = arith.constant 5000 : i32
    %dma_wait3A_863 = tpu.memref_slice %arg6[%dma_wait3A_862] : memref<12800xf32, #tpu.memory_space<vmem>> -> memref<5000xf32, #tpu.memory_space<vmem>>
    %dma_wait3A_864 = arith.constant 0 : i32
    %dma_wait3A_865 = tpu.memref_slice %dma_wait3A_863[%dma_wait3A_864] : memref<5000xf32, #tpu.memory_space<vmem>> -> memref<5000xf32, #tpu.memory_space<vmem>>
    %dma_wait3A_866 = tpu.memref_slice %arg4[%add3A_861] : memref<3840000xf32, #tpu.memory_space<hbm>> -> memref<5000xf32, #tpu.memory_space<hbm>>
    %dma_wait3A_867 = tpu.memref_slice %arg4[%add3A_861] : memref<3840000xf32, #tpu.memory_space<hbm>> -> memref<5000xf32, #tpu.memory_space<hbm>>
    %dma_wait3A_868 = arith.constant 5000 : i32
    %dma_wait3A_869 = tpu.memref_slice %arg6[%dma_wait3A_868] : memref<12800xf32, #tpu.memory_space<vmem>> -> memref<5000xf32, #tpu.memory_space<vmem>>
    %dma_wait3A_870 = arith.constant 0 : i32
    %dma_wait3A_871 = tpu.memref_slice %dma_wait3A_869[%dma_wait3A_870] : memref<5000xf32, #tpu.memory_space<vmem>> -> memref<5000xf32, #tpu.memory_space<vmem>>
    tpu.wait_dma2 semaphore(%arg15 : memref<!tpu.dma_semaphore, #tpu.memory_space<semaphore_mem>>) src(%dma_wait3A_871 : memref<5000xf32, #tpu.memory_space<vmem>>) dst(%dma_wait3A_867 : memref<5000xf32, #tpu.memory_space<hbm>>)
    %mul3A_872 = arith.constant 40000 : i32
    %mul3A_873 = arith.muli %arg1, %mul3A_872 : i32
    %add3A_874 = arith.constant 15000 : i32
    %add3A_875 = arith.addi %mul3A_873, %add3A_874 : i32
    "tpu.region"() ({
      %run_scoped3A = tpu.sem_alloc : memref<!tpu.dma_semaphore, #tpu.memory_space<semaphore_mem>>
      %dma_start3A_1059 = arith.constant 5000 : i32
      %dma_start3A_1060 = tpu.memref_slice %arg6[%dma_start3A_1059] : memref<12800xf32, #tpu.memory_space<vmem>> -> memref<5000xf32, #tpu.memory_space<vmem>>
      %dma_start3A_1061 = arith.constant 0 : i32
      %dma_start3A_1062 = tpu.memref_slice %dma_start3A_1060[%dma_start3A_1061] : memref<5000xf32, #tpu.memory_space<vmem>> -> memref<5000xf32, #tpu.memory_space<vmem>>
      %dma_start3A_1063 = tpu.memref_slice %arg9[%add3A_875] : memref<640000xf32, #tpu.memory_space<vmem_shared>> -> memref<5000xf32, #tpu.memory_space<vmem_shared>>
      %dma_start3A_1064 = arith.constant 5000 : i32
      %dma_start3A_1065 = tpu.memref_slice %arg6[%dma_start3A_1064] : memref<12800xf32, #tpu.memory_space<vmem>> -> memref<5000xf32, #tpu.memory_space<vmem>>
      %dma_start3A_1066 = arith.constant 0 : i32
      %dma_start3A_1067 = tpu.memref_slice %dma_start3A_1065[%dma_start3A_1066] : memref<5000xf32, #tpu.memory_space<vmem>> -> memref<5000xf32, #tpu.memory_space<vmem>>
      %dma_start3A_1068 = tpu.memref_slice %arg9[%add3A_875] : memref<640000xf32, #tpu.memory_space<vmem_shared>> -> memref<5000xf32, #tpu.memory_space<vmem_shared>>
      tpu.enqueue_dma source(%dma_start3A_1068 : memref<5000xf32, #tpu.memory_space<vmem_shared>>) target(%dma_start3A_1067 : memref<5000xf32, #tpu.memory_space<vmem>>) target_semaphore(%run_scoped3A : memref<!tpu.dma_semaphore, #tpu.memory_space<semaphore_mem>>)
      %dma_wait3A_1069 = arith.constant 5000 : i32
      %dma_wait3A_1070 = tpu.memref_slice %arg6[%dma_wait3A_1069] : memref<12800xf32, #tpu.memory_space<vmem>> -> memref<5000xf32, #tpu.memory_space<vmem>>
      %dma_wait3A_1071 = arith.constant 0 : i32
      %dma_wait3A_1072 = tpu.memref_slice %dma_wait3A_1070[%dma_wait3A_1071] : memref<5000xf32, #tpu.memory_space<vmem>> -> memref<5000xf32, #tpu.memory_space<vmem>>
      %dma_wait3A_1073 = tpu.memref_slice %arg9[%add3A_875] : memref<640000xf32, #tpu.memory_space<vmem_shared>> -> memref<5000xf32, #tpu.memory_space<vmem_shared>>
      %dma_wait3A_1074 = arith.constant 5000 : i32
      %dma_wait3A_1075 = tpu.memref_slice %arg6[%dma_wait3A_1074] : memref<12800xf32, #tpu.memory_space<vmem>> -> memref<5000xf32, #tpu.memory_space<vmem>>
      %dma_wait3A_1076 = arith.constant 0 : i32
      %dma_wait3A_1077 = tpu.memref_slice %dma_wait3A_1075[%dma_wait3A_1076] : memref<5000xf32, #tpu.memory_space<vmem>> -> memref<5000xf32, #tpu.memory_space<vmem>>
      %dma_wait3A_1078 = tpu.memref_slice %arg9[%add3A_875] : memref<640000xf32, #tpu.memory_space<vmem_shared>> -> memref<5000xf32, #tpu.memory_space<vmem_shared>>
      tpu.wait_dma2 semaphore(%run_scoped3A : memref<!tpu.dma_semaphore, #tpu.memory_space<semaphore_mem>>) src(%dma_wait3A_1078 : memref<5000xf32, #tpu.memory_space<vmem_shared>>) dst(%dma_wait3A_1077 : memref<5000xf32, #tpu.memory_space<vmem>>)
      tpu.yield
    }) : () -> ()
    %mul3A_876 = arith.constant 640000 : i32
    %mul3A_877 = arith.muli %add3A_786, %mul3A_876 : i32
    %mul3A_878 = arith.constant 40000 : i32
    %mul3A_879 = arith.muli %arg1, %mul3A_878 : i32
    %add3A_880 = arith.addi %mul3A_877, %mul3A_879 : i32
    %add3A_881 = arith.constant 15000 : i32
    %add3A_882 = arith.addi %add3A_880, %add3A_881 : i32
    %dma_start3A_883 = arith.constant 5000 : i32
    %dma_start3A_884 = tpu.memref_slice %arg6[%dma_start3A_883] : memref<12800xf32, #tpu.memory_space<vmem>> -> memref<5000xf32, #tpu.memory_space<vmem>>
    %dma_start3A_885 = arith.constant 0 : i32
    %dma_start3A_886 = tpu.memref_slice %dma_start3A_884[%dma_start3A_885] : memref<5000xf32, #tpu.memory_space<vmem>> -> memref<5000xf32, #tpu.memory_space<vmem>>
    %dma_start3A_887 = tpu.memref_slice %arg4[%add3A_882] : memref<3840000xf32, #tpu.memory_space<hbm>> -> memref<5000xf32, #tpu.memory_space<hbm>>
    %dma_start3A_888 = tpu.memref_slice %arg4[%add3A_882] : memref<3840000xf32, #tpu.memory_space<hbm>> -> memref<5000xf32, #tpu.memory_space<hbm>>
    %dma_start3A_889 = arith.constant 5000 : i32
    %dma_start3A_890 = tpu.memref_slice %arg6[%dma_start3A_889] : memref<12800xf32, #tpu.memory_space<vmem>> -> memref<5000xf32, #tpu.memory_space<vmem>>
    %dma_start3A_891 = arith.constant 0 : i32
    %dma_start3A_892 = tpu.memref_slice %dma_start3A_890[%dma_start3A_891] : memref<5000xf32, #tpu.memory_space<vmem>> -> memref<5000xf32, #tpu.memory_space<vmem>>
    tpu.enqueue_dma source(%dma_start3A_892 : memref<5000xf32, #tpu.memory_space<vmem>>) target(%dma_start3A_888 : memref<5000xf32, #tpu.memory_space<hbm>>) target_semaphore(%arg15 : memref<!tpu.dma_semaphore, #tpu.memory_space<semaphore_mem>>)
    %mul3A_893 = arith.constant 640000 : i32
    %mul3A_894 = arith.muli %add3A_786, %mul3A_893 : i32
    %mul3A_895 = arith.constant 40000 : i32
    %mul3A_896 = arith.muli %arg1, %mul3A_895 : i32
    %add3A_897 = arith.addi %mul3A_894, %mul3A_896 : i32
    %add3A_898 = arith.constant 10000 : i32
    %add3A_899 = arith.addi %add3A_897, %add3A_898 : i32
    %dma_wait3A_900 = arith.constant 0 : i32
    %dma_wait3A_901 = tpu.memref_slice %arg6[%dma_wait3A_900] : memref<12800xf32, #tpu.memory_space<vmem>> -> memref<5000xf32, #tpu.memory_space<vmem>>
    %dma_wait3A_902 = tpu.memref_slice %arg4[%add3A_899] : memref<3840000xf32, #tpu.memory_space<hbm>> -> memref<5000xf32, #tpu.memory_space<hbm>>
    %dma_wait3A_903 = tpu.memref_slice %arg4[%add3A_899] : memref<3840000xf32, #tpu.memory_space<hbm>> -> memref<5000xf32, #tpu.memory_space<hbm>>
    %dma_wait3A_904 = arith.constant 0 : i32
    %dma_wait3A_905 = tpu.memref_slice %arg6[%dma_wait3A_904] : memref<12800xf32, #tpu.memory_space<vmem>> -> memref<5000xf32, #tpu.memory_space<vmem>>
    tpu.wait_dma2 semaphore(%arg15 : memref<!tpu.dma_semaphore, #tpu.memory_space<semaphore_mem>>) src(%dma_wait3A_905 : memref<5000xf32, #tpu.memory_space<vmem>>) dst(%dma_wait3A_903 : memref<5000xf32, #tpu.memory_space<hbm>>)
    %mul3A_906 = arith.constant 40000 : i32
    %mul3A_907 = arith.muli %arg1, %mul3A_906 : i32
    %add3A_908 = arith.constant 20000 : i32
    %add3A_909 = arith.addi %mul3A_907, %add3A_908 : i32
    "tpu.region"() ({
      %run_scoped3A = tpu.sem_alloc : memref<!tpu.dma_semaphore, #tpu.memory_space<semaphore_mem>>
      %dma_start3A_1059 = arith.constant 0 : i32
      %dma_start3A_1060 = tpu.memref_slice %arg6[%dma_start3A_1059] : memref<12800xf32, #tpu.memory_space<vmem>> -> memref<5000xf32, #tpu.memory_space<vmem>>
      %dma_start3A_1061 = tpu.memref_slice %arg9[%add3A_909] : memref<640000xf32, #tpu.memory_space<vmem_shared>> -> memref<5000xf32, #tpu.memory_space<vmem_shared>>
      %dma_start3A_1062 = arith.constant 0 : i32
      %dma_start3A_1063 = tpu.memref_slice %arg6[%dma_start3A_1062] : memref<12800xf32, #tpu.memory_space<vmem>> -> memref<5000xf32, #tpu.memory_space<vmem>>
      %dma_start3A_1064 = tpu.memref_slice %arg9[%add3A_909] : memref<640000xf32, #tpu.memory_space<vmem_shared>> -> memref<5000xf32, #tpu.memory_space<vmem_shared>>
      tpu.enqueue_dma source(%dma_start3A_1064 : memref<5000xf32, #tpu.memory_space<vmem_shared>>) target(%dma_start3A_1063 : memref<5000xf32, #tpu.memory_space<vmem>>) target_semaphore(%run_scoped3A : memref<!tpu.dma_semaphore, #tpu.memory_space<semaphore_mem>>)
      %dma_wait3A_1065 = arith.constant 0 : i32
      %dma_wait3A_1066 = tpu.memref_slice %arg6[%dma_wait3A_1065] : memref<12800xf32, #tpu.memory_space<vmem>> -> memref<5000xf32, #tpu.memory_space<vmem>>
      %dma_wait3A_1067 = tpu.memref_slice %arg9[%add3A_909] : memref<640000xf32, #tpu.memory_space<vmem_shared>> -> memref<5000xf32, #tpu.memory_space<vmem_shared>>
      %dma_wait3A_1068 = arith.constant 0 : i32
      %dma_wait3A_1069 = tpu.memref_slice %arg6[%dma_wait3A_1068] : memref<12800xf32, #tpu.memory_space<vmem>> -> memref<5000xf32, #tpu.memory_space<vmem>>
      %dma_wait3A_1070 = tpu.memref_slice %arg9[%add3A_909] : memref<640000xf32, #tpu.memory_space<vmem_shared>> -> memref<5000xf32, #tpu.memory_space<vmem_shared>>
      tpu.wait_dma2 semaphore(%run_scoped3A : memref<!tpu.dma_semaphore, #tpu.memory_space<semaphore_mem>>) src(%dma_wait3A_1070 : memref<5000xf32, #tpu.memory_space<vmem_shared>>) dst(%dma_wait3A_1069 : memref<5000xf32, #tpu.memory_space<vmem>>)
      tpu.yield
    }) : () -> ()
    %mul3A_910 = arith.constant 640000 : i32
    %mul3A_911 = arith.muli %add3A_786, %mul3A_910 : i32
    %mul3A_912 = arith.constant 40000 : i32
    %mul3A_913 = arith.muli %arg1, %mul3A_912 : i32
    %add3A_914 = arith.addi %mul3A_911, %mul3A_913 : i32
    %add3A_915 = arith.constant 20000 : i32
    %add3A_916 = arith.addi %add3A_914, %add3A_915 : i32
    %dma_start3A_917 = arith.constant 0 : i32
    %dma_start3A_918 = tpu.memref_slice %arg6[%dma_start3A_917] : memref<12800xf32, #tpu.memory_space<vmem>> -> memref<5000xf32, #tpu.memory_space<vmem>>
    %dma_start3A_919 = tpu.memref_slice %arg4[%add3A_916] : memref<3840000xf32, #tpu.memory_space<hbm>> -> memref<5000xf32, #tpu.memory_space<hbm>>
    %dma_start3A_920 = tpu.memref_slice %arg4[%add3A_916] : memref<3840000xf32, #tpu.memory_space<hbm>> -> memref<5000xf32, #tpu.memory_space<hbm>>
    %dma_start3A_921 = arith.constant 0 : i32
    %dma_start3A_922 = tpu.memref_slice %arg6[%dma_start3A_921] : memref<12800xf32, #tpu.memory_space<vmem>> -> memref<5000xf32, #tpu.memory_space<vmem>>
    tpu.enqueue_dma source(%dma_start3A_922 : memref<5000xf32, #tpu.memory_space<vmem>>) target(%dma_start3A_920 : memref<5000xf32, #tpu.memory_space<hbm>>) target_semaphore(%arg15 : memref<!tpu.dma_semaphore, #tpu.memory_space<semaphore_mem>>)
    %mul3A_923 = arith.constant 640000 : i32
    %mul3A_924 = arith.muli %add3A_786, %mul3A_923 : i32
    %mul3A_925 = arith.constant 40000 : i32
    %mul3A_926 = arith.muli %arg1, %mul3A_925 : i32
    %add3A_927 = arith.addi %mul3A_924, %mul3A_926 : i32
    %add3A_928 = arith.constant 15000 : i32
    %add3A_929 = arith.addi %add3A_927, %add3A_928 : i32
    %dma_wait3A_930 = arith.constant 5000 : i32
    %dma_wait3A_931 = tpu.memref_slice %arg6[%dma_wait3A_930] : memref<12800xf32, #tpu.memory_space<vmem>> -> memref<5000xf32, #tpu.memory_space<vmem>>
    %dma_wait3A_932 = arith.constant 0 : i32
    %dma_wait3A_933 = tpu.memref_slice %dma_wait3A_931[%dma_wait3A_932] : memref<5000xf32, #tpu.memory_space<vmem>> -> memref<5000xf32, #tpu.memory_space<vmem>>
    %dma_wait3A_934 = tpu.memref_slice %arg4[%add3A_929] : memref<3840000xf32, #tpu.memory_space<hbm>> -> memref<5000xf32, #tpu.memory_space<hbm>>
    %dma_wait3A_935 = tpu.memref_slice %arg4[%add3A_929] : memref<3840000xf32, #tpu.memory_space<hbm>> -> memref<5000xf32, #tpu.memory_space<hbm>>
    %dma_wait3A_936 = arith.constant 5000 : i32
    %dma_wait3A_937 = tpu.memref_slice %arg6[%dma_wait3A_936] : memref<12800xf32, #tpu.memory_space<vmem>> -> memref<5000xf32, #tpu.memory_space<vmem>>
    %dma_wait3A_938 = arith.constant 0 : i32
    %dma_wait3A_939 = tpu.memref_slice %dma_wait3A_937[%dma_wait3A_938] : memref<5000xf32, #tpu.memory_space<vmem>> -> memref<5000xf32, #tpu.memory_space<vmem>>
    tpu.wait_dma2 semaphore(%arg15 : memref<!tpu.dma_semaphore, #tpu.memory_space<semaphore_mem>>) src(%dma_wait3A_939 : memref<5000xf32, #tpu.memory_space<vmem>>) dst(%dma_wait3A_935 : memref<5000xf32, #tpu.memory_space<hbm>>)
    %mul3A_940 = arith.constant 40000 : i32
    %mul3A_941 = arith.muli %arg1, %mul3A_940 : i32
    %add3A_942 = arith.constant 25000 : i32
    %add3A_943 = arith.addi %mul3A_941, %add3A_942 : i32
    "tpu.region"() ({
      %run_scoped3A = tpu.sem_alloc : memref<!tpu.dma_semaphore, #tpu.memory_space<semaphore_mem>>
      %dma_start3A_1059 = arith.constant 5000 : i32
      %dma_start3A_1060 = tpu.memref_slice %arg6[%dma_start3A_1059] : memref<12800xf32, #tpu.memory_space<vmem>> -> memref<5000xf32, #tpu.memory_space<vmem>>
      %dma_start3A_1061 = arith.constant 0 : i32
      %dma_start3A_1062 = tpu.memref_slice %dma_start3A_1060[%dma_start3A_1061] : memref<5000xf32, #tpu.memory_space<vmem>> -> memref<5000xf32, #tpu.memory_space<vmem>>
      %dma_start3A_1063 = tpu.memref_slice %arg9[%add3A_943] : memref<640000xf32, #tpu.memory_space<vmem_shared>> -> memref<5000xf32, #tpu.memory_space<vmem_shared>>
      %dma_start3A_1064 = arith.constant 5000 : i32
      %dma_start3A_1065 = tpu.memref_slice %arg6[%dma_start3A_1064] : memref<12800xf32, #tpu.memory_space<vmem>> -> memref<5000xf32, #tpu.memory_space<vmem>>
      %dma_start3A_1066 = arith.constant 0 : i32
      %dma_start3A_1067 = tpu.memref_slice %dma_start3A_1065[%dma_start3A_1066] : memref<5000xf32, #tpu.memory_space<vmem>> -> memref<5000xf32, #tpu.memory_space<vmem>>
      %dma_start3A_1068 = tpu.memref_slice %arg9[%add3A_943] : memref<640000xf32, #tpu.memory_space<vmem_shared>> -> memref<5000xf32, #tpu.memory_space<vmem_shared>>
      tpu.enqueue_dma source(%dma_start3A_1068 : memref<5000xf32, #tpu.memory_space<vmem_shared>>) target(%dma_start3A_1067 : memref<5000xf32, #tpu.memory_space<vmem>>) target_semaphore(%run_scoped3A : memref<!tpu.dma_semaphore, #tpu.memory_space<semaphore_mem>>)
      %dma_wait3A_1069 = arith.constant 5000 : i32
      %dma_wait3A_1070 = tpu.memref_slice %arg6[%dma_wait3A_1069] : memref<12800xf32, #tpu.memory_space<vmem>> -> memref<5000xf32, #tpu.memory_space<vmem>>
      %dma_wait3A_1071 = arith.constant 0 : i32
      %dma_wait3A_1072 = tpu.memref_slice %dma_wait3A_1070[%dma_wait3A_1071] : memref<5000xf32, #tpu.memory_space<vmem>> -> memref<5000xf32, #tpu.memory_space<vmem>>
      %dma_wait3A_1073 = tpu.memref_slice %arg9[%add3A_943] : memref<640000xf32, #tpu.memory_space<vmem_shared>> -> memref<5000xf32, #tpu.memory_space<vmem_shared>>
      %dma_wait3A_1074 = arith.constant 5000 : i32
      %dma_wait3A_1075 = tpu.memref_slice %arg6[%dma_wait3A_1074] : memref<12800xf32, #tpu.memory_space<vmem>> -> memref<5000xf32, #tpu.memory_space<vmem>>
      %dma_wait3A_1076 = arith.constant 0 : i32
      %dma_wait3A_1077 = tpu.memref_slice %dma_wait3A_1075[%dma_wait3A_1076] : memref<5000xf32, #tpu.memory_space<vmem>> -> memref<5000xf32, #tpu.memory_space<vmem>>
      %dma_wait3A_1078 = tpu.memref_slice %arg9[%add3A_943] : memref<640000xf32, #tpu.memory_space<vmem_shared>> -> memref<5000xf32, #tpu.memory_space<vmem_shared>>
      tpu.wait_dma2 semaphore(%run_scoped3A : memref<!tpu.dma_semaphore, #tpu.memory_space<semaphore_mem>>) src(%dma_wait3A_1078 : memref<5000xf32, #tpu.memory_space<vmem_shared>>) dst(%dma_wait3A_1077 : memref<5000xf32, #tpu.memory_space<vmem>>)
      tpu.yield
    }) : () -> ()
    %mul3A_944 = arith.constant 640000 : i32
    %mul3A_945 = arith.muli %add3A_786, %mul3A_944 : i32
    %mul3A_946 = arith.constant 40000 : i32
    %mul3A_947 = arith.muli %arg1, %mul3A_946 : i32
    %add3A_948 = arith.addi %mul3A_945, %mul3A_947 : i32
    %add3A_949 = arith.constant 25000 : i32
    %add3A_950 = arith.addi %add3A_948, %add3A_949 : i32
    %dma_start3A_951 = arith.constant 5000 : i32
    %dma_start3A_952 = tpu.memref_slice %arg6[%dma_start3A_951] : memref<12800xf32, #tpu.memory_space<vmem>> -> memref<5000xf32, #tpu.memory_space<vmem>>
    %dma_start3A_953 = arith.constant 0 : i32
    %dma_start3A_954 = tpu.memref_slice %dma_start3A_952[%dma_start3A_953] : memref<5000xf32, #tpu.memory_space<vmem>> -> memref<5000xf32, #tpu.memory_space<vmem>>
    %dma_start3A_955 = tpu.memref_slice %arg4[%add3A_950] : memref<3840000xf32, #tpu.memory_space<hbm>> -> memref<5000xf32, #tpu.memory_space<hbm>>
    %dma_start3A_956 = tpu.memref_slice %arg4[%add3A_950] : memref<3840000xf32, #tpu.memory_space<hbm>> -> memref<5000xf32, #tpu.memory_space<hbm>>
    %dma_start3A_957 = arith.constant 5000 : i32
    %dma_start3A_958 = tpu.memref_slice %arg6[%dma_start3A_957] : memref<12800xf32, #tpu.memory_space<vmem>> -> memref<5000xf32, #tpu.memory_space<vmem>>
    %dma_start3A_959 = arith.constant 0 : i32
    %dma_start3A_960 = tpu.memref_slice %dma_start3A_958[%dma_start3A_959] : memref<5000xf32, #tpu.memory_space<vmem>> -> memref<5000xf32, #tpu.memory_space<vmem>>
    tpu.enqueue_dma source(%dma_start3A_960 : memref<5000xf32, #tpu.memory_space<vmem>>) target(%dma_start3A_956 : memref<5000xf32, #tpu.memory_space<hbm>>) target_semaphore(%arg15 : memref<!tpu.dma_semaphore, #tpu.memory_space<semaphore_mem>>)
    %mul3A_961 = arith.constant 640000 : i32
    %mul3A_962 = arith.muli %add3A_786, %mul3A_961 : i32
    %mul3A_963 = arith.constant 40000 : i32
    %mul3A_964 = arith.muli %arg1, %mul3A_963 : i32
    %add3A_965 = arith.addi %mul3A_962, %mul3A_964 : i32
    %add3A_966 = arith.constant 20000 : i32
    %add3A_967 = arith.addi %add3A_965, %add3A_966 : i32
    %dma_wait3A_968 = arith.constant 0 : i32
    %dma_wait3A_969 = tpu.memref_slice %arg6[%dma_wait3A_968] : memref<12800xf32, #tpu.memory_space<vmem>> -> memref<5000xf32, #tpu.memory_space<vmem>>
    %dma_wait3A_970 = tpu.memref_slice %arg4[%add3A_967] : memref<3840000xf32, #tpu.memory_space<hbm>> -> memref<5000xf32, #tpu.memory_space<hbm>>
    %dma_wait3A_971 = tpu.memref_slice %arg4[%add3A_967] : memref<3840000xf32, #tpu.memory_space<hbm>> -> memref<5000xf32, #tpu.memory_space<hbm>>
    %dma_wait3A_972 = arith.constant 0 : i32
    %dma_wait3A_973 = tpu.memref_slice %arg6[%dma_wait3A_972] : memref<12800xf32, #tpu.memory_space<vmem>> -> memref<5000xf32, #tpu.memory_space<vmem>>
    tpu.wait_dma2 semaphore(%arg15 : memref<!tpu.dma_semaphore, #tpu.memory_space<semaphore_mem>>) src(%dma_wait3A_973 : memref<5000xf32, #tpu.memory_space<vmem>>) dst(%dma_wait3A_971 : memref<5000xf32, #tpu.memory_space<hbm>>)
    %mul3A_974 = arith.constant 40000 : i32
    %mul3A_975 = arith.muli %arg1, %mul3A_974 : i32
    %add3A_976 = arith.constant 30000 : i32
    %add3A_977 = arith.addi %mul3A_975, %add3A_976 : i32
    "tpu.region"() ({
      %run_scoped3A = tpu.sem_alloc : memref<!tpu.dma_semaphore, #tpu.memory_space<semaphore_mem>>
      %dma_start3A_1059 = arith.constant 0 : i32
      %dma_start3A_1060 = tpu.memref_slice %arg6[%dma_start3A_1059] : memref<12800xf32, #tpu.memory_space<vmem>> -> memref<5000xf32, #tpu.memory_space<vmem>>
      %dma_start3A_1061 = tpu.memref_slice %arg9[%add3A_977] : memref<640000xf32, #tpu.memory_space<vmem_shared>> -> memref<5000xf32, #tpu.memory_space<vmem_shared>>
      %dma_start3A_1062 = arith.constant 0 : i32
      %dma_start3A_1063 = tpu.memref_slice %arg6[%dma_start3A_1062] : memref<12800xf32, #tpu.memory_space<vmem>> -> memref<5000xf32, #tpu.memory_space<vmem>>
      %dma_start3A_1064 = tpu.memref_slice %arg9[%add3A_977] : memref<640000xf32, #tpu.memory_space<vmem_shared>> -> memref<5000xf32, #tpu.memory_space<vmem_shared>>
      tpu.enqueue_dma source(%dma_start3A_1064 : memref<5000xf32, #tpu.memory_space<vmem_shared>>) target(%dma_start3A_1063 : memref<5000xf32, #tpu.memory_space<vmem>>) target_semaphore(%run_scoped3A : memref<!tpu.dma_semaphore, #tpu.memory_space<semaphore_mem>>)
      %dma_wait3A_1065 = arith.constant 0 : i32
      %dma_wait3A_1066 = tpu.memref_slice %arg6[%dma_wait3A_1065] : memref<12800xf32, #tpu.memory_space<vmem>> -> memref<5000xf32, #tpu.memory_space<vmem>>
      %dma_wait3A_1067 = tpu.memref_slice %arg9[%add3A_977] : memref<640000xf32, #tpu.memory_space<vmem_shared>> -> memref<5000xf32, #tpu.memory_space<vmem_shared>>
      %dma_wait3A_1068 = arith.constant 0 : i32
      %dma_wait3A_1069 = tpu.memref_slice %arg6[%dma_wait3A_1068] : memref<12800xf32, #tpu.memory_space<vmem>> -> memref<5000xf32, #tpu.memory_space<vmem>>
      %dma_wait3A_1070 = tpu.memref_slice %arg9[%add3A_977] : memref<640000xf32, #tpu.memory_space<vmem_shared>> -> memref<5000xf32, #tpu.memory_space<vmem_shared>>
      tpu.wait_dma2 semaphore(%run_scoped3A : memref<!tpu.dma_semaphore, #tpu.memory_space<semaphore_mem>>) src(%dma_wait3A_1070 : memref<5000xf32, #tpu.memory_space<vmem_shared>>) dst(%dma_wait3A_1069 : memref<5000xf32, #tpu.memory_space<vmem>>)
      tpu.yield
    }) : () -> ()
    %mul3A_978 = arith.constant 640000 : i32
    %mul3A_979 = arith.muli %add3A_786, %mul3A_978 : i32
    %mul3A_980 = arith.constant 40000 : i32
    %mul3A_981 = arith.muli %arg1, %mul3A_980 : i32
    %add3A_982 = arith.addi %mul3A_979, %mul3A_981 : i32
    %add3A_983 = arith.constant 30000 : i32
    %add3A_984 = arith.addi %add3A_982, %add3A_983 : i32
    %dma_start3A_985 = arith.constant 0 : i32
    %dma_start3A_986 = tpu.memref_slice %arg6[%dma_start3A_985] : memref<12800xf32, #tpu.memory_space<vmem>> -> memref<5000xf32, #tpu.memory_space<vmem>>
    %dma_start3A_987 = tpu.memref_slice %arg4[%add3A_984] : memref<3840000xf32, #tpu.memory_space<hbm>> -> memref<5000xf32, #tpu.memory_space<hbm>>
    %dma_start3A_988 = tpu.memref_slice %arg4[%add3A_984] : memref<3840000xf32, #tpu.memory_space<hbm>> -> memref<5000xf32, #tpu.memory_space<hbm>>
    %dma_start3A_989 = arith.constant 0 : i32
    %dma_start3A_990 = tpu.memref_slice %arg6[%dma_start3A_989] : memref<12800xf32, #tpu.memory_space<vmem>> -> memref<5000xf32, #tpu.memory_space<vmem>>
    tpu.enqueue_dma source(%dma_start3A_990 : memref<5000xf32, #tpu.memory_space<vmem>>) target(%dma_start3A_988 : memref<5000xf32, #tpu.memory_space<hbm>>) target_semaphore(%arg15 : memref<!tpu.dma_semaphore, #tpu.memory_space<semaphore_mem>>)
    %mul3A_991 = arith.constant 640000 : i32
    %mul3A_992 = arith.muli %add3A_786, %mul3A_991 : i32
    %mul3A_993 = arith.constant 40000 : i32
    %mul3A_994 = arith.muli %arg1, %mul3A_993 : i32
    %add3A_995 = arith.addi %mul3A_992, %mul3A_994 : i32
    %add3A_996 = arith.constant 25000 : i32
    %add3A_997 = arith.addi %add3A_995, %add3A_996 : i32
    %dma_wait3A_998 = arith.constant 5000 : i32
    %dma_wait3A_999 = tpu.memref_slice %arg6[%dma_wait3A_998] : memref<12800xf32, #tpu.memory_space<vmem>> -> memref<5000xf32, #tpu.memory_space<vmem>>
    %dma_wait3A_1000 = arith.constant 0 : i32
    %dma_wait3A_1001 = tpu.memref_slice %dma_wait3A_999[%dma_wait3A_1000] : memref<5000xf32, #tpu.memory_space<vmem>> -> memref<5000xf32, #tpu.memory_space<vmem>>
    %dma_wait3A_1002 = tpu.memref_slice %arg4[%add3A_997] : memref<3840000xf32, #tpu.memory_space<hbm>> -> memref<5000xf32, #tpu.memory_space<hbm>>
    %dma_wait3A_1003 = tpu.memref_slice %arg4[%add3A_997] : memref<3840000xf32, #tpu.memory_space<hbm>> -> memref<5000xf32, #tpu.memory_space<hbm>>
    %dma_wait3A_1004 = arith.constant 5000 : i32
    %dma_wait3A_1005 = tpu.memref_slice %arg6[%dma_wait3A_1004] : memref<12800xf32, #tpu.memory_space<vmem>> -> memref<5000xf32, #tpu.memory_space<vmem>>
    %dma_wait3A_1006 = arith.constant 0 : i32
    %dma_wait3A_1007 = tpu.memref_slice %dma_wait3A_1005[%dma_wait3A_1006] : memref<5000xf32, #tpu.memory_space<vmem>> -> memref<5000xf32, #tpu.memory_space<vmem>>
    tpu.wait_dma2 semaphore(%arg15 : memref<!tpu.dma_semaphore, #tpu.memory_space<semaphore_mem>>) src(%dma_wait3A_1007 : memref<5000xf32, #tpu.memory_space<vmem>>) dst(%dma_wait3A_1003 : memref<5000xf32, #tpu.memory_space<hbm>>)
    %mul3A_1008 = arith.constant 40000 : i32
    %mul3A_1009 = arith.muli %arg1, %mul3A_1008 : i32
    %add3A_1010 = arith.constant 35000 : i32
    %add3A_1011 = arith.addi %mul3A_1009, %add3A_1010 : i32
    "tpu.region"() ({
      %run_scoped3A = tpu.sem_alloc : memref<!tpu.dma_semaphore, #tpu.memory_space<semaphore_mem>>
      %dma_start3A_1059 = arith.constant 5000 : i32
      %dma_start3A_1060 = tpu.memref_slice %arg6[%dma_start3A_1059] : memref<12800xf32, #tpu.memory_space<vmem>> -> memref<5000xf32, #tpu.memory_space<vmem>>
      %dma_start3A_1061 = arith.constant 0 : i32
      %dma_start3A_1062 = tpu.memref_slice %dma_start3A_1060[%dma_start3A_1061] : memref<5000xf32, #tpu.memory_space<vmem>> -> memref<5000xf32, #tpu.memory_space<vmem>>
      %dma_start3A_1063 = tpu.memref_slice %arg9[%add3A_1011] : memref<640000xf32, #tpu.memory_space<vmem_shared>> -> memref<5000xf32, #tpu.memory_space<vmem_shared>>
      %dma_start3A_1064 = arith.constant 5000 : i32
      %dma_start3A_1065 = tpu.memref_slice %arg6[%dma_start3A_1064] : memref<12800xf32, #tpu.memory_space<vmem>> -> memref<5000xf32, #tpu.memory_space<vmem>>
      %dma_start3A_1066 = arith.constant 0 : i32
      %dma_start3A_1067 = tpu.memref_slice %dma_start3A_1065[%dma_start3A_1066] : memref<5000xf32, #tpu.memory_space<vmem>> -> memref<5000xf32, #tpu.memory_space<vmem>>
      %dma_start3A_1068 = tpu.memref_slice %arg9[%add3A_1011] : memref<640000xf32, #tpu.memory_space<vmem_shared>> -> memref<5000xf32, #tpu.memory_space<vmem_shared>>
      tpu.enqueue_dma source(%dma_start3A_1068 : memref<5000xf32, #tpu.memory_space<vmem_shared>>) target(%dma_start3A_1067 : memref<5000xf32, #tpu.memory_space<vmem>>) target_semaphore(%run_scoped3A : memref<!tpu.dma_semaphore, #tpu.memory_space<semaphore_mem>>)
      %dma_wait3A_1069 = arith.constant 5000 : i32
      %dma_wait3A_1070 = tpu.memref_slice %arg6[%dma_wait3A_1069] : memref<12800xf32, #tpu.memory_space<vmem>> -> memref<5000xf32, #tpu.memory_space<vmem>>
      %dma_wait3A_1071 = arith.constant 0 : i32
      %dma_wait3A_1072 = tpu.memref_slice %dma_wait3A_1070[%dma_wait3A_1071] : memref<5000xf32, #tpu.memory_space<vmem>> -> memref<5000xf32, #tpu.memory_space<vmem>>
      %dma_wait3A_1073 = tpu.memref_slice %arg9[%add3A_1011] : memref<640000xf32, #tpu.memory_space<vmem_shared>> -> memref<5000xf32, #tpu.memory_space<vmem_shared>>
      %dma_wait3A_1074 = arith.constant 5000 : i32
      %dma_wait3A_1075 = tpu.memref_slice %arg6[%dma_wait3A_1074] : memref<12800xf32, #tpu.memory_space<vmem>> -> memref<5000xf32, #tpu.memory_space<vmem>>
      %dma_wait3A_1076 = arith.constant 0 : i32
      %dma_wait3A_1077 = tpu.memref_slice %dma_wait3A_1075[%dma_wait3A_1076] : memref<5000xf32, #tpu.memory_space<vmem>> -> memref<5000xf32, #tpu.memory_space<vmem>>
      %dma_wait3A_1078 = tpu.memref_slice %arg9[%add3A_1011] : memref<640000xf32, #tpu.memory_space<vmem_shared>> -> memref<5000xf32, #tpu.memory_space<vmem_shared>>
      tpu.wait_dma2 semaphore(%run_scoped3A : memref<!tpu.dma_semaphore, #tpu.memory_space<semaphore_mem>>) src(%dma_wait3A_1078 : memref<5000xf32, #tpu.memory_space<vmem_shared>>) dst(%dma_wait3A_1077 : memref<5000xf32, #tpu.memory_space<vmem>>)
      tpu.yield
    }) : () -> ()
    %mul3A_1012 = arith.constant 640000 : i32
    %mul3A_1013 = arith.muli %add3A_786, %mul3A_1012 : i32
    %mul3A_1014 = arith.constant 40000 : i32
    %mul3A_1015 = arith.muli %arg1, %mul3A_1014 : i32
    %add3A_1016 = arith.addi %mul3A_1013, %mul3A_1015 : i32
    %add3A_1017 = arith.constant 35000 : i32
    %add3A_1018 = arith.addi %add3A_1016, %add3A_1017 : i32
    %dma_start3A_1019 = arith.constant 5000 : i32
    %dma_start3A_1020 = tpu.memref_slice %arg6[%dma_start3A_1019] : memref<12800xf32, #tpu.memory_space<vmem>> -> memref<5000xf32, #tpu.memory_space<vmem>>
    %dma_start3A_1021 = arith.constant 0 : i32
    %dma_start3A_1022 = tpu.memref_slice %dma_start3A_1020[%dma_start3A_1021] : memref<5000xf32, #tpu.memory_space<vmem>> -> memref<5000xf32, #tpu.memory_space<vmem>>
    %dma_start3A_1023 = tpu.memref_slice %arg4[%add3A_1018] : memref<3840000xf32, #tpu.memory_space<hbm>> -> memref<5000xf32, #tpu.memory_space<hbm>>
    %dma_start3A_1024 = tpu.memref_slice %arg4[%add3A_1018] : memref<3840000xf32, #tpu.memory_space<hbm>> -> memref<5000xf32, #tpu.memory_space<hbm>>
    %dma_start3A_1025 = arith.constant 5000 : i32
    %dma_start3A_1026 = tpu.memref_slice %arg6[%dma_start3A_1025] : memref<12800xf32, #tpu.memory_space<vmem>> -> memref<5000xf32, #tpu.memory_space<vmem>>
    %dma_start3A_1027 = arith.constant 0 : i32
    %dma_start3A_1028 = tpu.memref_slice %dma_start3A_1026[%dma_start3A_1027] : memref<5000xf32, #tpu.memory_space<vmem>> -> memref<5000xf32, #tpu.memory_space<vmem>>
    tpu.enqueue_dma source(%dma_start3A_1028 : memref<5000xf32, #tpu.memory_space<vmem>>) target(%dma_start3A_1024 : memref<5000xf32, #tpu.memory_space<hbm>>) target_semaphore(%arg15 : memref<!tpu.dma_semaphore, #tpu.memory_space<semaphore_mem>>)
    %mul3A_1029 = arith.constant 640000 : i32
    %mul3A_1030 = arith.muli %add3A_786, %mul3A_1029 : i32
    %mul3A_1031 = arith.constant 40000 : i32
    %mul3A_1032 = arith.muli %arg1, %mul3A_1031 : i32
    %add3A_1033 = arith.addi %mul3A_1030, %mul3A_1032 : i32
    %add3A_1034 = arith.constant 30000 : i32
    %add3A_1035 = arith.addi %add3A_1033, %add3A_1034 : i32
    %dma_wait3A_1036 = arith.constant 0 : i32
    %dma_wait3A_1037 = tpu.memref_slice %arg6[%dma_wait3A_1036] : memref<12800xf32, #tpu.memory_space<vmem>> -> memref<5000xf32, #tpu.memory_space<vmem>>
    %dma_wait3A_1038 = tpu.memref_slice %arg4[%add3A_1035] : memref<3840000xf32, #tpu.memory_space<hbm>> -> memref<5000xf32, #tpu.memory_space<hbm>>
    %dma_wait3A_1039 = tpu.memref_slice %arg4[%add3A_1035] : memref<3840000xf32, #tpu.memory_space<hbm>> -> memref<5000xf32, #tpu.memory_space<hbm>>
    %dma_wait3A_1040 = arith.constant 0 : i32
    %dma_wait3A_1041 = tpu.memref_slice %arg6[%dma_wait3A_1040] : memref<12800xf32, #tpu.memory_space<vmem>> -> memref<5000xf32, #tpu.memory_space<vmem>>
    tpu.wait_dma2 semaphore(%arg15 : memref<!tpu.dma_semaphore, #tpu.memory_space<semaphore_mem>>) src(%dma_wait3A_1041 : memref<5000xf32, #tpu.memory_space<vmem>>) dst(%dma_wait3A_1039 : memref<5000xf32, #tpu.memory_space<hbm>>)
    %mul3A_1042 = arith.constant 640000 : i32
    %mul3A_1043 = arith.muli %add3A_786, %mul3A_1042 : i32
    %mul3A_1044 = arith.constant 40000 : i32
    %mul3A_1045 = arith.muli %arg1, %mul3A_1044 : i32
    %add3A_1046 = arith.addi %mul3A_1043, %mul3A_1045 : i32
    %add3A_1047 = arith.constant 35000 : i32
    %add3A_1048 = arith.addi %add3A_1046, %add3A_1047 : i32
    %dma_wait3A_1049 = arith.constant 5000 : i32
    %dma_wait3A_1050 = tpu.memref_slice %arg6[%dma_wait3A_1049] : memref<12800xf32, #tpu.memory_space<vmem>> -> memref<5000xf32, #tpu.memory_space<vmem>>
    %dma_wait3A_1051 = arith.constant 0 : i32
    %dma_wait3A_1052 = tpu.memref_slice %dma_wait3A_1050[%dma_wait3A_1051] : memref<5000xf32, #tpu.memory_space<vmem>> -> memref<5000xf32, #tpu.memory_space<vmem>>
    %dma_wait3A_1053 = tpu.memref_slice %arg4[%add3A_1048] : memref<3840000xf32, #tpu.memory_space<hbm>> -> memref<5000xf32, #tpu.memory_space<hbm>>
    %dma_wait3A_1054 = tpu.memref_slice %arg4[%add3A_1048] : memref<3840000xf32, #tpu.memory_space<hbm>> -> memref<5000xf32, #tpu.memory_space<hbm>>
    %dma_wait3A_1055 = arith.constant 5000 : i32
    %dma_wait3A_1056 = tpu.memref_slice %arg6[%dma_wait3A_1055] : memref<12800xf32, #tpu.memory_space<vmem>> -> memref<5000xf32, #tpu.memory_space<vmem>>
    %dma_wait3A_1057 = arith.constant 0 : i32
    %dma_wait3A_1058 = tpu.memref_slice %dma_wait3A_1056[%dma_wait3A_1057] : memref<5000xf32, #tpu.memory_space<vmem>> -> memref<5000xf32, #tpu.memory_space<vmem>>
    tpu.wait_dma2 semaphore(%arg15 : memref<!tpu.dma_semaphore, #tpu.memory_space<semaphore_mem>>) src(%dma_wait3A_1058 : memref<5000xf32, #tpu.memory_space<vmem>>) dst(%dma_wait3A_1054 : memref<5000xf32, #tpu.memory_space<hbm>>)
    return
  }
}

module attributes {stable_mosaic.version = 14 : i64} {
  func.func @_phase1_body(%arg0: i32, %arg1: memref<1x128xf32, #tpu.memory_space<vmem>>, %arg2: memref<3x160x128xf32, #tpu.memory_space<vmem>>, %arg3: memref<3x160x128xf32, #tpu.memory_space<vmem>>, %arg4: memref<1x160x128xf32, #tpu.memory_space<vmem>>, %arg5: memref<3x160x128xf32, #tpu.memory_space<vmem>>, %arg6: memref<4x160x128xf32, #tpu.memory_space<vmem>>, %arg7: memref<5x160x128xf32, #tpu.memory_space<vmem>>, %arg8: memref<2x160x128xi32, #tpu.memory_space<vmem>>) attributes {dimension_semantics = [#tpu.dimension_semantics<arbitrary>], iteration_bounds = array<i64: 10>, scalar_prefetch = 0 : i64, scratch_operands = 0 : i64, tpu.core_type = #tpu.core_type<tc>, window_params = [{pipeline_mode = #tpu.pipeline_mode<synchronous>, transform_indices = @transform_0, window_bounds = array<i64: 1, 128>}, {transform_indices = @transform_1, window_bounds = array<i64: 3, 160, 128>}, {transform_indices = @transform_2, window_bounds = array<i64: 3, 160, 128>}, {transform_indices = @transform_3, window_bounds = array<i64: 1, 160, 128>}, {transform_indices = @transform_4, window_bounds = array<i64: 3, 160, 128>}, {transform_indices = @transform_5, window_bounds = array<i64: 4, 160, 128>}, {transform_indices = @transform_6, window_bounds = array<i64: 5, 160, 128>}, {transform_indices = @transform_7, window_bounds = array<i64: 2, 160, 128>}]} {
    %get3A = arith.constant 0 : index
    %get3A_0 = arith.constant 0 : index
    %get3A_1 = vector.load %arg1[%get3A, %get3A_0] : memref<1x128xf32, #tpu.memory_space<vmem>>, vector<1x1xf32>
    %get3A_2 = vector.extract %get3A_1[0, 0] : f32 from vector<1x1xf32>
    %get3A_3 = arith.constant 0 : index
    %get3A_4 = arith.constant 1 : index
    %get3A_5 = vector.load %arg1[%get3A_3, %get3A_4] : memref<1x128xf32, #tpu.memory_space<vmem>>, vector<1x1xf32>
    %get3A_6 = vector.extract %get3A_5[0, 0] : f32 from vector<1x1xf32>
    %get3A_7 = arith.constant 0 : index
    %get3A_8 = arith.constant 2 : index
    %get3A_9 = vector.load %arg1[%get3A_7, %get3A_8] : memref<1x128xf32, #tpu.memory_space<vmem>>, vector<1x1xf32>
    %get3A_10 = vector.extract %get3A_9[0, 0] : f32 from vector<1x1xf32>
    %get3A_11 = arith.constant 0 : index
    %get3A_12 = arith.constant 4 : index
    %get3A_13 = vector.load %arg1[%get3A_11, %get3A_12] : memref<1x128xf32, #tpu.memory_space<vmem>>, vector<1x1xf32>
    %get3A_14 = vector.extract %get3A_13[0, 0] : f32 from vector<1x1xf32>
    %get3A_15 = arith.constant 0 : index
    %get3A_16 = arith.constant 5 : index
    %get3A_17 = vector.load %arg1[%get3A_15, %get3A_16] : memref<1x128xf32, #tpu.memory_space<vmem>>, vector<1x1xf32>
    %get3A_18 = vector.extract %get3A_17[0, 0] : f32 from vector<1x1xf32>
    %get3A_19 = arith.constant 0 : index
    %get3A_20 = arith.constant 6 : index
    %get3A_21 = vector.load %arg1[%get3A_19, %get3A_20] : memref<1x128xf32, #tpu.memory_space<vmem>>, vector<1x1xf32>
    %get3A_22 = vector.extract %get3A_21[0, 0] : f32 from vector<1x1xf32>
    %get3A_23 = arith.constant 0 : index
    %get3A_24 = arith.constant 8 : index
    %get3A_25 = vector.load %arg1[%get3A_23, %get3A_24] : memref<1x128xf32, #tpu.memory_space<vmem>>, vector<1x1xf32>
    %get3A_26 = vector.extract %get3A_25[0, 0] : f32 from vector<1x1xf32>
    %get3A_27 = arith.constant 0 : index
    %get3A_28 = arith.constant 9 : index
    %get3A_29 = vector.load %arg1[%get3A_27, %get3A_28] : memref<1x128xf32, #tpu.memory_space<vmem>>, vector<1x1xf32>
    %get3A_30 = vector.extract %get3A_29[0, 0] : f32 from vector<1x1xf32>
    %get3A_31 = arith.constant 0 : index
    %get3A_32 = arith.constant 10 : index
    %get3A_33 = vector.load %arg1[%get3A_31, %get3A_32] : memref<1x128xf32, #tpu.memory_space<vmem>>, vector<1x1xf32>
    %get3A_34 = vector.extract %get3A_33[0, 0] : f32 from vector<1x1xf32>
    %get3A_35 = arith.constant 0 : index
    %get3A_36 = arith.constant 12 : index
    %get3A_37 = vector.load %arg1[%get3A_35, %get3A_36] : memref<1x128xf32, #tpu.memory_space<vmem>>, vector<1x1xf32>
    %get3A_38 = vector.extract %get3A_37[0, 0] : f32 from vector<1x1xf32>
    %get3A_39 = arith.constant 0 : index
    %get3A_40 = arith.constant 13 : index
    %get3A_41 = vector.load %arg1[%get3A_39, %get3A_40] : memref<1x128xf32, #tpu.memory_space<vmem>>, vector<1x1xf32>
    %get3A_42 = vector.extract %get3A_41[0, 0] : f32 from vector<1x1xf32>
    %get3A_43 = arith.constant 0 : index
    %get3A_44 = arith.constant 14 : index
    %get3A_45 = vector.load %arg1[%get3A_43, %get3A_44] : memref<1x128xf32, #tpu.memory_space<vmem>>, vector<1x1xf32>
    %get3A_46 = vector.extract %get3A_45[0, 0] : f32 from vector<1x1xf32>
    %get3A_47 = arith.constant 0 : index
    %get3A_48 = arith.constant 16 : index
    %get3A_49 = vector.load %arg1[%get3A_47, %get3A_48] : memref<1x128xf32, #tpu.memory_space<vmem>>, vector<1x1xf32>
    %get3A_50 = vector.extract %get3A_49[0, 0] : f32 from vector<1x1xf32>
    %get3A_51 = arith.constant 0 : index
    %get3A_52 = arith.constant 17 : index
    %get3A_53 = vector.load %arg1[%get3A_51, %get3A_52] : memref<1x128xf32, #tpu.memory_space<vmem>>, vector<1x1xf32>
    %get3A_54 = vector.extract %get3A_53[0, 0] : f32 from vector<1x1xf32>
    %get3A_55 = arith.constant 0 : index
    %get3A_56 = arith.constant 19 : index
    %get3A_57 = vector.load %arg1[%get3A_55, %get3A_56] : memref<1x128xf32, #tpu.memory_space<vmem>>, vector<1x1xf32>
    %get3A_58 = vector.extract %get3A_57[0, 0] : f32 from vector<1x1xf32>
    %get3A_59 = arith.constant 0 : index
    %get3A_60 = arith.constant 20 : index
    %get3A_61 = vector.load %arg1[%get3A_59, %get3A_60] : memref<1x128xf32, #tpu.memory_space<vmem>>, vector<1x1xf32>
    %get3A_62 = vector.extract %get3A_61[0, 0] : f32 from vector<1x1xf32>
    %get3A_63 = arith.constant 0 : index
    %get3A_64 = arith.constant 21 : index
    %get3A_65 = vector.load %arg1[%get3A_63, %get3A_64] : memref<1x128xf32, #tpu.memory_space<vmem>>, vector<1x1xf32>
    %get3A_66 = vector.extract %get3A_65[0, 0] : f32 from vector<1x1xf32>
    %get3A_67 = arith.constant 0 : index
    %get3A_68 = arith.constant 23 : index
    %get3A_69 = vector.load %arg1[%get3A_67, %get3A_68] : memref<1x128xf32, #tpu.memory_space<vmem>>, vector<1x1xf32>
    %get3A_70 = vector.extract %get3A_69[0, 0] : f32 from vector<1x1xf32>
    %get3A_71 = arith.constant 0 : index
    %get3A_72 = arith.constant 24 : index
    %get3A_73 = vector.load %arg1[%get3A_71, %get3A_72] : memref<1x128xf32, #tpu.memory_space<vmem>>, vector<1x1xf32>
    %get3A_74 = vector.extract %get3A_73[0, 0] : f32 from vector<1x1xf32>
    %get3A_75 = arith.constant 0 : index
    %get3A_76 = arith.constant 25 : index
    %get3A_77 = vector.load %arg1[%get3A_75, %get3A_76] : memref<1x128xf32, #tpu.memory_space<vmem>>, vector<1x1xf32>
    %get3A_78 = vector.extract %get3A_77[0, 0] : f32 from vector<1x1xf32>
    %get3A_79 = arith.constant 0 : index
    %get3A_80 = arith.constant 27 : index
    %get3A_81 = vector.load %arg1[%get3A_79, %get3A_80] : memref<1x128xf32, #tpu.memory_space<vmem>>, vector<1x1xf32>
    %get3A_82 = vector.extract %get3A_81[0, 0] : f32 from vector<1x1xf32>
    %get3A_83 = arith.constant 0 : index
    %get3A_84 = arith.constant 28 : index
    %get3A_85 = vector.load %arg1[%get3A_83, %get3A_84] : memref<1x128xf32, #tpu.memory_space<vmem>>, vector<1x1xf32>
    %get3A_86 = vector.extract %get3A_85[0, 0] : f32 from vector<1x1xf32>
    %get3A_87 = arith.constant 0 : index
    %get3A_88 = arith.constant 29 : index
    %get3A_89 = vector.load %arg1[%get3A_87, %get3A_88] : memref<1x128xf32, #tpu.memory_space<vmem>>, vector<1x1xf32>
    %get3A_90 = vector.extract %get3A_89[0, 0] : f32 from vector<1x1xf32>
    %get3A_91 = arith.constant 0 : index
    %get3A_92 = arith.constant 31 : index
    %get3A_93 = vector.load %arg1[%get3A_91, %get3A_92] : memref<1x128xf32, #tpu.memory_space<vmem>>, vector<1x1xf32>
    %get3A_94 = vector.extract %get3A_93[0, 0] : f32 from vector<1x1xf32>
    %get3A_95 = arith.constant 0 : index
    %get3A_96 = arith.constant 0 : index
    %get3A_97 = arith.constant 0 : index
    %get3A_98 = vector.load %arg2[%get3A_95, %get3A_96, %get3A_97] : memref<3x160x128xf32, #tpu.memory_space<vmem>>, vector<1x160x128xf32>
    %get3A_99 = vector.shape_cast %get3A_98 : vector<1x160x128xf32> to vector<160x128xf32>
    %convert_element_type3A = arith.truncf %get3A_99 : vector<160x128xf32> to vector<160x128xbf16>
    %convert_element_type3A_100 = arith.extf %convert_element_type3A : vector<160x128xbf16> to vector<160x128xf32>
    %get3A_101 = arith.constant 1 : index
    %get3A_102 = arith.constant 0 : index
    %get3A_103 = arith.constant 0 : index
    %get3A_104 = vector.load %arg2[%get3A_101, %get3A_102, %get3A_103] : memref<3x160x128xf32, #tpu.memory_space<vmem>>, vector<1x160x128xf32>
    %get3A_105 = vector.shape_cast %get3A_104 : vector<1x160x128xf32> to vector<160x128xf32>
    %convert_element_type3A_106 = arith.truncf %get3A_105 : vector<160x128xf32> to vector<160x128xbf16>
    %convert_element_type3A_107 = arith.extf %convert_element_type3A_106 : vector<160x128xbf16> to vector<160x128xf32>
    %get3A_108 = arith.constant 2 : index
    %get3A_109 = arith.constant 0 : index
    %get3A_110 = arith.constant 0 : index
    %get3A_111 = vector.load %arg2[%get3A_108, %get3A_109, %get3A_110] : memref<3x160x128xf32, #tpu.memory_space<vmem>>, vector<1x160x128xf32>
    %get3A_112 = vector.shape_cast %get3A_111 : vector<1x160x128xf32> to vector<160x128xf32>
    %convert_element_type3A_113 = arith.truncf %get3A_112 : vector<160x128xf32> to vector<160x128xbf16>
    %convert_element_type3A_114 = arith.extf %convert_element_type3A_113 : vector<160x128xbf16> to vector<160x128xf32>
    %mul3A = vector.broadcast %get3A_2 : f32 to vector<160x128xf32>
    %mul3A_115 = arith.mulf %convert_element_type3A_100, %mul3A : vector<160x128xf32>
    %mul3A_116 = vector.broadcast %get3A_14 : f32 to vector<160x128xf32>
    %mul3A_117 = arith.mulf %convert_element_type3A_107, %mul3A_116 : vector<160x128xf32>
    %add3A = arith.addf %mul3A_115, %mul3A_117 : vector<160x128xf32>
    %mul3A_118 = vector.broadcast %get3A_26 : f32 to vector<160x128xf32>
    %mul3A_119 = arith.mulf %convert_element_type3A_114, %mul3A_118 : vector<160x128xf32>
    %add3A_120 = arith.addf %add3A, %mul3A_119 : vector<160x128xf32>
    %add3A_121 = vector.broadcast %get3A_38 : f32 to vector<160x128xf32>
    %add3A_122 = arith.addf %add3A_120, %add3A_121 : vector<160x128xf32>
    %mul3A_123 = vector.broadcast %get3A_6 : f32 to vector<160x128xf32>
    %mul3A_124 = arith.mulf %convert_element_type3A_100, %mul3A_123 : vector<160x128xf32>
    %mul3A_125 = vector.broadcast %get3A_18 : f32 to vector<160x128xf32>
    %mul3A_126 = arith.mulf %convert_element_type3A_107, %mul3A_125 : vector<160x128xf32>
    %add3A_127 = arith.addf %mul3A_124, %mul3A_126 : vector<160x128xf32>
    %mul3A_128 = vector.broadcast %get3A_30 : f32 to vector<160x128xf32>
    %mul3A_129 = arith.mulf %convert_element_type3A_114, %mul3A_128 : vector<160x128xf32>
    %add3A_130 = arith.addf %add3A_127, %mul3A_129 : vector<160x128xf32>
    %add3A_131 = vector.broadcast %get3A_42 : f32 to vector<160x128xf32>
    %add3A_132 = arith.addf %add3A_130, %add3A_131 : vector<160x128xf32>
    %mul3A_133 = vector.broadcast %get3A_10 : f32 to vector<160x128xf32>
    %mul3A_134 = arith.mulf %convert_element_type3A_100, %mul3A_133 : vector<160x128xf32>
    %mul3A_135 = vector.broadcast %get3A_22 : f32 to vector<160x128xf32>
    %mul3A_136 = arith.mulf %convert_element_type3A_107, %mul3A_135 : vector<160x128xf32>
    %add3A_137 = arith.addf %mul3A_134, %mul3A_136 : vector<160x128xf32>
    %mul3A_138 = vector.broadcast %get3A_34 : f32 to vector<160x128xf32>
    %mul3A_139 = arith.mulf %convert_element_type3A_114, %mul3A_138 : vector<160x128xf32>
    %add3A_140 = arith.addf %add3A_137, %mul3A_139 : vector<160x128xf32>
    %add3A_141 = vector.broadcast %get3A_46 : f32 to vector<160x128xf32>
    %add3A_142 = arith.addf %add3A_140, %add3A_141 : vector<160x128xf32>
    %mul3A_143 = vector.broadcast %get3A_50 : f32 to vector<160x128xf32>
    %mul3A_144 = arith.mulf %convert_element_type3A_100, %mul3A_143 : vector<160x128xf32>
    %mul3A_145 = vector.broadcast %get3A_62 : f32 to vector<160x128xf32>
    %mul3A_146 = arith.mulf %convert_element_type3A_107, %mul3A_145 : vector<160x128xf32>
    %add3A_147 = arith.addf %mul3A_144, %mul3A_146 : vector<160x128xf32>
    %mul3A_148 = vector.broadcast %get3A_74 : f32 to vector<160x128xf32>
    %mul3A_149 = arith.mulf %convert_element_type3A_114, %mul3A_148 : vector<160x128xf32>
    %add3A_150 = arith.addf %add3A_147, %mul3A_149 : vector<160x128xf32>
    %add3A_151 = vector.broadcast %get3A_86 : f32 to vector<160x128xf32>
    %add3A_152 = arith.addf %add3A_150, %add3A_151 : vector<160x128xf32>
    %mul3A_153 = vector.broadcast %get3A_54 : f32 to vector<160x128xf32>
    %mul3A_154 = arith.mulf %convert_element_type3A_100, %mul3A_153 : vector<160x128xf32>
    %mul3A_155 = vector.broadcast %get3A_66 : f32 to vector<160x128xf32>
    %mul3A_156 = arith.mulf %convert_element_type3A_107, %mul3A_155 : vector<160x128xf32>
    %add3A_157 = arith.addf %mul3A_154, %mul3A_156 : vector<160x128xf32>
    %mul3A_158 = vector.broadcast %get3A_78 : f32 to vector<160x128xf32>
    %mul3A_159 = arith.mulf %convert_element_type3A_114, %mul3A_158 : vector<160x128xf32>
    %add3A_160 = arith.addf %add3A_157, %mul3A_159 : vector<160x128xf32>
    %add3A_161 = vector.broadcast %get3A_90 : f32 to vector<160x128xf32>
    %add3A_162 = arith.addf %add3A_160, %add3A_161 : vector<160x128xf32>
    %mul3A_163 = vector.broadcast %get3A_58 : f32 to vector<160x128xf32>
    %mul3A_164 = arith.mulf %convert_element_type3A_100, %mul3A_163 : vector<160x128xf32>
    %mul3A_165 = vector.broadcast %get3A_70 : f32 to vector<160x128xf32>
    %mul3A_166 = arith.mulf %convert_element_type3A_107, %mul3A_165 : vector<160x128xf32>
    %add3A_167 = arith.addf %mul3A_164, %mul3A_166 : vector<160x128xf32>
    %mul3A_168 = vector.broadcast %get3A_82 : f32 to vector<160x128xf32>
    %mul3A_169 = arith.mulf %convert_element_type3A_114, %mul3A_168 : vector<160x128xf32>
    %add3A_170 = arith.addf %add3A_167, %mul3A_169 : vector<160x128xf32>
    %add3A_171 = vector.broadcast %get3A_94 : f32 to vector<160x128xf32>
    %add3A_172 = arith.addf %add3A_170, %add3A_171 : vector<160x128xf32>
    %add3A_173 = arith.constant 1.000000e-07 : f32
    %add3A_174 = vector.broadcast %add3A_173 : f32 to vector<160x128xf32>
    %add3A_175 = arith.addf %add3A_172, %add3A_174 : vector<160x128xf32>
    %div3A = arith.constant 1.000000e+00 : f32
    %div3A_176 = vector.broadcast %div3A : f32 to vector<160x128xf32>
    %div3A_177 = arith.divf %div3A_176, %add3A_175 : vector<160x128xf32>
    %mul3A_178 = arith.mulf %add3A_152, %div3A_177 : vector<160x128xf32>
    %add3A_179 = arith.constant 1.000000e+00 : f32
    %add3A_180 = vector.broadcast %add3A_179 : f32 to vector<160x128xf32>
    %add3A_181 = arith.addf %mul3A_178, %add3A_180 : vector<160x128xf32>
    %mul3A_182 = arith.constant 8.000000e+02 : f32
    %mul3A_183 = vector.broadcast %mul3A_182 : f32 to vector<160x128xf32>
    %mul3A_184 = arith.mulf %add3A_181, %mul3A_183 : vector<160x128xf32>
    %sub3A = arith.constant 1.000000e+00 : f32
    %sub3A_185 = vector.broadcast %sub3A : f32 to vector<160x128xf32>
    %sub3A_186 = arith.subf %mul3A_184, %sub3A_185 : vector<160x128xf32>
    %mul3A_187 = arith.constant 5.000000e-01 : f32
    %mul3A_188 = vector.broadcast %mul3A_187 : f32 to vector<160x128xf32>
    %mul3A_189 = arith.mulf %sub3A_186, %mul3A_188 : vector<160x128xf32>
    %mul3A_190 = arith.mulf %add3A_162, %div3A_177 : vector<160x128xf32>
    %add3A_191 = arith.constant 1.000000e+00 : f32
    %add3A_192 = vector.broadcast %add3A_191 : f32 to vector<160x128xf32>
    %add3A_193 = arith.addf %mul3A_190, %add3A_192 : vector<160x128xf32>
    %mul3A_194 = arith.constant 8.000000e+02 : f32
    %mul3A_195 = vector.broadcast %mul3A_194 : f32 to vector<160x128xf32>
    %mul3A_196 = arith.mulf %add3A_193, %mul3A_195 : vector<160x128xf32>
    %sub3A_197 = arith.constant 1.000000e+00 : f32
    %sub3A_198 = vector.broadcast %sub3A_197 : f32 to vector<160x128xf32>
    %sub3A_199 = arith.subf %mul3A_196, %sub3A_198 : vector<160x128xf32>
    %mul3A_200 = arith.constant 5.000000e-01 : f32
    %mul3A_201 = vector.broadcast %mul3A_200 : f32 to vector<160x128xf32>
    %mul3A_202 = arith.mulf %sub3A_199, %mul3A_201 : vector<160x128xf32>
    %get3A_203 = arith.constant 0 : index
    %get3A_204 = arith.constant 0 : index
    %get3A_205 = arith.constant 0 : index
    %get3A_206 = vector.load %arg6[%get3A_203, %get3A_204, %get3A_205] : memref<4x160x128xf32, #tpu.memory_space<vmem>>, vector<1x160x128xf32>
    %get3A_207 = vector.shape_cast %get3A_206 : vector<1x160x128xf32> to vector<160x128xf32>
    %get3A_208 = arith.constant 1 : index
    %get3A_209 = arith.constant 0 : index
    %get3A_210 = arith.constant 0 : index
    %get3A_211 = vector.load %arg6[%get3A_208, %get3A_209, %get3A_210] : memref<4x160x128xf32, #tpu.memory_space<vmem>>, vector<1x160x128xf32>
    %get3A_212 = vector.shape_cast %get3A_211 : vector<1x160x128xf32> to vector<160x128xf32>
    %get3A_213 = arith.constant 2 : index
    %get3A_214 = arith.constant 0 : index
    %get3A_215 = arith.constant 0 : index
    %get3A_216 = vector.load %arg6[%get3A_213, %get3A_214, %get3A_215] : memref<4x160x128xf32, #tpu.memory_space<vmem>>, vector<1x160x128xf32>
    %get3A_217 = vector.shape_cast %get3A_216 : vector<1x160x128xf32> to vector<160x128xf32>
    %get3A_218 = arith.constant 3 : index
    %get3A_219 = arith.constant 0 : index
    %get3A_220 = arith.constant 0 : index
    %get3A_221 = vector.load %arg6[%get3A_218, %get3A_219, %get3A_220] : memref<4x160x128xf32, #tpu.memory_space<vmem>>, vector<1x160x128xf32>
    %get3A_222 = vector.shape_cast %get3A_221 : vector<1x160x128xf32> to vector<160x128xf32>
    %mul3A_223 = arith.mulf %get3A_207, %get3A_207 : vector<160x128xf32>
    %mul3A_224 = arith.mulf %get3A_212, %get3A_212 : vector<160x128xf32>
    %add3A_225 = arith.addf %mul3A_223, %mul3A_224 : vector<160x128xf32>
    %mul3A_226 = arith.mulf %get3A_217, %get3A_217 : vector<160x128xf32>
    %add3A_227 = arith.addf %add3A_225, %mul3A_226 : vector<160x128xf32>
    %mul3A_228 = arith.mulf %get3A_222, %get3A_222 : vector<160x128xf32>
    %add3A_229 = arith.addf %add3A_227, %mul3A_228 : vector<160x128xf32>
    %sqrt3A = math.sqrt %add3A_229 : vector<160x128xf32>
    %add3A_230 = arith.constant 9.99999993E-9 : f32
    %add3A_231 = vector.broadcast %add3A_230 : f32 to vector<160x128xf32>
    %add3A_232 = arith.addf %sqrt3A, %add3A_231 : vector<160x128xf32>
    %div3A_233 = arith.divf %get3A_207, %add3A_232 : vector<160x128xf32>
    %div3A_234 = arith.divf %get3A_212, %add3A_232 : vector<160x128xf32>
    %div3A_235 = arith.divf %get3A_217, %add3A_232 : vector<160x128xf32>
    %div3A_236 = arith.divf %get3A_222, %add3A_232 : vector<160x128xf32>
    %mul3A_237 = arith.mulf %div3A_235, %div3A_235 : vector<160x128xf32>
    %mul3A_238 = arith.mulf %div3A_236, %div3A_236 : vector<160x128xf32>
    %add3A_239 = arith.addf %mul3A_237, %mul3A_238 : vector<160x128xf32>
    %mul3A_240 = arith.constant 2.000000e+00 : f32
    %mul3A_241 = vector.broadcast %mul3A_240 : f32 to vector<160x128xf32>
    %mul3A_242 = arith.mulf %mul3A_241, %add3A_239 : vector<160x128xf32>
    %sub3A_243 = arith.constant 1.000000e+00 : f32
    %sub3A_244 = vector.broadcast %sub3A_243 : f32 to vector<160x128xf32>
    %sub3A_245 = arith.subf %sub3A_244, %mul3A_242 : vector<160x128xf32>
    %mul3A_246 = arith.mulf %div3A_234, %div3A_235 : vector<160x128xf32>
    %mul3A_247 = arith.mulf %div3A_233, %div3A_236 : vector<160x128xf32>
    %sub3A_248 = arith.subf %mul3A_246, %mul3A_247 : vector<160x128xf32>
    %mul3A_249 = arith.constant 2.000000e+00 : f32
    %mul3A_250 = vector.broadcast %mul3A_249 : f32 to vector<160x128xf32>
    %mul3A_251 = arith.mulf %mul3A_250, %sub3A_248 : vector<160x128xf32>
    %mul3A_252 = arith.mulf %div3A_234, %div3A_236 : vector<160x128xf32>
    %mul3A_253 = arith.mulf %div3A_233, %div3A_235 : vector<160x128xf32>
    %add3A_254 = arith.addf %mul3A_252, %mul3A_253 : vector<160x128xf32>
    %mul3A_255 = arith.constant 2.000000e+00 : f32
    %mul3A_256 = vector.broadcast %mul3A_255 : f32 to vector<160x128xf32>
    %mul3A_257 = arith.mulf %mul3A_256, %add3A_254 : vector<160x128xf32>
    %mul3A_258 = arith.mulf %div3A_234, %div3A_235 : vector<160x128xf32>
    %mul3A_259 = arith.mulf %div3A_233, %div3A_236 : vector<160x128xf32>
    %add3A_260 = arith.addf %mul3A_258, %mul3A_259 : vector<160x128xf32>
    %mul3A_261 = arith.constant 2.000000e+00 : f32
    %mul3A_262 = vector.broadcast %mul3A_261 : f32 to vector<160x128xf32>
    %mul3A_263 = arith.mulf %mul3A_262, %add3A_260 : vector<160x128xf32>
    %mul3A_264 = arith.mulf %div3A_234, %div3A_234 : vector<160x128xf32>
    %mul3A_265 = arith.mulf %div3A_236, %div3A_236 : vector<160x128xf32>
    %add3A_266 = arith.addf %mul3A_264, %mul3A_265 : vector<160x128xf32>
    %mul3A_267 = arith.constant 2.000000e+00 : f32
    %mul3A_268 = vector.broadcast %mul3A_267 : f32 to vector<160x128xf32>
    %mul3A_269 = arith.mulf %mul3A_268, %add3A_266 : vector<160x128xf32>
    %sub3A_270 = arith.constant 1.000000e+00 : f32
    %sub3A_271 = vector.broadcast %sub3A_270 : f32 to vector<160x128xf32>
    %sub3A_272 = arith.subf %sub3A_271, %mul3A_269 : vector<160x128xf32>
    %mul3A_273 = arith.mulf %div3A_235, %div3A_236 : vector<160x128xf32>
    %mul3A_274 = arith.mulf %div3A_233, %div3A_234 : vector<160x128xf32>
    %sub3A_275 = arith.subf %mul3A_273, %mul3A_274 : vector<160x128xf32>
    %mul3A_276 = arith.constant 2.000000e+00 : f32
    %mul3A_277 = vector.broadcast %mul3A_276 : f32 to vector<160x128xf32>
    %mul3A_278 = arith.mulf %mul3A_277, %sub3A_275 : vector<160x128xf32>
    %mul3A_279 = arith.mulf %div3A_234, %div3A_236 : vector<160x128xf32>
    %mul3A_280 = arith.mulf %div3A_233, %div3A_235 : vector<160x128xf32>
    %sub3A_281 = arith.subf %mul3A_279, %mul3A_280 : vector<160x128xf32>
    %mul3A_282 = arith.constant 2.000000e+00 : f32
    %mul3A_283 = vector.broadcast %mul3A_282 : f32 to vector<160x128xf32>
    %mul3A_284 = arith.mulf %mul3A_283, %sub3A_281 : vector<160x128xf32>
    %mul3A_285 = arith.mulf %div3A_235, %div3A_236 : vector<160x128xf32>
    %mul3A_286 = arith.mulf %div3A_233, %div3A_234 : vector<160x128xf32>
    %add3A_287 = arith.addf %mul3A_285, %mul3A_286 : vector<160x128xf32>
    %mul3A_288 = arith.constant 2.000000e+00 : f32
    %mul3A_289 = vector.broadcast %mul3A_288 : f32 to vector<160x128xf32>
    %mul3A_290 = arith.mulf %mul3A_289, %add3A_287 : vector<160x128xf32>
    %mul3A_291 = arith.mulf %div3A_234, %div3A_234 : vector<160x128xf32>
    %mul3A_292 = arith.mulf %div3A_235, %div3A_235 : vector<160x128xf32>
    %add3A_293 = arith.addf %mul3A_291, %mul3A_292 : vector<160x128xf32>
    %mul3A_294 = arith.constant 2.000000e+00 : f32
    %mul3A_295 = vector.broadcast %mul3A_294 : f32 to vector<160x128xf32>
    %mul3A_296 = arith.mulf %mul3A_295, %add3A_293 : vector<160x128xf32>
    %sub3A_297 = arith.constant 1.000000e+00 : f32
    %sub3A_298 = vector.broadcast %sub3A_297 : f32 to vector<160x128xf32>
    %sub3A_299 = arith.subf %sub3A_298, %mul3A_296 : vector<160x128xf32>
    %get3A_300 = arith.constant 0 : index
    %get3A_301 = arith.constant 0 : index
    %get3A_302 = arith.constant 0 : index
    %get3A_303 = vector.load %arg5[%get3A_300, %get3A_301, %get3A_302] : memref<3x160x128xf32, #tpu.memory_space<vmem>>, vector<1x160x128xf32>
    %get3A_304 = vector.shape_cast %get3A_303 : vector<1x160x128xf32> to vector<160x128xf32>
    %mul3A_305 = arith.constant 1.000000e+00 : f32
    %mul3A_306 = vector.broadcast %mul3A_305 : f32 to vector<160x128xf32>
    %mul3A_307 = arith.mulf %get3A_304, %mul3A_306 : vector<160x128xf32>
    %get3A_308 = arith.constant 1 : index
    %get3A_309 = arith.constant 0 : index
    %get3A_310 = arith.constant 0 : index
    %get3A_311 = vector.load %arg5[%get3A_308, %get3A_309, %get3A_310] : memref<3x160x128xf32, #tpu.memory_space<vmem>>, vector<1x160x128xf32>
    %get3A_312 = vector.shape_cast %get3A_311 : vector<1x160x128xf32> to vector<160x128xf32>
    %mul3A_313 = arith.constant 1.000000e+00 : f32
    %mul3A_314 = vector.broadcast %mul3A_313 : f32 to vector<160x128xf32>
    %mul3A_315 = arith.mulf %get3A_312, %mul3A_314 : vector<160x128xf32>
    %get3A_316 = arith.constant 2 : index
    %get3A_317 = arith.constant 0 : index
    %get3A_318 = arith.constant 0 : index
    %get3A_319 = vector.load %arg5[%get3A_316, %get3A_317, %get3A_318] : memref<3x160x128xf32, #tpu.memory_space<vmem>>, vector<1x160x128xf32>
    %get3A_320 = vector.shape_cast %get3A_319 : vector<1x160x128xf32> to vector<160x128xf32>
    %mul3A_321 = arith.constant 1.000000e+00 : f32
    %mul3A_322 = vector.broadcast %mul3A_321 : f32 to vector<160x128xf32>
    %mul3A_323 = arith.mulf %get3A_320, %mul3A_322 : vector<160x128xf32>
    %mul3A_324 = arith.mulf %sub3A_245, %mul3A_307 : vector<160x128xf32>
    %convert_element_type3A_325 = arith.truncf %mul3A_324 : vector<160x128xf32> to vector<160x128xbf16>
    %convert_element_type3A_326 = arith.extf %convert_element_type3A_325 : vector<160x128xbf16> to vector<160x128xf32>
    %mul3A_327 = arith.mulf %mul3A_251, %mul3A_315 : vector<160x128xf32>
    %convert_element_type3A_328 = arith.truncf %mul3A_327 : vector<160x128xf32> to vector<160x128xbf16>
    %convert_element_type3A_329 = arith.extf %convert_element_type3A_328 : vector<160x128xbf16> to vector<160x128xf32>
    %mul3A_330 = arith.mulf %mul3A_257, %mul3A_323 : vector<160x128xf32>
    %convert_element_type3A_331 = arith.truncf %mul3A_330 : vector<160x128xf32> to vector<160x128xbf16>
    %convert_element_type3A_332 = arith.extf %convert_element_type3A_331 : vector<160x128xbf16> to vector<160x128xf32>
    %mul3A_333 = arith.mulf %mul3A_263, %mul3A_307 : vector<160x128xf32>
    %convert_element_type3A_334 = arith.truncf %mul3A_333 : vector<160x128xf32> to vector<160x128xbf16>
    %convert_element_type3A_335 = arith.extf %convert_element_type3A_334 : vector<160x128xbf16> to vector<160x128xf32>
    %mul3A_336 = arith.mulf %sub3A_272, %mul3A_315 : vector<160x128xf32>
    %convert_element_type3A_337 = arith.truncf %mul3A_336 : vector<160x128xf32> to vector<160x128xbf16>
    %convert_element_type3A_338 = arith.extf %convert_element_type3A_337 : vector<160x128xbf16> to vector<160x128xf32>
    %mul3A_339 = arith.mulf %mul3A_278, %mul3A_323 : vector<160x128xf32>
    %convert_element_type3A_340 = arith.truncf %mul3A_339 : vector<160x128xf32> to vector<160x128xbf16>
    %convert_element_type3A_341 = arith.extf %convert_element_type3A_340 : vector<160x128xbf16> to vector<160x128xf32>
    %mul3A_342 = arith.mulf %mul3A_284, %mul3A_307 : vector<160x128xf32>
    %convert_element_type3A_343 = arith.truncf %mul3A_342 : vector<160x128xf32> to vector<160x128xbf16>
    %convert_element_type3A_344 = arith.extf %convert_element_type3A_343 : vector<160x128xbf16> to vector<160x128xf32>
    %mul3A_345 = arith.mulf %mul3A_290, %mul3A_315 : vector<160x128xf32>
    %convert_element_type3A_346 = arith.truncf %mul3A_345 : vector<160x128xf32> to vector<160x128xbf16>
    %convert_element_type3A_347 = arith.extf %convert_element_type3A_346 : vector<160x128xbf16> to vector<160x128xf32>
    %mul3A_348 = arith.mulf %sub3A_299, %mul3A_323 : vector<160x128xf32>
    %convert_element_type3A_349 = arith.truncf %mul3A_348 : vector<160x128xf32> to vector<160x128xbf16>
    %convert_element_type3A_350 = arith.extf %convert_element_type3A_349 : vector<160x128xbf16> to vector<160x128xf32>
    %mul3A_351 = arith.mulf %convert_element_type3A_326, %convert_element_type3A_326 : vector<160x128xf32>
    %mul3A_352 = arith.mulf %convert_element_type3A_329, %convert_element_type3A_329 : vector<160x128xf32>
    %add3A_353 = arith.addf %mul3A_351, %mul3A_352 : vector<160x128xf32>
    %mul3A_354 = arith.mulf %convert_element_type3A_332, %convert_element_type3A_332 : vector<160x128xf32>
    %add3A_355 = arith.addf %add3A_353, %mul3A_354 : vector<160x128xf32>
    %mul3A_356 = arith.mulf %convert_element_type3A_326, %convert_element_type3A_335 : vector<160x128xf32>
    %mul3A_357 = arith.mulf %convert_element_type3A_329, %convert_element_type3A_338 : vector<160x128xf32>
    %add3A_358 = arith.addf %mul3A_356, %mul3A_357 : vector<160x128xf32>
    %mul3A_359 = arith.mulf %convert_element_type3A_332, %convert_element_type3A_341 : vector<160x128xf32>
    %add3A_360 = arith.addf %add3A_358, %mul3A_359 : vector<160x128xf32>
    %mul3A_361 = arith.mulf %convert_element_type3A_326, %convert_element_type3A_344 : vector<160x128xf32>
    %mul3A_362 = arith.mulf %convert_element_type3A_329, %convert_element_type3A_347 : vector<160x128xf32>
    %add3A_363 = arith.addf %mul3A_361, %mul3A_362 : vector<160x128xf32>
    %mul3A_364 = arith.mulf %convert_element_type3A_332, %convert_element_type3A_350 : vector<160x128xf32>
    %add3A_365 = arith.addf %add3A_363, %mul3A_364 : vector<160x128xf32>
    %mul3A_366 = arith.mulf %convert_element_type3A_335, %convert_element_type3A_326 : vector<160x128xf32>
    %mul3A_367 = arith.mulf %convert_element_type3A_338, %convert_element_type3A_329 : vector<160x128xf32>
    %add3A_368 = arith.addf %mul3A_366, %mul3A_367 : vector<160x128xf32>
    %mul3A_369 = arith.mulf %convert_element_type3A_341, %convert_element_type3A_332 : vector<160x128xf32>
    %add3A_370 = arith.addf %add3A_368, %mul3A_369 : vector<160x128xf32>
    %mul3A_371 = arith.mulf %convert_element_type3A_335, %convert_element_type3A_335 : vector<160x128xf32>
    %mul3A_372 = arith.mulf %convert_element_type3A_338, %convert_element_type3A_338 : vector<160x128xf32>
    %add3A_373 = arith.addf %mul3A_371, %mul3A_372 : vector<160x128xf32>
    %mul3A_374 = arith.mulf %convert_element_type3A_341, %convert_element_type3A_341 : vector<160x128xf32>
    %add3A_375 = arith.addf %add3A_373, %mul3A_374 : vector<160x128xf32>
    %mul3A_376 = arith.mulf %convert_element_type3A_335, %convert_element_type3A_344 : vector<160x128xf32>
    %mul3A_377 = arith.mulf %convert_element_type3A_338, %convert_element_type3A_347 : vector<160x128xf32>
    %add3A_378 = arith.addf %mul3A_376, %mul3A_377 : vector<160x128xf32>
    %mul3A_379 = arith.mulf %convert_element_type3A_341, %convert_element_type3A_350 : vector<160x128xf32>
    %add3A_380 = arith.addf %add3A_378, %mul3A_379 : vector<160x128xf32>
    %mul3A_381 = arith.mulf %convert_element_type3A_344, %convert_element_type3A_326 : vector<160x128xf32>
    %mul3A_382 = arith.mulf %convert_element_type3A_347, %convert_element_type3A_329 : vector<160x128xf32>
    %add3A_383 = arith.addf %mul3A_381, %mul3A_382 : vector<160x128xf32>
    %mul3A_384 = arith.mulf %convert_element_type3A_350, %convert_element_type3A_332 : vector<160x128xf32>
    %add3A_385 = arith.addf %add3A_383, %mul3A_384 : vector<160x128xf32>
    %mul3A_386 = arith.mulf %convert_element_type3A_344, %convert_element_type3A_335 : vector<160x128xf32>
    %mul3A_387 = arith.mulf %convert_element_type3A_347, %convert_element_type3A_338 : vector<160x128xf32>
    %add3A_388 = arith.addf %mul3A_386, %mul3A_387 : vector<160x128xf32>
    %mul3A_389 = arith.mulf %convert_element_type3A_350, %convert_element_type3A_341 : vector<160x128xf32>
    %add3A_390 = arith.addf %add3A_388, %mul3A_389 : vector<160x128xf32>
    %mul3A_391 = arith.mulf %convert_element_type3A_344, %convert_element_type3A_344 : vector<160x128xf32>
    %mul3A_392 = arith.mulf %convert_element_type3A_347, %convert_element_type3A_347 : vector<160x128xf32>
    %add3A_393 = arith.addf %mul3A_391, %mul3A_392 : vector<160x128xf32>
    %mul3A_394 = arith.mulf %convert_element_type3A_350, %convert_element_type3A_350 : vector<160x128xf32>
    %add3A_395 = arith.addf %add3A_393, %mul3A_394 : vector<160x128xf32>
    %convert_element_type3A_396 = arith.truncf %add3A_355 : vector<160x128xf32> to vector<160x128xbf16>
    %convert_element_type3A_397 = arith.extf %convert_element_type3A_396 : vector<160x128xbf16> to vector<160x128xf32>
    %convert_element_type3A_398 = arith.truncf %add3A_360 : vector<160x128xf32> to vector<160x128xbf16>
    %convert_element_type3A_399 = arith.extf %convert_element_type3A_398 : vector<160x128xbf16> to vector<160x128xf32>
    %convert_element_type3A_400 = arith.truncf %add3A_365 : vector<160x128xf32> to vector<160x128xbf16>
    %convert_element_type3A_401 = arith.extf %convert_element_type3A_400 : vector<160x128xbf16> to vector<160x128xf32>
    %convert_element_type3A_402 = arith.truncf %add3A_370 : vector<160x128xf32> to vector<160x128xbf16>
    %convert_element_type3A_403 = arith.extf %convert_element_type3A_402 : vector<160x128xbf16> to vector<160x128xf32>
    %convert_element_type3A_404 = arith.truncf %add3A_375 : vector<160x128xf32> to vector<160x128xbf16>
    %convert_element_type3A_405 = arith.extf %convert_element_type3A_404 : vector<160x128xbf16> to vector<160x128xf32>
    %convert_element_type3A_406 = arith.truncf %add3A_380 : vector<160x128xf32> to vector<160x128xbf16>
    %convert_element_type3A_407 = arith.extf %convert_element_type3A_406 : vector<160x128xbf16> to vector<160x128xf32>
    %convert_element_type3A_408 = arith.truncf %add3A_385 : vector<160x128xf32> to vector<160x128xbf16>
    %convert_element_type3A_409 = arith.extf %convert_element_type3A_408 : vector<160x128xbf16> to vector<160x128xf32>
    %convert_element_type3A_410 = arith.truncf %add3A_390 : vector<160x128xf32> to vector<160x128xbf16>
    %convert_element_type3A_411 = arith.extf %convert_element_type3A_410 : vector<160x128xbf16> to vector<160x128xf32>
    %convert_element_type3A_412 = arith.truncf %add3A_395 : vector<160x128xf32> to vector<160x128xbf16>
    %convert_element_type3A_413 = arith.extf %convert_element_type3A_412 : vector<160x128xbf16> to vector<160x128xf32>
    %mul3A_414 = vector.broadcast %get3A_2 : f32 to vector<160x128xf32>
    %mul3A_415 = arith.mulf %mul3A_414, %convert_element_type3A_397 : vector<160x128xf32>
    %mul3A_416 = vector.broadcast %get3A_14 : f32 to vector<160x128xf32>
    %mul3A_417 = arith.mulf %mul3A_416, %convert_element_type3A_403 : vector<160x128xf32>
    %add3A_418 = arith.addf %mul3A_415, %mul3A_417 : vector<160x128xf32>
    %mul3A_419 = vector.broadcast %get3A_26 : f32 to vector<160x128xf32>
    %mul3A_420 = arith.mulf %mul3A_419, %convert_element_type3A_409 : vector<160x128xf32>
    %add3A_421 = arith.addf %add3A_418, %mul3A_420 : vector<160x128xf32>
    %mul3A_422 = vector.broadcast %get3A_2 : f32 to vector<160x128xf32>
    %mul3A_423 = arith.mulf %mul3A_422, %convert_element_type3A_399 : vector<160x128xf32>
    %mul3A_424 = vector.broadcast %get3A_14 : f32 to vector<160x128xf32>
    %mul3A_425 = arith.mulf %mul3A_424, %convert_element_type3A_405 : vector<160x128xf32>
    %add3A_426 = arith.addf %mul3A_423, %mul3A_425 : vector<160x128xf32>
    %mul3A_427 = vector.broadcast %get3A_26 : f32 to vector<160x128xf32>
    %mul3A_428 = arith.mulf %mul3A_427, %convert_element_type3A_411 : vector<160x128xf32>
    %add3A_429 = arith.addf %add3A_426, %mul3A_428 : vector<160x128xf32>
    %mul3A_430 = vector.broadcast %get3A_2 : f32 to vector<160x128xf32>
    %mul3A_431 = arith.mulf %mul3A_430, %convert_element_type3A_401 : vector<160x128xf32>
    %mul3A_432 = vector.broadcast %get3A_14 : f32 to vector<160x128xf32>
    %mul3A_433 = arith.mulf %mul3A_432, %convert_element_type3A_407 : vector<160x128xf32>
    %add3A_434 = arith.addf %mul3A_431, %mul3A_433 : vector<160x128xf32>
    %mul3A_435 = vector.broadcast %get3A_26 : f32 to vector<160x128xf32>
    %mul3A_436 = arith.mulf %mul3A_435, %convert_element_type3A_413 : vector<160x128xf32>
    %add3A_437 = arith.addf %add3A_434, %mul3A_436 : vector<160x128xf32>
    %mul3A_438 = vector.broadcast %get3A_6 : f32 to vector<160x128xf32>
    %mul3A_439 = arith.mulf %mul3A_438, %convert_element_type3A_397 : vector<160x128xf32>
    %mul3A_440 = vector.broadcast %get3A_18 : f32 to vector<160x128xf32>
    %mul3A_441 = arith.mulf %mul3A_440, %convert_element_type3A_403 : vector<160x128xf32>
    %add3A_442 = arith.addf %mul3A_439, %mul3A_441 : vector<160x128xf32>
    %mul3A_443 = vector.broadcast %get3A_30 : f32 to vector<160x128xf32>
    %mul3A_444 = arith.mulf %mul3A_443, %convert_element_type3A_409 : vector<160x128xf32>
    %add3A_445 = arith.addf %add3A_442, %mul3A_444 : vector<160x128xf32>
    %mul3A_446 = vector.broadcast %get3A_6 : f32 to vector<160x128xf32>
    %mul3A_447 = arith.mulf %mul3A_446, %convert_element_type3A_399 : vector<160x128xf32>
    %mul3A_448 = vector.broadcast %get3A_18 : f32 to vector<160x128xf32>
    %mul3A_449 = arith.mulf %mul3A_448, %convert_element_type3A_405 : vector<160x128xf32>
    %add3A_450 = arith.addf %mul3A_447, %mul3A_449 : vector<160x128xf32>
    %mul3A_451 = vector.broadcast %get3A_30 : f32 to vector<160x128xf32>
    %mul3A_452 = arith.mulf %mul3A_451, %convert_element_type3A_411 : vector<160x128xf32>
    %add3A_453 = arith.addf %add3A_450, %mul3A_452 : vector<160x128xf32>
    %mul3A_454 = vector.broadcast %get3A_6 : f32 to vector<160x128xf32>
    %mul3A_455 = arith.mulf %mul3A_454, %convert_element_type3A_401 : vector<160x128xf32>
    %mul3A_456 = vector.broadcast %get3A_18 : f32 to vector<160x128xf32>
    %mul3A_457 = arith.mulf %mul3A_456, %convert_element_type3A_407 : vector<160x128xf32>
    %add3A_458 = arith.addf %mul3A_455, %mul3A_457 : vector<160x128xf32>
    %mul3A_459 = vector.broadcast %get3A_30 : f32 to vector<160x128xf32>
    %mul3A_460 = arith.mulf %mul3A_459, %convert_element_type3A_413 : vector<160x128xf32>
    %add3A_461 = arith.addf %add3A_458, %mul3A_460 : vector<160x128xf32>
    %mul3A_462 = vector.broadcast %get3A_10 : f32 to vector<160x128xf32>
    %mul3A_463 = arith.mulf %mul3A_462, %convert_element_type3A_397 : vector<160x128xf32>
    %mul3A_464 = vector.broadcast %get3A_22 : f32 to vector<160x128xf32>
    %mul3A_465 = arith.mulf %mul3A_464, %convert_element_type3A_403 : vector<160x128xf32>
    %add3A_466 = arith.addf %mul3A_463, %mul3A_465 : vector<160x128xf32>
    %mul3A_467 = vector.broadcast %get3A_34 : f32 to vector<160x128xf32>
    %mul3A_468 = arith.mulf %mul3A_467, %convert_element_type3A_409 : vector<160x128xf32>
    %add3A_469 = arith.addf %add3A_466, %mul3A_468 : vector<160x128xf32>
    %mul3A_470 = vector.broadcast %get3A_10 : f32 to vector<160x128xf32>
    %mul3A_471 = arith.mulf %mul3A_470, %convert_element_type3A_399 : vector<160x128xf32>
    %mul3A_472 = vector.broadcast %get3A_22 : f32 to vector<160x128xf32>
    %mul3A_473 = arith.mulf %mul3A_472, %convert_element_type3A_405 : vector<160x128xf32>
    %add3A_474 = arith.addf %mul3A_471, %mul3A_473 : vector<160x128xf32>
    %mul3A_475 = vector.broadcast %get3A_34 : f32 to vector<160x128xf32>
    %mul3A_476 = arith.mulf %mul3A_475, %convert_element_type3A_411 : vector<160x128xf32>
    %add3A_477 = arith.addf %add3A_474, %mul3A_476 : vector<160x128xf32>
    %mul3A_478 = vector.broadcast %get3A_10 : f32 to vector<160x128xf32>
    %mul3A_479 = arith.mulf %mul3A_478, %convert_element_type3A_401 : vector<160x128xf32>
    %mul3A_480 = vector.broadcast %get3A_22 : f32 to vector<160x128xf32>
    %mul3A_481 = arith.mulf %mul3A_480, %convert_element_type3A_407 : vector<160x128xf32>
    %add3A_482 = arith.addf %mul3A_479, %mul3A_481 : vector<160x128xf32>
    %mul3A_483 = vector.broadcast %get3A_34 : f32 to vector<160x128xf32>
    %mul3A_484 = arith.mulf %mul3A_483, %convert_element_type3A_413 : vector<160x128xf32>
    %add3A_485 = arith.addf %add3A_482, %mul3A_484 : vector<160x128xf32>
    %convert_element_type3A_486 = arith.truncf %add3A_421 : vector<160x128xf32> to vector<160x128xbf16>
    %convert_element_type3A_487 = arith.extf %convert_element_type3A_486 : vector<160x128xbf16> to vector<160x128xf32>
    %mul3A_488 = vector.broadcast %get3A_2 : f32 to vector<160x128xf32>
    %mul3A_489 = arith.mulf %convert_element_type3A_487, %mul3A_488 : vector<160x128xf32>
    %convert_element_type3A_490 = arith.truncf %add3A_429 : vector<160x128xf32> to vector<160x128xbf16>
    %convert_element_type3A_491 = arith.extf %convert_element_type3A_490 : vector<160x128xbf16> to vector<160x128xf32>
    %mul3A_492 = vector.broadcast %get3A_14 : f32 to vector<160x128xf32>
    %mul3A_493 = arith.mulf %convert_element_type3A_491, %mul3A_492 : vector<160x128xf32>
    %add3A_494 = arith.addf %mul3A_489, %mul3A_493 : vector<160x128xf32>
    %convert_element_type3A_495 = arith.truncf %add3A_437 : vector<160x128xf32> to vector<160x128xbf16>
    %convert_element_type3A_496 = arith.extf %convert_element_type3A_495 : vector<160x128xbf16> to vector<160x128xf32>
    %mul3A_497 = vector.broadcast %get3A_26 : f32 to vector<160x128xf32>
    %mul3A_498 = arith.mulf %convert_element_type3A_496, %mul3A_497 : vector<160x128xf32>
    %add3A_499 = arith.addf %add3A_494, %mul3A_498 : vector<160x128xf32>
    %convert_element_type3A_500 = arith.truncf %add3A_421 : vector<160x128xf32> to vector<160x128xbf16>
    %convert_element_type3A_501 = arith.extf %convert_element_type3A_500 : vector<160x128xbf16> to vector<160x128xf32>
    %mul3A_502 = vector.broadcast %get3A_6 : f32 to vector<160x128xf32>
    %mul3A_503 = arith.mulf %convert_element_type3A_501, %mul3A_502 : vector<160x128xf32>
    %convert_element_type3A_504 = arith.truncf %add3A_429 : vector<160x128xf32> to vector<160x128xbf16>
    %convert_element_type3A_505 = arith.extf %convert_element_type3A_504 : vector<160x128xbf16> to vector<160x128xf32>
    %mul3A_506 = vector.broadcast %get3A_18 : f32 to vector<160x128xf32>
    %mul3A_507 = arith.mulf %convert_element_type3A_505, %mul3A_506 : vector<160x128xf32>
    %add3A_508 = arith.addf %mul3A_503, %mul3A_507 : vector<160x128xf32>
    %convert_element_type3A_509 = arith.truncf %add3A_437 : vector<160x128xf32> to vector<160x128xbf16>
    %convert_element_type3A_510 = arith.extf %convert_element_type3A_509 : vector<160x128xbf16> to vector<160x128xf32>
    %mul3A_511 = vector.broadcast %get3A_30 : f32 to vector<160x128xf32>
    %mul3A_512 = arith.mulf %convert_element_type3A_510, %mul3A_511 : vector<160x128xf32>
    %add3A_513 = arith.addf %add3A_508, %mul3A_512 : vector<160x128xf32>
    %convert_element_type3A_514 = arith.truncf %add3A_421 : vector<160x128xf32> to vector<160x128xbf16>
    %convert_element_type3A_515 = arith.extf %convert_element_type3A_514 : vector<160x128xbf16> to vector<160x128xf32>
    %mul3A_516 = vector.broadcast %get3A_10 : f32 to vector<160x128xf32>
    %mul3A_517 = arith.mulf %convert_element_type3A_515, %mul3A_516 : vector<160x128xf32>
    %convert_element_type3A_518 = arith.truncf %add3A_429 : vector<160x128xf32> to vector<160x128xbf16>
    %convert_element_type3A_519 = arith.extf %convert_element_type3A_518 : vector<160x128xbf16> to vector<160x128xf32>
    %mul3A_520 = vector.broadcast %get3A_22 : f32 to vector<160x128xf32>
    %mul3A_521 = arith.mulf %convert_element_type3A_519, %mul3A_520 : vector<160x128xf32>
    %add3A_522 = arith.addf %mul3A_517, %mul3A_521 : vector<160x128xf32>
    %convert_element_type3A_523 = arith.truncf %add3A_437 : vector<160x128xf32> to vector<160x128xbf16>
    %convert_element_type3A_524 = arith.extf %convert_element_type3A_523 : vector<160x128xbf16> to vector<160x128xf32>
    %mul3A_525 = vector.broadcast %get3A_34 : f32 to vector<160x128xf32>
    %mul3A_526 = arith.mulf %convert_element_type3A_524, %mul3A_525 : vector<160x128xf32>
    %add3A_527 = arith.addf %add3A_522, %mul3A_526 : vector<160x128xf32>
    %convert_element_type3A_528 = arith.truncf %add3A_445 : vector<160x128xf32> to vector<160x128xbf16>
    %convert_element_type3A_529 = arith.extf %convert_element_type3A_528 : vector<160x128xbf16> to vector<160x128xf32>
    %mul3A_530 = vector.broadcast %get3A_6 : f32 to vector<160x128xf32>
    %mul3A_531 = arith.mulf %convert_element_type3A_529, %mul3A_530 : vector<160x128xf32>
    %convert_element_type3A_532 = arith.truncf %add3A_453 : vector<160x128xf32> to vector<160x128xbf16>
    %convert_element_type3A_533 = arith.extf %convert_element_type3A_532 : vector<160x128xbf16> to vector<160x128xf32>
    %mul3A_534 = vector.broadcast %get3A_18 : f32 to vector<160x128xf32>
    %mul3A_535 = arith.mulf %convert_element_type3A_533, %mul3A_534 : vector<160x128xf32>
    %add3A_536 = arith.addf %mul3A_531, %mul3A_535 : vector<160x128xf32>
    %convert_element_type3A_537 = arith.truncf %add3A_461 : vector<160x128xf32> to vector<160x128xbf16>
    %convert_element_type3A_538 = arith.extf %convert_element_type3A_537 : vector<160x128xbf16> to vector<160x128xf32>
    %mul3A_539 = vector.broadcast %get3A_30 : f32 to vector<160x128xf32>
    %mul3A_540 = arith.mulf %convert_element_type3A_538, %mul3A_539 : vector<160x128xf32>
    %add3A_541 = arith.addf %add3A_536, %mul3A_540 : vector<160x128xf32>
    %convert_element_type3A_542 = arith.truncf %add3A_445 : vector<160x128xf32> to vector<160x128xbf16>
    %convert_element_type3A_543 = arith.extf %convert_element_type3A_542 : vector<160x128xbf16> to vector<160x128xf32>
    %mul3A_544 = vector.broadcast %get3A_10 : f32 to vector<160x128xf32>
    %mul3A_545 = arith.mulf %convert_element_type3A_543, %mul3A_544 : vector<160x128xf32>
    %convert_element_type3A_546 = arith.truncf %add3A_453 : vector<160x128xf32> to vector<160x128xbf16>
    %convert_element_type3A_547 = arith.extf %convert_element_type3A_546 : vector<160x128xbf16> to vector<160x128xf32>
    %mul3A_548 = vector.broadcast %get3A_22 : f32 to vector<160x128xf32>
    %mul3A_549 = arith.mulf %convert_element_type3A_547, %mul3A_548 : vector<160x128xf32>
    %add3A_550 = arith.addf %mul3A_545, %mul3A_549 : vector<160x128xf32>
    %convert_element_type3A_551 = arith.truncf %add3A_461 : vector<160x128xf32> to vector<160x128xbf16>
    %convert_element_type3A_552 = arith.extf %convert_element_type3A_551 : vector<160x128xbf16> to vector<160x128xf32>
    %mul3A_553 = vector.broadcast %get3A_34 : f32 to vector<160x128xf32>
    %mul3A_554 = arith.mulf %convert_element_type3A_552, %mul3A_553 : vector<160x128xf32>
    %add3A_555 = arith.addf %add3A_550, %mul3A_554 : vector<160x128xf32>
    %convert_element_type3A_556 = arith.truncf %add3A_469 : vector<160x128xf32> to vector<160x128xbf16>
    %convert_element_type3A_557 = arith.extf %convert_element_type3A_556 : vector<160x128xbf16> to vector<160x128xf32>
    %mul3A_558 = vector.broadcast %get3A_10 : f32 to vector<160x128xf32>
    %mul3A_559 = arith.mulf %convert_element_type3A_557, %mul3A_558 : vector<160x128xf32>
    %convert_element_type3A_560 = arith.truncf %add3A_477 : vector<160x128xf32> to vector<160x128xbf16>
    %convert_element_type3A_561 = arith.extf %convert_element_type3A_560 : vector<160x128xbf16> to vector<160x128xf32>
    %mul3A_562 = vector.broadcast %get3A_22 : f32 to vector<160x128xf32>
    %mul3A_563 = arith.mulf %convert_element_type3A_561, %mul3A_562 : vector<160x128xf32>
    %add3A_564 = arith.addf %mul3A_559, %mul3A_563 : vector<160x128xf32>
    %convert_element_type3A_565 = arith.truncf %add3A_485 : vector<160x128xf32> to vector<160x128xbf16>
    %convert_element_type3A_566 = arith.extf %convert_element_type3A_565 : vector<160x128xbf16> to vector<160x128xf32>
    %mul3A_567 = vector.broadcast %get3A_34 : f32 to vector<160x128xf32>
    %mul3A_568 = arith.mulf %convert_element_type3A_566, %mul3A_567 : vector<160x128xf32>
    %add3A_569 = arith.addf %add3A_564, %mul3A_568 : vector<160x128xf32>
    %max3A = arith.constant 1.000000e-03 : f32
    %max3A_570 = vector.broadcast %max3A : f32 to vector<160x128xf32>
    %max3A_571 = arith.maximumf %add3A_142, %max3A_570 : vector<160x128xf32>
    %div3A_572 = arith.constant 8.000000e+02 : f32
    %div3A_573 = vector.broadcast %div3A_572 : f32 to vector<160x128xf32>
    %div3A_574 = arith.divf %div3A_573, %max3A_571 : vector<160x128xf32>
    %div3A_575 = arith.constant 8.000000e+02 : f32
    %div3A_576 = vector.broadcast %div3A_575 : f32 to vector<160x128xf32>
    %div3A_577 = arith.divf %div3A_576, %max3A_571 : vector<160x128xf32>
    %mul3A_578 = arith.constant -8.000000e+02 : f32
    %mul3A_579 = vector.broadcast %mul3A_578 : f32 to vector<160x128xf32>
    %mul3A_580 = arith.mulf %mul3A_579, %add3A_122 : vector<160x128xf32>
    %mul3A_581 = arith.mulf %max3A_571, %max3A_571 : vector<160x128xf32>
    %div3A_582 = arith.divf %mul3A_580, %mul3A_581 : vector<160x128xf32>
    %mul3A_583 = arith.constant -8.000000e+02 : f32
    %mul3A_584 = vector.broadcast %mul3A_583 : f32 to vector<160x128xf32>
    %mul3A_585 = arith.mulf %mul3A_584, %add3A_132 : vector<160x128xf32>
    %mul3A_586 = arith.mulf %max3A_571, %max3A_571 : vector<160x128xf32>
    %div3A_587 = arith.divf %mul3A_585, %mul3A_586 : vector<160x128xf32>
    %mul3A_588 = arith.mulf %div3A_574, %div3A_574 : vector<160x128xf32>
    %mul3A_589 = arith.mulf %mul3A_588, %add3A_499 : vector<160x128xf32>
    %mul3A_590 = arith.constant 2.000000e+00 : f32
    %mul3A_591 = vector.broadcast %mul3A_590 : f32 to vector<160x128xf32>
    %mul3A_592 = arith.mulf %mul3A_591, %div3A_574 : vector<160x128xf32>
    %mul3A_593 = arith.mulf %mul3A_592, %div3A_582 : vector<160x128xf32>
    %mul3A_594 = arith.mulf %mul3A_593, %add3A_527 : vector<160x128xf32>
    %add3A_595 = arith.addf %mul3A_589, %mul3A_594 : vector<160x128xf32>
    %mul3A_596 = arith.mulf %div3A_582, %div3A_582 : vector<160x128xf32>
    %mul3A_597 = arith.mulf %mul3A_596, %add3A_569 : vector<160x128xf32>
    %add3A_598 = arith.addf %add3A_595, %mul3A_597 : vector<160x128xf32>
    %add3A_599 = arith.constant 3.000000e-01 : f32
    %add3A_600 = vector.broadcast %add3A_599 : f32 to vector<160x128xf32>
    %add3A_601 = arith.addf %add3A_598, %add3A_600 : vector<160x128xf32>
    %mul3A_602 = arith.mulf %div3A_574, %div3A_577 : vector<160x128xf32>
    %mul3A_603 = arith.mulf %mul3A_602, %add3A_513 : vector<160x128xf32>
    %mul3A_604 = arith.mulf %div3A_574, %div3A_587 : vector<160x128xf32>
    %mul3A_605 = arith.mulf %mul3A_604, %add3A_527 : vector<160x128xf32>
    %add3A_606 = arith.addf %mul3A_603, %mul3A_605 : vector<160x128xf32>
    %mul3A_607 = arith.mulf %div3A_577, %div3A_582 : vector<160x128xf32>
    %mul3A_608 = arith.mulf %mul3A_607, %add3A_555 : vector<160x128xf32>
    %add3A_609 = arith.addf %add3A_606, %mul3A_608 : vector<160x128xf32>
    %mul3A_610 = arith.mulf %div3A_582, %div3A_587 : vector<160x128xf32>
    %mul3A_611 = arith.mulf %mul3A_610, %add3A_569 : vector<160x128xf32>
    %add3A_612 = arith.addf %add3A_609, %mul3A_611 : vector<160x128xf32>
    %mul3A_613 = arith.mulf %div3A_577, %div3A_577 : vector<160x128xf32>
    %mul3A_614 = arith.mulf %mul3A_613, %add3A_541 : vector<160x128xf32>
    %mul3A_615 = arith.constant 2.000000e+00 : f32
    %mul3A_616 = vector.broadcast %mul3A_615 : f32 to vector<160x128xf32>
    %mul3A_617 = arith.mulf %mul3A_616, %div3A_577 : vector<160x128xf32>
    %mul3A_618 = arith.mulf %mul3A_617, %div3A_587 : vector<160x128xf32>
    %mul3A_619 = arith.mulf %mul3A_618, %add3A_555 : vector<160x128xf32>
    %add3A_620 = arith.addf %mul3A_614, %mul3A_619 : vector<160x128xf32>
    %mul3A_621 = arith.mulf %div3A_587, %div3A_587 : vector<160x128xf32>
    %mul3A_622 = arith.mulf %mul3A_621, %add3A_569 : vector<160x128xf32>
    %add3A_623 = arith.addf %add3A_620, %mul3A_622 : vector<160x128xf32>
    %add3A_624 = arith.constant 3.000000e-01 : f32
    %add3A_625 = vector.broadcast %add3A_624 : f32 to vector<160x128xf32>
    %add3A_626 = arith.addf %add3A_623, %add3A_625 : vector<160x128xf32>
    %mul3A_627 = arith.mulf %add3A_601, %add3A_626 : vector<160x128xf32>
    %mul3A_628 = arith.mulf %add3A_612, %add3A_612 : vector<160x128xf32>
    %sub3A_629 = arith.subf %mul3A_627, %mul3A_628 : vector<160x128xf32>
    %add3A_630 = arith.addf %add3A_601, %add3A_626 : vector<160x128xf32>
    %mul3A_631 = arith.constant 5.000000e-01 : f32
    %mul3A_632 = vector.broadcast %mul3A_631 : f32 to vector<160x128xf32>
    %mul3A_633 = arith.mulf %mul3A_632, %add3A_630 : vector<160x128xf32>
    %mul3A_634 = arith.mulf %mul3A_633, %mul3A_633 : vector<160x128xf32>
    %sub3A_635 = arith.subf %mul3A_634, %sub3A_629 : vector<160x128xf32>
    %max3A_636 = arith.constant 1.000000e-01 : f32
    %max3A_637 = vector.broadcast %max3A_636 : f32 to vector<160x128xf32>
    %max3A_638 = arith.maximumf %sub3A_635, %max3A_637 : vector<160x128xf32>
    %sqrt3A_639 = math.sqrt %max3A_638 : vector<160x128xf32>
    %add3A_640 = arith.addf %mul3A_633, %sqrt3A_639 : vector<160x128xf32>
    %max3A_641 = arith.constant 0.000000e+00 : f32
    %max3A_642 = vector.broadcast %max3A_641 : f32 to vector<160x128xf32>
    %max3A_643 = arith.maximumf %add3A_640, %max3A_642 : vector<160x128xf32>
    %sqrt3A_644 = math.sqrt %max3A_643 : vector<160x128xf32>
    %mul3A_645 = arith.constant 3.000000e+00 : f32
    %mul3A_646 = vector.broadcast %mul3A_645 : f32 to vector<160x128xf32>
    %mul3A_647 = arith.mulf %mul3A_646, %sqrt3A_644 : vector<160x128xf32>
    %ceil3A = math.ceil %mul3A_647 : vector<160x128xf32>
    %gt3A = arith.constant 2.000000e-01 : f32
    %gt3A_648 = vector.broadcast %gt3A : f32 to vector<160x128xf32>
    %gt3A_649 = arith.cmpf ogt, %add3A_142, %gt3A_648 : vector<160x128xf32>
    %ge3A = arith.constant 0.000000e+00 : f32
    %ge3A_650 = vector.broadcast %ge3A : f32 to vector<160x128xf32>
    %ge3A_651 = arith.cmpf oge, %mul3A_189, %ge3A_650 : vector<160x128xf32>
    %and3A = arith.andi %gt3A_649, %ge3A_651 : vector<160x128xi1>
    %le3A = arith.constant 7.990000e+02 : f32
    %le3A_652 = vector.broadcast %le3A : f32 to vector<160x128xf32>
    %le3A_653 = arith.cmpf ole, %mul3A_189, %le3A_652 : vector<160x128xf32>
    %and3A_654 = arith.andi %and3A, %le3A_653 : vector<160x128xi1>
    %ge3A_655 = arith.constant 0.000000e+00 : f32
    %ge3A_656 = vector.broadcast %ge3A_655 : f32 to vector<160x128xf32>
    %ge3A_657 = arith.cmpf oge, %mul3A_202, %ge3A_656 : vector<160x128xf32>
    %and3A_658 = arith.andi %and3A_654, %ge3A_657 : vector<160x128xi1>
    %le3A_659 = arith.constant 7.990000e+02 : f32
    %le3A_660 = vector.broadcast %le3A_659 : f32 to vector<160x128xf32>
    %le3A_661 = arith.cmpf ole, %mul3A_202, %le3A_660 : vector<160x128xf32>
    %and3A_662 = arith.andi %and3A_658, %le3A_661 : vector<160x128xi1>
    %gt3A_663 = arith.constant 0.000000e+00 : f32
    %gt3A_664 = vector.broadcast %gt3A_663 : f32 to vector<160x128xf32>
    %gt3A_665 = arith.cmpf ogt, %sub3A_629, %gt3A_664 : vector<160x128xf32>
    %and3A_666 = arith.andi %and3A_662, %gt3A_665 : vector<160x128xi1>
    %convert_element_type3A_667 = arith.extui %and3A_666 : vector<160x128xi1> to vector<160x128xi32>
    %convert_element_type3A_668 = arith.sitofp %convert_element_type3A_667 : vector<160x128xi32> to vector<160x128xf32>
    %jit3A = arith.constant 0.000000e+00 : f32
    %broadcast_in_dim3A = vector.broadcast %jit3A : f32 to vector<160x128xf32>
    %select_n3A = arith.select %and3A_666, %ceil3A, %broadcast_in_dim3A : vector<160x128xi1>, vector<160x128xf32>
    %convert_element_type3A_669 = arith.fptosi %select_n3A : vector<160x128xf32> to vector<160x128xi32>
    %round3A = math.roundeven %mul3A_189 : vector<160x128xf32>
    %jit3A_670 = arith.constant 0 : i32
    %jit3A_671 = arith.constant 799 : i32
    %convert_element_type3A_672 = arith.sitofp %jit3A_670 : i32 to f32
    %max3A_673 = vector.broadcast %convert_element_type3A_672 : f32 to vector<160x128xf32>
    %max3A_674 = arith.maximumf %max3A_673, %round3A : vector<160x128xf32>
    %convert_element_type3A_675 = arith.sitofp %jit3A_671 : i32 to f32
    %min3A = vector.broadcast %convert_element_type3A_675 : f32 to vector<160x128xf32>
    %min3A_676 = arith.minimumf %min3A, %max3A_674 : vector<160x128xf32>
    %convert_element_type3A_677 = arith.fptosi %min3A_676 : vector<160x128xf32> to vector<160x128xi32>
    %round3A_678 = math.roundeven %mul3A_202 : vector<160x128xf32>
    %jit3A_679 = arith.constant 0 : i32
    %jit3A_680 = arith.constant 799 : i32
    %convert_element_type3A_681 = arith.sitofp %jit3A_679 : i32 to f32
    %max3A_682 = vector.broadcast %convert_element_type3A_681 : f32 to vector<160x128xf32>
    %max3A_683 = arith.maximumf %max3A_682, %round3A_678 : vector<160x128xf32>
    %convert_element_type3A_684 = arith.sitofp %jit3A_680 : i32 to f32
    %min3A_685 = vector.broadcast %convert_element_type3A_684 : f32 to vector<160x128xf32>
    %min3A_686 = arith.minimumf %min3A_685, %max3A_683 : vector<160x128xf32>
    %convert_element_type3A_687 = arith.fptosi %min3A_686 : vector<160x128xf32> to vector<160x128xi32>
    %get3A_688 = arith.constant 0 : index
    %get3A_689 = arith.constant 0 : index
    %get3A_690 = arith.constant 0 : index
    %get3A_691 = vector.load %arg4[%get3A_688, %get3A_689, %get3A_690] : memref<1x160x128xf32, #tpu.memory_space<vmem>>, vector<1x160x128xf32>
    %get3A_692 = vector.shape_cast %get3A_691 : vector<1x160x128xf32> to vector<160x128xf32>
    %jit3A_693 = arith.constant 0.000000e+00 : f32
    %jit3A_694 = arith.constant 9.900000e-01 : f32
    %max3A_695 = vector.broadcast %jit3A_693 : f32 to vector<160x128xf32>
    %max3A_696 = arith.maximumf %max3A_695, %get3A_692 : vector<160x128xf32>
    %min3A_697 = vector.broadcast %jit3A_694 : f32 to vector<160x128xf32>
    %min3A_698 = arith.minimumf %min3A_697, %max3A_696 : vector<160x128xf32>
    %mul3A_699 = arith.mulf %min3A_698, %convert_element_type3A_668 : vector<160x128xf32>
    %get3A_700 = arith.constant 0 : index
    %get3A_701 = arith.constant 0 : index
    %get3A_702 = arith.constant 0 : index
    %get3A_703 = vector.load %arg3[%get3A_700, %get3A_701, %get3A_702] : memref<3x160x128xf32, #tpu.memory_space<vmem>>, vector<1x160x128xf32>
    %get3A_704 = vector.shape_cast %get3A_703 : vector<1x160x128xf32> to vector<160x128xf32>
    %mul3A_705 = arith.mulf %mul3A_699, %get3A_704 : vector<160x128xf32>
    %swap3A = arith.constant 0 : index
    %swap3A_706 = arith.constant 0 : index
    %swap3A_707 = arith.constant 0 : index
    %swap3A_708 = vector.load %arg7[%swap3A, %swap3A_706, %swap3A_707] : memref<5x160x128xf32, #tpu.memory_space<vmem>>, vector<1x160x128xf32>
    %swap3A_709 = vector.shape_cast %swap3A_708 : vector<1x160x128xf32> to vector<160x128xf32>
    %swap3A_710 = vector.shape_cast %mul3A_705 : vector<160x128xf32> to vector<1x160x128xf32>
    tpu.vector_store %arg7[%swap3A, %swap3A_706, %swap3A_707], %swap3A_710 {strides = array<i32>} : memref<5x160x128xf32, #tpu.memory_space<vmem>>, vector<1x160x128xf32>,
    %get3A_711 = arith.constant 1 : index
    %get3A_712 = arith.constant 0 : index
    %get3A_713 = arith.constant 0 : index
    %get3A_714 = vector.load %arg3[%get3A_711, %get3A_712, %get3A_713] : memref<3x160x128xf32, #tpu.memory_space<vmem>>, vector<1x160x128xf32>
    %get3A_715 = vector.shape_cast %get3A_714 : vector<1x160x128xf32> to vector<160x128xf32>
    %mul3A_716 = arith.mulf %mul3A_699, %get3A_715 : vector<160x128xf32>
    %swap3A_717 = arith.constant 1 : index
    %swap3A_718 = arith.constant 0 : index
    %swap3A_719 = arith.constant 0 : index
    %swap3A_720 = vector.load %arg7[%swap3A_717, %swap3A_718, %swap3A_719] : memref<5x160x128xf32, #tpu.memory_space<vmem>>, vector<1x160x128xf32>
    %swap3A_721 = vector.shape_cast %swap3A_720 : vector<1x160x128xf32> to vector<160x128xf32>
    %swap3A_722 = vector.shape_cast %mul3A_716 : vector<160x128xf32> to vector<1x160x128xf32>
    tpu.vector_store %arg7[%swap3A_717, %swap3A_718, %swap3A_719], %swap3A_722 {strides = array<i32>} : memref<5x160x128xf32, #tpu.memory_space<vmem>>, vector<1x160x128xf32>,
    %get3A_723 = arith.constant 2 : index
    %get3A_724 = arith.constant 0 : index
    %get3A_725 = arith.constant 0 : index
    %get3A_726 = vector.load %arg3[%get3A_723, %get3A_724, %get3A_725] : memref<3x160x128xf32, #tpu.memory_space<vmem>>, vector<1x160x128xf32>
    %get3A_727 = vector.shape_cast %get3A_726 : vector<1x160x128xf32> to vector<160x128xf32>
    %mul3A_728 = arith.mulf %mul3A_699, %get3A_727 : vector<160x128xf32>
    %swap3A_729 = arith.constant 2 : index
    %swap3A_730 = arith.constant 0 : index
    %swap3A_731 = arith.constant 0 : index
    %swap3A_732 = vector.load %arg7[%swap3A_729, %swap3A_730, %swap3A_731] : memref<5x160x128xf32, #tpu.memory_space<vmem>>, vector<1x160x128xf32>
    %swap3A_733 = vector.shape_cast %swap3A_732 : vector<1x160x128xf32> to vector<160x128xf32>
    %swap3A_734 = vector.shape_cast %mul3A_728 : vector<160x128xf32> to vector<1x160x128xf32>
    tpu.vector_store %arg7[%swap3A_729, %swap3A_730, %swap3A_731], %swap3A_734 {strides = array<i32>} : memref<5x160x128xf32, #tpu.memory_space<vmem>>, vector<1x160x128xf32>,
    %swap3A_735 = arith.constant 3 : index
    %swap3A_736 = arith.constant 0 : index
    %swap3A_737 = arith.constant 0 : index
    %swap3A_738 = vector.load %arg7[%swap3A_735, %swap3A_736, %swap3A_737] : memref<5x160x128xf32, #tpu.memory_space<vmem>>, vector<1x160x128xf32>
    %swap3A_739 = vector.shape_cast %swap3A_738 : vector<1x160x128xf32> to vector<160x128xf32>
    %swap3A_740 = vector.shape_cast %mul3A_699 : vector<160x128xf32> to vector<1x160x128xf32>
    tpu.vector_store %arg7[%swap3A_735, %swap3A_736, %swap3A_737], %swap3A_740 {strides = array<i32>} : memref<5x160x128xf32, #tpu.memory_space<vmem>>, vector<1x160x128xf32>,
    %mul3A_741 = arith.mulf %mul3A_699, %add3A_142 : vector<160x128xf32>
    %swap3A_742 = arith.constant 4 : index
    %swap3A_743 = arith.constant 0 : index
    %swap3A_744 = arith.constant 0 : index
    %swap3A_745 = vector.load %arg7[%swap3A_742, %swap3A_743, %swap3A_744] : memref<5x160x128xf32, #tpu.memory_space<vmem>>, vector<1x160x128xf32>
    %swap3A_746 = vector.shape_cast %swap3A_745 : vector<1x160x128xf32> to vector<160x128xf32>
    %swap3A_747 = vector.shape_cast %mul3A_741 : vector<160x128xf32> to vector<1x160x128xf32>
    tpu.vector_store %arg7[%swap3A_742, %swap3A_743, %swap3A_744], %swap3A_747 {strides = array<i32>} : memref<5x160x128xf32, #tpu.memory_space<vmem>>, vector<1x160x128xf32>,
    %mul3A_748 = arith.constant 800 : i32
    %mul3A_749 = vector.broadcast %mul3A_748 : i32 to vector<160x128xi32>
    %mul3A_750 = arith.muli %convert_element_type3A_687, %mul3A_749 : vector<160x128xi32>
    %add3A_751 = arith.addi %mul3A_750, %convert_element_type3A_677 : vector<160x128xi32>
    %swap3A_752 = arith.constant 0 : index
    %swap3A_753 = arith.constant 0 : index
    %swap3A_754 = arith.constant 0 : index
    %swap3A_755 = vector.load %arg8[%swap3A_752, %swap3A_753, %swap3A_754] : memref<2x160x128xi32, #tpu.memory_space<vmem>>, vector<1x160x128xi32>
    %swap3A_756 = vector.shape_cast %swap3A_755 : vector<1x160x128xi32> to vector<160x128xi32>
    %swap3A_757 = vector.shape_cast %add3A_751 : vector<160x128xi32> to vector<1x160x128xi32>
    tpu.vector_store %arg8[%swap3A_752, %swap3A_753, %swap3A_754], %swap3A_757 {strides = array<i32>} : memref<2x160x128xi32, #tpu.memory_space<vmem>>, vector<1x160x128xi32>,
    %swap3A_758 = arith.constant 1 : index
    %swap3A_759 = arith.constant 0 : index
    %swap3A_760 = arith.constant 0 : index
    %swap3A_761 = vector.load %arg8[%swap3A_758, %swap3A_759, %swap3A_760] : memref<2x160x128xi32, #tpu.memory_space<vmem>>, vector<1x160x128xi32>
    %swap3A_762 = vector.shape_cast %swap3A_761 : vector<1x160x128xi32> to vector<160x128xi32>
    %swap3A_763 = vector.shape_cast %convert_element_type3A_669 : vector<160x128xi32> to vector<1x160x128xi32>
    tpu.vector_store %arg8[%swap3A_758, %swap3A_759, %swap3A_760], %swap3A_763 {strides = array<i32>} : memref<2x160x128xi32, #tpu.memory_space<vmem>>, vector<1x160x128xi32>,
    return
  }
  func.func @transform_0(%arg0: i32) -> (i32, i32) {
    %c0_i32 = arith.constant 0 : i32
    %c0_i32_0 = arith.constant 0 : i32
    %c0_i32_1 = arith.constant 0 : i32
    return %c0_i32, %c0_i32_0 : i32, i32
  }
  func.func @transform_1(%arg0: i32) -> (i32, i32, i32) {
    %c0_i32 = arith.constant 0 : i32
    %c0_i32_0 = arith.constant 0 : i32
    %c0_i32_1 = arith.constant 0 : i32
    return %c0_i32, %arg0, %c0_i32_0 : i32, i32, i32
  }
  func.func @transform_2(%arg0: i32) -> (i32, i32, i32) {
    %c0_i32 = arith.constant 0 : i32
    %c0_i32_0 = arith.constant 0 : i32
    %c0_i32_1 = arith.constant 0 : i32
    return %c0_i32, %arg0, %c0_i32_0 : i32, i32, i32
  }
  func.func @transform_3(%arg0: i32) -> (i32, i32, i32) {
    %c0_i32 = arith.constant 0 : i32
    %c0_i32_0 = arith.constant 0 : i32
    %c0_i32_1 = arith.constant 0 : i32
    return %c0_i32, %arg0, %c0_i32_0 : i32, i32, i32
  }
  func.func @transform_4(%arg0: i32) -> (i32, i32, i32) {
    %c0_i32 = arith.constant 0 : i32
    %c0_i32_0 = arith.constant 0 : i32
    %c0_i32_1 = arith.constant 0 : i32
    return %c0_i32, %arg0, %c0_i32_0 : i32, i32, i32
  }
  func.func @transform_5(%arg0: i32) -> (i32, i32, i32) {
    %c0_i32 = arith.constant 0 : i32
    %c0_i32_0 = arith.constant 0 : i32
    %c0_i32_1 = arith.constant 0 : i32
    return %c0_i32, %arg0, %c0_i32_0 : i32, i32, i32
  }
  func.func @transform_6(%arg0: i32) -> (i32, i32, i32) {
    %c0_i32 = arith.constant 0 : i32
    %c0_i32_0 = arith.constant 0 : i32
    %c0_i32_1 = arith.constant 0 : i32
    return %c0_i32, %arg0, %c0_i32_0 : i32, i32, i32
  }
  func.func @transform_7(%arg0: i32) -> (i32, i32, i32) {
    %c0_i32 = arith.constant 0 : i32
    %c0_i32_0 = arith.constant 0 : i32
    %c0_i32_1 = arith.constant 0 : i32
    return %c0_i32, %arg0, %c0_i32_0 : i32, i32, i32
  }
}

module attributes {stable_mosaic.version = 14 : i64} {
  func.func @_phase3_body(%arg0: i32, %arg1: memref<1x128xf32, #tpu.memory_space<vmem>>, %arg2: memref<6x1000x128xf32, #tpu.memory_space<vmem>>, %arg3: memref<3x1000x128xf32, #tpu.memory_space<vmem>>, %arg4: memref<1000x128xf32, #tpu.memory_space<vmem>>, %arg5: memref<1000x128xf32, #tpu.memory_space<vmem>>) attributes {dimension_semantics = [#tpu.dimension_semantics<arbitrary>], iteration_bounds = array<i64: 5>, scalar_prefetch = 0 : i64, scratch_operands = 0 : i64, tpu.core_type = #tpu.core_type<tc>, window_params = [{pipeline_mode = #tpu.pipeline_mode<synchronous>, transform_indices = @transform_0, window_bounds = array<i64: 1, 128>}, {transform_indices = @transform_1, window_bounds = array<i64: 6, 1000, 128>}, {transform_indices = @transform_2, window_bounds = array<i64: 3, 1000, 128>}, {transform_indices = @transform_3, window_bounds = array<i64: 1000, 128>}, {transform_indices = @transform_4, window_bounds = array<i64: 1000, 128>}]} {
    %get3A = arith.constant 3 : index
    %get3A_0 = arith.constant 0 : index
    %get3A_1 = arith.constant 0 : index
    %get3A_2 = vector.load %arg2[%get3A, %get3A_0, %get3A_1] : memref<6x1000x128xf32, #tpu.memory_space<vmem>>, vector<1x1000x128xf32>
    %get3A_3 = vector.shape_cast %get3A_2 : vector<1x1000x128xf32> to vector<1000x128xf32>
    %get3A_4 = arith.constant 4 : index
    %get3A_5 = arith.constant 0 : index
    %get3A_6 = arith.constant 0 : index
    %get3A_7 = vector.load %arg2[%get3A_4, %get3A_5, %get3A_6] : memref<6x1000x128xf32, #tpu.memory_space<vmem>>, vector<1x1000x128xf32>
    %get3A_8 = vector.shape_cast %get3A_7 : vector<1x1000x128xf32> to vector<1000x128xf32>
    %get3A_9 = arith.constant 5 : index
    %get3A_10 = arith.constant 0 : index
    %get3A_11 = arith.constant 0 : index
    %get3A_12 = vector.load %arg2[%get3A_9, %get3A_10, %get3A_11] : memref<6x1000x128xf32, #tpu.memory_space<vmem>>, vector<1x1000x128xf32>
    %get3A_13 = vector.shape_cast %get3A_12 : vector<1x1000x128xf32> to vector<1000x128xf32>
    %add3A = arith.addf %get3A_8, %get3A_13 : vector<1000x128xf32>
    %sub3A = arith.constant 1.000000e+00 : f32
    %sub3A_14 = vector.broadcast %sub3A : f32 to vector<1000x128xf32>
    %sub3A_15 = arith.subf %sub3A_14, %get3A_3 : vector<1000x128xf32>
    %jit3A = arith.constant 0.000000e+00 : f32
    %jit3A_16 = arith.constant 1.000000e+00 : f32
    %max3A = vector.broadcast %jit3A : f32 to vector<1000x128xf32>
    %max3A_17 = arith.maximumf %max3A, %sub3A_15 : vector<1000x128xf32>
    %min3A = vector.broadcast %jit3A_16 : f32 to vector<1000x128xf32>
    %min3A_18 = arith.minimumf %min3A, %max3A_17 : vector<1000x128xf32>
    %get3A_19 = arith.constant 0 : index
    %get3A_20 = arith.constant 0 : index
    %get3A_21 = arith.constant 0 : index
    %get3A_22 = vector.load %arg2[%get3A_19, %get3A_20, %get3A_21] : memref<6x1000x128xf32, #tpu.memory_space<vmem>>, vector<1x1000x128xf32>
    %get3A_23 = vector.shape_cast %get3A_22 : vector<1x1000x128xf32> to vector<1000x128xf32>
    %get3A_24 = arith.constant 0 : index
    %get3A_25 = arith.constant 0 : index
    %get3A_26 = vector.load %arg1[%get3A_24, %get3A_25] : memref<1x128xf32, #tpu.memory_space<vmem>>, vector<1x1xf32>
    %get3A_27 = vector.extract %get3A_26[0, 0] : f32 from vector<1x1xf32>
    %mul3A = vector.broadcast %get3A_27 : f32 to vector<1000x128xf32>
    %mul3A_28 = arith.mulf %min3A_18, %mul3A : vector<1000x128xf32>
    %add3A_29 = arith.addf %get3A_23, %mul3A_28 : vector<1000x128xf32>
    %swap3A = arith.constant 0 : index
    %swap3A_30 = arith.constant 0 : index
    %swap3A_31 = arith.constant 0 : index
    %swap3A_32 = vector.load %arg3[%swap3A, %swap3A_30, %swap3A_31] : memref<3x1000x128xf32, #tpu.memory_space<vmem>>, vector<1x1000x128xf32>
    %swap3A_33 = vector.shape_cast %swap3A_32 : vector<1x1000x128xf32> to vector<1000x128xf32>
    %swap3A_34 = vector.shape_cast %add3A_29 : vector<1000x128xf32> to vector<1x1000x128xf32>
    tpu.vector_store %arg3[%swap3A, %swap3A_30, %swap3A_31], %swap3A_34 {strides = array<i32>} : memref<3x1000x128xf32, #tpu.memory_space<vmem>>, vector<1x1000x128xf32>,
    %get3A_35 = arith.constant 1 : index
    %get3A_36 = arith.constant 0 : index
    %get3A_37 = arith.constant 0 : index
    %get3A_38 = vector.load %arg2[%get3A_35, %get3A_36, %get3A_37] : memref<6x1000x128xf32, #tpu.memory_space<vmem>>, vector<1x1000x128xf32>
    %get3A_39 = vector.shape_cast %get3A_38 : vector<1x1000x128xf32> to vector<1000x128xf32>
    %get3A_40 = arith.constant 0 : index
    %get3A_41 = arith.constant 1 : index
    %get3A_42 = vector.load %arg1[%get3A_40, %get3A_41] : memref<1x128xf32, #tpu.memory_space<vmem>>, vector<1x1xf32>
    %get3A_43 = vector.extract %get3A_42[0, 0] : f32 from vector<1x1xf32>
    %mul3A_44 = vector.broadcast %get3A_43 : f32 to vector<1000x128xf32>
    %mul3A_45 = arith.mulf %min3A_18, %mul3A_44 : vector<1000x128xf32>
    %add3A_46 = arith.addf %get3A_39, %mul3A_45 : vector<1000x128xf32>
    %swap3A_47 = arith.constant 1 : index
    %swap3A_48 = arith.constant 0 : index
    %swap3A_49 = arith.constant 0 : index
    %swap3A_50 = vector.load %arg3[%swap3A_47, %swap3A_48, %swap3A_49] : memref<3x1000x128xf32, #tpu.memory_space<vmem>>, vector<1x1000x128xf32>
    %swap3A_51 = vector.shape_cast %swap3A_50 : vector<1x1000x128xf32> to vector<1000x128xf32>
    %swap3A_52 = vector.shape_cast %add3A_46 : vector<1000x128xf32> to vector<1x1000x128xf32>
    tpu.vector_store %arg3[%swap3A_47, %swap3A_48, %swap3A_49], %swap3A_52 {strides = array<i32>} : memref<3x1000x128xf32, #tpu.memory_space<vmem>>, vector<1x1000x128xf32>,
    %get3A_53 = arith.constant 2 : index
    %get3A_54 = arith.constant 0 : index
    %get3A_55 = arith.constant 0 : index
    %get3A_56 = vector.load %arg2[%get3A_53, %get3A_54, %get3A_55] : memref<6x1000x128xf32, #tpu.memory_space<vmem>>, vector<1x1000x128xf32>
    %get3A_57 = vector.shape_cast %get3A_56 : vector<1x1000x128xf32> to vector<1000x128xf32>
    %get3A_58 = arith.constant 0 : index
    %get3A_59 = arith.constant 2 : index
    %get3A_60 = vector.load %arg1[%get3A_58, %get3A_59] : memref<1x128xf32, #tpu.memory_space<vmem>>, vector<1x1xf32>
    %get3A_61 = vector.extract %get3A_60[0, 0] : f32 from vector<1x1xf32>
    %mul3A_62 = vector.broadcast %get3A_61 : f32 to vector<1000x128xf32>
    %mul3A_63 = arith.mulf %min3A_18, %mul3A_62 : vector<1000x128xf32>
    %add3A_64 = arith.addf %get3A_57, %mul3A_63 : vector<1000x128xf32>
    %swap3A_65 = arith.constant 2 : index
    %swap3A_66 = arith.constant 0 : index
    %swap3A_67 = arith.constant 0 : index
    %swap3A_68 = vector.load %arg3[%swap3A_65, %swap3A_66, %swap3A_67] : memref<3x1000x128xf32, #tpu.memory_space<vmem>>, vector<1x1000x128xf32>
    %swap3A_69 = vector.shape_cast %swap3A_68 : vector<1x1000x128xf32> to vector<1000x128xf32>
    %swap3A_70 = vector.shape_cast %add3A_64 : vector<1000x128xf32> to vector<1x1000x128xf32>
    tpu.vector_store %arg3[%swap3A_65, %swap3A_66, %swap3A_67], %swap3A_70 {strides = array<i32>} : memref<3x1000x128xf32, #tpu.memory_space<vmem>>, vector<1x1000x128xf32>,
    %jit3A_71 = arith.constant 0.000000e+00 : f32
    %jit3A_72 = arith.constant 1.000000e+00 : f32
    %max3A_73 = vector.broadcast %jit3A_71 : f32 to vector<1000x128xf32>
    %max3A_74 = arith.maximumf %max3A_73, %get3A_3 : vector<1000x128xf32>
    %min3A_75 = vector.broadcast %jit3A_72 : f32 to vector<1000x128xf32>
    %min3A_76 = arith.minimumf %min3A_75, %max3A_74 : vector<1000x128xf32>
    %swap3A_77 = arith.constant 0 : index
    %swap3A_78 = arith.constant 0 : index
    %swap3A_79 = vector.load %arg4[%swap3A_77, %swap3A_78] : memref<1000x128xf32, #tpu.memory_space<vmem>>, vector<1000x128xf32>
    tpu.vector_store %arg4[%swap3A_77, %swap3A_78], %min3A_76 {strides = array<i32>} : memref<1000x128xf32, #tpu.memory_space<vmem>>, vector<1000x128xf32>,
    %add3A_80 = arith.constant 9.99999997E-7 : f32
    %add3A_81 = vector.broadcast %add3A_80 : f32 to vector<1000x128xf32>
    %add3A_82 = arith.addf %get3A_3, %add3A_81 : vector<1000x128xf32>
    %div3A = arith.divf %add3A, %add3A_82 : vector<1000x128xf32>
    %swap3A_83 = arith.constant 0 : index
    %swap3A_84 = arith.constant 0 : index
    %swap3A_85 = vector.load %arg5[%swap3A_83, %swap3A_84] : memref<1000x128xf32, #tpu.memory_space<vmem>>, vector<1000x128xf32>
    tpu.vector_store %arg5[%swap3A_83, %swap3A_84], %div3A {strides = array<i32>} : memref<1000x128xf32, #tpu.memory_space<vmem>>, vector<1000x128xf32>,
    return
  }
  func.func @transform_0(%arg0: i32) -> (i32, i32) {
    %c0_i32 = arith.constant 0 : i32
    %c0_i32_0 = arith.constant 0 : i32
    %c0_i32_1 = arith.constant 0 : i32
    return %c0_i32, %c0_i32_0 : i32, i32
  }
  func.func @transform_1(%arg0: i32) -> (i32, i32, i32) {
    %c0_i32 = arith.constant 0 : i32
    %c0_i32_0 = arith.constant 0 : i32
    %c0_i32_1 = arith.constant 0 : i32
    return %c0_i32, %arg0, %c0_i32_0 : i32, i32, i32
  }
  func.func @transform_2(%arg0: i32) -> (i32, i32, i32) {
    %c0_i32 = arith.constant 0 : i32
    %c0_i32_0 = arith.constant 0 : i32
    %c0_i32_1 = arith.constant 0 : i32
    return %c0_i32, %arg0, %c0_i32_0 : i32, i32, i32
  }
  func.func @transform_3(%arg0: i32) -> (i32, i32) {
    %c0_i32 = arith.constant 0 : i32
    %c0_i32_0 = arith.constant 0 : i32
    return %arg0, %c0_i32 : i32, i32
  }
  func.func @transform_4(%arg0: i32) -> (i32, i32) {
    %c0_i32 = arith.constant 0 : i32
    %c0_i32_0 = arith.constant 0 : i32
    return %arg0, %c0_i32 : i32, i32
  }
}

</mosaic_0001>

<sc_bundles>
// kernel: kernel.5.cloned.1.call-start
scs
__scs_entry_jumppad:
0x0: {  	(pc) =	sbr.rel $0x88, $3  }
0x1: {  	(tag) =	ssettag $0x0;
	lr =	simm.s32 $0x1  }
0x2: {  	[smem:$0x3F99] =	sst lr;
	_ =	strace $0xD0000000  }
0x3: {  	_ = 	snop  }
0x4: {  	_ = 	snop  }
0x5: {  	_ = 	snop  }
0x6: {  	_ = 	snop  }
0x7: {  	_ = 	snop  }
__scs_overlays_trampoline_lowered:
0x8: {  	[smem:$0x3FA8] =	sst s0  }
0x9: {  	[smem:$0x3FA9] =	sst s1  }
0xa: {  	[smem:$0x3FAA] =	sst s2  }
0xb: {  	[smem:$0x3FAB] =	sst s3  }
0xc: {  	[smem:$0x3FAC] =	sst s4  }
0xd: {  	[smem:$0x3FAD] =	sst s5  }
0xe: {  	[smem:$0x3FAE] =	sst s6  }
0xf: {  	[smem:$0x3FAF] =	sst s7  }
0x10: {  	[smem:$0x3FB0] =	sst s8  }
0x11: {  	[smem:$0x3FB1] =	sst s9;
	s0 =	simm.s32 @!p0 $0x0  }
0x12: {  	s1 =	sld [smem:$0x3F97];
	s0 =	simm.s32 @p0 $0x1  }
0x13: {  	[smem:$0x3FB2] =	sst s0;
	s0 =	simm.s32 @!p1 $0x0  }
0x14: {  	s2 =	sld [smem:$0x3F96];
	s0 =	simm.s32 @p1 $0x1  }
0x15: {  	[smem:$0x3FB3] =	sst s0;
	s0 =	simm.s32 @!p2 $0x0  }
0x16: {  	s3 =	sld [smem:$0x3FDB];
	s0 =	simm.s32 @p2 $0x1  }
0x17: {  	s4 =	simm.s32 $0x1BF5;
	[smem:$0x3FB5] =	sst s0  }
0x18: {  	s0 =	sld [smem:$0x3F98];
	_ =	swait.ge [sflag:s4], $0x0  }
0x19: {  	s7 =	sld [smem:$0x3F99]  }
0x1a: {  	s8 =	sadd.s32 $0xFFFFE003, lr  }
0x1b: {  	s9 =	sadd.s32 $0xFFFFFEF7, lr;
	s5 =	simm.s32 $0xFFFFFFFF;
	p2 =	slt.u32 s8, $0xFFFFF086  }
0x1c: {  	p1 =	slt.u32 s9, $0xF7A;
	s5 =	simm.s32 @!p2 $0x0  }
0x1d: {  	s5 =	simm.s32 @p1 $0x1;
	p0 =	seq.s32 s7, s2  }
0x1e: {  	s7 =	smul.u32 @!p0 $0xF7A, s2;
	p2 =	seq.s32 @!p0 s5, $0x0  }
0x1f: {  	s9 =	smul.u32 $0xF7A, s1;
	s8 =	simm.s32 @!p0 $0x1BF5;
	p2 =	por !p2, p0  }
0x20: {  	[sflag:s8] =	ssyncset.s32 @!p0 $0xFFFFF086;
	s6 =	sadd.s32 @!p0 s3, s7;
	s7 =	simm.s32 @!p0 $0x108  }
0x21: {  	s3 =	sadd.s32 s3, s9;
	s6 =	sadd.s32 @!p0 $0x88, s6;
	s7 =	simm.s32 @p2 $0x1082  }
0x22: {  	[simem:s7], [sflag:s8] =	dma.local @!p0 [hbm:s6], $0xF7A  }
0x23: {  	s9 =	sor.u32 $0xD0000000, s2;
	s6 =	simm.s32 $0x108;
	_ =	swait.ge @!p0 [sflag:s8], $0x0  }
0x24: {  	s3 =	sadd.s32 $0x88, s3;
	s6 =	simm.s32 @!p1 $0x1082;
	[sflag:s4] =	ssyncset.s32 $0xFFFFF086  }
0x25: {  	[simem:s6], [sflag:s4] =	dma.local [hbm:s3], $0xF7A  }
0x26: {  	[smem:$0x3F99] =	sst s1;
	(tag) =	ssettag s2;
	_ =	strace s9  }
0x27: {  	s1 =	sld [smem:$0x3FA9]  }
0x28: {  	s2 =	sld [smem:$0x3FAA]  }
0x29: {  	s4 =	sld [smem:$0x3FAC]  }
0x2a: {  	p0 =	seq.s32 s5, $0x0;
	s5 =	sld [smem:$0x3FAD]  }
0x2b: {  	s6 =	sld [smem:$0x3FAE]  }
0x2c: {  	s7 =	sld [smem:$0x3FAF]  }
0x2d: {  	s3 =	simm.s32 $0x108;
	s8 =	sld [smem:$0x3FB0]  }
0x2e: {  	s3 =	simm.s32 @!p0 $0x1082;
	s9 =	sld [smem:$0x3FB1]  }
0x2f: {  	lr =	sadd.s32 s0, s3;
	s0 =	sld [smem:$0x3FA8]  }
0x30: {  	s3 =	sld [smem:$0x3FAB]  }
0x31: {  	[smem:$0x3FB4] =	sst s10  }
0x32: {  	s10 =	sld [smem:$0x3FB2];
	_ =	sdelay $0x3  }
0x33: {  	p0 =	seq.s32 s10, $0x1;
	s10 =	sld [smem:$0x3FB4];
	_ =	sdelay $0x3  }
0x34: {  	[smem:$0x3FB4] =	sst s10  }
0x35: {  	s10 =	sld [smem:$0x3FB3];
	_ =	sdelay $0x3  }
0x36: {  	p1 =	seq.s32 s10, $0x1;
	s10 =	sld [smem:$0x3FB4];
	_ =	sdelay $0x3  }
0x37: {  	[smem:$0x3FB4] =	sst s10  }
0x38: {  	s10 =	sld [smem:$0x3FB5]  }
0x39: {  	_ = 	snop;
	(pc) =	sbr.ind lr, $3  }
0x3a: {  	_ = 	snop  }
0x3b: {  	_ = 	snop  }
0x3c: {  	p2 =	seq.s32 s10, $0x1;
	s10 =	sld [smem:$0x3FB4]  }
0x3d: {  	_ =	shalt  }
0x3e: {  	_ =	shalt  }
0x3f: {  	_ =	shalt  }
0x40: {  	_ =	shalt  }
0x41: {  	_ =	shalt  }
0x42: {  	_ =	shalt  }
0x43: {  	_ =	shalt  }
0x44: {  	_ =	shalt  }
0x45: {  	_ =	shalt  }
0x46: {  	_ =	shalt  }
0x47: {  	_ =	shalt  }
0x48: {  	_ =	shalt  }
0x49: {  	_ =	shalt  }
0x4a: {  	_ =	shalt  }
0x4b: {  	_ =	shalt  }
0x4c: {  	_ =	shalt  }
0x4d: {  	_ =	shalt  }
0x4e: {  	_ =	shalt  }
0x4f: {  	_ =	shalt  }
0x50: {  	_ =	shalt  }
0x51: {  	_ =	shalt  }
0x52: {  	_ =	shalt  }
0x53: {  	_ =	shalt  }
0x54: {  	_ =	shalt  }
0x55: {  	_ =	shalt  }
0x56: {  	_ =	shalt  }
0x57: {  	_ =	shalt  }
0x58: {  	_ =	shalt  }
0x59: {  	_ =	shalt  }
0x5a: {  	_ =	shalt  }
0x5b: {  	_ =	shalt  }
0x5c: {  	_ =	shalt  }
0x5d: {  	_ =	shalt  }
0x5e: {  	_ =	shalt  }
0x5f: {  	_ =	shalt  }
0x60: {  	_ =	shalt  }
0x61: {  	_ =	shalt  }
0x62: {  	_ =	shalt  }
0x63: {  	_ =	shalt  }
0x64: {  	_ =	shalt  }
0x65: {  	_ =	shalt  }
0x66: {  	_ =	shalt  }
0x67: {  	_ =	shalt  }
0x68: {  	_ =	shalt  }
0x69: {  	_ =	shalt  }
0x6a: {  	_ =	shalt  }
0x6b: {  	_ =	shalt  }
0x6c: {  	_ =	shalt  }
0x6d: {  	_ =	shalt  }
0x6e: {  	_ =	shalt  }
0x6f: {  	_ =	shalt  }
0x70: {  	_ =	shalt  }
0x71: {  	_ =	shalt  }
0x72: {  	_ =	shalt  }
0x73: {  	_ =	shalt  }
0x74: {  	_ =	shalt  }
0x75: {  	_ =	shalt  }
0x76: {  	_ =	shalt  }
0x77: {  	_ =	shalt  }
0x78: {  	_ =	shalt  }
0x79: {  	_ =	shalt  }
0x7a: {  	_ =	shalt  }
0x7b: {  	_ =	shalt  }
0x7c: {  	_ =	shalt  }
0x7d: {  	_ =	shalt  }
0x7e: {  	_ =	shalt  }
0x7f: {  	_ =	shalt  }
0x80: {  	_ =	shalt  }
0x81: {  	_ =	shalt  }
0x82: {  	_ =	shalt  }
0x83: {  	_ =	shalt  }
0x84: {  	_ =	shalt  }
0x85: {  	_ =	shalt  }
0x86: {  	_ =	shalt  }
0x87: {  	_ =	shalt  }
.Lfunc_end0:
.L_simem_size_0:
called_computation_lowered:
.L_overlay_start_0:
0x88: {  	s2 =	sld [smem:$0x3FD9]  }
0x89: {  	s3 =	sld [smem:$0x3FFE];
	_ =	sdelay $0x1  }
0x8a: {  	s1 =	srdreg.scid  }
0x8b: {  	s0 =	sand.u32 $0x1, s1  }
0x8c: {  	s14 =	sshll.u32 s0, $0xA;
	s2 =	sadd.s32 s3, s2  }
0x8d: {  	s2 =	sadd.s32 s2, s14  }
0x8e: {  	[smem:$0x3FC0] =	sst s2  }
0x8f: {  	_ = 	snop  }
0x90: {  	s2 =	sld [smem:$0x3FD0];
	_ =	sdelay $0x2  }
0x91: {  	s15 =	simm.s32 $0xA;
	s4 =	simm.s32 $0x10  }
0x92: {  	[smem:s4], [sflag:s15] =	dma.local [hbm:s2], $0x1  }
0x93: {  	_ =	swait.eq [sflag:s15], $0x1  }
0x94: {  	[sflag:s15] =	ssyncset.done $0x0  }
0x95: {  	s16 =	sld [smem:$0x10];
	[sflag:s15] =	ssyncadd.s32 $0xFFFFFFFF  }
0x96: {  	s17 =	sld [smem:$0x13];
	(tm) =	ssettm $0x1  }
0x97: {  	s18 =	sld [smem:$0x3FFB];
	_ =	sdelay $0x3  }
0x98: {  	_ =	strace s18  }
0x99: {  	s4 =	sld [smem:$0x3FFC];
	_ =	sdelay $0x3  }
0x9a: {  	_ =	strace s4  }
0x9b: {  	s4 =	sld [smem:$0x3FFD];
	_ =	sdelay $0x3  }
0x9c: {  	_ =	strace s4  }
0x9d: {  	_ =	strace $0x8FFFFFFF  }
0x9e: {  	s19 =	sld [smem:$0x3FDB];
	_ =	sdelay $0x1  }
0x9f: {  	s5 =	simm.s32 $_scs_section_size  }
0xa0: {  	s6 =	simm.s32 $_size__tile_overlayer_lowered;
	s7 =	simm.s32 $_tile_overlayer_lowered  }
0xa1: {  	s22 =	simm.s32 $0x1BFF;
	s21 =	sshll.u32 s7, $0x1;
	s4 =	sadd.s32 s5, s19  }
0xa2: {  	s8 =	simm.s32 $0x0;
	s20 =	sshll.u32 s6, $0x1;
	s6 =	sadd.s32 s21, s4  }
0xa3: {  	[timem:s8], [sflag:s22] =	dma.local [hbm:s6], s20  }
0xa4: {  	_ =	swait.ge [sflag:s22], s20  }
0xa5: {  	s5 =	ssub.s32 $0x0, s20;
	[sflag:s22] =	ssyncset.done $0x0  }
0xa6: {  	[sflag:s22] =	ssyncadd.s32 s5;
	_ =	sdelay $0x1  }
0xa7: {  	s23 =	simm.s32 $0x1B8B  }
0xa8: {  	_ =	swait.ge [sflag:s23], $0x1  }
0xa9: {  	[sflag:s23] =	ssyncset.done $0x0  }
0xaa: {  	s25 =	simm.s32 $0x1B8E;
	s24 =	sld [smem:$0x3FFE];
	[sflag:s23] =	ssyncadd.s32 $0xFFFFFFFF  }
0xab: {  	s26 =	simm.s32 $execute0_lowered;
	[smem:$0x3FD2] =	sst s25  }
0xac: {  	s6 =	sshll.u32 s26, $0x1;
	_ =	strace $0x80000046;
	[dreg:$0x1] =	wrdreg $0xFFFFFFFF  }
0xad: {  	s28 =	simm.s32 $_size_execute0_lowered;
	s4 =	sadd.s32 s4, s6;
	[dreg:$0x0] =	wrdreg $0x0  }
0xae: {  	s6 =	sshll.u32 s28, $0x1;
	[dreg:$0x2] =	wrdreg s4  }
0xaf: {  	[dreg:$0x3] =	wrdreg s6  }
0xb0: {  	[dreg:$0x4] =	wrdreg $0xC0  }
0xb1: {  	_ =	task [dreg:s8], $0x5FFFF  }
0xb2: {  	[dreg:$0x1] =	wrdreg $0xFFFFFFFF  }
0xb3: {  	[dreg:$0x0] =	wrdreg $0x60  }
0xb4: {  	[dreg:$0x2] =	wrdreg s17  }
0xb5: {  	[dreg:$0x3] =	wrdreg s16  }
0xb6: {  	[dreg:$0x4] =	wrdreg s24  }
0xb7: {  	[dreg:$0x5] =	wrdreg $0xB7800  }
0xb8: {  	[dreg:$0x6] =	wrdreg $0x153C00  }
0xb9: {  	[dreg:$0x7] =	wrdreg $0x9  }
0xba: {  	_ =	task.clear_ibuf [dreg:s8], $0x8FFFF;
	_ =	strace $0x90000046  }
0xbb: {  	s29 =	simm.s32 $0x9;
	_ =	strace $0x80000048  }
0xbc: {  	_ =	swait.ge [sflag:s29], $0x1  }
0xbd: {  	[sflag:s29] =	ssyncadd.s32 $0xFFFFFFFF  }
0xbe: {  	_ =	strace $0x90000048  }
0xbf: {  	_ =	sfence  }
0xc0: {  	s30 =	sld [smem:$0x0];
	_ =	sdelay $0x2  }
0xc1: {  	s31 =	sshll.u32 s1, $0xD;
	s1 =	sshrl.u32 s1, $0x2  }
0xc2: {  	s3 =	sand.u32 $0x4000, s31;
	s1 =	sadd.s32 s1, s30  }
0xc3: {  	s0 =	sor.u32 s3, s0;
	s1 =	sshll.u32 s1, $0x11  }
0xc4: {  	s0 =	sor.u32 s1, s0  }
0xc5: {  	s0 =	sadd.s32 $0x8F2B, s0  }
0xc6: {  	[sflag:s0] =	ssyncadd.remote.s32 $0x1  }
0xc7: {  	_ =	sfence.sel $0xFFFF  }
0xc8: {  	[dreg:$0x0] =	wrdreg $0xFFFFFFFF;
	(pc) =	sbr.abs _section_cstart, $3  }
0xc9: {  	[dreg:$0x1] =	wrdreg $0xFFFFFFFF  }
0xca: {  	_ =	task.clear_ibuf [dreg:s8], $0x2FFFF;
	_ =	strace $0x9FFFFFFF  }
0xcb: {  	(tm) =	ssettm $0x7FFFFFFF  }
tec
execute0_lowered:
.L_overlay_start_1:
0x0: {  	(tag) =	ssettag $0x1  }
0x1: {  	s5 =	rddreg [dreg:$0x0]  }
0x2: {  	s6 =	rddreg [dreg:$0x1];
	s14 =	stileid.u32  }
0x3: {  	s3 =	rddreg [dreg:$0x2];
	s7 =	smul.u32 $0x680, s14  }
0x4: {  	s0 =	srdreg.scid;
	s8 =	smul.u32 $0x3200, s14  }
0x5: {  	s0 =	sand.u32 $0x1, s0;
	s12 =	sadd.s32 $0xA00, s3;
	s3 =	smul.u32 $0x9C40, s14  }
0x6: {  	s1 =	rddreg [dreg:$0x3];
	s9 =	smul.u32 $0x64000, s0  }
0x7: {  	s2 =	simm.s32 $0x0;
	s10 =	sshllo.u32 s0, $0x1;
	s15 =	smul.u32 $0x138800, s0  }
0x8: {  	[smem:$0x7FF] =	sst s2;
	s4 =	ssub.s32 $0x2, s0;
	s11 =	smul.u32 $0x32000, s10  }
0x9: {  	s13 =	sshrl.u32 s4, $0x1;
	s5 =	sadd.s32 s5, s7;
	s10 =	smul.u32 $0x9C400, s10  }
0xa: {  	s4 =	ssub.s32 s4, s13;
	s9 =	sadd.s32 s8, s9;
	[dreg:$0x6] =	wrdreg s5  }
0xb: {  	s19 =	sadd.s32 s3, s15;
	s16 =	sshrl.u32 s9, $0x3;
	s17 =	sadd.s32 s8, s11  }
0xc: {  	s21 =	sshrl.u32 s19, $0x3;
	s22 =	sadd.s32 $0x1388, s19;
	s24 =	sadd.s32 $0x3A98, s19  }
0xd: {  	s26 =	sadd.s32 $0x61A8, s19;
	s7 =	sadd.s32 $0x88B8, s19;
	s11 =	sshrl.u32 s8, $0x3  }
0xe: {  	s13 =	sadd.s32 s3, s10;
	s19 =	smul.u32 $0x9C400, s0;
	s5 =	sadd.s32 s6, s16  }
0xf: {  	s18 =	sshrl.u32 s17, $0x3;
	s20 =	sadd.s32 s12, s21;
	s23 =	sshrl.u32 s22, $0x3  }
0x10: {  	s25 =	sshrl.u32 s24, $0x3;
	s9 =	sshrl.u32 s26, $0x3;
	s14 =	sshrl.u32 s13, $0x3  }
0x11: {  	s15 =	sadd.s32 $0x1388, s13;
	s17 =	sadd.s32 $0x3A98, s13;
	s22 =	sadd.s32 $0x61A8, s13  }
0x12: {  	[dreg:$0x7] =	wrdreg s5;
	s5 =	sadd.s32 s6, s18;
	s30 =	sadd.s32 s12, s9  }
0x13: {  	s9 =	sshrl.u32 s7, $0x3;
	s21 =	sadd.s32 s12, s14;
	s16 =	sshrl.u32 s15, $0x3  }
0x14: {  	s18 =	sshrl.u32 s17, $0x3;
	s8 =	sadd.s32 s3, s19;
	s19 =	rddreg [dreg:$0x4]  }
0x15: {  	s7 =	sadd.s32 $0x88B8, s13;
	s14 =	sadd.s32 $0x5DC0, s3;
	[dreg:$0x8] =	wrdreg s5  }
0x16: {  	s5 =	sadd.s32 s12, s23;
	[dreg:$0xc] =	wrdreg s30;
	s7 =	sshrl.u32 s7, $0x3  }
0x17: {  	s24 =	sadd.s32 $0x272388, s8;
	[dreg:$0xa] =	wrdreg s5;
	s5 =	sadd.s32 s12, s25  }
0x18: {  	s26 =	sadd.s32 $0x274A98, s8;
	[dreg:$0xb] =	wrdreg s5;
	s5 =	sadd.s32 s12, s9  }
0x19: {  	[dreg:$0xd] =	wrdreg s5;
	s5 =	sadd.s32 s6, s11;
	s6 =	sadd.s32 s12, s16  }
0x1a: {  	s23 =	sadd.s32 s12, s7;
	[dreg:$0xf] =	wrdreg s6;
	s6 =	sadd.s32 s12, s18  }
0x1b: {  	s25 =	sshrl.u32 s8, $0x3;
	[dreg:$0x10] =	wrdreg s6;
	s6 =	sshrl.u32 s22, $0x3  }
0x1c: {  	s30 =	sshrl.u32 s26, $0x3;
	[dreg:$0x12] =	wrdreg s23;
	s6 =	sadd.s32 s12, s6  }
0x1d: {  	s7 =	sadd.s32 s12, s25;
	[dreg:$0x11] =	wrdreg s6;
	s6 =	sshrl.u32 s24, $0x3  }
0x1e: {  	s9 =	sadd.s32 $0x2771A8, s8;
	s8 =	sadd.s32 $0x2798B8, s8;
	s6 =	sadd.s32 s12, s6  }
0x1f: {  	s8 =	sshrl.u32 s8, $0x3;
	[dreg:$0x13] =	wrdreg s6;
	s6 =	sadd.s32 s12, s30  }
0x20: {  	s10 =	sadd.s32 s12, s8;
	[dreg:$0x14] =	wrdreg s6;
	s6 =	sshrl.u32 s9, $0x3  }
0x21: {  	s11 =	sadd.s32 $0x1F40, s3;
	[dreg:$0x16] =	wrdreg s10;
	s6 =	sadd.s32 s12, s6  }
0x22: {  	s12 =	sadd.s32 $0x3E80, s3;
	[dreg:$0x15] =	wrdreg s6;
	s6 =	sadd.s32 s11, s19  }
0x23: {  	s13 =	sadd.s32 s12, s19;
	_ =	strace $0x80000047;
	[dreg:$0x17] =	wrdreg s6  }
0x24: {  	s15 =	sadd.s32 $0x7D00, s3;
	s16 =	sadd.s32 s14, s1;
	[dreg:$0x18] =	wrdreg s13  }
0x25: {  	s17 =	sadd.s32 s15, s1;
	[dreg:$0x19] =	wrdreg s16  }
0x26: {  	s18 =	sadd.s32 s15, s19;
	[dreg:$0x1b] =	wrdreg s17  }
0x27: {  	s22 =	sadd.s32 $0x1388, s3;
	s10 =	sadd.s32 $0x19000, s5;
	[dreg:$0x1c] =	wrdreg s18  }
0x28: {  	s15 =	sadd.s32 s22, s19;
	[dreg:$0x1d] =	wrdreg s10  }
0x29: {  	s9 =	sadd.s32 $0x4E6E2, s7;
	[dreg:$0x1f] =	wrdreg s15  }
0x2a: {  	s26 =	sadd.s32 s11, s1;
	s11 =	sadd.s32 $0x4EBC4, s7;
	[smem:$0x7F4] =	sst s9  }
0x2b: {  	s29 =	sadd.s32 s12, s1;
	s12 =	sadd.s32 $0x4F0A6, s7;
	[smem:$0x7F5] =	sst s11  }
0x2c: {  	s28 =	simm.s32 $0x4;
	s31 =	sadd.s32 s3, s1;
	[smem:$0x7F6] =	sst s12  }
0x2d: {  	s0 =	smul.u32 $0x6400, s0;
	s23 =	sadd.s32 $0x2710, s3;
	[dreg:$0x9] =	wrdreg s20  }
0x2e: {  	s25 =	sadd.s32 $0x4E20, s3;
	s6 =	sadd.s32 s14, s19;
	[dreg:$0xe] =	wrdreg s21  }
0x2f: {  	s24 =	sadd.s32 $0x3A98, s3;
	s13 =	sadd.s32 s22, s1;
	[dreg:$0x1a] =	wrdreg s6  }
0x30: {  	s8 =	sadd.s32 s24, s1;
	s17 =	sadd.s32 s23, s1;
	[dreg:$0x1e] =	wrdreg s13  }
0x31: {  	s30 =	sadd.s32 $0x61A8, s3;
	s22 =	sadd.s32 s23, s19;
	[smem:$0x7EC] =	sst s17  }
0x32: {  	s14 =	sadd.s32 $0x7530, s3;
	s23 =	sadd.s32 s24, s19;
	[smem:$0x7ED] =	sst s22  }
0x33: {  	s16 =	sadd.s32 $0x88B8, s3;
	s24 =	sadd.s32 s25, s19;
	[smem:$0x7EE] =	sst s23  }
0x34: {  	s10 =	sadd.s32 s25, s1;
	s25 =	sadd.s32 s30, s19;
	[smem:$0x7EF] =	sst s24  }
0x35: {  	s13 =	sadd.s32 s30, s1;
	[smem:$0x7F0] =	sst s25;
	s30 =	sadd.s32 s14, s19  }
0x36: {  	s0 =	sshrl.u32 s0, $0x2;
	s5 =	sadd.s32 s16, s19;
	[smem:$0x7F1] =	sst s30  }
0x37: {  	s18 =	sadd.s32 s3, s19;
	s6 =	sadd.s32 $0x4E200, s7;
	[smem:$0x7F2] =	sst s5  }
0x38: {  	s15 =	sadd.s32 s14, s1;
	s14 =	smax.u32 s4, $0x1;
	[smem:$0x7F3] =	sst s6  }
0x39: {  	s17 =	sadd.s32 s16, s1;
	s16 =	sadd.s32 $0x4E2, s20;
	[smem:$0x7F7] =	sst s14  }
0x3a: {  	s9 =	simm.s32 $0x5;
	s22 =	sadd.s32 $0x9C4, s20;
	[smem:$0x7F8] =	sst s16  }
0x3b: {  	s12 =	simm.s32 $0x3;
	s23 =	sadd.s32 $0xEA6, s20;
	[smem:$0x7F9] =	sst s22  }
0x3c: {  	s24 =	sadd.s32 $0x4E2, s21;
	s25 =	sadd.s32 $0x9C4, s21;
	[smem:$0x7FA] =	sst s23  }
0x3d: {  	s20 =	sadd.s32 $0x6600, s0;
	s7 =	simm.s32 $0x80;
	[smem:$0x7FB] =	sst s24  }
0x3e: {  	[smem:$0x7FC] =	sst s25;
	s30 =	sadd.s32 $0xEA6, s21;
	s21 =	simm.s32 $0x3400  }
0x3f: {  	s23 =	simm.s32 $0x6600;
	s25 =	simm.s32 $0x9800;
	s6 =	simm.s32 $0x6  }
0x40: {  	v0 =	vimm.f32 $0.0e+00;
	s14 =	simm.s32 $0x4788;
	s16 =	simm.s32 $0x0;
	[smem:$0x7FD] =	sst s30  }
.LBB2_1:
0x41: {  	s4 =	simm.s32 $0x40;
	s11 =	simm.s32 $0x0  }
.LBB2_2:
0x42: {  	p0 =	sne.s32 s4, $0x7CC0;
	[tilespmem:s11+$0x9800] =	vst v0;
	s11 =	smov.u32 s4;
	s4 =	sadd.s32 $0x40, s4  }
.Ltmp0:
0x43: {  	(pc) =	sbr.rel @p0 .LBB2_2-.Ltmp0, $2  }
0x44: {  	_ =	sdelay $0x2  }
0x45: {  	s11 =	sshra.s32 s11, $0x2  }
0x46: {  	[tilespmem:s11+$0x9800] =	vst v0;
	s4 =	simm.s32 $0x0;
	s30 =	rddreg [dreg:$0x6]  }
0x47: {  	[tilespmem:s4], [sflag:$0x1] =	stream.linear.gather [hbm4b:s30+s4], $0x3200, $0x38;
	[tilespmem:$0x1F000] =	vst v63  }
0x48: {  	s3 =	rddreg [dreg:$0x7]  }
0x49: {  	[tilespmem:s21], [sflag:$0x2] =	stream.linear.gather [hbm4b:s3+s4], $0x3200, $0x38;
	[tilespmem:$0x1F000] =	vst v63  }
0x4a: {  	s5 =	rddreg [dreg:$0x8]  }
0x4b: {  	[tilespmem:s23], [sflag:$0x3] =	stream.linear.gather [hbm4b:s5+s4], $0x3200, $0x38;
	[tilespmem:$0x1F000] =	vst v63  }
0x4c: {  	_ = 	snop  }
0x4d: {  	[spmem:s31] =	stream.linear.scatter [tilespmem:s25], [sflag:$0x4], $0x1F40, $0x38;
	[tilespmem:$0x1F000] =	vst v63  }
0x4e: {  	_ = 	snop  }
0x4f: {  	[spmem:s26] =	stream.linear.scatter [tilespmem:s25], [sflag:$0x4], $0x1F40, $0x38;
	[tilespmem:$0x1F000] =	vst v63  }
0x50: {  	_ = 	snop  }
0x51: {  	[spmem:s29] =	stream.linear.scatter [tilespmem:s25], [sflag:$0x4], $0x1F40, $0x38;
	[tilespmem:$0x1F000] =	vst v63  }
0x52: {  	s3 =	rddreg [dreg:$0x19]  }
0x53: {  	[spmem:s3] =	stream.linear.scatter [tilespmem:s25], [sflag:$0x4], $0x1F40, $0x38;
	[tilespmem:$0x1F000] =	vst v63  }
0x54: {  	s22 =	rddreg [dreg:$0x1b]  }
0x55: {  	[spmem:s22] =	stream.linear.scatter [tilespmem:s25], [sflag:$0x4], $0x1F40, $0x38;
	[tilespmem:$0x1F000] =	vst v63  }
0x56: {  	_ = 	snop  }
0x57: {  	[spmem:s18] =	stream.linear.scatter [tilespmem:s25], [sflag:$0x4], $0x1F40, $0x38;
	[tilespmem:$0x1F000] =	vst v63  }
0x58: {  	s24 =	rddreg [dreg:$0x17]  }
0x59: {  	[spmem:s24] =	stream.linear.scatter [tilespmem:s25], [sflag:$0x4], $0x1F40, $0x38;
	[tilespmem:$0x1F000] =	vst v63  }
0x5a: {  	s30 =	rddreg [dreg:$0x18]  }
0x5b: {  	[spmem:s30] =	stream.linear.scatter [tilespmem:s25], [sflag:$0x4], $0x1F40, $0x38;
	[tilespmem:$0x1F000] =	vst v63  }
0x5c: {  	s4 =	rddreg [dreg:$0x1a]  }
0x5d: {  	[spmem:s4] =	stream.linear.scatter [tilespmem:s25], [sflag:$0x4], $0x1F40, $0x38;
	[tilespmem:$0x1F000] =	vst v63  }
0x5e: {  	s5 =	rddreg [dreg:$0x1c]  }
0x5f: {  	[spmem:s5] =	stream.linear.scatter [tilespmem:s25], [sflag:$0x4], $0x1F40, $0x38;
	[tilespmem:$0x1F000] =	vst v63  }
0x60: {  	_ =	swait.ge [sflag:s28], $0x1F40  }
0x61: {  	[sflag:s28] =	ssyncset.done $0x0  }
0x62: {  	[sflag:s28] =	ssyncadd.s32 $0xFFFFE0C0  }
0x63: {  	_ =	swait.ge [sflag:s28], $0x1F40  }
0x64: {  	[sflag:s28] =	ssyncset.done $0x0  }
0x65: {  	[sflag:s28] =	ssyncadd.s32 $0xFFFFE0C0  }
0x66: {  	_ =	swait.ge [sflag:s28], $0x1F40  }
0x67: {  	[sflag:s28] =	ssyncset.done $0x0  }
0x68: {  	[sflag:s28] =	ssyncadd.s32 $0xFFFFE0C0  }
0x69: {  	_ =	swait.ge [sflag:s28], $0x1F40  }
0x6a: {  	[sflag:s28] =	ssyncset.done $0x0  }
0x6b: {  	[sflag:s28] =	ssyncadd.s32 $0xFFFFE0C0  }
0x6c: {  	_ =	swait.ge [sflag:s28], $0x1F40  }
0x6d: {  	[sflag:s28] =	ssyncset.done $0x0  }
0x6e: {  	[sflag:s28] =	ssyncadd.s32 $0xFFFFE0C0  }
0x6f: {  	_ =	swait.ge [sflag:s28], $0x1F40  }
0x70: {  	[sflag:s28] =	ssyncset.done $0x0  }
0x71: {  	[sflag:s28] =	ssyncadd.s32 $0xFFFFE0C0  }
0x72: {  	_ =	swait.ge [sflag:s28], $0x1F40  }
0x73: {  	[sflag:s28] =	ssyncset.done $0x0  }
0x74: {  	[sflag:s28] =	ssyncadd.s32 $0xFFFFE0C0  }
0x75: {  	_ =	swait.ge [sflag:s28], $0x1F40  }
0x76: {  	[sflag:s28] =	ssyncset.done $0x0  }
0x77: {  	[sflag:s28] =	ssyncadd.s32 $0xFFFFE0C0  }
0x78: {  	_ =	swait.ge [sflag:s28], $0x1F40  }
0x79: {  	[sflag:s28] =	ssyncset.done $0x0  }
0x7a: {  	[sflag:s28] =	ssyncadd.s32 $0xFFFFE0C0  }
0x7b: {  	_ =	swait.ge [sflag:s28], $0x1F40  }
0x7c: {  	[sflag:s28] =	ssyncset.done $0x0  }
0x7d: {  	[sflag:s28] =	ssyncadd.s32 $0xFFFFE0C0  }
0x7e: {  	s11 =	simm.s32 $0x1;
	[bflag:$0x0] =	sbarrier.arrive $0xFFFF  }
0x7f: {  	_ =	swait.ge [sflag:s11], $0x3200  }
0x80: {  	[sflag:s11] =	ssyncset.done $0x0  }
0x81: {  	s22 =	simm.s32 $0x2;
	[sflag:s11] =	ssyncadd.s32 $0xFFFFCE00  }
0x82: {  	_ =	swait.ge [sflag:s22], $0x3200  }
0x83: {  	[sflag:s22] =	ssyncset.done $0x0  }
0x84: {  	s24 =	simm.s32 $0x0;
	s30 =	simm.s32 $0x3400;
	[sflag:s22] =	ssyncadd.s32 $0xFFFFCE00  }
0x85: {  	[spmem:s1] =	stream.indirect.scatter.add.f32 [tilespmem:s30], [sflag:$0x5], $0x1, s24, s7, $0xb8;
	[tilespmem:$0x1F000] =	vst v63  }
0x86: {  	s3 =	simm.s32 $0x3480;
	s5 =	simm.s32 $0x80  }
0x87: {  	[spmem:s1] =	stream.indirect.scatter.add.f32 [tilespmem:s3], [sflag:$0x5], $0x1, s5, s7, $0xb8;
	[tilespmem:$0x1F000] =	vst v63  }
0x88: {  	s11 =	simm.s32 $0x3500;
	s22 =	simm.s32 $0x100  }
0x89: {  	[spmem:s1] =	stream.indirect.scatter.add.f32 [tilespmem:s11], [sflag:$0x5], $0x1, s22, s7, $0xb8;
	[tilespmem:$0x1F000] =	vst v63  }
0x8a: {  	s24 =	simm.s32 $0x3580;
	s30 =	simm.s32 $0x180  }
0x8b: {  	[spmem:s1] =	stream.indirect.scatter.add.f32 [tilespmem:s24], [sflag:$0x5], $0x1, s30, s7, $0xb8;
	[tilespmem:$0x1F000] =	vst v63  }
0x8c: {  	s3 =	simm.s32 $0x3600;
	s5 =	simm.s32 $0x200  }
0x8d: {  	[spmem:s1] =	stream.indirect.scatter.add.f32 [tilespmem:s3], [sflag:$0x5], $0x1, s5, s7, $0xb8;
	[tilespmem:$0x1F000] =	vst v63  }
0x8e: {  	s11 =	simm.s32 $0x3680;
	s22 =	simm.s32 $0x280  }
0x8f: {  	[spmem:s1] =	stream.indirect.scatter.add.f32 [tilespmem:s11], [sflag:$0x5], $0x1, s22, s7, $0xb8;
	[tilespmem:$0x1F000] =	vst v63  }
0x90: {  	s24 =	simm.s32 $0x3700;
	s30 =	simm.s32 $0x300  }
0x91: {  	[spmem:s1] =	stream.indirect.scatter.add.f32 [tilespmem:s24], [sflag:$0x5], $0x1, s30, s7, $0xb8;
	[tilespmem:$0x1F000] =	vst v63  }
0x92: {  	s3 =	simm.s32 $0x3780;
	s5 =	simm.s32 $0x380  }
0x93: {  	[spmem:s1] =	stream.indirect.scatter.add.f32 [tilespmem:s3], [sflag:$0x5], $0x1, s5, s7, $0xb8;
	[tilespmem:$0x1F000] =	vst v63  }
0x94: {  	s11 =	simm.s32 $0x3800;
	s22 =	simm.s32 $0x400  }
0x95: {  	[spmem:s1] =	stream.indirect.scatter.add.f32 [tilespmem:s11], [sflag:$0x5], $0x1, s22, s7, $0xb8;
	[tilespmem:$0x1F000] =	vst v63  }
0x96: {  	s24 =	simm.s32 $0x3880;
	s30 =	simm.s32 $0x480  }
0x97: {  	[spmem:s1] =	stream.indirect.scatter.add.f32 [tilespmem:s24], [sflag:$0x5], $0x1, s30, s7, $0xb8;
	[tilespmem:$0x1F000] =	vst v63  }
0x98: {  	_ =	swait.ge [sflag:s9], $0x80  }
0x99: {  	[sflag:s9] =	ssyncset.done $0x0  }
0x9a: {  	[sflag:s9] =	ssyncadd.s32 $0xFFFFFF80  }
0x9b: {  	_ =	swait.ge [sflag:s9], $0x80  }
0x9c: {  	[sflag:s9] =	ssyncset.done $0x0  }
0x9d: {  	[sflag:s9] =	ssyncadd.s32 $0xFFFFFF80  }
0x9e: {  	_ =	swait.ge [sflag:s9], $0x80  }
0x9f: {  	[sflag:s9] =	ssyncset.done $0x0  }
0xa0: {  	[sflag:s9] =	ssyncadd.s32 $0xFFFFFF80  }
0xa1: {  	_ =	swait.ge [sflag:s9], $0x80  }
0xa2: {  	[sflag:s9] =	ssyncset.done $0x0  }
0xa3: {  	[sflag:s9] =	ssyncadd.s32 $0xFFFFFF80  }
0xa4: {  	_ =	swait.ge [sflag:s9], $0x80  }
0xa5: {  	[sflag:s9] =	ssyncset.done $0x0  }
0xa6: {  	[sflag:s9] =	ssyncadd.s32 $0xFFFFFF80  }
0xa7: {  	_ =	swait.ge [sflag:s9], $0x80  }
0xa8: {  	[sflag:s9] =	ssyncset.done $0x0  }
0xa9: {  	[sflag:s9] =	ssyncadd.s32 $0xFFFFFF80  }
0xaa: {  	_ =	swait.ge [sflag:s9], $0x80  }
0xab: {  	[sflag:s9] =	ssyncset.done $0x0  }
0xac: {  	[sflag:s9] =	ssyncadd.s32 $0xFFFFFF80  }
0xad: {  	_ =	swait.ge [sflag:s9], $0x80  }
0xae: {  	[sflag:s9] =	ssyncset.done $0x0  }
0xaf: {  	[sflag:s9] =	ssyncadd.s32 $0xFFFFFF80  }
0xb0: {  	_ =	swait.ge [sflag:s9], $0x80  }
0xb1: {  	[sflag:s9] =	ssyncset.done $0x0  }
0xb2: {  	[sflag:s9] =	ssyncadd.s32 $0xFFFFFF80  }
0xb3: {  	_ =	swait.ge [sflag:s9], $0x80  }
0xb4: {  	s4 =	simm.s32 $0x500;
	s11 =	simm.s32 $0x2800;
	[sflag:s9] =	ssyncset.done $0x0  }
.LBB2_4:
0xb5: {  	s24 =	sadd.s32 $0x3400, s4  }
0xb6: {  	[sflag:s9] =	ssyncadd.s32 $0xFFFFFF80;
	s30 =	smov.u32 s11;
	s22 =	sadd.s32 $0x1400, s11  }
0xb7: {  	[spmem:s1] =	stream.indirect.scatter.add.f32 [tilespmem:s24], [sflag:$0x5], $0x1, s4, s7, $0xb8;
	[tilespmem:$0x1F000] =	vst v63  }
0xb8: {  	p0 =	sne.s32 s11, $0xB400;
	s11 =	sadd.s32 $0x3480, s4;
	s24 =	sadd.s32 $0x80, s4  }
0xb9: {  	[spmem:s1] =	stream.indirect.scatter.add.f32 [tilespmem:s11], [sflag:$0x5], $0x1, s24, s7, $0xb8;
	[tilespmem:$0x1F000] =	vst v63  }
0xba: {  	s11 =	sadd.s32 $0x3500, s4;
	s24 =	sadd.s32 $0x100, s4  }
0xbb: {  	[spmem:s1] =	stream.indirect.scatter.add.f32 [tilespmem:s11], [sflag:$0x5], $0x1, s24, s7, $0xb8;
	[tilespmem:$0x1F000] =	vst v63  }
0xbc: {  	s11 =	sadd.s32 $0x3580, s4;
	s24 =	sadd.s32 $0x180, s4  }
0xbd: {  	[spmem:s1] =	stream.indirect.scatter.add.f32 [tilespmem:s11], [sflag:$0x5], $0x1, s24, s7, $0xb8;
	[tilespmem:$0x1F000] =	vst v63  }
0xbe: {  	s11 =	sadd.s32 $0x3600, s4;
	s24 =	sadd.s32 $0x200, s4  }
0xbf: {  	[spmem:s1] =	stream.indirect.scatter.add.f32 [tilespmem:s11], [sflag:$0x5], $0x1, s24, s7, $0xb8;
	[tilespmem:$0x1F000] =	vst v63  }
0xc0: {  	s11 =	sadd.s32 $0x3680, s4;
	s24 =	sadd.s32 $0x280, s4  }
0xc1: {  	[spmem:s1] =	stream.indirect.scatter.add.f32 [tilespmem:s11], [sflag:$0x5], $0x1, s24, s7, $0xb8;
	[tilespmem:$0x1F000] =	vst v63  }
0xc2: {  	s11 =	sadd.s32 $0x3700, s4;
	s24 =	sadd.s32 $0x300, s4  }
0xc3: {  	[spmem:s1] =	stream.indirect.scatter.add.f32 [tilespmem:s11], [sflag:$0x5], $0x1, s24, s7, $0xb8;
	[tilespmem:$0x1F000] =	vst v63  }
0xc4: {  	s11 =	sadd.s32 $0x3780, s4;
	s24 =	sadd.s32 $0x380, s4  }
0xc5: {  	[spmem:s1] =	stream.indirect.scatter.add.f32 [tilespmem:s11], [sflag:$0x5], $0x1, s24, s7, $0xb8;
	[tilespmem:$0x1F000] =	vst v63  }
0xc6: {  	s11 =	sadd.s32 $0x3800, s4;
	s24 =	sadd.s32 $0x400, s4  }
0xc7: {  	[spmem:s1] =	stream.indirect.scatter.add.f32 [tilespmem:s11], [sflag:$0x5], $0x1, s24, s7, $0xb8;
	[tilespmem:$0x1F000] =	vst v63  }
0xc8: {  	s11 =	sadd.s32 $0x3880, s4;
	s4 =	sadd.s32 $0x480, s4  }
0xc9: {  	[spmem:s1] =	stream.indirect.scatter.add.f32 [tilespmem:s11], [sflag:$0x5], $0x1, s4, s7, $0xb8;
	[tilespmem:$0x1F000] =	vst v63  }
0xca: {  	_ =	swait.ge [sflag:s9], $0x80  }
0xcb: {  	[sflag:s9] =	ssyncset.done $0x0  }
0xcc: {  	[sflag:s9] =	ssyncadd.s32 $0xFFFFFF80  }
0xcd: {  	_ =	swait.ge [sflag:s9], $0x80  }
0xce: {  	[sflag:s9] =	ssyncset.done $0x0  }
0xcf: {  	[sflag:s9] =	ssyncadd.s32 $0xFFFFFF80  }
0xd0: {  	_ =	swait.ge [sflag:s9], $0x80  }
0xd1: {  	[sflag:s9] =	ssyncset.done $0x0  }
0xd2: {  	[sflag:s9] =	ssyncadd.s32 $0xFFFFFF80  }
0xd3: {  	_ =	swait.ge [sflag:s9], $0x80  }
0xd4: {  	[sflag:s9] =	ssyncset.done $0x0  }
0xd5: {  	[sflag:s9] =	ssyncadd.s32 $0xFFFFFF80  }
0xd6: {  	_ =	swait.ge [sflag:s9], $0x80  }
0xd7: {  	[sflag:s9] =	ssyncset.done $0x0  }
0xd8: {  	[sflag:s9] =	ssyncadd.s32 $0xFFFFFF80  }
0xd9: {  	_ =	swait.ge [sflag:s9], $0x80  }
0xda: {  	[sflag:s9] =	ssyncset.done $0x0  }
0xdb: {  	[sflag:s9] =	ssyncadd.s32 $0xFFFFFF80  }
0xdc: {  	_ =	swait.ge [sflag:s9], $0x80  }
0xdd: {  	[sflag:s9] =	ssyncset.done $0x0  }
0xde: {  	[sflag:s9] =	ssyncadd.s32 $0xFFFFFF80  }
0xdf: {  	_ =	swait.ge [sflag:s9], $0x80  }
0xe0: {  	[sflag:s9] =	ssyncset.done $0x0  }
0xe1: {  	[sflag:s9] =	ssyncadd.s32 $0xFFFFFF80  }
.Ltmp1:
0xe2: {  	_ =	swait.ge [sflag:s9], $0x80;
	(pc) =	sbr.rel @p0 .LBB2_4-.Ltmp1, $4  }
0xe3: {  	[sflag:s9] =	ssyncset.done $0x0  }
0xe4: {  	[sflag:s9] =	ssyncadd.s32 $0xFFFFFF80  }
0xe5: {  	_ =	swait.ge [sflag:s9], $0x80  }
0xe6: {  	s4 =	sshra.s32 s30, $0x2;
	s11 =	smov.u32 s22;
	[sflag:s9] =	ssyncset.done $0x0  }
0xe7: {  	s11 =	sadd.s32 $0x3400, s4;
	[sflag:s9] =	ssyncadd.s32 $0xFFFFFF80  }
0xe8: {  	[spmem:s1] =	stream.indirect.scatter.add.f32 [tilespmem:s11], [sflag:$0x5], $0x1, s4, s7, $0xb8;
	[tilespmem:$0x1F000] =	vst v63  }
0xe9: {  	s30 =	sadd.s32 $0x3480, s4;
	s22 =	sadd.s32 $0x80, s4  }
0xea: {  	[spmem:s1] =	stream.indirect.scatter.add.f32 [tilespmem:s30], [sflag:$0x5], $0x1, s22, s7, $0xb8;
	[tilespmem:$0x1F000] =	vst v63  }
0xeb: {  	s3 =	sadd.s32 $0x3500, s4;
	s5 =	sadd.s32 $0x100, s4  }
0xec: {  	[spmem:s1] =	stream.indirect.scatter.add.f32 [tilespmem:s3], [sflag:$0x5], $0x1, s5, s7, $0xb8;
	[tilespmem:$0x1F000] =	vst v63  }
0xed: {  	s24 =	sadd.s32 $0x3580, s4;
	s30 =	sadd.s32 $0x180, s4  }
0xee: {  	[spmem:s1] =	stream.indirect.scatter.add.f32 [tilespmem:s24], [sflag:$0x5], $0x1, s30, s7, $0xb8;
	[tilespmem:$0x1F000] =	vst v63  }
0xef: {  	s3 =	sadd.s32 $0x3600, s4;
	s5 =	sadd.s32 $0x200, s4  }
0xf0: {  	[spmem:s1] =	stream.indirect.scatter.add.f32 [tilespmem:s3], [sflag:$0x5], $0x1, s5, s7, $0xb8;
	[tilespmem:$0x1F000] =	vst v63  }
0xf1: {  	s24 =	sadd.s32 $0x3680, s4;
	s30 =	sadd.s32 $0x280, s4  }
0xf2: {  	[spmem:s1] =	stream.indirect.scatter.add.f32 [tilespmem:s24], [sflag:$0x5], $0x1, s30, s7, $0xb8;
	[tilespmem:$0x1F000] =	vst v63  }
0xf3: {  	s3 =	sadd.s32 $0x3700, s4;
	s5 =	sadd.s32 $0x300, s4  }
0xf4: {  	[spmem:s1] =	stream.indirect.scatter.add.f32 [tilespmem:s3], [sflag:$0x5], $0x1, s5, s7, $0xb8;
	[tilespmem:$0x1F000] =	vst v63  }
0xf5: {  	s22 =	sadd.s32 $0x3780, s4;
	s24 =	sadd.s32 $0x380, s4  }
0xf6: {  	[spmem:s1] =	stream.indirect.scatter.add.f32 [tilespmem:s22], [sflag:$0x5], $0x1, s24, s7, $0xb8;
	[tilespmem:$0x1F000] =	vst v63  }
0xf7: {  	s30 =	sadd.s32 $0x3800, s4;
	s3 =	sadd.s32 $0x400, s4  }
0xf8: {  	[spmem:s1] =	stream.indirect.scatter.add.f32 [tilespmem:s30], [sflag:$0x5], $0x1, s3, s7, $0xb8;
	[tilespmem:$0x1F000] =	vst v63  }
0xf9: {  	s5 =	sadd.s32 $0x3880, s4;
	s22 =	sadd.s32 $0x480, s4  }
0xfa: {  	[spmem:s1] =	stream.indirect.scatter.add.f32 [tilespmem:s5], [sflag:$0x5], $0x1, s22, s7, $0xb8;
	[tilespmem:$0x1F000] =	vst v63  }
0xfb: {  	_ =	swait.ge [sflag:s9], $0x80  }
0xfc: {  	[sflag:s9] =	ssyncset.done $0x0  }
0xfd: {  	[sflag:s9] =	ssyncadd.s32 $0xFFFFFF80  }
0xfe: {  	_ =	swait.ge [sflag:s9], $0x80  }
0xff: {  	[sflag:s9] =	ssyncset.done $0x0  }
0x100: {  	[sflag:s9] =	ssyncadd.s32 $0xFFFFFF80  }
0x101: {  	_ =	swait.ge [sflag:s9], $0x80  }
0x102: {  	[sflag:s9] =	ssyncset.done $0x0  }
0x103: {  	[sflag:s9] =	ssyncadd.s32 $0xFFFFFF80  }
0x104: {  	_ =	swait.ge [sflag:s9], $0x80  }
0x105: {  	[sflag:s9] =	ssyncset.done $0x0  }
0x106: {  	[sflag:s9] =	ssyncadd.s32 $0xFFFFFF80  }
0x107: {  	_ =	swait.ge [sflag:s9], $0x80  }
0x108: {  	[sflag:s9] =	ssyncset.done $0x0  }
0x109: {  	[sflag:s9] =	ssyncadd.s32 $0xFFFFFF80  }
0x10a: {  	_ =	swait.ge [sflag:s9], $0x80  }
0x10b: {  	[sflag:s9] =	ssyncset.done $0x0  }
0x10c: {  	[sflag:s9] =	ssyncadd.s32 $0xFFFFFF80  }
0x10d: {  	_ =	swait.ge [sflag:s9], $0x80  }
0x10e: {  	[sflag:s9] =	ssyncset.done $0x0  }
0x10f: {  	[sflag:s9] =	ssyncadd.s32 $0xFFFFFF80  }
0x110: {  	_ =	swait.ge [sflag:s9], $0x80  }
0x111: {  	[sflag:s9] =	ssyncset.done $0x0  }
0x112: {  	[sflag:s9] =	ssyncadd.s32 $0xFFFFFF80  }
0x113: {  	_ =	swait.ge [sflag:s9], $0x80  }
0x114: {  	[sflag:s9] =	ssyncset.done $0x0  }
0x115: {  	[sflag:s9] =	ssyncadd.s32 $0xFFFFFF80  }
0x116: {  	_ =	swait.ge [sflag:s9], $0x80  }
0x117: {  	[sflag:s9] =	ssyncset.done $0x0  }
0x118: {  	[sflag:s9] =	ssyncadd.s32 $0xFFFFFF80  }
0x119: {  	_ =	swait.ge [sflag:s12], $0x3200  }
0x11a: {  	[sflag:s12] =	ssyncset.done $0x0  }
0x11b: {  	s24 =	simm.s32 $0x0;
	s30 =	simm.s32 $0x6600;
	[sflag:s12] =	ssyncadd.s32 $0xFFFFCE00  }
0x11c: {  	[spmem:s19] =	stream.indirect.scatter.add.f32 [tilespmem:s30], [sflag:$0x5], $0x1, s24, s7, $0xb8;
	[tilespmem:$0x1F000] =	vst v63  }
0x11d: {  	s3 =	simm.s32 $0x6680;
	s5 =	simm.s32 $0x80  }
0x11e: {  	[spmem:s19] =	stream.indirect.scatter.add.f32 [tilespmem:s3], [sflag:$0x5], $0x1, s5, s7, $0xb8;
	[tilespmem:$0x1F000] =	vst v63  }
0x11f: {  	s11 =	simm.s32 $0x6700;
	s22 =	simm.s32 $0x100  }
0x120: {  	[spmem:s19] =	stream.indirect.scatter.add.f32 [tilespmem:s11], [sflag:$0x5], $0x1, s22, s7, $0xb8;
	[tilespmem:$0x1F000] =	vst v63  }
0x121: {  	s24 =	simm.s32 $0x6780;
	s30 =	simm.s32 $0x180  }
0x122: {  	[spmem:s19] =	stream.indirect.scatter.add.f32 [tilespmem:s24], [sflag:$0x5], $0x1, s30, s7, $0xb8;
	[tilespmem:$0x1F000] =	vst v63  }
0x123: {  	s3 =	simm.s32 $0x6800;
	s5 =	simm.s32 $0x200  }
0x124: {  	[spmem:s19] =	stream.indirect.scatter.add.f32 [tilespmem:s3], [sflag:$0x5], $0x1, s5, s7, $0xb8;
	[tilespmem:$0x1F000] =	vst v63  }
0x125: {  	s11 =	simm.s32 $0x6880;
	s22 =	simm.s32 $0x280  }
0x126: {  	[spmem:s19] =	stream.indirect.scatter.add.f32 [tilespmem:s11], [sflag:$0x5], $0x1, s22, s7, $0xb8;
	[tilespmem:$0x1F000] =	vst v63  }
0x127: {  	s24 =	simm.s32 $0x6900;
	s30 =	simm.s32 $0x300  }
0x128: {  	[spmem:s19] =	stream.indirect.scatter.add.f32 [tilespmem:s24], [sflag:$0x5], $0x1, s30, s7, $0xb8;
	[tilespmem:$0x1F000] =	vst v63  }
0x129: {  	s3 =	simm.s32 $0x6980;
	s5 =	simm.s32 $0x380  }
0x12a: {  	[spmem:s19] =	stream.indirect.scatter.add.f32 [tilespmem:s3], [sflag:$0x5], $0x1, s5, s7, $0xb8;
	[tilespmem:$0x1F000] =	vst v63  }
0x12b: {  	s11 =	simm.s32 $0x6A00;
	s22 =	simm.s32 $0x400  }
0x12c: {  	[spmem:s19] =	stream.indirect.scatter.add.f32 [tilespmem:s11], [sflag:$0x5], $0x1, s22, s7, $0xb8;
	[tilespmem:$0x1F000] =	vst v63  }
0x12d: {  	s24 =	simm.s32 $0x6A80;
	s30 =	simm.s32 $0x480  }
0x12e: {  	[spmem:s19] =	stream.indirect.scatter.add.f32 [tilespmem:s24], [sflag:$0x5], $0x1, s30, s7, $0xb8;
	[tilespmem:$0x1F000] =	vst v63  }
0x12f: {  	_ =	swait.ge [sflag:s9], $0x80  }
0x130: {  	[sflag:s9] =	ssyncset.done $0x0  }
0x131: {  	[sflag:s9] =	ssyncadd.s32 $0xFFFFFF80  }
0x132: {  	_ =	swait.ge [sflag:s9], $0x80  }
0x133: {  	[sflag:s9] =	ssyncset.done $0x0  }
0x134: {  	[sflag:s9] =	ssyncadd.s32 $0xFFFFFF80  }
0x135: {  	_ =	swait.ge [sflag:s9], $0x80  }
0x136: {  	[sflag:s9] =	ssyncset.done $0x0  }
0x137: {  	[sflag:s9] =	ssyncadd.s32 $0xFFFFFF80  }
0x138: {  	_ =	swait.ge [sflag:s9], $0x80  }
0x139: {  	[sflag:s9] =	ssyncset.done $0x0  }
0x13a: {  	[sflag:s9] =	ssyncadd.s32 $0xFFFFFF80  }
0x13b: {  	_ =	swait.ge [sflag:s9], $0x80  }
0x13c: {  	[sflag:s9] =	ssyncset.done $0x0  }
0x13d: {  	[sflag:s9] =	ssyncadd.s32 $0xFFFFFF80  }
0x13e: {  	_ =	swait.ge [sflag:s9], $0x80  }
0x13f: {  	[sflag:s9] =	ssyncset.done $0x0  }
0x140: {  	[sflag:s9] =	ssyncadd.s32 $0xFFFFFF80  }
0x141: {  	_ =	swait.ge [sflag:s9], $0x80  }
0x142: {  	[sflag:s9] =	ssyncset.done $0x0  }
0x143: {  	[sflag:s9] =	ssyncadd.s32 $0xFFFFFF80  }
0x144: {  	_ =	swait.ge [sflag:s9], $0x80  }
0x145: {  	[sflag:s9] =	ssyncset.done $0x0  }
0x146: {  	[sflag:s9] =	ssyncadd.s32 $0xFFFFFF80  }
0x147: {  	_ =	swait.ge [sflag:s9], $0x80  }
0x148: {  	[sflag:s9] =	ssyncset.done $0x0  }
0x149: {  	[sflag:s9] =	ssyncadd.s32 $0xFFFFFF80  }
0x14a: {  	_ =	swait.ge [sflag:s9], $0x80  }
0x14b: {  	s4 =	simm.s32 $0x500;
	s22 =	simm.s32 $0x2800;
	[sflag:s9] =	ssyncset.done $0x0  }
.LBB2_6:
0x14c: {  	s24 =	sadd.s32 $0x6600, s4  }
0x14d: {  	[sflag:s9] =	ssyncadd.s32 $0xFFFFFF80;
	s30 =	smov.u32 s22;
	s11 =	sadd.s32 $0x1400, s22  }
0x14e: {  	[spmem:s19] =	stream.indirect.scatter.add.f32 [tilespmem:s24], [sflag:$0x5], $0x1, s4, s7, $0xb8;
	[tilespmem:$0x1F000] =	vst v63  }
0x14f: {  	p0 =	sne.s32 s22, $0xB400;
	s22 =	sadd.s32 $0x6680, s4;
	s24 =	sadd.s32 $0x80, s4  }
0x150: {  	[spmem:s19] =	stream.indirect.scatter.add.f32 [tilespmem:s22], [sflag:$0x5], $0x1, s24, s7, $0xb8;
	[tilespmem:$0x1F000] =	vst v63  }
0x151: {  	s22 =	sadd.s32 $0x6700, s4;
	s24 =	sadd.s32 $0x100, s4  }
0x152: {  	[spmem:s19] =	stream.indirect.scatter.add.f32 [tilespmem:s22], [sflag:$0x5], $0x1, s24, s7, $0xb8;
	[tilespmem:$0x1F000] =	vst v63  }
0x153: {  	s22 =	sadd.s32 $0x6780, s4;
	s24 =	sadd.s32 $0x180, s4  }
0x154: {  	[spmem:s19] =	stream.indirect.scatter.add.f32 [tilespmem:s22], [sflag:$0x5], $0x1, s24, s7, $0xb8;
	[tilespmem:$0x1F000] =	vst v63  }
0x155: {  	s22 =	sadd.s32 $0x6800, s4;
	s24 =	sadd.s32 $0x200, s4  }
0x156: {  	[spmem:s19] =	stream.indirect.scatter.add.f32 [tilespmem:s22], [sflag:$0x5], $0x1, s24, s7, $0xb8;
	[tilespmem:$0x1F000] =	vst v63  }
0x157: {  	s22 =	sadd.s32 $0x6880, s4;
	s24 =	sadd.s32 $0x280, s4  }
0x158: {  	[spmem:s19] =	stream.indirect.scatter.add.f32 [tilespmem:s22], [sflag:$0x5], $0x1, s24, s7, $0xb8;
	[tilespmem:$0x1F000] =	vst v63  }
0x159: {  	s22 =	sadd.s32 $0x6900, s4;
	s24 =	sadd.s32 $0x300, s4  }
0x15a: {  	[spmem:s19] =	stream.indirect.scatter.add.f32 [tilespmem:s22], [sflag:$0x5], $0x1, s24, s7, $0xb8;
	[tilespmem:$0x1F000] =	vst v63  }
0x15b: {  	s22 =	sadd.s32 $0x6980, s4;
	s24 =	sadd.s32 $0x380, s4  }
0x15c: {  	[spmem:s19] =	stream.indirect.scatter.add.f32 [tilespmem:s22], [sflag:$0x5], $0x1, s24, s7, $0xb8;
	[tilespmem:$0x1F000] =	vst v63  }
0x15d: {  	s22 =	sadd.s32 $0x6A00, s4;
	s24 =	sadd.s32 $0x400, s4  }
0x15e: {  	[spmem:s19] =	stream.indirect.scatter.add.f32 [tilespmem:s22], [sflag:$0x5], $0x1, s24, s7, $0xb8;
	[tilespmem:$0x1F000] =	vst v63  }
0x15f: {  	s22 =	sadd.s32 $0x6A80, s4;
	s4 =	sadd.s32 $0x480, s4  }
0x160: {  	[spmem:s19] =	stream.indirect.scatter.add.f32 [tilespmem:s22], [sflag:$0x5], $0x1, s4, s7, $0xb8;
	[tilespmem:$0x1F000] =	vst v63  }
0x161: {  	_ =	swait.ge [sflag:s9], $0x80  }
0x162: {  	[sflag:s9] =	ssyncset.done $0x0  }
0x163: {  	[sflag:s9] =	ssyncadd.s32 $0xFFFFFF80  }
0x164: {  	_ =	swait.ge [sflag:s9], $0x80  }
0x165: {  	[sflag:s9] =	ssyncset.done $0x0  }
0x166: {  	[sflag:s9] =	ssyncadd.s32 $0xFFFFFF80  }
0x167: {  	_ =	swait.ge [sflag:s9], $0x80  }
0x168: {  	[sflag:s9] =	ssyncset.done $0x0  }
0x169: {  	[sflag:s9] =	ssyncadd.s32 $0xFFFFFF80  }
0x16a: {  	_ =	swait.ge [sflag:s9], $0x80  }
0x16b: {  	[sflag:s9] =	ssyncset.done $0x0  }
0x16c: {  	[sflag:s9] =	ssyncadd.s32 $0xFFFFFF80  }
0x16d: {  	_ =	swait.ge [sflag:s9], $0x80  }
0x16e: {  	[sflag:s9] =	ssyncset.done $0x0  }
0x16f: {  	[sflag:s9] =	ssyncadd.s32 $0xFFFFFF80  }
0x170: {  	_ =	swait.ge [sflag:s9], $0x80  }
0x171: {  	[sflag:s9] =	ssyncset.done $0x0  }
0x172: {  	[sflag:s9] =	ssyncadd.s32 $0xFFFFFF80  }
0x173: {  	_ =	swait.ge [sflag:s9], $0x80  }
0x174: {  	[sflag:s9] =	ssyncset.done $0x0  }
0x175: {  	[sflag:s9] =	ssyncadd.s32 $0xFFFFFF80  }
0x176: {  	_ =	swait.ge [sflag:s9], $0x80  }
0x177: {  	[sflag:s9] =	ssyncset.done $0x0  }
0x178: {  	[sflag:s9] =	ssyncadd.s32 $0xFFFFFF80  }
.Ltmp2:
0x179: {  	_ =	swait.ge [sflag:s9], $0x80;
	(pc) =	sbr.rel @p0 .LBB2_6-.Ltmp2, $4  }
0x17a: {  	[sflag:s9] =	ssyncset.done $0x0  }
0x17b: {  	[sflag:s9] =	ssyncadd.s32 $0xFFFFFF80  }
0x17c: {  	_ =	swait.ge [sflag:s9], $0x80  }
0x17d: {  	s4 =	sshra.s32 s30, $0x2;
	s22 =	smov.u32 s11;
	[sflag:s9] =	ssyncset.done $0x0  }
0x17e: {  	s11 =	sadd.s32 $0x6600, s4;
	[sflag:s9] =	ssyncadd.s32 $0xFFFFFF80  }
0x17f: {  	[spmem:s19] =	stream.indirect.scatter.add.f32 [tilespmem:s11], [sflag:$0x5], $0x1, s4, s7, $0xb8;
	[tilespmem:$0x1F000] =	vst v63  }
0x180: {  	s30 =	sadd.s32 $0x6680, s4;
	s22 =	sadd.s32 $0x80, s4  }
0x181: {  	[spmem:s19] =	stream.indirect.scatter.add.f32 [tilespmem:s30], [sflag:$0x5], $0x1, s22, s7, $0xb8;
	[tilespmem:$0x1F000] =	vst v63  }
0x182: {  	s3 =	sadd.s32 $0x6700, s4;
	s5 =	sadd.s32 $0x100, s4  }
0x183: {  	[spmem:s19] =	stream.indirect.scatter.add.f32 [tilespmem:s3], [sflag:$0x5], $0x1, s5, s7, $0xb8;
	[tilespmem:$0x1F000] =	vst v63  }
0x184: {  	s24 =	sadd.s32 $0x6780, s4;
	s30 =	sadd.s32 $0x180, s4  }
0x185: {  	[spmem:s19] =	stream.indirect.scatter.add.f32 [tilespmem:s24], [sflag:$0x5], $0x1, s30, s7, $0xb8;
	[tilespmem:$0x1F000] =	vst v63  }
0x186: {  	s3 =	sadd.s32 $0x6800, s4;
	s5 =	sadd.s32 $0x200, s4  }
0x187: {  	[spmem:s19] =	stream.indirect.scatter.add.f32 [tilespmem:s3], [sflag:$0x5], $0x1, s5, s7, $0xb8;
	[tilespmem:$0x1F000] =	vst v63  }
0x188: {  	s24 =	sadd.s32 $0x6880, s4;
	s30 =	sadd.s32 $0x280, s4  }
0x189: {  	[spmem:s19] =	stream.indirect.scatter.add.f32 [tilespmem:s24], [sflag:$0x5], $0x1, s30, s7, $0xb8;
	[tilespmem:$0x1F000] =	vst v63  }
0x18a: {  	s3 =	sadd.s32 $0x6900, s4;
	s5 =	sadd.s32 $0x300, s4  }
0x18b: {  	[spmem:s19] =	stream.indirect.scatter.add.f32 [tilespmem:s3], [sflag:$0x5], $0x1, s5, s7, $0xb8;
	[tilespmem:$0x1F000] =	vst v63  }
0x18c: {  	s24 =	sadd.s32 $0x6980, s4;
	s30 =	sadd.s32 $0x380, s4  }
0x18d: {  	[spmem:s19] =	stream.indirect.scatter.add.f32 [tilespmem:s24], [sflag:$0x5], $0x1, s30, s7, $0xb8;
	[tilespmem:$0x1F000] =	vst v63  }
0x18e: {  	s3 =	sadd.s32 $0x6A00, s4;
	s5 =	sadd.s32 $0x400, s4  }
0x18f: {  	[spmem:s19] =	stream.indirect.scatter.add.f32 [tilespmem:s3], [sflag:$0x5], $0x1, s5, s7, $0xb8;
	[tilespmem:$0x1F000] =	vst v63  }
0x190: {  	s22 =	sadd.s32 $0x6A80, s4;
	s24 =	sadd.s32 $0x480, s4  }
0x191: {  	[spmem:s19] =	stream.indirect.scatter.add.f32 [tilespmem:s22], [sflag:$0x5], $0x1, s24, s7, $0xb8;
	[tilespmem:$0x1F000] =	vst v63  }
0x192: {  	_ =	swait.ge [sflag:s9], $0x80  }
0x193: {  	[sflag:s9] =	ssyncset.done $0x0  }
0x194: {  	[sflag:s9] =	ssyncadd.s32 $0xFFFFFF80  }
0x195: {  	_ =	swait.ge [sflag:s9], $0x80  }
0x196: {  	[sflag:s9] =	ssyncset.done $0x0  }
0x197: {  	[sflag:s9] =	ssyncadd.s32 $0xFFFFFF80  }
0x198: {  	_ =	swait.ge [sflag:s9], $0x80  }
0x199: {  	[sflag:s9] =	ssyncset.done $0x0  }
0x19a: {  	[sflag:s9] =	ssyncadd.s32 $0xFFFFFF80  }
0x19b: {  	_ =	swait.ge [sflag:s9], $0x80  }
0x19c: {  	[sflag:s9] =	ssyncset.done $0x0  }
0x19d: {  	[sflag:s9] =	ssyncadd.s32 $0xFFFFFF80  }
0x19e: {  	_ =	swait.ge [sflag:s9], $0x80  }
0x19f: {  	[sflag:s9] =	ssyncset.done $0x0  }
0x1a0: {  	[sflag:s9] =	ssyncadd.s32 $0xFFFFFF80  }
0x1a1: {  	_ =	swait.ge [sflag:s9], $0x80  }
0x1a2: {  	[sflag:s9] =	ssyncset.done $0x0  }
0x1a3: {  	[sflag:s9] =	ssyncadd.s32 $0xFFFFFF80  }
0x1a4: {  	_ =	swait.ge [sflag:s9], $0x80  }
0x1a5: {  	[sflag:s9] =	ssyncset.done $0x0  }
0x1a6: {  	[sflag:s9] =	ssyncadd.s32 $0xFFFFFF80  }
0x1a7: {  	_ =	swait.ge [sflag:s9], $0x80  }
0x1a8: {  	[sflag:s9] =	ssyncset.done $0x0  }
0x1a9: {  	[sflag:s9] =	ssyncadd.s32 $0xFFFFFF80  }
0x1aa: {  	_ =	swait.ge [sflag:s9], $0x80  }
0x1ab: {  	[sflag:s9] =	ssyncset.done $0x0  }
0x1ac: {  	[sflag:s9] =	ssyncadd.s32 $0xFFFFFF80  }
0x1ad: {  	_ =	swait.ge [sflag:s9], $0x80  }
0x1ae: {  	[sflag:s9] =	ssyncset.done $0x0  }
0x1af: {  	[sflag:s9] =	ssyncadd.s32 $0xFFFFFF80  }
0x1b0: {  	[bflag:$0x0] =	sbarrier.arrive $0xFFFF  }
0x1b1: {  	[tilespmem:s21], [sflag:$0x6] =	stream.linear.gather [spmem:s31], $0x1388, $0x38;
	[tilespmem:$0x1F000] =	vst v63  }
0x1b2: {  	_ =	swait.ge [sflag:s6], $0x1388  }
0x1b3: {  	[sflag:s6] =	ssyncset.done $0x0  }
0x1b4: {  	s11 =	simm.s32 $0x0;
	s30 =	rddreg [dreg:$0x9];
	[sflag:s6] =	ssyncadd.s32 $0xFFFFEC78  }
0x1b5: {  	[hbm4b:s30+s11] =	stream.linear.scatter [tilespmem:s21], [sflag:$0x5], $0x1388, $0x38;
	[tilespmem:$0x1F000] =	vst v63  }
0x1b6: {  	s3 =	rddreg [dreg:$0x1e]  }
0x1b7: {  	[tilespmem:s23], [sflag:$0x6] =	stream.linear.gather [spmem:s3], $0x1388, $0x38;
	[tilespmem:$0x1F000] =	vst v63  }
0x1b8: {  	_ =	swait.ge [sflag:s6], $0x1388  }
0x1b9: {  	[sflag:s6] =	ssyncset.done $0x0  }
0x1ba: {  	s3 =	rddreg [dreg:$0xa];
	[sflag:s6] =	ssyncadd.s32 $0xFFFFEC78  }
0x1bb: {  	[hbm4b:s3+s11] =	stream.linear.scatter [tilespmem:s23], [sflag:$0x5], $0x1388, $0x38;
	[tilespmem:$0x1F000] =	vst v63  }
0x1bc: {  	_ =	swait.ge [sflag:s9], $0x1388  }
0x1bd: {  	s5 =	sld [smem:$0x7EC]  }
0x1be: {  	[sflag:s9] =	ssyncset.done $0x0  }
0x1bf: {  	[sflag:s9] =	ssyncadd.s32 $0xFFFFEC78  }
0x1c0: {  	[tilespmem:s21], [sflag:$0x6] =	stream.linear.gather [spmem:s5], $0x1388, $0x38;
	[tilespmem:$0x1F000] =	vst v63  }
0x1c1: {  	_ =	swait.ge [sflag:s6], $0x1388  }
0x1c2: {  	s22 =	sld [smem:$0x7F8]  }
0x1c3: {  	[sflag:s6] =	ssyncset.done $0x0  }
0x1c4: {  	[sflag:s6] =	ssyncadd.s32 $0xFFFFEC78  }
0x1c5: {  	[hbm4b:s22+s11] =	stream.linear.scatter [tilespmem:s21], [sflag:$0x5], $0x1388, $0x38;
	[tilespmem:$0x1F000] =	vst v63  }
0x1c6: {  	_ =	swait.ge [sflag:s9], $0x1388  }
0x1c7: {  	[sflag:s9] =	ssyncset.done $0x0  }
0x1c8: {  	[sflag:s9] =	ssyncadd.s32 $0xFFFFEC78  }
0x1c9: {  	[tilespmem:s23], [sflag:$0x6] =	stream.linear.gather [spmem:s8], $0x1388, $0x38;
	[tilespmem:$0x1F000] =	vst v63  }
0x1ca: {  	_ =	swait.ge [sflag:s6], $0x1388  }
0x1cb: {  	[sflag:s6] =	ssyncset.done $0x0  }
0x1cc: {  	s24 =	rddreg [dreg:$0xb];
	[sflag:s6] =	ssyncadd.s32 $0xFFFFEC78  }
0x1cd: {  	[hbm4b:s24+s11] =	stream.linear.scatter [tilespmem:s23], [sflag:$0x5], $0x1388, $0x38;
	[tilespmem:$0x1F000] =	vst v63  }
0x1ce: {  	_ =	swait.ge [sflag:s9], $0x1388  }
0x1cf: {  	[sflag:s9] =	ssyncset.done $0x0  }
0x1d0: {  	[sflag:s9] =	ssyncadd.s32 $0xFFFFEC78  }
0x1d1: {  	[tilespmem:s21], [sflag:$0x6] =	stream.linear.gather [spmem:s10], $0x1388, $0x38;
	[tilespmem:$0x1F000] =	vst v63  }
0x1d2: {  	_ =	swait.ge [sflag:s6], $0x1388  }
0x1d3: {  	s30 =	sld [smem:$0x7F9]  }
0x1d4: {  	[sflag:s6] =	ssyncset.done $0x0  }
0x1d5: {  	[sflag:s6] =	ssyncadd.s32 $0xFFFFEC78  }
0x1d6: {  	[hbm4b:s30+s11] =	stream.linear.scatter [tilespmem:s21], [sflag:$0x5], $0x1388, $0x38;
	[tilespmem:$0x1F000] =	vst v63  }
0x1d7: {  	_ =	swait.ge [sflag:s9], $0x1388  }
0x1d8: {  	[sflag:s9] =	ssyncset.done $0x0  }
0x1d9: {  	[sflag:s9] =	ssyncadd.s32 $0xFFFFEC78  }
0x1da: {  	[tilespmem:s23], [sflag:$0x6] =	stream.linear.gather [spmem:s13], $0x1388, $0x38;
	[tilespmem:$0x1F000] =	vst v63  }
0x1db: {  	_ =	swait.ge [sflag:s6], $0x1388  }
0x1dc: {  	[sflag:s6] =	ssyncset.done $0x0  }
0x1dd: {  	s3 =	rddreg [dreg:$0xc];
	[sflag:s6] =	ssyncadd.s32 $0xFFFFEC78  }
0x1de: {  	[hbm4b:s3+s11] =	stream.linear.scatter [tilespmem:s23], [sflag:$0x5], $0x1388, $0x38;
	[tilespmem:$0x1F000] =	vst v63  }
0x1df: {  	_ =	swait.ge [sflag:s9], $0x1388  }
0x1e0: {  	[sflag:s9] =	ssyncset.done $0x0  }
0x1e1: {  	[sflag:s9] =	ssyncadd.s32 $0xFFFFEC78  }
0x1e2: {  	[tilespmem:s21], [sflag:$0x6] =	stream.linear.gather [spmem:s15], $0x1388, $0x38;
	[tilespmem:$0x1F000] =	vst v63  }
0x1e3: {  	_ =	swait.ge [sflag:s6], $0x1388  }
0x1e4: {  	s4 =	sld [smem:$0x7FA]  }
0x1e5: {  	[sflag:s6] =	ssyncset.done $0x0  }
0x1e6: {  	[sflag:s6] =	ssyncadd.s32 $0xFFFFEC78  }
0x1e7: {  	[hbm4b:s4+s11] =	stream.linear.scatter [tilespmem:s21], [sflag:$0x5], $0x1388, $0x38;
	[tilespmem:$0x1F000] =	vst v63  }
0x1e8: {  	_ =	swait.ge [sflag:s9], $0x1388  }
0x1e9: {  	[sflag:s9] =	ssyncset.done $0x0  }
0x1ea: {  	[sflag:s9] =	ssyncadd.s32 $0xFFFFEC78  }
0x1eb: {  	[tilespmem:s23], [sflag:$0x6] =	stream.linear.gather [spmem:s17], $0x1388, $0x38;
	[tilespmem:$0x1F000] =	vst v63  }
0x1ec: {  	_ =	swait.ge [sflag:s6], $0x1388  }
0x1ed: {  	[sflag:s6] =	ssyncset.done $0x0  }
0x1ee: {  	s5 =	rddreg [dreg:$0xd];
	[sflag:s6] =	ssyncadd.s32 $0xFFFFEC78  }
0x1ef: {  	[hbm4b:s5+s11] =	stream.linear.scatter [tilespmem:s23], [sflag:$0x5], $0x1388, $0x38;
	[tilespmem:$0x1F000] =	vst v63  }
0x1f0: {  	_ =	swait.ge [sflag:s9], $0x1388  }
0x1f1: {  	[sflag:s9] =	ssyncset.done $0x0  }
0x1f2: {  	[sflag:s9] =	ssyncadd.s32 $0xFFFFEC78  }
0x1f3: {  	_ =	swait.ge [sflag:s9], $0x1388  }
0x1f4: {  	[sflag:s9] =	ssyncset.done $0x0  }
0x1f5: {  	s22 =	rddreg [dreg:$0x1d];
	[sflag:s9] =	ssyncadd.s32 $0xFFFFEC78  }
0x1f6: {  	[tilespmem:s23], [sflag:$0x3] =	stream.linear.gather [hbm4b:s22+s11], $0x3200, $0x38;
	[tilespmem:$0x1F000] =	vst v63  }
0x1f7: {  	_ = 	snop  }
0x1f8: {  	[tilespmem:s21], [sflag:$0x6] =	stream.linear.gather [spmem:s18], $0x1388, $0x38;
	[tilespmem:$0x1F000] =	vst v63  }
0x1f9: {  	_ =	swait.ge [sflag:s6], $0x1388  }
0x1fa: {  	[sflag:s6] =	ssyncset.done $0x0  }
0x1fb: {  	s24 =	rddreg [dreg:$0xe];
	[sflag:s6] =	ssyncadd.s32 $0xFFFFEC78  }
0x1fc: {  	[hbm4b:s24+s11] =	stream.linear.scatter [tilespmem:s21], [sflag:$0x5], $0x1388, $0x38;
	[tilespmem:$0x1F000] =	vst v63  }
0x1fd: {  	s30 =	rddreg [dreg:$0x1f]  }
0x1fe: {  	[tilespmem:s14], [sflag:$0x6] =	stream.linear.gather [spmem:s30], $0x1388, $0x38;
	[tilespmem:$0x1F000] =	vst v63  }
0x1ff: {  	_ =	swait.ge [sflag:s6], $0x1388  }
0x200: {  	[sflag:s6] =	ssyncset.done $0x0  }
0x201: {  	s3 =	rddreg [dreg:$0xf];
	[sflag:s6] =	ssyncadd.s32 $0xFFFFEC78  }
0x202: {  	[hbm4b:s3+s11] =	stream.linear.scatter [tilespmem:s14], [sflag:$0x5], $0x1388, $0x38;
	[tilespmem:$0x1F000] =	vst v63  }
0x203: {  	_ =	swait.ge [sflag:s9], $0x1388  }
0x204: {  	s4 =	sld [smem:$0x7ED]  }
0x205: {  	[sflag:s9] =	ssyncset.done $0x0  }
0x206: {  	[sflag:s9] =	ssyncadd.s32 $0xFFFFEC78  }
0x207: {  	[tilespmem:s21], [sflag:$0x6] =	stream.linear.gather [spmem:s4], $0x1388, $0x38;
	[tilespmem:$0x1F000] =	vst v63  }
0x208: {  	_ =	swait.ge [sflag:s6], $0x1388  }
0x209: {  	s5 =	smov.u32 s18;
	s18 =	sld [smem:$0x7FB]  }
0x20a: {  	[sflag:s6] =	ssyncset.done $0x0  }
0x20b: {  	[sflag:s6] =	ssyncadd.s32 $0xFFFFEC78  }
0x20c: {  	[hbm4b:s18+s11] =	stream.linear.scatter [tilespmem:s21], [sflag:$0x5], $0x1388, $0x38;
	[tilespmem:$0x1F000] =	vst v63  }
0x20d: {  	_ =	swait.ge [sflag:s9], $0x1388  }
0x20e: {  	s22 =	sld [smem:$0x7EE]  }
0x20f: {  	[sflag:s9] =	ssyncset.done $0x0  }
0x210: {  	[sflag:s9] =	ssyncadd.s32 $0xFFFFEC78  }
0x211: {  	[tilespmem:s14], [sflag:$0x6] =	stream.linear.gather [spmem:s22], $0x1388, $0x38;
	[tilespmem:$0x1F000] =	vst v63  }
0x212: {  	_ =	swait.ge [sflag:s6], $0x1388  }
0x213: {  	[sflag:s6] =	ssyncset.done $0x0  }
0x214: {  	s24 =	rddreg [dreg:$0x10];
	[sflag:s6] =	ssyncadd.s32 $0xFFFFEC78  }
0x215: {  	[hbm4b:s24+s11] =	stream.linear.scatter [tilespmem:s14], [sflag:$0x5], $0x1388, $0x38;
	[tilespmem:$0x1F000] =	vst v63  }
0x216: {  	_ =	swait.ge [sflag:s9], $0x1388  }
0x217: {  	s30 =	sld [smem:$0x7EF]  }
0x218: {  	[sflag:s9] =	ssyncset.done $0x0  }
0x219: {  	[sflag:s9] =	ssyncadd.s32 $0xFFFFEC78  }
0x21a: {  	[tilespmem:s21], [sflag:$0x6] =	stream.linear.gather [spmem:s30], $0x1388, $0x38;
	[tilespmem:$0x1F000] =	vst v63  }
0x21b: {  	_ =	swait.ge [sflag:s6], $0x1388  }
0x21c: {  	s4 =	sld [smem:$0x7FC]  }
0x21d: {  	[sflag:s6] =	ssyncset.done $0x0  }
0x21e: {  	[sflag:s6] =	ssyncadd.s32 $0xFFFFEC78  }
0x21f: {  	[hbm4b:s4+s11] =	stream.linear.scatter [tilespmem:s21], [sflag:$0x5], $0x1388, $0x38;
	[tilespmem:$0x1F000] =	vst v63  }
0x220: {  	_ =	swait.ge [sflag:s9], $0x1388  }
0x221: {  	s18 =	sld [smem:$0x7F0]  }
0x222: {  	[sflag:s9] =	ssyncset.done $0x0  }
0x223: {  	[sflag:s9] =	ssyncadd.s32 $0xFFFFEC78  }
0x224: {  	[tilespmem:s14], [sflag:$0x6] =	stream.linear.gather [spmem:s18], $0x1388, $0x38;
	[tilespmem:$0x1F000] =	vst v63  }
0x225: {  	_ =	swait.ge [sflag:s6], $0x1388  }
0x226: {  	[sflag:s6] =	ssyncset.done $0x0  }
0x227: {  	s22 =	rddreg [dreg:$0x11];
	[sflag:s6] =	ssyncadd.s32 $0xFFFFEC78  }
0x228: {  	[hbm4b:s22+s11] =	stream.linear.scatter [tilespmem:s14], [sflag:$0x5], $0x1388, $0x38;
	[tilespmem:$0x1F000] =	vst v63  }
0x229: {  	_ =	swait.ge [sflag:s9], $0x1388  }
0x22a: {  	s24 =	sld [smem:$0x7F1]  }
0x22b: {  	[sflag:s9] =	ssyncset.done $0x0  }
0x22c: {  	[sflag:s9] =	ssyncadd.s32 $0xFFFFEC78  }
0x22d: {  	[tilespmem:s21], [sflag:$0x6] =	stream.linear.gather [spmem:s24], $0x1388, $0x38;
	[tilespmem:$0x1F000] =	vst v63  }
0x22e: {  	_ =	swait.ge [sflag:s6], $0x1388  }
0x22f: {  	s30 =	sld [smem:$0x7FD]  }
0x230: {  	[sflag:s6] =	ssyncset.done $0x0  }
0x231: {  	[sflag:s6] =	ssyncadd.s32 $0xFFFFEC78  }
0x232: {  	[hbm4b:s30+s11] =	stream.linear.scatter [tilespmem:s21], [sflag:$0x5], $0x1388, $0x38;
	[tilespmem:$0x1F000] =	vst v63  }
0x233: {  	_ =	swait.ge [sflag:s9], $0x1388  }
0x234: {  	s4 =	sld [smem:$0x7F2]  }
0x235: {  	[sflag:s9] =	ssyncset.done $0x0  }
0x236: {  	[sflag:s9] =	ssyncadd.s32 $0xFFFFEC78  }
0x237: {  	[tilespmem:s14], [sflag:$0x6] =	stream.linear.gather [spmem:s4], $0x1388, $0x38;
	[tilespmem:$0x1F000] =	vst v63  }
0x238: {  	_ =	swait.ge [sflag:s6], $0x1388  }
0x239: {  	[sflag:s6] =	ssyncset.done $0x0  }
0x23a: {  	s18 =	rddreg [dreg:$0x12];
	[sflag:s6] =	ssyncadd.s32 $0xFFFFEC78  }
0x23b: {  	[hbm4b:s18+s11] =	stream.linear.scatter [tilespmem:s14], [sflag:$0x5], $0x1388, $0x38;
	[tilespmem:$0x1F000] =	vst v63  }
0x23c: {  	_ =	swait.ge [sflag:s9], $0x1388  }
0x23d: {  	[sflag:s9] =	ssyncset.done $0x0  }
0x23e: {  	[sflag:s9] =	ssyncadd.s32 $0xFFFFEC78  }
0x23f: {  	_ =	swait.ge [sflag:s9], $0x1388  }
0x240: {  	[sflag:s9] =	ssyncset.done $0x0  }
0x241: {  	[sflag:s9] =	ssyncadd.s32 $0xFFFFEC78  }
0x242: {  	[spmem:s31] =	stream.linear.scatter [tilespmem:s25], [sflag:$0x4], $0x1F40, $0x38;
	[tilespmem:$0x1F000] =	vst v63  }
0x243: {  	_ = 	snop  }
0x244: {  	[spmem:s26] =	stream.linear.scatter [tilespmem:s25], [sflag:$0x4], $0x1F40, $0x38;
	[tilespmem:$0x1F000] =	vst v63  }
0x245: {  	_ = 	snop  }
0x246: {  	[spmem:s29] =	stream.linear.scatter [tilespmem:s25], [sflag:$0x4], $0x1F40, $0x38;
	[tilespmem:$0x1F000] =	vst v63  }
0x247: {  	s22 =	rddreg [dreg:$0x19]  }
0x248: {  	[spmem:s22] =	stream.linear.scatter [tilespmem:s25], [sflag:$0x4], $0x1F40, $0x38;
	[tilespmem:$0x1F000] =	vst v63  }
0x249: {  	s24 =	rddreg [dreg:$0x1b]  }
0x24a: {  	[spmem:s24] =	stream.linear.scatter [tilespmem:s25], [sflag:$0x4], $0x1F40, $0x38;
	[tilespmem:$0x1F000] =	vst v63  }
0x24b: {  	_ =	swait.ge [sflag:s28], $0x1F40  }
0x24c: {  	[sflag:s28] =	ssyncset.done $0x0  }
0x24d: {  	[sflag:s28] =	ssyncadd.s32 $0xFFFFE0C0  }
0x24e: {  	_ =	swait.ge [sflag:s28], $0x1F40  }
0x24f: {  	[sflag:s28] =	ssyncset.done $0x0  }
0x250: {  	[sflag:s28] =	ssyncadd.s32 $0xFFFFE0C0  }
0x251: {  	_ =	swait.ge [sflag:s28], $0x1F40  }
0x252: {  	[sflag:s28] =	ssyncset.done $0x0  }
0x253: {  	[sflag:s28] =	ssyncadd.s32 $0xFFFFE0C0  }
0x254: {  	_ =	swait.ge [sflag:s28], $0x1F40  }
0x255: {  	[sflag:s28] =	ssyncset.done $0x0  }
0x256: {  	[sflag:s28] =	ssyncadd.s32 $0xFFFFE0C0  }
0x257: {  	_ =	swait.ge [sflag:s28], $0x1F40  }
0x258: {  	[sflag:s28] =	ssyncset.done $0x0  }
0x259: {  	[sflag:s28] =	ssyncadd.s32 $0xFFFFE0C0  }
0x25a: {  	[bflag:$0x0] =	sbarrier.arrive $0xFFFF  }
0x25b: {  	_ =	swait.ge [sflag:s12], $0x3200  }
0x25c: {  	[sflag:s12] =	ssyncset.done $0x0  }
0x25d: {  	s4 =	sadd.s32 $0x0, s20;
	s11 =	sadd.s32 $0x0, s0;
	[sflag:s12] =	ssyncadd.s32 $0xFFFFCE00  }
0x25e: {  	[spmem:s1] =	stream.indirect.scatter.add.f32 [tilespmem:s4], [sflag:$0x5], $0x1, s11, s7, $0xb8;
	[tilespmem:$0x1F000] =	vst v63  }
0x25f: {  	s18 =	smov.u32 s26;
	s26 =	sadd.s32 $0x80, s4;
	s24 =	sadd.s32 $0x80, s11  }
0x260: {  	[spmem:s1] =	stream.indirect.scatter.add.f32 [tilespmem:s26], [sflag:$0x5], $0x1, s24, s7, $0xb8;
	[tilespmem:$0x1F000] =	vst v63  }
0x261: {  	s3 =	smov.u32 s29;
	s30 =	sadd.s32 $0x100, s11;
	s29 =	sadd.s32 $0x100, s4  }
0x262: {  	[spmem:s1] =	stream.indirect.scatter.add.f32 [tilespmem:s29], [sflag:$0x5], $0x1, s30, s7, $0xb8;
	[tilespmem:$0x1F000] =	vst v63  }
0x263: {  	s24 =	sadd.s32 $0x180, s4;
	s26 =	sadd.s32 $0x180, s11  }
0x264: {  	[spmem:s1] =	stream.indirect.scatter.add.f32 [tilespmem:s24], [sflag:$0x5], $0x1, s26, s7, $0xb8;
	[tilespmem:$0x1F000] =	vst v63  }
0x265: {  	s29 =	sadd.s32 $0x200, s4;
	s30 =	sadd.s32 $0x200, s11  }
0x266: {  	[spmem:s1] =	stream.indirect.scatter.add.f32 [tilespmem:s29], [sflag:$0x5], $0x1, s30, s7, $0xb8;
	[tilespmem:$0x1F000] =	vst v63  }
0x267: {  	s24 =	sadd.s32 $0x280, s4;
	s26 =	sadd.s32 $0x280, s11  }
0x268: {  	[spmem:s1] =	stream.indirect.scatter.add.f32 [tilespmem:s24], [sflag:$0x5], $0x1, s26, s7, $0xb8;
	[tilespmem:$0x1F000] =	vst v63  }
0x269: {  	s29 =	sadd.s32 $0x300, s4;
	s30 =	sadd.s32 $0x300, s11  }
0x26a: {  	[spmem:s1] =	stream.indirect.scatter.add.f32 [tilespmem:s29], [sflag:$0x5], $0x1, s30, s7, $0xb8;
	[tilespmem:$0x1F000] =	vst v63  }
0x26b: {  	s24 =	sadd.s32 $0x380, s4;
	s26 =	sadd.s32 $0x380, s11  }
0x26c: {  	[spmem:s1] =	stream.indirect.scatter.add.f32 [tilespmem:s24], [sflag:$0x5], $0x1, s26, s7, $0xb8;
	[tilespmem:$0x1F000] =	vst v63  }
0x26d: {  	s29 =	sadd.s32 $0x400, s4;
	s30 =	sadd.s32 $0x400, s11  }
0x26e: {  	[spmem:s1] =	stream.indirect.scatter.add.f32 [tilespmem:s29], [sflag:$0x5], $0x1, s30, s7, $0xb8;
	[tilespmem:$0x1F000] =	vst v63  }
0x26f: {  	s4 =	sadd.s32 $0x480, s4;
	s11 =	sadd.s32 $0x480, s11  }
0x270: {  	[spmem:s1] =	stream.indirect.scatter.add.f32 [tilespmem:s4], [sflag:$0x5], $0x1, s11, s7, $0xb8;
	[tilespmem:$0x1F000] =	vst v63  }
0x271: {  	_ =	swait.ge [sflag:s9], $0x80  }
0x272: {  	[sflag:s9] =	ssyncset.done $0x0  }
0x273: {  	[sflag:s9] =	ssyncadd.s32 $0xFFFFFF80  }
0x274: {  	_ =	swait.ge [sflag:s9], $0x80  }
0x275: {  	[sflag:s9] =	ssyncset.done $0x0  }
0x276: {  	[sflag:s9] =	ssyncadd.s32 $0xFFFFFF80  }
0x277: {  	_ =	swait.ge [sflag:s9], $0x80  }
0x278: {  	[sflag:s9] =	ssyncset.done $0x0  }
0x279: {  	[sflag:s9] =	ssyncadd.s32 $0xFFFFFF80  }
0x27a: {  	_ =	swait.ge [sflag:s9], $0x80  }
0x27b: {  	[sflag:s9] =	ssyncset.done $0x0  }
0x27c: {  	[sflag:s9] =	ssyncadd.s32 $0xFFFFFF80  }
0x27d: {  	_ =	swait.ge [sflag:s9], $0x80  }
0x27e: {  	[sflag:s9] =	ssyncset.done $0x0  }
0x27f: {  	[sflag:s9] =	ssyncadd.s32 $0xFFFFFF80  }
0x280: {  	_ =	swait.ge [sflag:s9], $0x80  }
0x281: {  	[sflag:s9] =	ssyncset.done $0x0  }
0x282: {  	[sflag:s9] =	ssyncadd.s32 $0xFFFFFF80  }
0x283: {  	_ =	swait.ge [sflag:s9], $0x80  }
0x284: {  	[sflag:s9] =	ssyncset.done $0x0  }
0x285: {  	[sflag:s9] =	ssyncadd.s32 $0xFFFFFF80  }
0x286: {  	_ =	swait.ge [sflag:s9], $0x80  }
0x287: {  	[sflag:s9] =	ssyncset.done $0x0  }
0x288: {  	[sflag:s9] =	ssyncadd.s32 $0xFFFFFF80  }
0x289: {  	_ =	swait.ge [sflag:s9], $0x80  }
0x28a: {  	[sflag:s9] =	ssyncset.done $0x0  }
0x28b: {  	[sflag:s9] =	ssyncadd.s32 $0xFFFFFF80  }
0x28c: {  	_ =	swait.ge [sflag:s9], $0x80  }
0x28d: {  	s4 =	simm.s32 $0x2800;
	s11 =	simm.s32 $0x500;
	[sflag:s9] =	ssyncset.done $0x0  }
.LBB2_8:
0x28e: {  	s22 =	sadd.s32 s11, s20  }
0x28f: {  	s24 =	sadd.s32 s11, s0;
	[sflag:s9] =	ssyncadd.s32 $0xFFFFFF80;
	s11 =	smov.u32 s4  }
0x290: {  	[spmem:s1] =	stream.indirect.scatter.add.f32 [tilespmem:s22], [sflag:$0x5], $0x1, s24, s7, $0xb8;
	[tilespmem:$0x1F000] =	vst v63  }
0x291: {  	s30 =	sadd.s32 $0x1400, s4;
	s26 =	sadd.s32 $0x80, s22;
	s29 =	sadd.s32 $0x80, s24  }
0x292: {  	[spmem:s1] =	stream.indirect.scatter.add.f32 [tilespmem:s26], [sflag:$0x5], $0x1, s29, s7, $0xb8;
	[tilespmem:$0x1F000] =	vst v63  }
0x293: {  	p0 =	sne.s32 s4, $0x5000;
	s4 =	sadd.s32 $0x100, s22;
	s26 =	sadd.s32 $0x100, s24  }
0x294: {  	[spmem:s1] =	stream.indirect.scatter.add.f32 [tilespmem:s4], [sflag:$0x5], $0x1, s26, s7, $0xb8;
	[tilespmem:$0x1F000] =	vst v63  }
0x295: {  	s4 =	sadd.s32 $0x180, s22;
	s26 =	sadd.s32 $0x180, s24  }
0x296: {  	[spmem:s1] =	stream.indirect.scatter.add.f32 [tilespmem:s4], [sflag:$0x5], $0x1, s26, s7, $0xb8;
	[tilespmem:$0x1F000] =	vst v63  }
0x297: {  	s4 =	sadd.s32 $0x200, s22;
	s26 =	sadd.s32 $0x200, s24  }
0x298: {  	[spmem:s1] =	stream.indirect.scatter.add.f32 [tilespmem:s4], [sflag:$0x5], $0x1, s26, s7, $0xb8;
	[tilespmem:$0x1F000] =	vst v63  }
0x299: {  	s4 =	sadd.s32 $0x280, s22;
	s26 =	sadd.s32 $0x280, s24  }
0x29a: {  	[spmem:s1] =	stream.indirect.scatter.add.f32 [tilespmem:s4], [sflag:$0x5], $0x1, s26, s7, $0xb8;
	[tilespmem:$0x1F000] =	vst v63  }
0x29b: {  	s4 =	sadd.s32 $0x300, s22;
	s26 =	sadd.s32 $0x300, s24  }
0x29c: {  	[spmem:s1] =	stream.indirect.scatter.add.f32 [tilespmem:s4], [sflag:$0x5], $0x1, s26, s7, $0xb8;
	[tilespmem:$0x1F000] =	vst v63  }
0x29d: {  	s4 =	sadd.s32 $0x380, s22;
	s26 =	sadd.s32 $0x380, s24  }
0x29e: {  	[spmem:s1] =	stream.indirect.scatter.add.f32 [tilespmem:s4], [sflag:$0x5], $0x1, s26, s7, $0xb8;
	[tilespmem:$0x1F000] =	vst v63  }
0x29f: {  	s4 =	sadd.s32 $0x400, s22;
	s26 =	sadd.s32 $0x400, s24  }
0x2a0: {  	[spmem:s1] =	stream.indirect.scatter.add.f32 [tilespmem:s4], [sflag:$0x5], $0x1, s26, s7, $0xb8;
	[tilespmem:$0x1F000] =	vst v63  }
0x2a1: {  	s4 =	sadd.s32 $0x480, s22;
	s22 =	sadd.s32 $0x480, s24  }
0x2a2: {  	[spmem:s1] =	stream.indirect.scatter.add.f32 [tilespmem:s4], [sflag:$0x5], $0x1, s22, s7, $0xb8;
	[tilespmem:$0x1F000] =	vst v63  }
0x2a3: {  	_ =	swait.ge [sflag:s9], $0x80  }
0x2a4: {  	[sflag:s9] =	ssyncset.done $0x0  }
0x2a5: {  	[sflag:s9] =	ssyncadd.s32 $0xFFFFFF80  }
0x2a6: {  	_ =	swait.ge [sflag:s9], $0x80  }
0x2a7: {  	[sflag:s9] =	ssyncset.done $0x0  }
0x2a8: {  	[sflag:s9] =	ssyncadd.s32 $0xFFFFFF80  }
0x2a9: {  	_ =	swait.ge [sflag:s9], $0x80  }
0x2aa: {  	[sflag:s9] =	ssyncset.done $0x0  }
0x2ab: {  	[sflag:s9] =	ssyncadd.s32 $0xFFFFFF80  }
0x2ac: {  	_ =	swait.ge [sflag:s9], $0x80  }
0x2ad: {  	[sflag:s9] =	ssyncset.done $0x0  }
0x2ae: {  	[sflag:s9] =	ssyncadd.s32 $0xFFFFFF80  }
0x2af: {  	_ =	swait.ge [sflag:s9], $0x80  }
0x2b0: {  	[sflag:s9] =	ssyncset.done $0x0  }
0x2b1: {  	[sflag:s9] =	ssyncadd.s32 $0xFFFFFF80  }
0x2b2: {  	_ =	swait.ge [sflag:s9], $0x80  }
0x2b3: {  	[sflag:s9] =	ssyncset.done $0x0  }
0x2b4: {  	[sflag:s9] =	ssyncadd.s32 $0xFFFFFF80  }
0x2b5: {  	_ =	swait.ge [sflag:s9], $0x80  }
0x2b6: {  	[sflag:s9] =	ssyncset.done $0x0  }
0x2b7: {  	[sflag:s9] =	ssyncadd.s32 $0xFFFFFF80  }
0x2b8: {  	_ =	swait.ge [sflag:s9], $0x80  }
0x2b9: {  	[sflag:s9] =	ssyncset.done $0x0  }
0x2ba: {  	[sflag:s9] =	ssyncadd.s32 $0xFFFFFF80  }
.Ltmp3:
0x2bb: {  	_ =	swait.ge [sflag:s9], $0x80;
	(pc) =	sbr.rel @p0 .LBB2_8-.Ltmp3, $4  }
0x2bc: {  	[sflag:s9] =	ssyncset.done $0x0  }
0x2bd: {  	[sflag:s9] =	ssyncadd.s32 $0xFFFFFF80  }
0x2be: {  	_ =	swait.ge [sflag:s9], $0x80  }
0x2bf: {  	s11 =	sshra.s32 s11, $0x2;
	s4 =	smov.u32 s30;
	[sflag:s9] =	ssyncset.done $0x0  }
0x2c0: {  	s4 =	sadd.s32 s11, s20;
	s11 =	sadd.s32 s11, s0;
	[sflag:s9] =	ssyncadd.s32 $0xFFFFFF80  }
0x2c1: {  	[spmem:s1] =	stream.indirect.scatter.add.f32 [tilespmem:s4], [sflag:$0x5], $0x1, s11, s7, $0xb8;
	[tilespmem:$0x1F000] =	vst v63  }
0x2c2: {  	s22 =	sadd.s32 $0x80, s4;
	s24 =	sadd.s32 $0x80, s11  }
0x2c3: {  	[spmem:s1] =	stream.indirect.scatter.add.f32 [tilespmem:s22], [sflag:$0x5], $0x1, s24, s7, $0xb8;
	[tilespmem:$0x1F000] =	vst v63  }
0x2c4: {  	s26 =	sadd.s32 $0x100, s4;
	s30 =	sadd.s32 $0x100, s11  }
0x2c5: {  	[spmem:s1] =	stream.indirect.scatter.add.f32 [tilespmem:s26], [sflag:$0x5], $0x1, s30, s7, $0xb8;
	[tilespmem:$0x1F000] =	vst v63  }
0x2c6: {  	s26 =	sadd.s32 $0x180, s4;
	s30 =	sadd.s32 $0x180, s11  }
0x2c7: {  	[spmem:s1] =	stream.indirect.scatter.add.f32 [tilespmem:s26], [sflag:$0x5], $0x1, s30, s7, $0xb8;
	[tilespmem:$0x1F000] =	vst v63  }
0x2c8: {  	s26 =	sadd.s32 $0x200, s4;
	s30 =	sadd.s32 $0x200, s11  }
0x2c9: {  	[spmem:s1] =	stream.indirect.scatter.add.f32 [tilespmem:s26], [sflag:$0x5], $0x1, s30, s7, $0xb8;
	[tilespmem:$0x1F000] =	vst v63  }
0x2ca: {  	s26 =	sadd.s32 $0x280, s4;
	s30 =	sadd.s32 $0x280, s11  }
0x2cb: {  	[spmem:s1] =	stream.indirect.scatter.add.f32 [tilespmem:s26], [sflag:$0x5], $0x1, s30, s7, $0xb8;
	[tilespmem:$0x1F000] =	vst v63  }
0x2cc: {  	s26 =	sadd.s32 $0x300, s4;
	s30 =	sadd.s32 $0x300, s11  }
0x2cd: {  	[spmem:s1] =	stream.indirect.scatter.add.f32 [tilespmem:s26], [sflag:$0x5], $0x1, s30, s7, $0xb8;
	[tilespmem:$0x1F000] =	vst v63  }
0x2ce: {  	s26 =	sadd.s32 $0x380, s4;
	s30 =	sadd.s32 $0x380, s11  }
0x2cf: {  	[spmem:s1] =	stream.indirect.scatter.add.f32 [tilespmem:s26], [sflag:$0x5], $0x1, s30, s7, $0xb8;
	[tilespmem:$0x1F000] =	vst v63  }
0x2d0: {  	s24 =	sadd.s32 $0x400, s4;
	s26 =	sadd.s32 $0x400, s11  }
0x2d1: {  	[spmem:s1] =	stream.indirect.scatter.add.f32 [tilespmem:s24], [sflag:$0x5], $0x1, s26, s7, $0xb8;
	[tilespmem:$0x1F000] =	vst v63  }
0x2d2: {  	s4 =	sadd.s32 $0x480, s4;
	s11 =	sadd.s32 $0x480, s11  }
0x2d3: {  	[spmem:s1] =	stream.indirect.scatter.add.f32 [tilespmem:s4], [sflag:$0x5], $0x1, s11, s7, $0xb8;
	[tilespmem:$0x1F000] =	vst v63  }
0x2d4: {  	_ =	swait.ge [sflag:s9], $0x80  }
0x2d5: {  	[sflag:s9] =	ssyncset.done $0x0  }
0x2d6: {  	[sflag:s9] =	ssyncadd.s32 $0xFFFFFF80  }
0x2d7: {  	_ =	swait.ge [sflag:s9], $0x80  }
0x2d8: {  	[sflag:s9] =	ssyncset.done $0x0  }
0x2d9: {  	[sflag:s9] =	ssyncadd.s32 $0xFFFFFF80  }
0x2da: {  	_ =	swait.ge [sflag:s9], $0x80  }
0x2db: {  	[sflag:s9] =	ssyncset.done $0x0  }
0x2dc: {  	[sflag:s9] =	ssyncadd.s32 $0xFFFFFF80  }
0x2dd: {  	_ =	swait.ge [sflag:s9], $0x80  }
0x2de: {  	[sflag:s9] =	ssyncset.done $0x0  }
0x2df: {  	[sflag:s9] =	ssyncadd.s32 $0xFFFFFF80  }
0x2e0: {  	_ =	swait.ge [sflag:s9], $0x80  }
0x2e1: {  	[sflag:s9] =	ssyncset.done $0x0  }
0x2e2: {  	[sflag:s9] =	ssyncadd.s32 $0xFFFFFF80  }
0x2e3: {  	_ =	swait.ge [sflag:s9], $0x80  }
0x2e4: {  	[sflag:s9] =	ssyncset.done $0x0  }
0x2e5: {  	[sflag:s9] =	ssyncadd.s32 $0xFFFFFF80  }
0x2e6: {  	_ =	swait.ge [sflag:s9], $0x80  }
0x2e7: {  	[sflag:s9] =	ssyncset.done $0x0  }
0x2e8: {  	[sflag:s9] =	ssyncadd.s32 $0xFFFFFF80  }
0x2e9: {  	_ =	swait.ge [sflag:s9], $0x80  }
0x2ea: {  	[sflag:s9] =	ssyncset.done $0x0  }
0x2eb: {  	[sflag:s9] =	ssyncadd.s32 $0xFFFFFF80  }
0x2ec: {  	_ =	swait.ge [sflag:s9], $0x80  }
0x2ed: {  	[sflag:s9] =	ssyncset.done $0x0  }
0x2ee: {  	[sflag:s9] =	ssyncadd.s32 $0xFFFFFF80  }
0x2ef: {  	_ =	swait.ge [sflag:s9], $0x80  }
0x2f0: {  	[sflag:s9] =	ssyncset.done $0x0  }
0x2f1: {  	[sflag:s9] =	ssyncadd.s32 $0xFFFFFF80  }
0x2f2: {  	[bflag:$0x0] =	sbarrier.arrive $0xFFFF  }
0x2f3: {  	[tilespmem:s21], [sflag:$0x6] =	stream.linear.gather [spmem:s31], $0x1388, $0x38;
	[tilespmem:$0x1F000] =	vst v63  }
0x2f4: {  	_ =	swait.ge [sflag:s6], $0x1388  }
0x2f5: {  	s30 =	sld [smem:$0x7F3]  }
0x2f6: {  	[sflag:s6] =	ssyncset.done $0x0  }
0x2f7: {  	[sflag:s6] =	ssyncadd.s32 $0xFFFFEC78  }
0x2f8: {  	[hbm4b:s30+s2] =	stream.linear.scatter [tilespmem:s21], [sflag:$0x5], $0x1388, $0x38;
	[tilespmem:$0x1F000] =	vst v63  }
0x2f9: {  	s11 =	rddreg [dreg:$0x1e]  }
0x2fa: {  	[tilespmem:s14], [sflag:$0x6] =	stream.linear.gather [spmem:s11], $0x1388, $0x38;
	[tilespmem:$0x1F000] =	vst v63  }
0x2fb: {  	_ =	swait.ge [sflag:s6], $0x1388  }
0x2fc: {  	[sflag:s6] =	ssyncset.done $0x0  }
0x2fd: {  	s22 =	rddreg [dreg:$0x13];
	[sflag:s6] =	ssyncadd.s32 $0xFFFFEC78  }
0x2fe: {  	[hbm4b:s22+s2] =	stream.linear.scatter [tilespmem:s14], [sflag:$0x5], $0x1388, $0x38;
	[tilespmem:$0x1F000] =	vst v63  }
0x2ff: {  	_ =	swait.ge [sflag:s9], $0x1388  }
0x300: {  	s24 =	sld [smem:$0x7EC]  }
0x301: {  	[sflag:s9] =	ssyncset.done $0x0  }
0x302: {  	[sflag:s9] =	ssyncadd.s32 $0xFFFFEC78  }
0x303: {  	[tilespmem:s21], [sflag:$0x6] =	stream.linear.gather [spmem:s24], $0x1388, $0x38;
	[tilespmem:$0x1F000] =	vst v63  }
0x304: {  	_ =	swait.ge [sflag:s6], $0x1388  }
0x305: {  	s26 =	sld [smem:$0x7F4]  }
0x306: {  	[sflag:s6] =	ssyncset.done $0x0  }
0x307: {  	[sflag:s6] =	ssyncadd.s32 $0xFFFFEC78  }
0x308: {  	[hbm4b:s26+s2] =	stream.linear.scatter [tilespmem:s21], [sflag:$0x5], $0x1388, $0x38;
	[tilespmem:$0x1F000] =	vst v63  }
0x309: {  	_ =	swait.ge [sflag:s9], $0x1388  }
0x30a: {  	[sflag:s9] =	ssyncset.done $0x0  }
0x30b: {  	[sflag:s9] =	ssyncadd.s32 $0xFFFFEC78  }
0x30c: {  	[tilespmem:s14], [sflag:$0x6] =	stream.linear.gather [spmem:s8], $0x1388, $0x38;
	[tilespmem:$0x1F000] =	vst v63  }
0x30d: {  	_ =	swait.ge [sflag:s6], $0x1388  }
0x30e: {  	[sflag:s6] =	ssyncset.done $0x0  }
0x30f: {  	s30 =	rddreg [dreg:$0x14];
	[sflag:s6] =	ssyncadd.s32 $0xFFFFEC78  }
0x310: {  	[hbm4b:s30+s2] =	stream.linear.scatter [tilespmem:s14], [sflag:$0x5], $0x1388, $0x38;
	[tilespmem:$0x1F000] =	vst v63  }
0x311: {  	_ =	swait.ge [sflag:s9], $0x1388  }
0x312: {  	[sflag:s9] =	ssyncset.done $0x0  }
0x313: {  	[sflag:s9] =	ssyncadd.s32 $0xFFFFEC78  }
0x314: {  	[tilespmem:s21], [sflag:$0x6] =	stream.linear.gather [spmem:s10], $0x1388, $0x38;
	[tilespmem:$0x1F000] =	vst v63  }
0x315: {  	_ =	swait.ge [sflag:s6], $0x1388  }
0x316: {  	s11 =	sld [smem:$0x7F5]  }
0x317: {  	[sflag:s6] =	ssyncset.done $0x0  }
0x318: {  	[sflag:s6] =	ssyncadd.s32 $0xFFFFEC78  }
0x319: {  	[hbm4b:s11+s2] =	stream.linear.scatter [tilespmem:s21], [sflag:$0x5], $0x1388, $0x38;
	[tilespmem:$0x1F000] =	vst v63  }
0x31a: {  	_ =	swait.ge [sflag:s9], $0x1388  }
0x31b: {  	[sflag:s9] =	ssyncset.done $0x0  }
0x31c: {  	[sflag:s9] =	ssyncadd.s32 $0xFFFFEC78  }
0x31d: {  	[tilespmem:s14], [sflag:$0x6] =	stream.linear.gather [spmem:s13], $0x1388, $0x38;
	[tilespmem:$0x1F000] =	vst v63  }
0x31e: {  	_ =	swait.ge [sflag:s6], $0x1388  }
0x31f: {  	[sflag:s6] =	ssyncset.done $0x0  }
0x320: {  	s22 =	rddreg [dreg:$0x15];
	[sflag:s6] =	ssyncadd.s32 $0xFFFFEC78  }
0x321: {  	[hbm4b:s22+s2] =	stream.linear.scatter [tilespmem:s14], [sflag:$0x5], $0x1388, $0x38;
	[tilespmem:$0x1F000] =	vst v63  }
0x322: {  	_ =	swait.ge [sflag:s9], $0x1388  }
0x323: {  	[sflag:s9] =	ssyncset.done $0x0  }
0x324: {  	[sflag:s9] =	ssyncadd.s32 $0xFFFFEC78  }
0x325: {  	[tilespmem:s21], [sflag:$0x6] =	stream.linear.gather [spmem:s15], $0x1388, $0x38;
	[tilespmem:$0x1F000] =	vst v63  }
0x326: {  	_ =	swait.ge [sflag:s6], $0x1388  }
0x327: {  	s24 =	sld [smem:$0x7F6]  }
0x328: {  	[sflag:s6] =	ssyncset.done $0x0  }
0x329: {  	[sflag:s6] =	ssyncadd.s32 $0xFFFFEC78  }
0x32a: {  	[hbm4b:s24+s2] =	stream.linear.scatter [tilespmem:s21], [sflag:$0x5], $0x1388, $0x38;
	[tilespmem:$0x1F000] =	vst v63  }
0x32b: {  	_ =	swait.ge [sflag:s9], $0x1388  }
0x32c: {  	[sflag:s9] =	ssyncset.done $0x0  }
0x32d: {  	[sflag:s9] =	ssyncadd.s32 $0xFFFFEC78  }
0x32e: {  	[tilespmem:s14], [sflag:$0x6] =	stream.linear.gather [spmem:s17], $0x1388, $0x38;
	[tilespmem:$0x1F000] =	vst v63  }
0x32f: {  	_ =	swait.ge [sflag:s6], $0x1388  }
0x330: {  	[sflag:s6] =	ssyncset.done $0x0  }
0x331: {  	s26 =	rddreg [dreg:$0x16];
	[sflag:s6] =	ssyncadd.s32 $0xFFFFEC78  }
0x332: {  	[hbm4b:s26+s2] =	stream.linear.scatter [tilespmem:s14], [sflag:$0x5], $0x1388, $0x38;
	[tilespmem:$0x1F000] =	vst v63  }
0x333: {  	_ =	swait.ge [sflag:s9], $0x1388  }
0x334: {  	[sflag:s9] =	ssyncset.done $0x0  }
0x335: {  	[sflag:s9] =	ssyncadd.s32 $0xFFFFEC78  }
0x336: {  	_ =	swait.ge [sflag:s9], $0x1388  }
0x337: {  	s30 =	sld [smem:$0x7F7];
	_ =	sdelay $0x1  }
0x338: {  	s16 =	sadd.s32 $0x1, s16  }
0x339: {  	p0 =	sne.s32 s16, s30  }
.Ltmp4:
0x33a: {  	_ = 	snop;
	(pc) =	sbr.rel @p0 .LBB2_1-.Ltmp4, $3  }
0x33b: {  	_ =	sdelay $0x1  }
0x33c: {  	s29 =	smov.u32 s3;
	[sflag:s9] =	ssyncset.done $0x0  }
0x33d: {  	s26 =	smov.u32 s18;
	s18 =	smov.u32 s5;
	[sflag:s9] =	ssyncadd.s32 $0xFFFFEC78  }
0x33e: {  	_ =	sfence.sel $0x180000  }
0x33f: {  	[bflag:$0x0] =	sbarrier.arrive $0xFFFF  }
0x340: {  	_ =	strace $0x90000047  }
0x341: {  	s0 =	stileid.u32;
	[bflag:$0x2] =	sbarrier.arrive $0xFFFF  }
0x342: {  	p0 =	sne.s32 s0, $0x0;
	s0 =	rddreg [dreg:$0x5]  }
0x343: {  	s0 =	sadd.s32 @!p0 $0x100000, s0  }
0x344: {  	[sflag:s0] =	ssyncadd.tile.s32 @!p0 $0x1;
	_ =	shalt  }
.Lfunc_end2:
_tile_overlayer_lowered:
.L_overlay_start_2:
0x345: {  	(tag) =	ssettag $0x2  }
0x346: {  	s0 =	rddreg [dreg:$0x0];
	s2 =	stileid.u32  }
0x347: {  	s1 =	rddreg [dreg:$0x1];
	p0 =	sne.s32 s2, $0x0  }
0x348: {  	s3 =	rddreg [dreg:$0x2];
	[bflag:$0x3] =	sbarrier.arrive $0xFFFF;
	s2 =	simm.s32 @!p0 $0x1C06  }
0x349: {  	[timem:s3], [sflag:s2] =	dma.local @!p0 [hbm:s0], s1  }
0x34a: {  	s0 =	simm.s32 @!p0 $0x6  }
0x34b: {  	_ =	swait.ge @!p0 [sflag:s0], s1  }
0x34c: {  	s1 =	ssub.s32 @!p0 $0x0, s1;
	[sflag:s0] =	ssyncset.done @!p0 $0x0  }
0x34d: {  	[sflag:s0] =	ssyncadd.s32 @!p0 s1  }
0x34e: {  	[bflag:$0x3] =	sbarrier.arrive $0xFFFF  }
0x34f: {  	_ =	shalt  }

</sc_bundles>
